<compile_context>
chip_gen: v7x
topology: tpu7x:2x2x1
jax: 0.10.2.dev20260603
libtpu: 0.0.44.dev20260713+nightly
codegen_flags: <defaults>
</compile_context>

<pallas_src>
import functools

import jax
import jax.numpy as jnp
from jax import lax
from jax.experimental import pallas as pl
from jax.experimental.pallas import tpu as pltpu
from jax.experimental.pallas import tpu_sc as plsc

N = 10000
NROWS = 10240
DH = 64
DW = 128
NC, NS = 2, 16
NW = NC * NS
K = 128
RPT = NROWS // NS
C1 = 82
E1 = NW * K * C1
C2 = 80
NB = 4
C2B = C2 // NB
E2 = NW * K * C2
E2B = E2 // NB
R = 1024
G = NROWS // R
GEB = E2B // R


@functools.cache
def _sc_degree_kernel():
    mesh = plsc.VectorSubcoreMesh(core_axis_name="c", subcore_axis_name="s")
    return functools.partial(
        pl.kernel, mesh=mesh,
        out_type=jax.ShapeDtypeStruct((NC * NROWS, DW), jnp.float32),
        scratch_types=[
            pltpu.VMEM((C1, K), jnp.int32),
            pltpu.VMEM((K, DW), jnp.float32),
            pltpu.VMEM_SHARED((NROWS, DW), jnp.float32),
        ],
    )(_sc_degree_body)


def _sc_degree(dst1):
    return _sc_degree_kernel()(dst1)


def _sc_degree_body(dst_hbm, out_hbm, didx_b, ones_v, deg_sh):
    c = lax.axis_index("c")
    s = lax.axis_index("s")
    wid = c * NS + s

    def zrow(i, carry):
        for j in range(DW // 16):
            ones_v[i, pl.ds(j * 16, 16)] = jnp.zeros((16,), jnp.float32)
        return carry
    lax.fori_loop(0, K, zrow, 0)
    for k in range(RPT // K):
        pltpu.sync_copy(ones_v, deg_sh.at[pl.ds(s * RPT + k * K, K)])

    def orow(i, carry):
        for j in range(DW // 16):
            ones_v[i, pl.ds(j * 16, 16)] = jnp.ones((16,), jnp.float32)
        return carry
    lax.fori_loop(0, K, orow, 0)
    plsc.subcore_barrier()

    pltpu.sync_copy(dst_hbm.at[wid], didx_b)

    def chunk(i, carry):
        pltpu.sync_copy(ones_v, deg_sh.at[didx_b.at[i]], add=True)
        return carry
    lax.fori_loop(0, C1, chunk, 0)
    plsc.subcore_barrier()
    pltpu.sync_copy(deg_sh.at[pl.ds(s * RPT, RPT)],
                    out_hbm.at[pl.ds(c * NROWS + s * RPT, RPT)])


@functools.cache
def _sc_agg_kernel():
    mesh = plsc.VectorSubcoreMesh(core_axis_name="c", subcore_axis_name="s")
    return functools.partial(
        pl.kernel, mesh=mesh,
        out_type=jax.ShapeDtypeStruct((NC * NROWS, DW), jnp.float32),
        scratch_types=[
            pltpu.VMEM((K,), jnp.int32),
            pltpu.VMEM((K,), jnp.int32),
            pltpu.VMEM((K,), jnp.int32),
            pltpu.VMEM((K,), jnp.int32),
            pltpu.VMEM((K, DW), jnp.float32),
            pltpu.VMEM((K, DW), jnp.float32),
            pltpu.VMEM_SHARED((NROWS, DW), jnp.float32),
            pltpu.SemaphoreType.DMA,
            pltpu.SemaphoreType.DMA,
        ],
    )(_sc_agg_body)


def _sc_agg(hw, src1, dst1):
    return _sc_agg_kernel()(hw, src1, dst1)


def _sc_agg_body(hw_hbm, src_hbm, dst_hbm, out_hbm, si0, si1, di0, di1,
                 rows0, rows1, agg_sh, g0, g1):
    c = lax.axis_index("c")
    s = lax.axis_index("s")
    wid = c * NS + s
    rows = (rows0, rows1)
    gsem = (g0, g1)
    sibuf = (si0, si1)
    dibuf = (di0, di1)

    def zrow(i, carry):
        for j in range(DW // 16):
            rows0[i, pl.ds(j * 16, 16)] = jnp.zeros((16,), jnp.float32)
        return carry
    lax.fori_loop(0, K, zrow, 0)
    for k in range(RPT // K):
        pltpu.sync_copy(rows0, agg_sh.at[pl.ds(s * RPT + k * K, K)])
    plsc.subcore_barrier()

    rows = (rows0, rows1)
    gsem = (g0, g1)
    sib = (si0, si1)
    dib = (di0, di1)

    def load_and_gather(j, b):
        base = wid * (C1 * K) + j * K
        pltpu.sync_copy(src_hbm.at[pl.ds(base, K)], sib[b])
        pltpu.sync_copy(dst_hbm.at[pl.ds(base, K)], dib[b])
        pltpu.async_copy(hw_hbm.at[sib[b]], rows[b], gsem[b])

    def wait_g(b):
        pltpu.make_async_copy(hw_hbm.at[sib[b]], rows[b], gsem[b]).wait()

    def scatter(b):
        pltpu.sync_copy(rows[b], agg_sh.at[dib[b]], add=True)

    load_and_gather(0, 0)

    def pair(p, carry):
        j0 = 2 * p
        wait_g(0)
        load_and_gather(j0 + 1, 1)
        scatter(0)
        wait_g(1)

        @pl.when(j0 + 2 < C1)
        def _next():
            load_and_gather(j0 + 2, 0)
        scatter(1)
        return carry
    lax.fori_loop(0, C1 // 2, pair, 0)
    plsc.subcore_barrier()
    pltpu.sync_copy(agg_sh.at[pl.ds(s * RPT, RPT)],
                    out_hbm.at[pl.ds(c * NROWS + s * RPT, RPT)])


@functools.cache
def _sc_edge_gather_kernel():
    mesh = plsc.VectorSubcoreMesh(core_axis_name="c", subcore_axis_name="s")
    return functools.partial(
        pl.kernel, mesh=mesh,
        out_type=(jax.ShapeDtypeStruct((E2B, DW), jnp.float32),
                  jax.ShapeDtypeStruct((E2B, DW), jnp.float32)),
        scratch_types=[
            pltpu.VMEM((K,), jnp.int32),
            pltpu.VMEM((K,), jnp.int32),
            pltpu.VMEM((K,), jnp.int32),
            pltpu.VMEM((K,), jnp.int32),
            pltpu.VMEM((K, DW), jnp.float32),
            pltpu.VMEM((K, DW), jnp.float32),
            pltpu.VMEM((K, DW), jnp.float32),
            pltpu.VMEM((K, DW), jnp.float32),
            pltpu.SemaphoreType.DMA,
            pltpu.SemaphoreType.DMA,
            pltpu.SemaphoreType.DMA,
            pltpu.SemaphoreType.DMA,
        ],
    )(_sc_edge_gather_body)


def _sc_edge_gather(h3, sidx, tidx):
    return _sc_edge_gather_kernel()(h3, sidx, tidx)


def _sc_edge_gather_body(h_hbm, sidx_hbm, tidx_hbm, eea_hbm, eeb_hbm,
                         si0, si1, ti0, ti1, ra0, ra1, rb0, rb1,
                         ga0, ga1, gb0, gb1):
    c = lax.axis_index("c")
    s = lax.axis_index("s")
    wid = c * NS + s
    sib = (si0, si1)
    tib = (ti0, ti1)
    ra = (ra0, ra1)
    rb = (rb0, rb1)
    gsa = (ga0, ga1)
    gsb = (gb0, gb1)

    def load_and_gather(j, b):
        base = wid * (C2B * K) + j * K
        pltpu.sync_copy(sidx_hbm.at[pl.ds(base, K)], sib[b])
        pltpu.sync_copy(tidx_hbm.at[pl.ds(base, K)], tib[b])
        pltpu.async_copy(h_hbm.at[sib[b]], ra[b], gsa[b])
        pltpu.async_copy(h_hbm.at[tib[b]], rb[b], gsb[b])

    def wait_g(b):
        pltpu.make_async_copy(h_hbm.at[sib[b]], ra[b], gsa[b]).wait()
        pltpu.make_async_copy(h_hbm.at[tib[b]], rb[b], gsb[b]).wait()

    def write(j, b):
        base = wid * (C2B * K) + j * K
        pltpu.sync_copy(ra[b], eea_hbm.at[pl.ds(base, K)])
        pltpu.sync_copy(rb[b], eeb_hbm.at[pl.ds(base, K)])

    load_and_gather(0, 0)

    def pair(p, carry):
        j0 = 2 * p
        wait_g(0)
        load_and_gather(j0 + 1, 1)
        write(j0, 0)
        wait_g(1)

        @pl.when(j0 + 2 < C2B)
        def _next():
            load_and_gather(j0 + 2, 0)
        write(j0 + 1, 1)
        return carry
    lax.fori_loop(0, C2B // 2, pair, 0)



def _dinv_block(da, db):
    deg = da[:, 0:1] + db[:, 0:1]
    return jnp.where(deg > 0, lax.rsqrt(deg), 0.0)


def _ln(v, g, b):
    m = jnp.mean(v, axis=-1, keepdims=True)
    var = jnp.mean((v - m) ** 2, axis=-1, keepdims=True)
    return (v - m) * lax.rsqrt(var + 1e-5) * g + b


def _dot(a, b):
    return jnp.dot(a, b, preferred_element_type=jnp.float32)


def _full(shape):
    return pl.BlockSpec(shape, lambda i: (0,) * len(shape))


def _tc_pre(x_pad, w0, p0):
    def body(x_ref, w_ref, p_ref, xw_ref, id_ref):
        xb = x_ref[...]
        xw_ref[...] = _dot(xb, w_ref[...])
        id_ref[...] = _dot(xb, p_ref[...])

    return pl.pallas_call(
        body,
        grid=(G,),
        in_specs=[pl.BlockSpec((R, 128), lambda i: (i, 0)),
                  _full((128, DH)), _full((128, DH))],
        out_specs=[pl.BlockSpec((R, DH), lambda i: (i, 0)),
                   pl.BlockSpec((R, DH), lambda i: (i, 0))],
        out_shape=[jax.ShapeDtypeStruct((NROWS, DH), jnp.float32),
                   jax.ShapeDtypeStruct((NROWS, DH), jnp.float32)],
    )(x_pad, w0, p0)


def _tc_scale(xw, degs):
    def body(xw_ref, da, db, hw_ref):
        dinv = _dinv_block(da, db)
        hw_ref[...] = jnp.concatenate(
            [xw_ref[...] * dinv, jnp.zeros((R, DW - DH), jnp.float32)],
            axis=1)

    return pl.pallas_call(
        body,
        grid=(G,),
        in_specs=[pl.BlockSpec((R, DH), lambda i: (i, 0)),
                  pl.BlockSpec((R, DW), lambda i: (i, 0)),
                  pl.BlockSpec((R, DW), lambda i: (i + G, 0))],
        out_specs=[pl.BlockSpec((R, DW), lambda i: (i, 0))],
        out_shape=[jax.ShapeDtypeStruct((NROWS, DW), jnp.float32)],
    )(xw, degs, degs)[0]


def _tc_post(aggs, degs, ident, b, g, be, wnext, hw_prev):
    def body(aa, ab, da, db, idn, b_r, g_r, be_r, w_r, hp_r, h_ref, hw_ref):
        dinv = _dinv_block(da, db)
        agg = (aa[:, :DH] + ab[:, :DH]) * dinv + b_r[...]
        h = jnp.maximum(_ln(agg, g_r[...], be_r[...]) + idn[...], 0.0)
        h_ref[...] = h
        hw = _dot(h, w_r[...]) * dinv
        hw_ref[...] = jnp.concatenate(
            [hw, jnp.zeros((R, DW - DH), jnp.float32)], axis=1)

    return pl.pallas_call(
        body,
        grid=(G,),
        in_specs=[pl.BlockSpec((R, DW), lambda i: (i, 0)),
                  pl.BlockSpec((R, DW), lambda i: (i + G, 0)),
                  pl.BlockSpec((R, DW), lambda i: (i, 0)),
                  pl.BlockSpec((R, DW), lambda i: (i + G, 0)),
                  pl.BlockSpec((R, DH), lambda i: (i, 0)),
                  _full((1, DH)), _full((1, DH)), _full((1, DH)),
                  _full((DH, DH)),
                  pl.BlockSpec((R, DW), lambda i: (i, 0))],
        out_specs=[pl.BlockSpec((R, DH), lambda i: (i, 0)),
                   pl.BlockSpec((R, DW), lambda i: (i, 0))],
        out_shape=[jax.ShapeDtypeStruct((NROWS, DH), jnp.float32),
                   jax.ShapeDtypeStruct((NROWS, DW), jnp.float32)],
        input_output_aliases={9: 1},
    )(aggs, aggs, degs, degs, ident, b, g, be, wnext, hw_prev)


def _tc_post_h3(aggs, degs, ident, b, g, be, hw_prev):
    def body(aa, ab, da, db, idn, b_r, g_r, be_r, hp_r, h_ref):
        dinv = _dinv_block(da, db)
        agg = (aa[:, :DH] + ab[:, :DH]) * dinv + b_r[...]
        h = jnp.maximum(_ln(agg, g_r[...], be_r[...]) + idn[...], 0.0)
        h_ref[...] = jnp.concatenate(
            [h, jnp.zeros((R, DW - DH), jnp.float32)], axis=1)

    return pl.pallas_call(
        body,
        grid=(G,),
        in_specs=[pl.BlockSpec((R, DW), lambda i: (i, 0)),
                  pl.BlockSpec((R, DW), lambda i: (i + G, 0)),
                  pl.BlockSpec((R, DW), lambda i: (i, 0)),
                  pl.BlockSpec((R, DW), lambda i: (i + G, 0)),
                  pl.BlockSpec((R, DH), lambda i: (i, 0)),
                  _full((1, DH)), _full((1, DH)), _full((1, DH)),
                  pl.BlockSpec((R, DW), lambda i: (i, 0))],
        out_specs=[pl.BlockSpec((R, DW), lambda i: (i, 0))],
        out_shape=[jax.ShapeDtypeStruct((NROWS, DW), jnp.float32)],
        input_output_aliases={8: 0},
    )(aggs, aggs, degs, degs, ident, b, g, be, hw_prev)[0]


def _tc_place_head(h3, place_p):
    (w1, b1, g1, be1), (w2, b2, g2, be2), (w3, b3) = place_p

    def body(hr, w1r, b1r, g1r, be1r, w2r, b2r, g2r, be2r, w3r, b3r,
             pl_ref):
        h = hr[:, :DH]
        t = jnp.maximum(_ln(_dot(h, w1r[...]) + b1r[...], g1r[...],
                            be1r[...]), 0.0)
        t = jnp.maximum(_ln(_dot(t, w2r[...]) + b2r[...], g2r[...],
                            be2r[...]), 0.0)
        pl_ref[...] = jnp.clip(_dot(t, w3r[...]) + b3r[...], -20.0, 20.0)

    return pl.pallas_call(
        body,
        grid=(G,),
        in_specs=[pl.BlockSpec((R, DW), lambda i: (i, 0)),
                  _full((DH, 64)), _full((1, 64)), _full((1, 64)),
                  _full((1, 64)),
                  _full((64, 32)), _full((1, 32)), _full((1, 32)),
                  _full((1, 32)),
                  _full((32, 8)), _full((1, 8))],
        out_specs=[pl.BlockSpec((R, 8), lambda i: (i, 0))],
        out_shape=[jax.ShapeDtypeStruct((NROWS, 8), jnp.float32)],
    )(h3, w1, b1, g1, be1, w2, b2, g2, be2, w3, b3)[0]


def _tc_edge_mlp(eea, eeb, edge_p, army_p):
    (we1a, we1b, be1, ge1, bee1), (we2, be2, ge2, bee2), (we3, be3) = edge_p
    (wa1a, wa1b, ba1, ga1, baa1), (wa2, ba2, ga2, baa2), (wa3, ba3) = army_p

    def body(ea, eb,
             e1a, e1b, e1bias, e1g, e1be, e2w, e2b, e2g, e2be, e3w, e3b,
             a1a, a1b, a1bias, a1g, a1be, a2w, a2b, a2g, a2be, a3w, a3b,
             out_ref):
        bf = jnp.bfloat16
        a = jnp.clip(ea[:, :DH], -10.0, 10.0).astype(bf)
        b = jnp.clip(eb[:, :DH], -10.0, 10.0).astype(bf)
        t = _dot(a, e1a[...]) + _dot(b, e1b[...]) + e1bias[...]
        t = jnp.maximum(_ln(t, e1g[...], e1be[...]), 0.0)
        t = jnp.maximum(_ln(_dot(t.astype(bf), e2w[...]) + e2b[...],
                            e2g[...], e2be[...]), 0.0)
        att = jnp.clip(_dot(t.astype(bf), e3w[...]) + e3b[...], -20.0, 20.0)
        u = _dot(a, a1a[...]) + _dot(b, a1b[...]) + a1bias[...]
        u = jnp.maximum(_ln(u, a1g[...], a1be[...]), 0.0)
        u = jnp.maximum(_ln(_dot(u.astype(bf), a2w[...]) + a2b[...],
                            a2g[...], a2be[...]), 0.0)
        army = jnp.clip(_dot(u.astype(bf), a3w[...]) + a3b[...], -20.0,
                        20.0)
        out_ref[...] = jnp.concatenate([att, army], axis=1)

    return pl.pallas_call(
        body,
        grid=(GEB,),
        in_specs=[pl.BlockSpec((R, DW), lambda i: (i, 0)),
                  pl.BlockSpec((R, DW), lambda i: (i, 0)),
                  _full((DH, 64)), _full((DH, 64)), _full((1, 64)),
                  _full((1, 64)), _full((1, 64)),
                  _full((64, 32)), _full((1, 32)), _full((1, 32)),
                  _full((1, 32)),
                  _full((32, 8)), _full((1, 8)),
                  _full((DH, 128)), _full((DH, 128)), _full((1, 128)),
                  _full((1, 128)), _full((1, 128)),
                  _full((128, 64)), _full((1, 64)), _full((1, 64)),
                  _full((1, 64)),
                  _full((64, 8)), _full((1, 8))],
        out_specs=[pl.BlockSpec((R, 16), lambda i: (i, 0))],
        out_shape=[jax.ShapeDtypeStruct((E2B, 16), jnp.float32)],
    )(eea, eeb,
      we1a, we1b, be1, ge1, bee1, we2, be2, ge2, bee2, we3, be3,
      wa1a, wa1b, ba1, ga1, baa1, wa2, ba2, ga2, baa2, wa3, ba3)[0]



def _row(v):
    return v.reshape(1, -1)


def _pad_cols(w, b, cols):
    wp = jnp.zeros((w.shape[0], cols), w.dtype).at[:, :w.shape[1]].set(w)
    bp = jnp.zeros((cols,), b.dtype).at[:b.shape[0]].set(b)
    return wp, _row(bp)


def _head3(p, cols):
    l1, l2, l3 = p
    w3, b3 = _pad_cols(l3["W"], l3["b"], cols)
    return ((l1["W"], _row(l1["b"]), _row(l1["g"]), _row(l1["be"])),
            (l2["W"], _row(l2["b"]), _row(l2["g"]), _row(l2["be"])),
            (w3, b3))


def _head3_split(p, cols):
    l1, l2, l3 = p
    bf = jnp.bfloat16
    w1 = l1["W"].astype(bf)
    w3, b3 = _pad_cols(l3["W"], l3["b"], cols)
    return ((w1[:DH], w1[DH:], _row(l1["b"]), _row(l1["g"]), _row(l1["be"])),
            (l2["W"].astype(bf), _row(l2["b"]), _row(l2["g"]),
             _row(l2["be"])),
            (w3.astype(bf), b3))


def kernel(x, params, action_edges, edge_index):
    n = x.shape[0]
    ne = action_edges.shape[0]
    ei = edge_index.astype(jnp.int32)
    loop = jnp.arange(n, dtype=jnp.int32)
    npad1 = E1 - (ei.shape[1] + n)
    spread = N + jax.lax.rem(jnp.arange(npad1, dtype=jnp.int32),
                             jnp.int32(NROWS - N))
    src1 = jnp.concatenate([ei[0], loop, spread])
    dst1 = jnp.concatenate([ei[1], loop, spread])
    dst3 = dst1.reshape(NW, C1, K)
    ae = action_edges.astype(jnp.int32)
    npad2 = E2 - ne
    spread2 = jax.lax.rem(jnp.arange(npad2, dtype=jnp.int32), jnp.int32(n))
    sidx = jnp.concatenate([jnp.clip(ae[:, 0], 0, n - 1), spread2])
    tidx = jnp.concatenate([jnp.clip(ae[:, 1], 0, n - 1), spread2])
    x_pad = jnp.zeros((NROWS, x.shape[1]), x.dtype).at[:n].set(x)

    gcn = params["gcn"]
    degs = _sc_degree(dst3)
    xw0, id0 = _tc_pre(x_pad, gcn[0]["W"], gcn[0]["P"])
    hw0 = _tc_scale(xw0, degs)
    agg0 = _sc_agg(hw0, src1, dst1)
    h1, hw1 = _tc_post(agg0, degs, id0, _row(gcn[0]["b"]), _row(gcn[0]["g"]),
                       _row(gcn[0]["be"]), gcn[1]["W"], hw0)
    agg1 = _sc_agg(hw1, src1, dst1)
    h2, hw2 = _tc_post(agg1, degs, h1, _row(gcn[1]["b"]), _row(gcn[1]["g"]),
                       _row(gcn[1]["be"]), gcn[2]["W"], hw1)
    agg2 = _sc_agg(hw2, src1, dst1)
    h3 = _tc_post_h3(agg2, degs, h2, _row(gcn[2]["b"]), _row(gcn[2]["g"]),
                     _row(gcn[2]["be"]), hw2)
    edge_p = _head3_split(params["edge"], 8)
    army_p = _head3_split(params["army"], 8)
    ees = [_sc_edge_gather(h3, sidx[k * E2B:(k + 1) * E2B],
                           tidx[k * E2B:(k + 1) * E2B]) for k in range(NB)]
    place8 = _tc_place_head(h3, _head3(params["place"], 8))
    outs = [_tc_edge_mlp(ea, eb, edge_p, army_p) for ea, eb in ees]
    out16 = jnp.concatenate(outs, axis=0)

    placement_logits = place8[:n, 0]
    attack_logits = out16[:ne, 0]
    army_logits = out16[:ne, 8:12]
    return (placement_logits, attack_logits, army_logits)

# --- scband reference (transcript-rebuilt; emitter-appended) ---
"""Pipeline reference for scband-warlight-policy-net-residual-10746008174757 (READ-ONLY COPY).

The authoritative reference and input builder live on the scoring server;
editing this copy changes nothing except your own understanding.
"""

import jax, jax.numpy as jnp
import numpy as np

N_NODES = 10000
N_EDGES = 320000
D_IN = 128
D_H = 64
N_ARMY = 4


def _lin(key, din, dout, bias=True):
    k1, k2 = jax.random.split(key)
    lim = 1.0 / np.sqrt(din)
    W = jax.random.uniform(k1, (din, dout), minval=-lim, maxval=lim, dtype=jnp.float32)
    if bias:
        b = jax.random.uniform(k2, (dout,), minval=-lim, maxval=lim, dtype=jnp.float32)
        return W, b
    return W


def _head(key, spec):
    layers = []
    for i, (din, dout, ln) in enumerate(spec):
        W, b = _lin(jax.random.fold_in(key, i), din, dout)
        d = {"W": W, "b": b}
        if ln:
            d["g"] = jnp.ones((dout,), jnp.float32)
            d["be"] = jnp.zeros((dout,), jnp.float32)
        layers.append(d)
    return layers


def setup_inputs(seed: int = 0):
    key = jax.random.key(seed)
    ks = jax.random.split(key, 12)
    x = jax.random.normal(ks[0], (N_NODES, D_IN), dtype=jnp.float32)
    edge_index = jax.random.randint(ks[1], (2, N_EDGES), 0, N_NODES)
    action_edges = jax.random.randint(ks[2], (N_EDGES, 2), 0, N_NODES)
    gcn = []
    for i in range(3):
        din = D_IN if i == 0 else D_H
        W, b = _lin(jax.random.fold_in(ks[3], i), din, D_H)
        d = {"W": W, "b": b, "g": jnp.ones((D_H,), jnp.float32), "be": jnp.zeros((D_H,), jnp.float32)}
        if din != D_H:
            d["P"] = _lin(jax.random.fold_in(ks[4], i), din, D_H, bias=False)
        gcn.append(d)
    params = {
        "gcn": gcn,
        "place": _head(ks[5], [(D_H, 64, True), (64, 32, True), (32, 1, False)]),
        "edge": _head(ks[6], [(2 * D_H, 64, True), (64, 32, True), (32, 1, False)]),
        "army": _head(ks[7], [(2 * D_H, 128, True), (128, 64, True), (64, N_ARMY, False)]),
    }
    return {"x": x, "params": params, "action_edges": action_edges, "edge_index": edge_index}


def _layernorm(x, g, b, eps=1e-5):
    m = jnp.mean(x, axis=-1, keepdims=True)
    v = jnp.mean((x - m) ** 2, axis=-1, keepdims=True)
    return (x - m) / jnp.sqrt(v + eps) * g + b


def _mlp(x, layers):
    for L in layers:
        x = x @ L["W"] + L["b"]
        if "g" in L:
            x = jax.nn.relu(_layernorm(x, L["g"], L["be"]))
    return x


def _gcn_conv(h, src, dst, W, b, n):
    hw = h @ W
    deg = jnp.zeros((n,), hw.dtype).at[dst].add(1.0)
    dinv = jnp.where(deg > 0, 1.0 / jnp.sqrt(deg), 0.0)
    norm = (dinv[src] * dinv[dst])[:, None]
    agg = jnp.zeros((n, hw.shape[1]), hw.dtype).at[dst].add(hw[src] * norm)
    return agg + b


def reference(x, params, action_edges, edge_index):
    n = x.shape[0]
    loop = jnp.arange(n, dtype=edge_index.dtype)
    src = jnp.concatenate([edge_index[0], loop])
    dst = jnp.concatenate([edge_index[1], loop])
    h = x
    for L in params["gcn"]:
        out = _gcn_conv(h, src, dst, L["W"], L["b"], n)
        out = _layernorm(out, L["g"], L["be"])
        identity = h @ L["P"] if "P" in L else h
        h = jax.nn.relu(out + identity)
    placement_logits = jnp.clip(_mlp(h, params["place"])[..., 0], -20.0, 20.0)
    sidx = jnp.clip(action_edges[:, 0], 0, n - 1)
    tidx = jnp.clip(action_edges[:, 1], 0, n - 1)
    ee = jnp.clip(jnp.concatenate([h[sidx], h[tidx]], axis=-1), -10.0, 10.0)
    attack_logits = jnp.clip(_mlp(ee, params["edge"])[..., 0], -20.0, 20.0)
    army_logits = jnp.clip(_mlp(ee, params["army"]), -20.0, 20.0)
    return (placement_logits, attack_logits, army_logits)

if __name__ == "__main__":
    import jax
    _d = setup_inputs()
    print(jax.jit(kernel)(*tuple(_d.values())))

</pallas_src>

<mosaic_0001>
#map = affine_map<(d0, d1) -> (0, 0)>
#map1 = affine_map<(d0, d1) -> (0)>
module attributes {stable_mosaic.version = 14 : i64} {
  func.func @_sc_agg_body(%arg0: i32, %arg1: i32, %arg2: memref<10240x128xf32, #tpu.memory_space<hbm>>, %arg3: memref<335872xi32, #tpu.memory_space<hbm>>, %arg4: memref<335872xi32, #tpu.memory_space<hbm>>, %arg5: memref<20480x128xf32, #tpu.memory_space<hbm>>, %arg6: memref<128xi32, #tpu.memory_space<vmem>>, %arg7: memref<128xi32, #tpu.memory_space<vmem>>, %arg8: memref<128xi32, #tpu.memory_space<vmem>>, %arg9: memref<128xi32, #tpu.memory_space<vmem>>, %arg10: memref<128x128xf32, #tpu.memory_space<vmem>>, %arg11: memref<128x128xf32, #tpu.memory_space<vmem>>, %arg12: memref<10240x128xf32, #tpu.memory_space<vmem_shared>>, %arg13: memref<!tpu.dma_semaphore, #tpu.memory_space<semaphore_mem>>, %arg14: memref<!tpu.dma_semaphore, #tpu.memory_space<semaphore_mem>>) attributes {dimension_semantics = [#tpu.dimension_semantics<core_parallel>, #tpu.dimension_semantics<subcore_parallel>], iteration_bounds = array<i64: 2, 16>, scalar_prefetch = 0 : i64, scratch_operands = 9 : i64, tpu.core_type = #tpu.core_type<sc_vector_subcore>, window_params = [{transform_indices = #map}, {transform_indices = #map1}, {transform_indices = #map1}, {transform_indices = #map}]} {
    %mul3A = arith.constant 16 : i32
    %mul3A_0 = arith.muli %arg0, %mul3A : i32
    %add3A = arith.addi %mul3A_0, %arg1 : i32
    %scan3A = arith.constant 0 : i32
    %scan3A_1 = arith.constant 0 : i32
    %scan3A_2 = arith.constant 128 : i32
    %scan3A_3 = arith.addi %scan3A_1, %scan3A_2 : i32
    %scan3A_4 = arith.constant 1 : i32
    scf.for %scan3A_46 = %scan3A_1 to %scan3A_3 step %scan3A_4  : i32 {
      %broadcast_in_dim3A = arith.constant 0.000000e+00 : f32
      %broadcast_in_dim3A_47 = vector.broadcast %broadcast_in_dim3A : f32 to vector<16xf32>
      %swap3A = arith.index_cast %scan3A_46 : i32 to index
      %swap3A_48 = arith.constant 0 : index
      %swap3A_49 = tpu.vector_load %arg10[%swap3A, %swap3A_48] {strides = array<i32>} : memref<128x128xf32, #tpu.memory_space<vmem>>, vector<1x16xf32>,
      %swap3A_50 = vector.shape_cast %swap3A_49 : vector<1x16xf32> to vector<16xf32>
      %swap3A_51 = vector.shape_cast %broadcast_in_dim3A_47 : vector<16xf32> to vector<1x16xf32>
      tpu.vector_store %arg10[%swap3A, %swap3A_48], %swap3A_51 {strides = array<i32>} : memref<128x128xf32, #tpu.memory_space<vmem>>, vector<1x16xf32>,
      %broadcast_in_dim3A_52 = arith.constant 0.000000e+00 : f32
      %broadcast_in_dim3A_53 = vector.broadcast %broadcast_in_dim3A_52 : f32 to vector<16xf32>
      %swap3A_54 = arith.index_cast %scan3A_46 : i32 to index
      %swap3A_55 = arith.constant 16 : index
      %swap3A_56 = tpu.vector_load %arg10[%swap3A_54, %swap3A_55] {strides = array<i32>} : memref<128x128xf32, #tpu.memory_space<vmem>>, vector<1x16xf32>,
      %swap3A_57 = vector.shape_cast %swap3A_56 : vector<1x16xf32> to vector<16xf32>
      %swap3A_58 = vector.shape_cast %broadcast_in_dim3A_53 : vector<16xf32> to vector<1x16xf32>
      tpu.vector_store %arg10[%swap3A_54, %swap3A_55], %swap3A_58 {strides = array<i32>} : memref<128x128xf32, #tpu.memory_space<vmem>>, vector<1x16xf32>,
      %broadcast_in_dim3A_59 = arith.constant 0.000000e+00 : f32
      %broadcast_in_dim3A_60 = vector.broadcast %broadcast_in_dim3A_59 : f32 to vector<16xf32>
      %swap3A_61 = arith.index_cast %scan3A_46 : i32 to index
      %swap3A_62 = arith.constant 32 : index
      %swap3A_63 = tpu.vector_load %arg10[%swap3A_61, %swap3A_62] {strides = array<i32>} : memref<128x128xf32, #tpu.memory_space<vmem>>, vector<1x16xf32>,
      %swap3A_64 = vector.shape_cast %swap3A_63 : vector<1x16xf32> to vector<16xf32>
      %swap3A_65 = vector.shape_cast %broadcast_in_dim3A_60 : vector<16xf32> to vector<1x16xf32>
      tpu.vector_store %arg10[%swap3A_61, %swap3A_62], %swap3A_65 {strides = array<i32>} : memref<128x128xf32, #tpu.memory_space<vmem>>, vector<1x16xf32>,
      %broadcast_in_dim3A_66 = arith.constant 0.000000e+00 : f32
      %broadcast_in_dim3A_67 = vector.broadcast %broadcast_in_dim3A_66 : f32 to vector<16xf32>
      %swap3A_68 = arith.index_cast %scan3A_46 : i32 to index
      %swap3A_69 = arith.constant 48 : index
      %swap3A_70 = tpu.vector_load %arg10[%swap3A_68, %swap3A_69] {strides = array<i32>} : memref<128x128xf32, #tpu.memory_space<vmem>>, vector<1x16xf32>,
      %swap3A_71 = vector.shape_cast %swap3A_70 : vector<1x16xf32> to vector<16xf32>
      %swap3A_72 = vector.shape_cast %broadcast_in_dim3A_67 : vector<16xf32> to vector<1x16xf32>
      tpu.vector_store %arg10[%swap3A_68, %swap3A_69], %swap3A_72 {strides = array<i32>} : memref<128x128xf32, #tpu.memory_space<vmem>>, vector<1x16xf32>,
      %broadcast_in_dim3A_73 = arith.constant 0.000000e+00 : f32
      %broadcast_in_dim3A_74 = vector.broadcast %broadcast_in_dim3A_73 : f32 to vector<16xf32>
      %swap3A_75 = arith.index_cast %scan3A_46 : i32 to index
      %swap3A_76 = arith.constant 64 : index
      %swap3A_77 = tpu.vector_load %arg10[%swap3A_75, %swap3A_76] {strides = array<i32>} : memref<128x128xf32, #tpu.memory_space<vmem>>, vector<1x16xf32>,
      %swap3A_78 = vector.shape_cast %swap3A_77 : vector<1x16xf32> to vector<16xf32>
      %swap3A_79 = vector.shape_cast %broadcast_in_dim3A_74 : vector<16xf32> to vector<1x16xf32>
      tpu.vector_store %arg10[%swap3A_75, %swap3A_76], %swap3A_79 {strides = array<i32>} : memref<128x128xf32, #tpu.memory_space<vmem>>, vector<1x16xf32>,
      %broadcast_in_dim3A_80 = arith.constant 0.000000e+00 : f32
      %broadcast_in_dim3A_81 = vector.broadcast %broadcast_in_dim3A_80 : f32 to vector<16xf32>
      %swap3A_82 = arith.index_cast %scan3A_46 : i32 to index
      %swap3A_83 = arith.constant 80 : index
      %swap3A_84 = tpu.vector_load %arg10[%swap3A_82, %swap3A_83] {strides = array<i32>} : memref<128x128xf32, #tpu.memory_space<vmem>>, vector<1x16xf32>,
      %swap3A_85 = vector.shape_cast %swap3A_84 : vector<1x16xf32> to vector<16xf32>
      %swap3A_86 = vector.shape_cast %broadcast_in_dim3A_81 : vector<16xf32> to vector<1x16xf32>
      tpu.vector_store %arg10[%swap3A_82, %swap3A_83], %swap3A_86 {strides = array<i32>} : memref<128x128xf32, #tpu.memory_space<vmem>>, vector<1x16xf32>,
      %broadcast_in_dim3A_87 = arith.constant 0.000000e+00 : f32
      %broadcast_in_dim3A_88 = vector.broadcast %broadcast_in_dim3A_87 : f32 to vector<16xf32>
      %swap3A_89 = arith.index_cast %scan3A_46 : i32 to index
      %swap3A_90 = arith.constant 96 : index
      %swap3A_91 = tpu.vector_load %arg10[%swap3A_89, %swap3A_90] {strides = array<i32>} : memref<128x128xf32, #tpu.memory_space<vmem>>, vector<1x16xf32>,
      %swap3A_92 = vector.shape_cast %swap3A_91 : vector<1x16xf32> to vector<16xf32>
      %swap3A_93 = vector.shape_cast %broadcast_in_dim3A_88 : vector<16xf32> to vector<1x16xf32>
      tpu.vector_store %arg10[%swap3A_89, %swap3A_90], %swap3A_93 {strides = array<i32>} : memref<128x128xf32, #tpu.memory_space<vmem>>, vector<1x16xf32>,
      %broadcast_in_dim3A_94 = arith.constant 0.000000e+00 : f32
      %broadcast_in_dim3A_95 = vector.broadcast %broadcast_in_dim3A_94 : f32 to vector<16xf32>
      %swap3A_96 = arith.index_cast %scan3A_46 : i32 to index
      %swap3A_97 = arith.constant 112 : index
      %swap3A_98 = tpu.vector_load %arg10[%swap3A_96, %swap3A_97] {strides = array<i32>} : memref<128x128xf32, #tpu.memory_space<vmem>>, vector<1x16xf32>,
      %swap3A_99 = vector.shape_cast %swap3A_98 : vector<1x16xf32> to vector<16xf32>
      %swap3A_100 = vector.shape_cast %broadcast_in_dim3A_95 : vector<16xf32> to vector<1x16xf32>
      tpu.vector_store %arg10[%swap3A_96, %swap3A_97], %swap3A_100 {strides = array<i32>} : memref<128x128xf32, #tpu.memory_space<vmem>>, vector<1x16xf32>,
    }
    %scan3A_5 = arith.constant 128 : i32
    %mul3A_6 = arith.constant 640 : i32
    %mul3A_7 = arith.muli %arg1, %mul3A_6 : i32
    %add3A_8 = arith.constant 0 : i32
    %add3A_9 = arith.addi %mul3A_7, %add3A_8 : i32
    "tpu.region"() ({
      %run_scoped3A = tpu.sem_alloc : memref<!tpu.dma_semaphore, #tpu.memory_space<semaphore_mem>>
      %dma_start3A_46 = arith.constant 0 : i32
      %dma_start3A_47 = tpu.memref_slice %arg12[%add3A_9, %dma_start3A_46] : memref<10240x128xf32, #tpu.memory_space<vmem_shared>> -> memref<128x128xf32, #tpu.memory_space<vmem_shared>>
      %dma_start3A_48 = arith.constant 0 : i32
      %dma_start3A_49 = tpu.memref_slice %arg12[%add3A_9, %dma_start3A_48] : memref<10240x128xf32, #tpu.memory_space<vmem_shared>> -> memref<128x128xf32, #tpu.memory_space<vmem_shared>>
      tpu.enqueue_dma source(%arg10 : memref<128x128xf32, #tpu.memory_space<vmem>>) target(%dma_start3A_49 : memref<128x128xf32, #tpu.memory_space<vmem_shared>>) target_semaphore(%run_scoped3A : memref<!tpu.dma_semaphore, #tpu.memory_space<semaphore_mem>>)
      %dma_wait3A = arith.constant 0 : i32
      %dma_wait3A_50 = tpu.memref_slice %arg12[%add3A_9, %dma_wait3A] : memref<10240x128xf32, #tpu.memory_space<vmem_shared>> -> memref<128x128xf32, #tpu.memory_space<vmem_shared>>
      %dma_wait3A_51 = arith.constant 0 : i32
      %dma_wait3A_52 = tpu.memref_slice %arg12[%add3A_9, %dma_wait3A_51] : memref<10240x128xf32, #tpu.memory_space<vmem_shared>> -> memref<128x128xf32, #tpu.memory_space<vmem_shared>>
      tpu.wait_dma2 semaphore(%run_scoped3A : memref<!tpu.dma_semaphore, #tpu.memory_space<semaphore_mem>>) src(%arg10 : memref<128x128xf32, #tpu.memory_space<vmem>>) dst(%dma_wait3A_52 : memref<128x128xf32, #tpu.memory_space<vmem_shared>>)
      tpu.yield
    }) : () -> ()
    %mul3A_10 = arith.constant 640 : i32
    %mul3A_11 = arith.muli %arg1, %mul3A_10 : i32
    %add3A_12 = arith.constant 128 : i32
    %add3A_13 = arith.addi %mul3A_11, %add3A_12 : i32
    "tpu.region"() ({
      %run_scoped3A = tpu.sem_alloc : memref<!tpu.dma_semaphore, #tpu.memory_space<semaphore_mem>>
      %dma_start3A_46 = arith.constant 0 : i32
      %dma_start3A_47 = tpu.memref_slice %arg12[%add3A_13, %dma_start3A_46] : memref<10240x128xf32, #tpu.memory_space<vmem_shared>> -> memref<128x128xf32, #tpu.memory_space<vmem_shared>>
      %dma_start3A_48 = arith.constant 0 : i32
      %dma_start3A_49 = tpu.memref_slice %arg12[%add3A_13, %dma_start3A_48] : memref<10240x128xf32, #tpu.memory_space<vmem_shared>> -> memref<128x128xf32, #tpu.memory_space<vmem_shared>>
      tpu.enqueue_dma source(%arg10 : memref<128x128xf32, #tpu.memory_space<vmem>>) target(%dma_start3A_49 : memref<128x128xf32, #tpu.memory_space<vmem_shared>>) target_semaphore(%run_scoped3A : memref<!tpu.dma_semaphore, #tpu.memory_space<semaphore_mem>>)
      %dma_wait3A = arith.constant 0 : i32
      %dma_wait3A_50 = tpu.memref_slice %arg12[%add3A_13, %dma_wait3A] : memref<10240x128xf32, #tpu.memory_space<vmem_shared>> -> memref<128x128xf32, #tpu.memory_space<vmem_shared>>
      %dma_wait3A_51 = arith.constant 0 : i32
      %dma_wait3A_52 = tpu.memref_slice %arg12[%add3A_13, %dma_wait3A_51] : memref<10240x128xf32, #tpu.memory_space<vmem_shared>> -> memref<128x128xf32, #tpu.memory_space<vmem_shared>>
      tpu.wait_dma2 semaphore(%run_scoped3A : memref<!tpu.dma_semaphore, #tpu.memory_space<semaphore_mem>>) src(%arg10 : memref<128x128xf32, #tpu.memory_space<vmem>>) dst(%dma_wait3A_52 : memref<128x128xf32, #tpu.memory_space<vmem_shared>>)
      tpu.yield
    }) : () -> ()
    %mul3A_14 = arith.constant 640 : i32
    %mul3A_15 = arith.muli %arg1, %mul3A_14 : i32
    %add3A_16 = arith.constant 256 : i32
    %add3A_17 = arith.addi %mul3A_15, %add3A_16 : i32
    "tpu.region"() ({
      %run_scoped3A = tpu.sem_alloc : memref<!tpu.dma_semaphore, #tpu.memory_space<semaphore_mem>>
      %dma_start3A_46 = arith.constant 0 : i32
      %dma_start3A_47 = tpu.memref_slice %arg12[%add3A_17, %dma_start3A_46] : memref<10240x128xf32, #tpu.memory_space<vmem_shared>> -> memref<128x128xf32, #tpu.memory_space<vmem_shared>>
      %dma_start3A_48 = arith.constant 0 : i32
      %dma_start3A_49 = tpu.memref_slice %arg12[%add3A_17, %dma_start3A_48] : memref<10240x128xf32, #tpu.memory_space<vmem_shared>> -> memref<128x128xf32, #tpu.memory_space<vmem_shared>>
      tpu.enqueue_dma source(%arg10 : memref<128x128xf32, #tpu.memory_space<vmem>>) target(%dma_start3A_49 : memref<128x128xf32, #tpu.memory_space<vmem_shared>>) target_semaphore(%run_scoped3A : memref<!tpu.dma_semaphore, #tpu.memory_space<semaphore_mem>>)
      %dma_wait3A = arith.constant 0 : i32
      %dma_wait3A_50 = tpu.memref_slice %arg12[%add3A_17, %dma_wait3A] : memref<10240x128xf32, #tpu.memory_space<vmem_shared>> -> memref<128x128xf32, #tpu.memory_space<vmem_shared>>
      %dma_wait3A_51 = arith.constant 0 : i32
      %dma_wait3A_52 = tpu.memref_slice %arg12[%add3A_17, %dma_wait3A_51] : memref<10240x128xf32, #tpu.memory_space<vmem_shared>> -> memref<128x128xf32, #tpu.memory_space<vmem_shared>>
      tpu.wait_dma2 semaphore(%run_scoped3A : memref<!tpu.dma_semaphore, #tpu.memory_space<semaphore_mem>>) src(%arg10 : memref<128x128xf32, #tpu.memory_space<vmem>>) dst(%dma_wait3A_52 : memref<128x128xf32, #tpu.memory_space<vmem_shared>>)
      tpu.yield
    }) : () -> ()
    %mul3A_18 = arith.constant 640 : i32
    %mul3A_19 = arith.muli %arg1, %mul3A_18 : i32
    %add3A_20 = arith.constant 384 : i32
    %add3A_21 = arith.addi %mul3A_19, %add3A_20 : i32
    "tpu.region"() ({
      %run_scoped3A = tpu.sem_alloc : memref<!tpu.dma_semaphore, #tpu.memory_space<semaphore_mem>>
      %dma_start3A_46 = arith.constant 0 : i32
      %dma_start3A_47 = tpu.memref_slice %arg12[%add3A_21, %dma_start3A_46] : memref<10240x128xf32, #tpu.memory_space<vmem_shared>> -> memref<128x128xf32, #tpu.memory_space<vmem_shared>>
      %dma_start3A_48 = arith.constant 0 : i32
      %dma_start3A_49 = tpu.memref_slice %arg12[%add3A_21, %dma_start3A_48] : memref<10240x128xf32, #tpu.memory_space<vmem_shared>> -> memref<128x128xf32, #tpu.memory_space<vmem_shared>>
      tpu.enqueue_dma source(%arg10 : memref<128x128xf32, #tpu.memory_space<vmem>>) target(%dma_start3A_49 : memref<128x128xf32, #tpu.memory_space<vmem_shared>>) target_semaphore(%run_scoped3A : memref<!tpu.dma_semaphore, #tpu.memory_space<semaphore_mem>>)
      %dma_wait3A = arith.constant 0 : i32
      %dma_wait3A_50 = tpu.memref_slice %arg12[%add3A_21, %dma_wait3A] : memref<10240x128xf32, #tpu.memory_space<vmem_shared>> -> memref<128x128xf32, #tpu.memory_space<vmem_shared>>
      %dma_wait3A_51 = arith.constant 0 : i32
      %dma_wait3A_52 = tpu.memref_slice %arg12[%add3A_21, %dma_wait3A_51] : memref<10240x128xf32, #tpu.memory_space<vmem_shared>> -> memref<128x128xf32, #tpu.memory_space<vmem_shared>>
      tpu.wait_dma2 semaphore(%run_scoped3A : memref<!tpu.dma_semaphore, #tpu.memory_space<semaphore_mem>>) src(%arg10 : memref<128x128xf32, #tpu.memory_space<vmem>>) dst(%dma_wait3A_52 : memref<128x128xf32, #tpu.memory_space<vmem_shared>>)
      tpu.yield
    }) : () -> ()
    %mul3A_22 = arith.constant 640 : i32
    %mul3A_23 = arith.muli %arg1, %mul3A_22 : i32
    %add3A_24 = arith.constant 512 : i32
    %add3A_25 = arith.addi %mul3A_23, %add3A_24 : i32
    "tpu.region"() ({
      %run_scoped3A = tpu.sem_alloc : memref<!tpu.dma_semaphore, #tpu.memory_space<semaphore_mem>>
      %dma_start3A_46 = arith.constant 0 : i32
      %dma_start3A_47 = tpu.memref_slice %arg12[%add3A_25, %dma_start3A_46] : memref<10240x128xf32, #tpu.memory_space<vmem_shared>> -> memref<128x128xf32, #tpu.memory_space<vmem_shared>>
      %dma_start3A_48 = arith.constant 0 : i32
      %dma_start3A_49 = tpu.memref_slice %arg12[%add3A_25, %dma_start3A_48] : memref<10240x128xf32, #tpu.memory_space<vmem_shared>> -> memref<128x128xf32, #tpu.memory_space<vmem_shared>>
      tpu.enqueue_dma source(%arg10 : memref<128x128xf32, #tpu.memory_space<vmem>>) target(%dma_start3A_49 : memref<128x128xf32, #tpu.memory_space<vmem_shared>>) target_semaphore(%run_scoped3A : memref<!tpu.dma_semaphore, #tpu.memory_space<semaphore_mem>>)
      %dma_wait3A = arith.constant 0 : i32
      %dma_wait3A_50 = tpu.memref_slice %arg12[%add3A_25, %dma_wait3A] : memref<10240x128xf32, #tpu.memory_space<vmem_shared>> -> memref<128x128xf32, #tpu.memory_space<vmem_shared>>
      %dma_wait3A_51 = arith.constant 0 : i32
      %dma_wait3A_52 = tpu.memref_slice %arg12[%add3A_25, %dma_wait3A_51] : memref<10240x128xf32, #tpu.memory_space<vmem_shared>> -> memref<128x128xf32, #tpu.memory_space<vmem_shared>>
      tpu.wait_dma2 semaphore(%run_scoped3A : memref<!tpu.dma_semaphore, #tpu.memory_space<semaphore_mem>>) src(%arg10 : memref<128x128xf32, #tpu.memory_space<vmem>>) dst(%dma_wait3A_52 : memref<128x128xf32, #tpu.memory_space<vmem_shared>>)
      tpu.yield
    }) : () -> ()
    %barrier3A = arith.constant 0 : index
    tpu.barrier barrier_id(%barrier3A)
    %mul3A_26 = arith.constant 10496 : i32
    %mul3A_27 = arith.muli %add3A, %mul3A_26 : i32
    %add3A_28 = arith.constant 0 : i32
    %add3A_29 = arith.addi %mul3A_27, %add3A_28 : i32
    "tpu.region"() ({
      %run_scoped3A = tpu.sem_alloc : memref<!tpu.dma_semaphore, #tpu.memory_space<semaphore_mem>>
      %dma_start3A_46 = tpu.memref_slice %arg3[%add3A_29] : memref<335872xi32, #tpu.memory_space<hbm>> -> memref<128xi32, #tpu.memory_space<hbm>>
      %dma_start3A_47 = tpu.memref_slice %arg3[%add3A_29] : memref<335872xi32, #tpu.memory_space<hbm>> -> memref<128xi32, #tpu.memory_space<hbm>>
      tpu.enqueue_dma source(%dma_start3A_47 : memref<128xi32, #tpu.memory_space<hbm>>) target(%arg6 : memref<128xi32, #tpu.memory_space<vmem>>) target_semaphore(%run_scoped3A : memref<!tpu.dma_semaphore, #tpu.memory_space<semaphore_mem>>)
      %dma_wait3A = tpu.memref_slice %arg3[%add3A_29] : memref<335872xi32, #tpu.memory_space<hbm>> -> memref<128xi32, #tpu.memory_space<hbm>>
      %dma_wait3A_48 = tpu.memref_slice %arg3[%add3A_29] : memref<335872xi32, #tpu.memory_space<hbm>> -> memref<128xi32, #tpu.memory_space<hbm>>
      tpu.wait_dma2 semaphore(%run_scoped3A : memref<!tpu.dma_semaphore, #tpu.memory_space<semaphore_mem>>) src(%dma_wait3A_48 : memref<128xi32, #tpu.memory_space<hbm>>) dst(%arg6 : memref<128xi32, #tpu.memory_space<vmem>>)
      tpu.yield
    }) : () -> ()
    "tpu.region"() ({
      %run_scoped3A = tpu.sem_alloc : memref<!tpu.dma_semaphore, #tpu.memory_space<semaphore_mem>>
      %dma_start3A_46 = tpu.memref_slice %arg4[%add3A_29] : memref<335872xi32, #tpu.memory_space<hbm>> -> memref<128xi32, #tpu.memory_space<hbm>>
      %dma_start3A_47 = tpu.memref_slice %arg4[%add3A_29] : memref<335872xi32, #tpu.memory_space<hbm>> -> memref<128xi32, #tpu.memory_space<hbm>>
      tpu.enqueue_dma source(%dma_start3A_47 : memref<128xi32, #tpu.memory_space<hbm>>) target(%arg8 : memref<128xi32, #tpu.memory_space<vmem>>) target_semaphore(%run_scoped3A : memref<!tpu.dma_semaphore, #tpu.memory_space<semaphore_mem>>)
      %dma_wait3A = tpu.memref_slice %arg4[%add3A_29] : memref<335872xi32, #tpu.memory_space<hbm>> -> memref<128xi32, #tpu.memory_space<hbm>>
      %dma_wait3A_48 = tpu.memref_slice %arg4[%add3A_29] : memref<335872xi32, #tpu.memory_space<hbm>> -> memref<128xi32, #tpu.memory_space<hbm>>
      tpu.wait_dma2 semaphore(%run_scoped3A : memref<!tpu.dma_semaphore, #tpu.memory_space<semaphore_mem>>) src(%dma_wait3A_48 : memref<128xi32, #tpu.memory_space<hbm>>) dst(%arg8 : memref<128xi32, #tpu.memory_space<vmem>>)
      tpu.yield
    }) : () -> ()
    %dma_start3A = arith.constant 0 : i32
    %dma_start3A_30 = arith.constant 0 : i32
    %dma_start3A_31 = tpu.memref_slice %arg2[%dma_start3A, %dma_start3A_30] : memref<10240x128xf32, #tpu.memory_space<hbm>> -> memref<10240x128xf32, #tpu.memory_space<hbm>>
    tpu.enqueue_indirect_dma source(%dma_start3A_31 : memref<10240x128xf32, #tpu.memory_space<hbm>>) target(%arg10 : memref<128x128xf32, #tpu.memory_space<vmem>>) offsets(%arg6 : memref<128xi32, #tpu.memory_space<vmem>>) semaphore(%arg13 : memref<!tpu.dma_semaphore, #tpu.memory_space<semaphore_mem>>)
    %scan3A_32 = arith.constant 0 : i32
    %scan3A_33 = arith.constant 0 : i32
    %scan3A_34 = arith.constant 41 : i32
    %scan3A_35 = arith.addi %scan3A_33, %scan3A_34 : i32
    %scan3A_36 = arith.constant 1 : i32
    scf.for %scan3A_46 = %scan3A_33 to %scan3A_35 step %scan3A_36  : i32 {
      %mul3A_47 = arith.constant 2 : i32
      %mul3A_48 = arith.muli %mul3A_47, %scan3A_46 : i32
      %dma_wait3A = arith.constant 0 : i32
      %dma_wait3A_49 = arith.constant 0 : i32
      %dma_wait3A_50 = tpu.memref_slice %arg2[%dma_wait3A, %dma_wait3A_49] : memref<10240x128xf32, #tpu.memory_space<hbm>> -> memref<10240x128xf32, #tpu.memory_space<hbm>>
      tpu.wait_indirect_dma semaphore(%arg13 : memref<!tpu.dma_semaphore, #tpu.memory_space<semaphore_mem>>) src(%dma_wait3A_50 : memref<10240x128xf32, #tpu.memory_space<hbm>>) dst(%arg10 : memref<128x128xf32, #tpu.memory_space<vmem>>)
      %add3A_51 = arith.constant 1 : i32
      %add3A_52 = arith.addi %mul3A_48, %add3A_51 : i32
      %mul3A_53 = arith.constant 10496 : i32
      %mul3A_54 = arith.muli %add3A, %mul3A_53 : i32
      %mul3A_55 = arith.constant 128 : i32
      %mul3A_56 = arith.muli %add3A_52, %mul3A_55 : i32
      %add3A_57 = arith.addi %mul3A_54, %mul3A_56 : i32
      "tpu.region"() ({
        %run_scoped3A = tpu.sem_alloc : memref<!tpu.dma_semaphore, #tpu.memory_space<semaphore_mem>>
        %dma_start3A_68 = tpu.memref_slice %arg3[%add3A_57] : memref<335872xi32, #tpu.memory_space<hbm>> -> memref<128xi32, #tpu.memory_space<hbm>>
        %dma_start3A_69 = tpu.memref_slice %arg3[%add3A_57] : memref<335872xi32, #tpu.memory_space<hbm>> -> memref<128xi32, #tpu.memory_space<hbm>>
        tpu.enqueue_dma source(%dma_start3A_69 : memref<128xi32, #tpu.memory_space<hbm>>) target(%arg7 : memref<128xi32, #tpu.memory_space<vmem>>) target_semaphore(%run_scoped3A : memref<!tpu.dma_semaphore, #tpu.memory_space<semaphore_mem>>)
        %dma_wait3A_70 = tpu.memref_slice %arg3[%add3A_57] : memref<335872xi32, #tpu.memory_space<hbm>> -> memref<128xi32, #tpu.memory_space<hbm>>
        %dma_wait3A_71 = tpu.memref_slice %arg3[%add3A_57] : memref<335872xi32, #tpu.memory_space<hbm>> -> memref<128xi32, #tpu.memory_space<hbm>>
        tpu.wait_dma2 semaphore(%run_scoped3A : memref<!tpu.dma_semaphore, #tpu.memory_space<semaphore_mem>>) src(%dma_wait3A_71 : memref<128xi32, #tpu.memory_space<hbm>>) dst(%arg7 : memref<128xi32, #tpu.memory_space<vmem>>)
        tpu.yield
      }) : () -> ()
      "tpu.region"() ({
        %run_scoped3A = tpu.sem_alloc : memref<!tpu.dma_semaphore, #tpu.memory_space<semaphore_mem>>
        %dma_start3A_68 = tpu.memref_slice %arg4[%add3A_57] : memref<335872xi32, #tpu.memory_space<hbm>> -> memref<128xi32, #tpu.memory_space<hbm>>
        %dma_start3A_69 = tpu.memref_slice %arg4[%add3A_57] : memref<335872xi32, #tpu.memory_space<hbm>> -> memref<128xi32, #tpu.memory_space<hbm>>
        tpu.enqueue_dma source(%dma_start3A_69 : memref<128xi32, #tpu.memory_space<hbm>>) target(%arg9 : memref<128xi32, #tpu.memory_space<vmem>>) target_semaphore(%run_scoped3A : memref<!tpu.dma_semaphore, #tpu.memory_space<semaphore_mem>>)
        %dma_wait3A_70 = tpu.memref_slice %arg4[%add3A_57] : memref<335872xi32, #tpu.memory_space<hbm>> -> memref<128xi32, #tpu.memory_space<hbm>>
        %dma_wait3A_71 = tpu.memref_slice %arg4[%add3A_57] : memref<335872xi32, #tpu.memory_space<hbm>> -> memref<128xi32, #tpu.memory_space<hbm>>
        tpu.wait_dma2 semaphore(%run_scoped3A : memref<!tpu.dma_semaphore, #tpu.memory_space<semaphore_mem>>) src(%dma_wait3A_71 : memref<128xi32, #tpu.memory_space<hbm>>) dst(%arg9 : memref<128xi32, #tpu.memory_space<vmem>>)
        tpu.yield
      }) : () -> ()
      %dma_start3A_58 = arith.constant 0 : i32
      %dma_start3A_59 = arith.constant 0 : i32
      %dma_start3A_60 = tpu.memref_slice %arg2[%dma_start3A_58, %dma_start3A_59] : memref<10240x128xf32, #tpu.memory_space<hbm>> -> memref<10240x128xf32, #tpu.memory_space<hbm>>
      tpu.enqueue_indirect_dma source(%dma_start3A_60 : memref<10240x128xf32, #tpu.memory_space<hbm>>) target(%arg11 : memref<128x128xf32, #tpu.memory_space<vmem>>) offsets(%arg7 : memref<128xi32, #tpu.memory_space<vmem>>) semaphore(%arg14 : memref<!tpu.dma_semaphore, #tpu.memory_space<semaphore_mem>>)
      "tpu.region"() ({
        %run_scoped3A = tpu.sem_alloc : memref<!tpu.dma_semaphore, #tpu.memory_space<semaphore_mem>>
        %dma_start3A_68 = arith.constant 0 : i32
        %dma_start3A_69 = arith.constant 0 : i32
        %dma_start3A_70 = tpu.memref_slice %arg12[%dma_start3A_68, %dma_start3A_69] : memref<10240x128xf32, #tpu.memory_space<vmem_shared>> -> memref<10240x128xf32, #tpu.memory_space<vmem_shared>>
        tpu.enqueue_indirect_dma source(%arg10 : memref<128x128xf32, #tpu.memory_space<vmem>>) target(%dma_start3A_70 : memref<10240x128xf32, #tpu.memory_space<vmem_shared>>) offsets(%arg8 : memref<128xi32, #tpu.memory_space<vmem>>) semaphore(%run_scoped3A : memref<!tpu.dma_semaphore, #tpu.memory_space<semaphore_mem>>) {add = true}
        %dma_wait3A_71 = arith.constant 0 : i32
        %dma_wait3A_72 = arith.constant 0 : i32
        %dma_wait3A_73 = tpu.memref_slice %arg12[%dma_wait3A_71, %dma_wait3A_72] : memref<10240x128xf32, #tpu.memory_space<vmem_shared>> -> memref<10240x128xf32, #tpu.memory_space<vmem_shared>>
        tpu.wait_indirect_dma semaphore(%run_scoped3A : memref<!tpu.dma_semaphore, #tpu.memory_space<semaphore_mem>>) src(%arg10 : memref<128x128xf32, #tpu.memory_space<vmem>>) dst(%dma_wait3A_73 : memref<10240x128xf32, #tpu.memory_space<vmem_shared>>)
        tpu.yield
      }) : () -> ()
      %dma_wait3A_61 = arith.constant 0 : i32
      %dma_wait3A_62 = arith.constant 0 : i32
      %dma_wait3A_63 = tpu.memref_slice %arg2[%dma_wait3A_61, %dma_wait3A_62] : memref<10240x128xf32, #tpu.memory_space<hbm>> -> memref<10240x128xf32, #tpu.memory_space<hbm>>
      tpu.wait_indirect_dma semaphore(%arg14 : memref<!tpu.dma_semaphore, #tpu.memory_space<semaphore_mem>>) src(%dma_wait3A_63 : memref<10240x128xf32, #tpu.memory_space<hbm>>) dst(%arg11 : memref<128x128xf32, #tpu.memory_space<vmem>>)
      %add3A_64 = arith.constant 2 : i32
      %add3A_65 = arith.addi %mul3A_48, %add3A_64 : i32
      %lt3A = arith.constant 82 : i32
      %lt3A_66 = arith.cmpi slt, %add3A_65, %lt3A : i32
      %convert_element_type3A = arith.extui %lt3A_66 : i1 to i32
      %cond3A = arith.constant 0 : i32
      %cond3A_67 = arith.cmpi ne, %convert_element_type3A, %cond3A : i32
      scf.if %cond3A_67 {
        %add3A_68 = arith.constant 2 : i32
        %add3A_69 = arith.addi %mul3A_48, %add3A_68 : i32
        %mul3A_70 = arith.constant 10496 : i32
        %mul3A_71 = arith.muli %add3A, %mul3A_70 : i32
        %mul3A_72 = arith.constant 128 : i32
        %mul3A_73 = arith.muli %add3A_69, %mul3A_72 : i32
        %add3A_74 = arith.addi %mul3A_71, %mul3A_73 : i32
        "tpu.region"() ({
          %run_scoped3A = tpu.sem_alloc : memref<!tpu.dma_semaphore, #tpu.memory_space<semaphore_mem>>
          %dma_start3A_78 = tpu.memref_slice %arg3[%add3A_74] : memref<335872xi32, #tpu.memory_space<hbm>> -> memref<128xi32, #tpu.memory_space<hbm>>
          %dma_start3A_79 = tpu.memref_slice %arg3[%add3A_74] : memref<335872xi32, #tpu.memory_space<hbm>> -> memref<128xi32, #tpu.memory_space<hbm>>
          tpu.enqueue_dma source(%dma_start3A_79 : memref<128xi32, #tpu.memory_space<hbm>>) target(%arg6 : memref<128xi32, #tpu.memory_space<vmem>>) target_semaphore(%run_scoped3A : memref<!tpu.dma_semaphore, #tpu.memory_space<semaphore_mem>>)
          %dma_wait3A_80 = tpu.memref_slice %arg3[%add3A_74] : memref<335872xi32, #tpu.memory_space<hbm>> -> memref<128xi32, #tpu.memory_space<hbm>>
          %dma_wait3A_81 = tpu.memref_slice %arg3[%add3A_74] : memref<335872xi32, #tpu.memory_space<hbm>> -> memref<128xi32, #tpu.memory_space<hbm>>
          tpu.wait_dma2 semaphore(%run_scoped3A : memref<!tpu.dma_semaphore, #tpu.memory_space<semaphore_mem>>) src(%dma_wait3A_81 : memref<128xi32, #tpu.memory_space<hbm>>) dst(%arg6 : memref<128xi32, #tpu.memory_space<vmem>>)
          tpu.yield
        }) : () -> ()
        "tpu.region"() ({
          %run_scoped3A = tpu.sem_alloc : memref<!tpu.dma_semaphore, #tpu.memory_space<semaphore_mem>>
          %dma_start3A_78 = tpu.memref_slice %arg4[%add3A_74] : memref<335872xi32, #tpu.memory_space<hbm>> -> memref<128xi32, #tpu.memory_space<hbm>>
          %dma_start3A_79 = tpu.memref_slice %arg4[%add3A_74] : memref<335872xi32, #tpu.memory_space<hbm>> -> memref<128xi32, #tpu.memory_space<hbm>>
          tpu.enqueue_dma source(%dma_start3A_79 : memref<128xi32, #tpu.memory_space<hbm>>) target(%arg8 : memref<128xi32, #tpu.memory_space<vmem>>) target_semaphore(%run_scoped3A : memref<!tpu.dma_semaphore, #tpu.memory_space<semaphore_mem>>)
          %dma_wait3A_80 = tpu.memref_slice %arg4[%add3A_74] : memref<335872xi32, #tpu.memory_space<hbm>> -> memref<128xi32, #tpu.memory_space<hbm>>
          %dma_wait3A_81 = tpu.memref_slice %arg4[%add3A_74] : memref<335872xi32, #tpu.memory_space<hbm>> -> memref<128xi32, #tpu.memory_space<hbm>>
          tpu.wait_dma2 semaphore(%run_scoped3A : memref<!tpu.dma_semaphore, #tpu.memory_space<semaphore_mem>>) src(%dma_wait3A_81 : memref<128xi32, #tpu.memory_space<hbm>>) dst(%arg8 : memref<128xi32, #tpu.memory_space<vmem>>)
          tpu.yield
        }) : () -> ()
        %dma_start3A_75 = arith.constant 0 : i32
        %dma_start3A_76 = arith.constant 0 : i32
        %dma_start3A_77 = tpu.memref_slice %arg2[%dma_start3A_75, %dma_start3A_76] : memref<10240x128xf32, #tpu.memory_space<hbm>> -> memref<10240x128xf32, #tpu.memory_space<hbm>>
        tpu.enqueue_indirect_dma source(%dma_start3A_77 : memref<10240x128xf32, #tpu.memory_space<hbm>>) target(%arg10 : memref<128x128xf32, #tpu.memory_space<vmem>>) offsets(%arg6 : memref<128xi32, #tpu.memory_space<vmem>>) semaphore(%arg13 : memref<!tpu.dma_semaphore, #tpu.memory_space<semaphore_mem>>)
      } else {
      }
      "tpu.region"() ({
        %run_scoped3A = tpu.sem_alloc : memref<!tpu.dma_semaphore, #tpu.memory_space<semaphore_mem>>
        %dma_start3A_68 = arith.constant 0 : i32
        %dma_start3A_69 = arith.constant 0 : i32
        %dma_start3A_70 = tpu.memref_slice %arg12[%dma_start3A_68, %dma_start3A_69] : memref<10240x128xf32, #tpu.memory_space<vmem_shared>> -> memref<10240x128xf32, #tpu.memory_space<vmem_shared>>
        tpu.enqueue_indirect_dma source(%arg11 : memref<128x128xf32, #tpu.memory_space<vmem>>) target(%dma_start3A_70 : memref<10240x128xf32, #tpu.memory_space<vmem_shared>>) offsets(%arg9 : memref<128xi32, #tpu.memory_space<vmem>>) semaphore(%run_scoped3A : memref<!tpu.dma_semaphore, #tpu.memory_space<semaphore_mem>>) {add = true}
        %dma_wait3A_71 = arith.constant 0 : i32
        %dma_wait3A_72 = arith.constant 0 : i32
        %dma_wait3A_73 = tpu.memref_slice %arg12[%dma_wait3A_71, %dma_wait3A_72] : memref<10240x128xf32, #tpu.memory_space<vmem_shared>> -> memref<10240x128xf32, #tpu.memory_space<vmem_shared>>
        tpu.wait_indirect_dma semaphore(%run_scoped3A : memref<!tpu.dma_semaphore, #tpu.memory_space<semaphore_mem>>) src(%arg11 : memref<128x128xf32, #tpu.memory_space<vmem>>) dst(%dma_wait3A_73 : memref<10240x128xf32, #tpu.memory_space<vmem_shared>>)
        tpu.yield
      }) : () -> ()
    }
    %scan3A_37 = arith.constant 41 : i32
    %barrier3A_38 = arith.constant 0 : index
    tpu.barrier barrier_id(%barrier3A_38)
    %mul3A_39 = arith.constant 640 : i32
    %mul3A_40 = arith.muli %arg1, %mul3A_39 : i32
    %mul3A_41 = arith.constant 10240 : i32
    %mul3A_42 = arith.muli %arg0, %mul3A_41 : i32
    %mul3A_43 = arith.constant 640 : i32
    %mul3A_44 = arith.muli %arg1, %mul3A_43 : i32
    %add3A_45 = arith.addi %mul3A_42, %mul3A_44 : i32
    "tpu.region"() ({
      %run_scoped3A = tpu.sem_alloc : memref<!tpu.dma_semaphore, #tpu.memory_space<semaphore_mem>>
      %dma_start3A_46 = arith.constant 0 : i32
      %dma_start3A_47 = tpu.memref_slice %arg5[%add3A_45, %dma_start3A_46] : memref<20480x128xf32, #tpu.memory_space<hbm>> -> memref<640x128xf32, #tpu.memory_space<hbm>>
      %dma_start3A_48 = arith.constant 0 : i32
      %dma_start3A_49 = tpu.memref_slice %arg12[%mul3A_40, %dma_start3A_48] : memref<10240x128xf32, #tpu.memory_space<vmem_shared>> -> memref<640x128xf32, #tpu.memory_space<vmem_shared>>
      tpu.enqueue_dma source(%dma_start3A_49 : memref<640x128xf32, #tpu.memory_space<vmem_shared>>) target(%dma_start3A_47 : memref<640x128xf32, #tpu.memory_space<hbm>>) target_semaphore(%run_scoped3A : memref<!tpu.dma_semaphore, #tpu.memory_space<semaphore_mem>>)
      %dma_wait3A = arith.constant 0 : i32
      %dma_wait3A_50 = tpu.memref_slice %arg5[%add3A_45, %dma_wait3A] : memref<20480x128xf32, #tpu.memory_space<hbm>> -> memref<640x128xf32, #tpu.memory_space<hbm>>
      %dma_wait3A_51 = arith.constant 0 : i32
      %dma_wait3A_52 = tpu.memref_slice %arg12[%mul3A_40, %dma_wait3A_51] : memref<10240x128xf32, #tpu.memory_space<vmem_shared>> -> memref<640x128xf32, #tpu.memory_space<vmem_shared>>
      tpu.wait_dma2 semaphore(%run_scoped3A : memref<!tpu.dma_semaphore, #tpu.memory_space<semaphore_mem>>) src(%dma_wait3A_52 : memref<640x128xf32, #tpu.memory_space<vmem_shared>>) dst(%dma_wait3A_50 : memref<640x128xf32, #tpu.memory_space<hbm>>)
      tpu.yield
    }) : () -> ()
    return
  }
}

#map = affine_map<(d0, d1) -> (0, 0, 0)>
#map1 = affine_map<(d0, d1) -> (0, 0)>
module attributes {stable_mosaic.version = 14 : i64} {
  func.func @_sc_degree_body(%arg0: i32, %arg1: i32, %arg2: memref<32x82x128xi32, #tpu.memory_space<hbm>>, %arg3: memref<20480x128xf32, #tpu.memory_space<hbm>>, %arg4: memref<82x128xi32, #tpu.memory_space<vmem>>, %arg5: memref<128x128xf32, #tpu.memory_space<vmem>>, %arg6: memref<10240x128xf32, #tpu.memory_space<vmem_shared>>) attributes {dimension_semantics = [#tpu.dimension_semantics<core_parallel>, #tpu.dimension_semantics<subcore_parallel>], iteration_bounds = array<i64: 2, 16>, scalar_prefetch = 0 : i64, scratch_operands = 3 : i64, tpu.core_type = #tpu.core_type<sc_vector_subcore>, window_params = [{transform_indices = #map}, {transform_indices = #map1}]} {
    %mul3A = arith.constant 16 : i32
    %mul3A_0 = arith.muli %arg0, %mul3A : i32
    %add3A = arith.addi %mul3A_0, %arg1 : i32
    %scan3A = arith.constant 0 : i32
    %scan3A_1 = arith.constant 0 : i32
    %scan3A_2 = arith.constant 128 : i32
    %scan3A_3 = arith.addi %scan3A_1, %scan3A_2 : i32
    %scan3A_4 = arith.constant 1 : i32
    scf.for %scan3A_46 = %scan3A_1 to %scan3A_3 step %scan3A_4  : i32 {
      %broadcast_in_dim3A = arith.constant 0.000000e+00 : f32
      %broadcast_in_dim3A_47 = vector.broadcast %broadcast_in_dim3A : f32 to vector<16xf32>
      %swap3A = arith.index_cast %scan3A_46 : i32 to index
      %swap3A_48 = arith.constant 0 : index
      %swap3A_49 = tpu.vector_load %arg5[%swap3A, %swap3A_48] {strides = array<i32>} : memref<128x128xf32, #tpu.memory_space<vmem>>, vector<1x16xf32>,
      %swap3A_50 = vector.shape_cast %swap3A_49 : vector<1x16xf32> to vector<16xf32>
      %swap3A_51 = vector.shape_cast %broadcast_in_dim3A_47 : vector<16xf32> to vector<1x16xf32>
      tpu.vector_store %arg5[%swap3A, %swap3A_48], %swap3A_51 {strides = array<i32>} : memref<128x128xf32, #tpu.memory_space<vmem>>, vector<1x16xf32>,
      %broadcast_in_dim3A_52 = arith.constant 0.000000e+00 : f32
      %broadcast_in_dim3A_53 = vector.broadcast %broadcast_in_dim3A_52 : f32 to vector<16xf32>
      %swap3A_54 = arith.index_cast %scan3A_46 : i32 to index
      %swap3A_55 = arith.constant 16 : index
      %swap3A_56 = tpu.vector_load %arg5[%swap3A_54, %swap3A_55] {strides = array<i32>} : memref<128x128xf32, #tpu.memory_space<vmem>>, vector<1x16xf32>,
      %swap3A_57 = vector.shape_cast %swap3A_56 : vector<1x16xf32> to vector<16xf32>
      %swap3A_58 = vector.shape_cast %broadcast_in_dim3A_53 : vector<16xf32> to vector<1x16xf32>
      tpu.vector_store %arg5[%swap3A_54, %swap3A_55], %swap3A_58 {strides = array<i32>} : memref<128x128xf32, #tpu.memory_space<vmem>>, vector<1x16xf32>,
      %broadcast_in_dim3A_59 = arith.constant 0.000000e+00 : f32
      %broadcast_in_dim3A_60 = vector.broadcast %broadcast_in_dim3A_59 : f32 to vector<16xf32>
      %swap3A_61 = arith.index_cast %scan3A_46 : i32 to index
      %swap3A_62 = arith.constant 32 : index
      %swap3A_63 = tpu.vector_load %arg5[%swap3A_61, %swap3A_62] {strides = array<i32>} : memref<128x128xf32, #tpu.memory_space<vmem>>, vector<1x16xf32>,
      %swap3A_64 = vector.shape_cast %swap3A_63 : vector<1x16xf32> to vector<16xf32>
      %swap3A_65 = vector.shape_cast %broadcast_in_dim3A_60 : vector<16xf32> to vector<1x16xf32>
      tpu.vector_store %arg5[%swap3A_61, %swap3A_62], %swap3A_65 {strides = array<i32>} : memref<128x128xf32, #tpu.memory_space<vmem>>, vector<1x16xf32>,
      %broadcast_in_dim3A_66 = arith.constant 0.000000e+00 : f32
      %broadcast_in_dim3A_67 = vector.broadcast %broadcast_in_dim3A_66 : f32 to vector<16xf32>
      %swap3A_68 = arith.index_cast %scan3A_46 : i32 to index
      %swap3A_69 = arith.constant 48 : index
      %swap3A_70 = tpu.vector_load %arg5[%swap3A_68, %swap3A_69] {strides = array<i32>} : memref<128x128xf32, #tpu.memory_space<vmem>>, vector<1x16xf32>,
      %swap3A_71 = vector.shape_cast %swap3A_70 : vector<1x16xf32> to vector<16xf32>
      %swap3A_72 = vector.shape_cast %broadcast_in_dim3A_67 : vector<16xf32> to vector<1x16xf32>
      tpu.vector_store %arg5[%swap3A_68, %swap3A_69], %swap3A_72 {strides = array<i32>} : memref<128x128xf32, #tpu.memory_space<vmem>>, vector<1x16xf32>,
      %broadcast_in_dim3A_73 = arith.constant 0.000000e+00 : f32
      %broadcast_in_dim3A_74 = vector.broadcast %broadcast_in_dim3A_73 : f32 to vector<16xf32>
      %swap3A_75 = arith.index_cast %scan3A_46 : i32 to index
      %swap3A_76 = arith.constant 64 : index
      %swap3A_77 = tpu.vector_load %arg5[%swap3A_75, %swap3A_76] {strides = array<i32>} : memref<128x128xf32, #tpu.memory_space<vmem>>, vector<1x16xf32>,
      %swap3A_78 = vector.shape_cast %swap3A_77 : vector<1x16xf32> to vector<16xf32>
      %swap3A_79 = vector.shape_cast %broadcast_in_dim3A_74 : vector<16xf32> to vector<1x16xf32>
      tpu.vector_store %arg5[%swap3A_75, %swap3A_76], %swap3A_79 {strides = array<i32>} : memref<128x128xf32, #tpu.memory_space<vmem>>, vector<1x16xf32>,
      %broadcast_in_dim3A_80 = arith.constant 0.000000e+00 : f32
      %broadcast_in_dim3A_81 = vector.broadcast %broadcast_in_dim3A_80 : f32 to vector<16xf32>
      %swap3A_82 = arith.index_cast %scan3A_46 : i32 to index
      %swap3A_83 = arith.constant 80 : index
      %swap3A_84 = tpu.vector_load %arg5[%swap3A_82, %swap3A_83] {strides = array<i32>} : memref<128x128xf32, #tpu.memory_space<vmem>>, vector<1x16xf32>,
      %swap3A_85 = vector.shape_cast %swap3A_84 : vector<1x16xf32> to vector<16xf32>
      %swap3A_86 = vector.shape_cast %broadcast_in_dim3A_81 : vector<16xf32> to vector<1x16xf32>
      tpu.vector_store %arg5[%swap3A_82, %swap3A_83], %swap3A_86 {strides = array<i32>} : memref<128x128xf32, #tpu.memory_space<vmem>>, vector<1x16xf32>,
      %broadcast_in_dim3A_87 = arith.constant 0.000000e+00 : f32
      %broadcast_in_dim3A_88 = vector.broadcast %broadcast_in_dim3A_87 : f32 to vector<16xf32>
      %swap3A_89 = arith.index_cast %scan3A_46 : i32 to index
      %swap3A_90 = arith.constant 96 : index
      %swap3A_91 = tpu.vector_load %arg5[%swap3A_89, %swap3A_90] {strides = array<i32>} : memref<128x128xf32, #tpu.memory_space<vmem>>, vector<1x16xf32>,
      %swap3A_92 = vector.shape_cast %swap3A_91 : vector<1x16xf32> to vector<16xf32>
      %swap3A_93 = vector.shape_cast %broadcast_in_dim3A_88 : vector<16xf32> to vector<1x16xf32>
      tpu.vector_store %arg5[%swap3A_89, %swap3A_90], %swap3A_93 {strides = array<i32>} : memref<128x128xf32, #tpu.memory_space<vmem>>, vector<1x16xf32>,
      %broadcast_in_dim3A_94 = arith.constant 0.000000e+00 : f32
      %broadcast_in_dim3A_95 = vector.broadcast %broadcast_in_dim3A_94 : f32 to vector<16xf32>
      %swap3A_96 = arith.index_cast %scan3A_46 : i32 to index
      %swap3A_97 = arith.constant 112 : index
      %swap3A_98 = tpu.vector_load %arg5[%swap3A_96, %swap3A_97] {strides = array<i32>} : memref<128x128xf32, #tpu.memory_space<vmem>>, vector<1x16xf32>,
      %swap3A_99 = vector.shape_cast %swap3A_98 : vector<1x16xf32> to vector<16xf32>
      %swap3A_100 = vector.shape_cast %broadcast_in_dim3A_95 : vector<16xf32> to vector<1x16xf32>
      tpu.vector_store %arg5[%swap3A_96, %swap3A_97], %swap3A_100 {strides = array<i32>} : memref<128x128xf32, #tpu.memory_space<vmem>>, vector<1x16xf32>,
    }
    %scan3A_5 = arith.constant 128 : i32
    %mul3A_6 = arith.constant 640 : i32
    %mul3A_7 = arith.muli %arg1, %mul3A_6 : i32
    %add3A_8 = arith.constant 0 : i32
    %add3A_9 = arith.addi %mul3A_7, %add3A_8 : i32
    "tpu.region"() ({
      %run_scoped3A = tpu.sem_alloc : memref<!tpu.dma_semaphore, #tpu.memory_space<semaphore_mem>>
      %dma_start3A = arith.constant 0 : i32
      %dma_start3A_46 = tpu.memref_slice %arg6[%add3A_9, %dma_start3A] : memref<10240x128xf32, #tpu.memory_space<vmem_shared>> -> memref<128x128xf32, #tpu.memory_space<vmem_shared>>
      %dma_start3A_47 = arith.constant 0 : i32
      %dma_start3A_48 = tpu.memref_slice %arg6[%add3A_9, %dma_start3A_47] : memref<10240x128xf32, #tpu.memory_space<vmem_shared>> -> memref<128x128xf32, #tpu.memory_space<vmem_shared>>
      tpu.enqueue_dma source(%arg5 : memref<128x128xf32, #tpu.memory_space<vmem>>) target(%dma_start3A_48 : memref<128x128xf32, #tpu.memory_space<vmem_shared>>) target_semaphore(%run_scoped3A : memref<!tpu.dma_semaphore, #tpu.memory_space<semaphore_mem>>)
      %dma_wait3A = arith.constant 0 : i32
      %dma_wait3A_49 = tpu.memref_slice %arg6[%add3A_9, %dma_wait3A] : memref<10240x128xf32, #tpu.memory_space<vmem_shared>> -> memref<128x128xf32, #tpu.memory_space<vmem_shared>>
      %dma_wait3A_50 = arith.constant 0 : i32
      %dma_wait3A_51 = tpu.memref_slice %arg6[%add3A_9, %dma_wait3A_50] : memref<10240x128xf32, #tpu.memory_space<vmem_shared>> -> memref<128x128xf32, #tpu.memory_space<vmem_shared>>
      tpu.wait_dma2 semaphore(%run_scoped3A : memref<!tpu.dma_semaphore, #tpu.memory_space<semaphore_mem>>) src(%arg5 : memref<128x128xf32, #tpu.memory_space<vmem>>) dst(%dma_wait3A_51 : memref<128x128xf32, #tpu.memory_space<vmem_shared>>)
      tpu.yield
    }) : () -> ()
    %mul3A_10 = arith.constant 640 : i32
    %mul3A_11 = arith.muli %arg1, %mul3A_10 : i32
    %add3A_12 = arith.constant 128 : i32
    %add3A_13 = arith.addi %mul3A_11, %add3A_12 : i32
    "tpu.region"() ({
      %run_scoped3A = tpu.sem_alloc : memref<!tpu.dma_semaphore, #tpu.memory_space<semaphore_mem>>
      %dma_start3A = arith.constant 0 : i32
      %dma_start3A_46 = tpu.memref_slice %arg6[%add3A_13, %dma_start3A] : memref<10240x128xf32, #tpu.memory_space<vmem_shared>> -> memref<128x128xf32, #tpu.memory_space<vmem_shared>>
      %dma_start3A_47 = arith.constant 0 : i32
      %dma_start3A_48 = tpu.memref_slice %arg6[%add3A_13, %dma_start3A_47] : memref<10240x128xf32, #tpu.memory_space<vmem_shared>> -> memref<128x128xf32, #tpu.memory_space<vmem_shared>>
      tpu.enqueue_dma source(%arg5 : memref<128x128xf32, #tpu.memory_space<vmem>>) target(%dma_start3A_48 : memref<128x128xf32, #tpu.memory_space<vmem_shared>>) target_semaphore(%run_scoped3A : memref<!tpu.dma_semaphore, #tpu.memory_space<semaphore_mem>>)
      %dma_wait3A = arith.constant 0 : i32
      %dma_wait3A_49 = tpu.memref_slice %arg6[%add3A_13, %dma_wait3A] : memref<10240x128xf32, #tpu.memory_space<vmem_shared>> -> memref<128x128xf32, #tpu.memory_space<vmem_shared>>
      %dma_wait3A_50 = arith.constant 0 : i32
      %dma_wait3A_51 = tpu.memref_slice %arg6[%add3A_13, %dma_wait3A_50] : memref<10240x128xf32, #tpu.memory_space<vmem_shared>> -> memref<128x128xf32, #tpu.memory_space<vmem_shared>>
      tpu.wait_dma2 semaphore(%run_scoped3A : memref<!tpu.dma_semaphore, #tpu.memory_space<semaphore_mem>>) src(%arg5 : memref<128x128xf32, #tpu.memory_space<vmem>>) dst(%dma_wait3A_51 : memref<128x128xf32, #tpu.memory_space<vmem_shared>>)
      tpu.yield
    }) : () -> ()
    %mul3A_14 = arith.constant 640 : i32
    %mul3A_15 = arith.muli %arg1, %mul3A_14 : i32
    %add3A_16 = arith.constant 256 : i32
    %add3A_17 = arith.addi %mul3A_15, %add3A_16 : i32
    "tpu.region"() ({
      %run_scoped3A = tpu.sem_alloc : memref<!tpu.dma_semaphore, #tpu.memory_space<semaphore_mem>>
      %dma_start3A = arith.constant 0 : i32
      %dma_start3A_46 = tpu.memref_slice %arg6[%add3A_17, %dma_start3A] : memref<10240x128xf32, #tpu.memory_space<vmem_shared>> -> memref<128x128xf32, #tpu.memory_space<vmem_shared>>
      %dma_start3A_47 = arith.constant 0 : i32
      %dma_start3A_48 = tpu.memref_slice %arg6[%add3A_17, %dma_start3A_47] : memref<10240x128xf32, #tpu.memory_space<vmem_shared>> -> memref<128x128xf32, #tpu.memory_space<vmem_shared>>
      tpu.enqueue_dma source(%arg5 : memref<128x128xf32, #tpu.memory_space<vmem>>) target(%dma_start3A_48 : memref<128x128xf32, #tpu.memory_space<vmem_shared>>) target_semaphore(%run_scoped3A : memref<!tpu.dma_semaphore, #tpu.memory_space<semaphore_mem>>)
      %dma_wait3A = arith.constant 0 : i32
      %dma_wait3A_49 = tpu.memref_slice %arg6[%add3A_17, %dma_wait3A] : memref<10240x128xf32, #tpu.memory_space<vmem_shared>> -> memref<128x128xf32, #tpu.memory_space<vmem_shared>>
      %dma_wait3A_50 = arith.constant 0 : i32
      %dma_wait3A_51 = tpu.memref_slice %arg6[%add3A_17, %dma_wait3A_50] : memref<10240x128xf32, #tpu.memory_space<vmem_shared>> -> memref<128x128xf32, #tpu.memory_space<vmem_shared>>
      tpu.wait_dma2 semaphore(%run_scoped3A : memref<!tpu.dma_semaphore, #tpu.memory_space<semaphore_mem>>) src(%arg5 : memref<128x128xf32, #tpu.memory_space<vmem>>) dst(%dma_wait3A_51 : memref<128x128xf32, #tpu.memory_space<vmem_shared>>)
      tpu.yield
    }) : () -> ()
    %mul3A_18 = arith.constant 640 : i32
    %mul3A_19 = arith.muli %arg1, %mul3A_18 : i32
    %add3A_20 = arith.constant 384 : i32
    %add3A_21 = arith.addi %mul3A_19, %add3A_20 : i32
    "tpu.region"() ({
      %run_scoped3A = tpu.sem_alloc : memref<!tpu.dma_semaphore, #tpu.memory_space<semaphore_mem>>
      %dma_start3A = arith.constant 0 : i32
      %dma_start3A_46 = tpu.memref_slice %arg6[%add3A_21, %dma_start3A] : memref<10240x128xf32, #tpu.memory_space<vmem_shared>> -> memref<128x128xf32, #tpu.memory_space<vmem_shared>>
      %dma_start3A_47 = arith.constant 0 : i32
      %dma_start3A_48 = tpu.memref_slice %arg6[%add3A_21, %dma_start3A_47] : memref<10240x128xf32, #tpu.memory_space<vmem_shared>> -> memref<128x128xf32, #tpu.memory_space<vmem_shared>>
      tpu.enqueue_dma source(%arg5 : memref<128x128xf32, #tpu.memory_space<vmem>>) target(%dma_start3A_48 : memref<128x128xf32, #tpu.memory_space<vmem_shared>>) target_semaphore(%run_scoped3A : memref<!tpu.dma_semaphore, #tpu.memory_space<semaphore_mem>>)
      %dma_wait3A = arith.constant 0 : i32
      %dma_wait3A_49 = tpu.memref_slice %arg6[%add3A_21, %dma_wait3A] : memref<10240x128xf32, #tpu.memory_space<vmem_shared>> -> memref<128x128xf32, #tpu.memory_space<vmem_shared>>
      %dma_wait3A_50 = arith.constant 0 : i32
      %dma_wait3A_51 = tpu.memref_slice %arg6[%add3A_21, %dma_wait3A_50] : memref<10240x128xf32, #tpu.memory_space<vmem_shared>> -> memref<128x128xf32, #tpu.memory_space<vmem_shared>>
      tpu.wait_dma2 semaphore(%run_scoped3A : memref<!tpu.dma_semaphore, #tpu.memory_space<semaphore_mem>>) src(%arg5 : memref<128x128xf32, #tpu.memory_space<vmem>>) dst(%dma_wait3A_51 : memref<128x128xf32, #tpu.memory_space<vmem_shared>>)
      tpu.yield
    }) : () -> ()
    %mul3A_22 = arith.constant 640 : i32
    %mul3A_23 = arith.muli %arg1, %mul3A_22 : i32
    %add3A_24 = arith.constant 512 : i32
    %add3A_25 = arith.addi %mul3A_23, %add3A_24 : i32
    "tpu.region"() ({
      %run_scoped3A = tpu.sem_alloc : memref<!tpu.dma_semaphore, #tpu.memory_space<semaphore_mem>>
      %dma_start3A = arith.constant 0 : i32
      %dma_start3A_46 = tpu.memref_slice %arg6[%add3A_25, %dma_start3A] : memref<10240x128xf32, #tpu.memory_space<vmem_shared>> -> memref<128x128xf32, #tpu.memory_space<vmem_shared>>
      %dma_start3A_47 = arith.constant 0 : i32
      %dma_start3A_48 = tpu.memref_slice %arg6[%add3A_25, %dma_start3A_47] : memref<10240x128xf32, #tpu.memory_space<vmem_shared>> -> memref<128x128xf32, #tpu.memory_space<vmem_shared>>
      tpu.enqueue_dma source(%arg5 : memref<128x128xf32, #tpu.memory_space<vmem>>) target(%dma_start3A_48 : memref<128x128xf32, #tpu.memory_space<vmem_shared>>) target_semaphore(%run_scoped3A : memref<!tpu.dma_semaphore, #tpu.memory_space<semaphore_mem>>)
      %dma_wait3A = arith.constant 0 : i32
      %dma_wait3A_49 = tpu.memref_slice %arg6[%add3A_25, %dma_wait3A] : memref<10240x128xf32, #tpu.memory_space<vmem_shared>> -> memref<128x128xf32, #tpu.memory_space<vmem_shared>>
      %dma_wait3A_50 = arith.constant 0 : i32
      %dma_wait3A_51 = tpu.memref_slice %arg6[%add3A_25, %dma_wait3A_50] : memref<10240x128xf32, #tpu.memory_space<vmem_shared>> -> memref<128x128xf32, #tpu.memory_space<vmem_shared>>
      tpu.wait_dma2 semaphore(%run_scoped3A : memref<!tpu.dma_semaphore, #tpu.memory_space<semaphore_mem>>) src(%arg5 : memref<128x128xf32, #tpu.memory_space<vmem>>) dst(%dma_wait3A_51 : memref<128x128xf32, #tpu.memory_space<vmem_shared>>)
      tpu.yield
    }) : () -> ()
    %scan3A_26 = arith.constant 0 : i32
    %scan3A_27 = arith.constant 0 : i32
    %scan3A_28 = arith.constant 128 : i32
    %scan3A_29 = arith.addi %scan3A_27, %scan3A_28 : i32
    %scan3A_30 = arith.constant 1 : i32
    scf.for %scan3A_46 = %scan3A_27 to %scan3A_29 step %scan3A_30  : i32 {
      %broadcast_in_dim3A = arith.constant 1.000000e+00 : f32
      %broadcast_in_dim3A_47 = vector.broadcast %broadcast_in_dim3A : f32 to vector<16xf32>
      %swap3A = arith.index_cast %scan3A_46 : i32 to index
      %swap3A_48 = arith.constant 0 : index
      %swap3A_49 = tpu.vector_load %arg5[%swap3A, %swap3A_48] {strides = array<i32>} : memref<128x128xf32, #tpu.memory_space<vmem>>, vector<1x16xf32>,
      %swap3A_50 = vector.shape_cast %swap3A_49 : vector<1x16xf32> to vector<16xf32>
      %swap3A_51 = vector.shape_cast %broadcast_in_dim3A_47 : vector<16xf32> to vector<1x16xf32>
      tpu.vector_store %arg5[%swap3A, %swap3A_48], %swap3A_51 {strides = array<i32>} : memref<128x128xf32, #tpu.memory_space<vmem>>, vector<1x16xf32>,
      %broadcast_in_dim3A_52 = arith.constant 1.000000e+00 : f32
      %broadcast_in_dim3A_53 = vector.broadcast %broadcast_in_dim3A_52 : f32 to vector<16xf32>
      %swap3A_54 = arith.index_cast %scan3A_46 : i32 to index
      %swap3A_55 = arith.constant 16 : index
      %swap3A_56 = tpu.vector_load %arg5[%swap3A_54, %swap3A_55] {strides = array<i32>} : memref<128x128xf32, #tpu.memory_space<vmem>>, vector<1x16xf32>,
      %swap3A_57 = vector.shape_cast %swap3A_56 : vector<1x16xf32> to vector<16xf32>
      %swap3A_58 = vector.shape_cast %broadcast_in_dim3A_53 : vector<16xf32> to vector<1x16xf32>
      tpu.vector_store %arg5[%swap3A_54, %swap3A_55], %swap3A_58 {strides = array<i32>} : memref<128x128xf32, #tpu.memory_space<vmem>>, vector<1x16xf32>,
      %broadcast_in_dim3A_59 = arith.constant 1.000000e+00 : f32
      %broadcast_in_dim3A_60 = vector.broadcast %broadcast_in_dim3A_59 : f32 to vector<16xf32>
      %swap3A_61 = arith.index_cast %scan3A_46 : i32 to index
      %swap3A_62 = arith.constant 32 : index
      %swap3A_63 = tpu.vector_load %arg5[%swap3A_61, %swap3A_62] {strides = array<i32>} : memref<128x128xf32, #tpu.memory_space<vmem>>, vector<1x16xf32>,
      %swap3A_64 = vector.shape_cast %swap3A_63 : vector<1x16xf32> to vector<16xf32>
      %swap3A_65 = vector.shape_cast %broadcast_in_dim3A_60 : vector<16xf32> to vector<1x16xf32>
      tpu.vector_store %arg5[%swap3A_61, %swap3A_62], %swap3A_65 {strides = array<i32>} : memref<128x128xf32, #tpu.memory_space<vmem>>, vector<1x16xf32>,
      %broadcast_in_dim3A_66 = arith.constant 1.000000e+00 : f32
      %broadcast_in_dim3A_67 = vector.broadcast %broadcast_in_dim3A_66 : f32 to vector<16xf32>
      %swap3A_68 = arith.index_cast %scan3A_46 : i32 to index
      %swap3A_69 = arith.constant 48 : index
      %swap3A_70 = tpu.vector_load %arg5[%swap3A_68, %swap3A_69] {strides = array<i32>} : memref<128x128xf32, #tpu.memory_space<vmem>>, vector<1x16xf32>,
      %swap3A_71 = vector.shape_cast %swap3A_70 : vector<1x16xf32> to vector<16xf32>
      %swap3A_72 = vector.shape_cast %broadcast_in_dim3A_67 : vector<16xf32> to vector<1x16xf32>
      tpu.vector_store %arg5[%swap3A_68, %swap3A_69], %swap3A_72 {strides = array<i32>} : memref<128x128xf32, #tpu.memory_space<vmem>>, vector<1x16xf32>,
      %broadcast_in_dim3A_73 = arith.constant 1.000000e+00 : f32
      %broadcast_in_dim3A_74 = vector.broadcast %broadcast_in_dim3A_73 : f32 to vector<16xf32>
      %swap3A_75 = arith.index_cast %scan3A_46 : i32 to index
      %swap3A_76 = arith.constant 64 : index
      %swap3A_77 = tpu.vector_load %arg5[%swap3A_75, %swap3A_76] {strides = array<i32>} : memref<128x128xf32, #tpu.memory_space<vmem>>, vector<1x16xf32>,
      %swap3A_78 = vector.shape_cast %swap3A_77 : vector<1x16xf32> to vector<16xf32>
      %swap3A_79 = vector.shape_cast %broadcast_in_dim3A_74 : vector<16xf32> to vector<1x16xf32>
      tpu.vector_store %arg5[%swap3A_75, %swap3A_76], %swap3A_79 {strides = array<i32>} : memref<128x128xf32, #tpu.memory_space<vmem>>, vector<1x16xf32>,
      %broadcast_in_dim3A_80 = arith.constant 1.000000e+00 : f32
      %broadcast_in_dim3A_81 = vector.broadcast %broadcast_in_dim3A_80 : f32 to vector<16xf32>
      %swap3A_82 = arith.index_cast %scan3A_46 : i32 to index
      %swap3A_83 = arith.constant 80 : index
      %swap3A_84 = tpu.vector_load %arg5[%swap3A_82, %swap3A_83] {strides = array<i32>} : memref<128x128xf32, #tpu.memory_space<vmem>>, vector<1x16xf32>,
      %swap3A_85 = vector.shape_cast %swap3A_84 : vector<1x16xf32> to vector<16xf32>
      %swap3A_86 = vector.shape_cast %broadcast_in_dim3A_81 : vector<16xf32> to vector<1x16xf32>
      tpu.vector_store %arg5[%swap3A_82, %swap3A_83], %swap3A_86 {strides = array<i32>} : memref<128x128xf32, #tpu.memory_space<vmem>>, vector<1x16xf32>,
      %broadcast_in_dim3A_87 = arith.constant 1.000000e+00 : f32
      %broadcast_in_dim3A_88 = vector.broadcast %broadcast_in_dim3A_87 : f32 to vector<16xf32>
      %swap3A_89 = arith.index_cast %scan3A_46 : i32 to index
      %swap3A_90 = arith.constant 96 : index
      %swap3A_91 = tpu.vector_load %arg5[%swap3A_89, %swap3A_90] {strides = array<i32>} : memref<128x128xf32, #tpu.memory_space<vmem>>, vector<1x16xf32>,
      %swap3A_92 = vector.shape_cast %swap3A_91 : vector<1x16xf32> to vector<16xf32>
      %swap3A_93 = vector.shape_cast %broadcast_in_dim3A_88 : vector<16xf32> to vector<1x16xf32>
      tpu.vector_store %arg5[%swap3A_89, %swap3A_90], %swap3A_93 {strides = array<i32>} : memref<128x128xf32, #tpu.memory_space<vmem>>, vector<1x16xf32>,
      %broadcast_in_dim3A_94 = arith.constant 1.000000e+00 : f32
      %broadcast_in_dim3A_95 = vector.broadcast %broadcast_in_dim3A_94 : f32 to vector<16xf32>
      %swap3A_96 = arith.index_cast %scan3A_46 : i32 to index
      %swap3A_97 = arith.constant 112 : index
      %swap3A_98 = tpu.vector_load %arg5[%swap3A_96, %swap3A_97] {strides = array<i32>} : memref<128x128xf32, #tpu.memory_space<vmem>>, vector<1x16xf32>,
      %swap3A_99 = vector.shape_cast %swap3A_98 : vector<1x16xf32> to vector<16xf32>
      %swap3A_100 = vector.shape_cast %broadcast_in_dim3A_95 : vector<16xf32> to vector<1x16xf32>
      tpu.vector_store %arg5[%swap3A_96, %swap3A_97], %swap3A_100 {strides = array<i32>} : memref<128x128xf32, #tpu.memory_space<vmem>>, vector<1x16xf32>,
    }
    %scan3A_31 = arith.constant 128 : i32
    %barrier3A = arith.constant 0 : index
    tpu.barrier barrier_id(%barrier3A)
    "tpu.region"() ({
      %run_scoped3A = tpu.sem_alloc : memref<!tpu.dma_semaphore, #tpu.memory_space<semaphore_mem>>
      %dma_start3A = arith.constant 0 : i32
      %dma_start3A_46 = arith.constant 0 : i32
      %dma_start3A_47 = tpu.memref_slice %arg2[%add3A, %dma_start3A, %dma_start3A_46] : memref<32x82x128xi32, #tpu.memory_space<hbm>> -> memref<1x82x128xi32, #tpu.memory_space<hbm>>
      %dma_start3A_48 = tpu.memref_squeeze %dma_start3A_47 : memref<1x82x128xi32, #tpu.memory_space<hbm>> -> memref<82x128xi32, #tpu.memory_space<hbm>>
      %dma_start3A_49 = arith.constant 0 : i32
      %dma_start3A_50 = arith.constant 0 : i32
      %dma_start3A_51 = tpu.memref_slice %arg2[%add3A, %dma_start3A_49, %dma_start3A_50] : memref<32x82x128xi32, #tpu.memory_space<hbm>> -> memref<1x82x128xi32, #tpu.memory_space<hbm>>
      %dma_start3A_52 = tpu.memref_squeeze %dma_start3A_51 : memref<1x82x128xi32, #tpu.memory_space<hbm>> -> memref<82x128xi32, #tpu.memory_space<hbm>>
      tpu.enqueue_dma source(%dma_start3A_52 : memref<82x128xi32, #tpu.memory_space<hbm>>) target(%arg4 : memref<82x128xi32, #tpu.memory_space<vmem>>) target_semaphore(%run_scoped3A : memref<!tpu.dma_semaphore, #tpu.memory_space<semaphore_mem>>)
      %dma_wait3A = arith.constant 0 : i32
      %dma_wait3A_53 = arith.constant 0 : i32
      %dma_wait3A_54 = tpu.memref_slice %arg2[%add3A, %dma_wait3A, %dma_wait3A_53] : memref<32x82x128xi32, #tpu.memory_space<hbm>> -> memref<1x82x128xi32, #tpu.memory_space<hbm>>
      %dma_wait3A_55 = tpu.memref_squeeze %dma_wait3A_54 : memref<1x82x128xi32, #tpu.memory_space<hbm>> -> memref<82x128xi32, #tpu.memory_space<hbm>>
      %dma_wait3A_56 = arith.constant 0 : i32
      %dma_wait3A_57 = arith.constant 0 : i32
      %dma_wait3A_58 = tpu.memref_slice %arg2[%add3A, %dma_wait3A_56, %dma_wait3A_57] : memref<32x82x128xi32, #tpu.memory_space<hbm>> -> memref<1x82x128xi32, #tpu.memory_space<hbm>>
      %dma_wait3A_59 = tpu.memref_squeeze %dma_wait3A_58 : memref<1x82x128xi32, #tpu.memory_space<hbm>> -> memref<82x128xi32, #tpu.memory_space<hbm>>
      tpu.wait_dma2 semaphore(%run_scoped3A : memref<!tpu.dma_semaphore, #tpu.memory_space<semaphore_mem>>) src(%dma_wait3A_59 : memref<82x128xi32, #tpu.memory_space<hbm>>) dst(%arg4 : memref<82x128xi32, #tpu.memory_space<vmem>>)
      tpu.yield
    }) : () -> ()
    %scan3A_32 = arith.constant 0 : i32
    %scan3A_33 = arith.constant 0 : i32
    %scan3A_34 = arith.constant 82 : i32
    %scan3A_35 = arith.addi %scan3A_33, %scan3A_34 : i32
    %scan3A_36 = arith.constant 1 : i32
    scf.for %scan3A_46 = %scan3A_33 to %scan3A_35 step %scan3A_36  : i32 {
      "tpu.region"() ({
        %run_scoped3A = tpu.sem_alloc : memref<!tpu.dma_semaphore, #tpu.memory_space<semaphore_mem>>
        %dma_start3A = arith.constant 0 : i32
        %dma_start3A_47 = tpu.memref_slice %arg4[%scan3A_46, %dma_start3A] : memref<82x128xi32, #tpu.memory_space<vmem>> -> memref<1x128xi32, #tpu.memory_space<vmem>>
        %dma_start3A_48 = tpu.memref_squeeze %dma_start3A_47 : memref<1x128xi32, #tpu.memory_space<vmem>> -> memref<128xi32, #tpu.memory_space<vmem>>
        %dma_start3A_49 = arith.constant 0 : i32
        %dma_start3A_50 = arith.constant 0 : i32
        %dma_start3A_51 = tpu.memref_slice %arg6[%dma_start3A_49, %dma_start3A_50] : memref<10240x128xf32, #tpu.memory_space<vmem_shared>> -> memref<10240x128xf32, #tpu.memory_space<vmem_shared>>
        tpu.enqueue_indirect_dma source(%arg5 : memref<128x128xf32, #tpu.memory_space<vmem>>) target(%dma_start3A_51 : memref<10240x128xf32, #tpu.memory_space<vmem_shared>>) offsets(%dma_start3A_48 : memref<128xi32, #tpu.memory_space<vmem>>) semaphore(%run_scoped3A : memref<!tpu.dma_semaphore, #tpu.memory_space<semaphore_mem>>) {add = true}
        %dma_wait3A = arith.constant 0 : i32
        %dma_wait3A_52 = tpu.memref_slice %arg4[%scan3A_46, %dma_wait3A] : memref<82x128xi32, #tpu.memory_space<vmem>> -> memref<1x128xi32, #tpu.memory_space<vmem>>
        %dma_wait3A_53 = tpu.memref_squeeze %dma_wait3A_52 : memref<1x128xi32, #tpu.memory_space<vmem>> -> memref<128xi32, #tpu.memory_space<vmem>>
        %dma_wait3A_54 = arith.constant 0 : i32
        %dma_wait3A_55 = arith.constant 0 : i32
        %dma_wait3A_56 = tpu.memref_slice %arg6[%dma_wait3A_54, %dma_wait3A_55] : memref<10240x128xf32, #tpu.memory_space<vmem_shared>> -> memref<10240x128xf32, #tpu.memory_space<vmem_shared>>
        tpu.wait_indirect_dma semaphore(%run_scoped3A : memref<!tpu.dma_semaphore, #tpu.memory_space<semaphore_mem>>) src(%arg5 : memref<128x128xf32, #tpu.memory_space<vmem>>) dst(%dma_wait3A_56 : memref<10240x128xf32, #tpu.memory_space<vmem_shared>>)
        tpu.yield
      }) : () -> ()
    }
    %scan3A_37 = arith.constant 82 : i32
    %barrier3A_38 = arith.constant 0 : index
    tpu.barrier barrier_id(%barrier3A_38)
    %mul3A_39 = arith.constant 640 : i32
    %mul3A_40 = arith.muli %arg1, %mul3A_39 : i32
    %mul3A_41 = arith.constant 10240 : i32
    %mul3A_42 = arith.muli %arg0, %mul3A_41 : i32
    %mul3A_43 = arith.constant 640 : i32
    %mul3A_44 = arith.muli %arg1, %mul3A_43 : i32
    %add3A_45 = arith.addi %mul3A_42, %mul3A_44 : i32
    "tpu.region"() ({
      %run_scoped3A = tpu.sem_alloc : memref<!tpu.dma_semaphore, #tpu.memory_space<semaphore_mem>>
      %dma_start3A = arith.constant 0 : i32
      %dma_start3A_46 = tpu.memref_slice %arg3[%add3A_45, %dma_start3A] : memref<20480x128xf32, #tpu.memory_space<hbm>> -> memref<640x128xf32, #tpu.memory_space<hbm>>
      %dma_start3A_47 = arith.constant 0 : i32
      %dma_start3A_48 = tpu.memref_slice %arg6[%mul3A_40, %dma_start3A_47] : memref<10240x128xf32, #tpu.memory_space<vmem_shared>> -> memref<640x128xf32, #tpu.memory_space<vmem_shared>>
      tpu.enqueue_dma source(%dma_start3A_48 : memref<640x128xf32, #tpu.memory_space<vmem_shared>>) target(%dma_start3A_46 : memref<640x128xf32, #tpu.memory_space<hbm>>) target_semaphore(%run_scoped3A : memref<!tpu.dma_semaphore, #tpu.memory_space<semaphore_mem>>)
      %dma_wait3A = arith.constant 0 : i32
      %dma_wait3A_49 = tpu.memref_slice %arg3[%add3A_45, %dma_wait3A] : memref<20480x128xf32, #tpu.memory_space<hbm>> -> memref<640x128xf32, #tpu.memory_space<hbm>>
      %dma_wait3A_50 = arith.constant 0 : i32
      %dma_wait3A_51 = tpu.memref_slice %arg6[%mul3A_40, %dma_wait3A_50] : memref<10240x128xf32, #tpu.memory_space<vmem_shared>> -> memref<640x128xf32, #tpu.memory_space<vmem_shared>>
      tpu.wait_dma2 semaphore(%run_scoped3A : memref<!tpu.dma_semaphore, #tpu.memory_space<semaphore_mem>>) src(%dma_wait3A_51 : memref<640x128xf32, #tpu.memory_space<vmem_shared>>) dst(%dma_wait3A_49 : memref<640x128xf32, #tpu.memory_space<hbm>>)
      tpu.yield
    }) : () -> ()
    return
  }
}

#map = affine_map<(d0, d1) -> (0, 0)>
#map1 = affine_map<(d0, d1) -> (0)>
module attributes {stable_mosaic.version = 14 : i64} {
  func.func @_sc_agg_body(%arg0: i32, %arg1: i32, %arg2: memref<10240x128xf32, #tpu.memory_space<hbm>>, %arg3: memref<335872xi32, #tpu.memory_space<hbm>>, %arg4: memref<335872xi32, #tpu.memory_space<hbm>>, %arg5: memref<20480x128xf32, #tpu.memory_space<hbm>>, %arg6: memref<128xi32, #tpu.memory_space<vmem>>, %arg7: memref<128xi32, #tpu.memory_space<vmem>>, %arg8: memref<128xi32, #tpu.memory_space<vmem>>, %arg9: memref<128xi32, #tpu.memory_space<vmem>>, %arg10: memref<128x128xf32, #tpu.memory_space<vmem>>, %arg11: memref<128x128xf32, #tpu.memory_space<vmem>>, %arg12: memref<10240x128xf32, #tpu.memory_space<vmem_shared>>, %arg13: memref<!tpu.dma_semaphore, #tpu.memory_space<semaphore_mem>>, %arg14: memref<!tpu.dma_semaphore, #tpu.memory_space<semaphore_mem>>) attributes {dimension_semantics = [#tpu.dimension_semantics<core_parallel>, #tpu.dimension_semantics<subcore_parallel>], iteration_bounds = array<i64: 2, 16>, scalar_prefetch = 0 : i64, scratch_operands = 9 : i64, tpu.core_type = #tpu.core_type<sc_vector_subcore>, window_params = [{transform_indices = #map}, {transform_indices = #map1}, {transform_indices = #map1}, {transform_indices = #map}]} {
    %mul3A = arith.constant 16 : i32
    %mul3A_0 = arith.muli %arg0, %mul3A : i32
    %add3A = arith.addi %mul3A_0, %arg1 : i32
    %scan3A = arith.constant 0 : i32
    %scan3A_1 = arith.constant 0 : i32
    %scan3A_2 = arith.constant 128 : i32
    %scan3A_3 = arith.addi %scan3A_1, %scan3A_2 : i32
    %scan3A_4 = arith.constant 1 : i32
    scf.for %scan3A_46 = %scan3A_1 to %scan3A_3 step %scan3A_4  : i32 {
      %broadcast_in_dim3A = arith.constant 0.000000e+00 : f32
      %broadcast_in_dim3A_47 = vector.broadcast %broadcast_in_dim3A : f32 to vector<16xf32>
      %swap3A = arith.index_cast %scan3A_46 : i32 to index
      %swap3A_48 = arith.constant 0 : index
      %swap3A_49 = tpu.vector_load %arg10[%swap3A, %swap3A_48] {strides = array<i32>} : memref<128x128xf32, #tpu.memory_space<vmem>>, vector<1x16xf32>,
      %swap3A_50 = vector.shape_cast %swap3A_49 : vector<1x16xf32> to vector<16xf32>
      %swap3A_51 = vector.shape_cast %broadcast_in_dim3A_47 : vector<16xf32> to vector<1x16xf32>
      tpu.vector_store %arg10[%swap3A, %swap3A_48], %swap3A_51 {strides = array<i32>} : memref<128x128xf32, #tpu.memory_space<vmem>>, vector<1x16xf32>,
      %broadcast_in_dim3A_52 = arith.constant 0.000000e+00 : f32
      %broadcast_in_dim3A_53 = vector.broadcast %broadcast_in_dim3A_52 : f32 to vector<16xf32>
      %swap3A_54 = arith.index_cast %scan3A_46 : i32 to index
      %swap3A_55 = arith.constant 16 : index
      %swap3A_56 = tpu.vector_load %arg10[%swap3A_54, %swap3A_55] {strides = array<i32>} : memref<128x128xf32, #tpu.memory_space<vmem>>, vector<1x16xf32>,
      %swap3A_57 = vector.shape_cast %swap3A_56 : vector<1x16xf32> to vector<16xf32>
      %swap3A_58 = vector.shape_cast %broadcast_in_dim3A_53 : vector<16xf32> to vector<1x16xf32>
      tpu.vector_store %arg10[%swap3A_54, %swap3A_55], %swap3A_58 {strides = array<i32>} : memref<128x128xf32, #tpu.memory_space<vmem>>, vector<1x16xf32>,
      %broadcast_in_dim3A_59 = arith.constant 0.000000e+00 : f32
      %broadcast_in_dim3A_60 = vector.broadcast %broadcast_in_dim3A_59 : f32 to vector<16xf32>
      %swap3A_61 = arith.index_cast %scan3A_46 : i32 to index
      %swap3A_62 = arith.constant 32 : index
      %swap3A_63 = tpu.vector_load %arg10[%swap3A_61, %swap3A_62] {strides = array<i32>} : memref<128x128xf32, #tpu.memory_space<vmem>>, vector<1x16xf32>,
      %swap3A_64 = vector.shape_cast %swap3A_63 : vector<1x16xf32> to vector<16xf32>
      %swap3A_65 = vector.shape_cast %broadcast_in_dim3A_60 : vector<16xf32> to vector<1x16xf32>
      tpu.vector_store %arg10[%swap3A_61, %swap3A_62], %swap3A_65 {strides = array<i32>} : memref<128x128xf32, #tpu.memory_space<vmem>>, vector<1x16xf32>,
      %broadcast_in_dim3A_66 = arith.constant 0.000000e+00 : f32
      %broadcast_in_dim3A_67 = vector.broadcast %broadcast_in_dim3A_66 : f32 to vector<16xf32>
      %swap3A_68 = arith.index_cast %scan3A_46 : i32 to index
      %swap3A_69 = arith.constant 48 : index
      %swap3A_70 = tpu.vector_load %arg10[%swap3A_68, %swap3A_69] {strides = array<i32>} : memref<128x128xf32, #tpu.memory_space<vmem>>, vector<1x16xf32>,
      %swap3A_71 = vector.shape_cast %swap3A_70 : vector<1x16xf32> to vector<16xf32>
      %swap3A_72 = vector.shape_cast %broadcast_in_dim3A_67 : vector<16xf32> to vector<1x16xf32>
      tpu.vector_store %arg10[%swap3A_68, %swap3A_69], %swap3A_72 {strides = array<i32>} : memref<128x128xf32, #tpu.memory_space<vmem>>, vector<1x16xf32>,
      %broadcast_in_dim3A_73 = arith.constant 0.000000e+00 : f32
      %broadcast_in_dim3A_74 = vector.broadcast %broadcast_in_dim3A_73 : f32 to vector<16xf32>
      %swap3A_75 = arith.index_cast %scan3A_46 : i32 to index
      %swap3A_76 = arith.constant 64 : index
      %swap3A_77 = tpu.vector_load %arg10[%swap3A_75, %swap3A_76] {strides = array<i32>} : memref<128x128xf32, #tpu.memory_space<vmem>>, vector<1x16xf32>,
      %swap3A_78 = vector.shape_cast %swap3A_77 : vector<1x16xf32> to vector<16xf32>
      %swap3A_79 = vector.shape_cast %broadcast_in_dim3A_74 : vector<16xf32> to vector<1x16xf32>
      tpu.vector_store %arg10[%swap3A_75, %swap3A_76], %swap3A_79 {strides = array<i32>} : memref<128x128xf32, #tpu.memory_space<vmem>>, vector<1x16xf32>,
      %broadcast_in_dim3A_80 = arith.constant 0.000000e+00 : f32
      %broadcast_in_dim3A_81 = vector.broadcast %broadcast_in_dim3A_80 : f32 to vector<16xf32>
      %swap3A_82 = arith.index_cast %scan3A_46 : i32 to index
      %swap3A_83 = arith.constant 80 : index
      %swap3A_84 = tpu.vector_load %arg10[%swap3A_82, %swap3A_83] {strides = array<i32>} : memref<128x128xf32, #tpu.memory_space<vmem>>, vector<1x16xf32>,
      %swap3A_85 = vector.shape_cast %swap3A_84 : vector<1x16xf32> to vector<16xf32>
      %swap3A_86 = vector.shape_cast %broadcast_in_dim3A_81 : vector<16xf32> to vector<1x16xf32>
      tpu.vector_store %arg10[%swap3A_82, %swap3A_83], %swap3A_86 {strides = array<i32>} : memref<128x128xf32, #tpu.memory_space<vmem>>, vector<1x16xf32>,
      %broadcast_in_dim3A_87 = arith.constant 0.000000e+00 : f32
      %broadcast_in_dim3A_88 = vector.broadcast %broadcast_in_dim3A_87 : f32 to vector<16xf32>
      %swap3A_89 = arith.index_cast %scan3A_46 : i32 to index
      %swap3A_90 = arith.constant 96 : index
      %swap3A_91 = tpu.vector_load %arg10[%swap3A_89, %swap3A_90] {strides = array<i32>} : memref<128x128xf32, #tpu.memory_space<vmem>>, vector<1x16xf32>,
      %swap3A_92 = vector.shape_cast %swap3A_91 : vector<1x16xf32> to vector<16xf32>
      %swap3A_93 = vector.shape_cast %broadcast_in_dim3A_88 : vector<16xf32> to vector<1x16xf32>
      tpu.vector_store %arg10[%swap3A_89, %swap3A_90], %swap3A_93 {strides = array<i32>} : memref<128x128xf32, #tpu.memory_space<vmem>>, vector<1x16xf32>,
      %broadcast_in_dim3A_94 = arith.constant 0.000000e+00 : f32
      %broadcast_in_dim3A_95 = vector.broadcast %broadcast_in_dim3A_94 : f32 to vector<16xf32>
      %swap3A_96 = arith.index_cast %scan3A_46 : i32 to index
      %swap3A_97 = arith.constant 112 : index
      %swap3A_98 = tpu.vector_load %arg10[%swap3A_96, %swap3A_97] {strides = array<i32>} : memref<128x128xf32, #tpu.memory_space<vmem>>, vector<1x16xf32>,
      %swap3A_99 = vector.shape_cast %swap3A_98 : vector<1x16xf32> to vector<16xf32>
      %swap3A_100 = vector.shape_cast %broadcast_in_dim3A_95 : vector<16xf32> to vector<1x16xf32>
      tpu.vector_store %arg10[%swap3A_96, %swap3A_97], %swap3A_100 {strides = array<i32>} : memref<128x128xf32, #tpu.memory_space<vmem>>, vector<1x16xf32>,
    }
    %scan3A_5 = arith.constant 128 : i32
    %mul3A_6 = arith.constant 640 : i32
    %mul3A_7 = arith.muli %arg1, %mul3A_6 : i32
    %add3A_8 = arith.constant 0 : i32
    %add3A_9 = arith.addi %mul3A_7, %add3A_8 : i32
    "tpu.region"() ({
      %run_scoped3A = tpu.sem_alloc : memref<!tpu.dma_semaphore, #tpu.memory_space<semaphore_mem>>
      %dma_start3A_46 = arith.constant 0 : i32
      %dma_start3A_47 = tpu.memref_slice %arg12[%add3A_9, %dma_start3A_46] : memref<10240x128xf32, #tpu.memory_space<vmem_shared>> -> memref<128x128xf32, #tpu.memory_space<vmem_shared>>
      %dma_start3A_48 = arith.constant 0 : i32
      %dma_start3A_49 = tpu.memref_slice %arg12[%add3A_9, %dma_start3A_48] : memref<10240x128xf32, #tpu.memory_space<vmem_shared>> -> memref<128x128xf32, #tpu.memory_space<vmem_shared>>
      tpu.enqueue_dma source(%arg10 : memref<128x128xf32, #tpu.memory_space<vmem>>) target(%dma_start3A_49 : memref<128x128xf32, #tpu.memory_space<vmem_shared>>) target_semaphore(%run_scoped3A : memref<!tpu.dma_semaphore, #tpu.memory_space<semaphore_mem>>)
      %dma_wait3A = arith.constant 0 : i32
      %dma_wait3A_50 = tpu.memref_slice %arg12[%add3A_9, %dma_wait3A] : memref<10240x128xf32, #tpu.memory_space<vmem_shared>> -> memref<128x128xf32, #tpu.memory_space<vmem_shared>>
      %dma_wait3A_51 = arith.constant 0 : i32
      %dma_wait3A_52 = tpu.memref_slice %arg12[%add3A_9, %dma_wait3A_51] : memref<10240x128xf32, #tpu.memory_space<vmem_shared>> -> memref<128x128xf32, #tpu.memory_space<vmem_shared>>
      tpu.wait_dma2 semaphore(%run_scoped3A : memref<!tpu.dma_semaphore, #tpu.memory_space<semaphore_mem>>) src(%arg10 : memref<128x128xf32, #tpu.memory_space<vmem>>) dst(%dma_wait3A_52 : memref<128x128xf32, #tpu.memory_space<vmem_shared>>)
      tpu.yield
    }) : () -> ()
    %mul3A_10 = arith.constant 640 : i32
    %mul3A_11 = arith.muli %arg1, %mul3A_10 : i32
    %add3A_12 = arith.constant 128 : i32
    %add3A_13 = arith.addi %mul3A_11, %add3A_12 : i32
    "tpu.region"() ({
      %run_scoped3A = tpu.sem_alloc : memref<!tpu.dma_semaphore, #tpu.memory_space<semaphore_mem>>
      %dma_start3A_46 = arith.constant 0 : i32
      %dma_start3A_47 = tpu.memref_slice %arg12[%add3A_13, %dma_start3A_46] : memref<10240x128xf32, #tpu.memory_space<vmem_shared>> -> memref<128x128xf32, #tpu.memory_space<vmem_shared>>
      %dma_start3A_48 = arith.constant 0 : i32
      %dma_start3A_49 = tpu.memref_slice %arg12[%add3A_13, %dma_start3A_48] : memref<10240x128xf32, #tpu.memory_space<vmem_shared>> -> memref<128x128xf32, #tpu.memory_space<vmem_shared>>
      tpu.enqueue_dma source(%arg10 : memref<128x128xf32, #tpu.memory_space<vmem>>) target(%dma_start3A_49 : memref<128x128xf32, #tpu.memory_space<vmem_shared>>) target_semaphore(%run_scoped3A : memref<!tpu.dma_semaphore, #tpu.memory_space<semaphore_mem>>)
      %dma_wait3A = arith.constant 0 : i32
      %dma_wait3A_50 = tpu.memref_slice %arg12[%add3A_13, %dma_wait3A] : memref<10240x128xf32, #tpu.memory_space<vmem_shared>> -> memref<128x128xf32, #tpu.memory_space<vmem_shared>>
      %dma_wait3A_51 = arith.constant 0 : i32
      %dma_wait3A_52 = tpu.memref_slice %arg12[%add3A_13, %dma_wait3A_51] : memref<10240x128xf32, #tpu.memory_space<vmem_shared>> -> memref<128x128xf32, #tpu.memory_space<vmem_shared>>
      tpu.wait_dma2 semaphore(%run_scoped3A : memref<!tpu.dma_semaphore, #tpu.memory_space<semaphore_mem>>) src(%arg10 : memref<128x128xf32, #tpu.memory_space<vmem>>) dst(%dma_wait3A_52 : memref<128x128xf32, #tpu.memory_space<vmem_shared>>)
      tpu.yield
    }) : () -> ()
    %mul3A_14 = arith.constant 640 : i32
    %mul3A_15 = arith.muli %arg1, %mul3A_14 : i32
    %add3A_16 = arith.constant 256 : i32
    %add3A_17 = arith.addi %mul3A_15, %add3A_16 : i32
    "tpu.region"() ({
      %run_scoped3A = tpu.sem_alloc : memref<!tpu.dma_semaphore, #tpu.memory_space<semaphore_mem>>
      %dma_start3A_46 = arith.constant 0 : i32
      %dma_start3A_47 = tpu.memref_slice %arg12[%add3A_17, %dma_start3A_46] : memref<10240x128xf32, #tpu.memory_space<vmem_shared>> -> memref<128x128xf32, #tpu.memory_space<vmem_shared>>
      %dma_start3A_48 = arith.constant 0 : i32
      %dma_start3A_49 = tpu.memref_slice %arg12[%add3A_17, %dma_start3A_48] : memref<10240x128xf32, #tpu.memory_space<vmem_shared>> -> memref<128x128xf32, #tpu.memory_space<vmem_shared>>
      tpu.enqueue_dma source(%arg10 : memref<128x128xf32, #tpu.memory_space<vmem>>) target(%dma_start3A_49 : memref<128x128xf32, #tpu.memory_space<vmem_shared>>) target_semaphore(%run_scoped3A : memref<!tpu.dma_semaphore, #tpu.memory_space<semaphore_mem>>)
      %dma_wait3A = arith.constant 0 : i32
      %dma_wait3A_50 = tpu.memref_slice %arg12[%add3A_17, %dma_wait3A] : memref<10240x128xf32, #tpu.memory_space<vmem_shared>> -> memref<128x128xf32, #tpu.memory_space<vmem_shared>>
      %dma_wait3A_51 = arith.constant 0 : i32
      %dma_wait3A_52 = tpu.memref_slice %arg12[%add3A_17, %dma_wait3A_51] : memref<10240x128xf32, #tpu.memory_space<vmem_shared>> -> memref<128x128xf32, #tpu.memory_space<vmem_shared>>
      tpu.wait_dma2 semaphore(%run_scoped3A : memref<!tpu.dma_semaphore, #tpu.memory_space<semaphore_mem>>) src(%arg10 : memref<128x128xf32, #tpu.memory_space<vmem>>) dst(%dma_wait3A_52 : memref<128x128xf32, #tpu.memory_space<vmem_shared>>)
      tpu.yield
    }) : () -> ()
    %mul3A_18 = arith.constant 640 : i32
    %mul3A_19 = arith.muli %arg1, %mul3A_18 : i32
    %add3A_20 = arith.constant 384 : i32
    %add3A_21 = arith.addi %mul3A_19, %add3A_20 : i32
    "tpu.region"() ({
      %run_scoped3A = tpu.sem_alloc : memref<!tpu.dma_semaphore, #tpu.memory_space<semaphore_mem>>
      %dma_start3A_46 = arith.constant 0 : i32
      %dma_start3A_47 = tpu.memref_slice %arg12[%add3A_21, %dma_start3A_46] : memref<10240x128xf32, #tpu.memory_space<vmem_shared>> -> memref<128x128xf32, #tpu.memory_space<vmem_shared>>
      %dma_start3A_48 = arith.constant 0 : i32
      %dma_start3A_49 = tpu.memref_slice %arg12[%add3A_21, %dma_start3A_48] : memref<10240x128xf32, #tpu.memory_space<vmem_shared>> -> memref<128x128xf32, #tpu.memory_space<vmem_shared>>
      tpu.enqueue_dma source(%arg10 : memref<128x128xf32, #tpu.memory_space<vmem>>) target(%dma_start3A_49 : memref<128x128xf32, #tpu.memory_space<vmem_shared>>) target_semaphore(%run_scoped3A : memref<!tpu.dma_semaphore, #tpu.memory_space<semaphore_mem>>)
      %dma_wait3A = arith.constant 0 : i32
      %dma_wait3A_50 = tpu.memref_slice %arg12[%add3A_21, %dma_wait3A] : memref<10240x128xf32, #tpu.memory_space<vmem_shared>> -> memref<128x128xf32, #tpu.memory_space<vmem_shared>>
      %dma_wait3A_51 = arith.constant 0 : i32
      %dma_wait3A_52 = tpu.memref_slice %arg12[%add3A_21, %dma_wait3A_51] : memref<10240x128xf32, #tpu.memory_space<vmem_shared>> -> memref<128x128xf32, #tpu.memory_space<vmem_shared>>
      tpu.wait_dma2 semaphore(%run_scoped3A : memref<!tpu.dma_semaphore, #tpu.memory_space<semaphore_mem>>) src(%arg10 : memref<128x128xf32, #tpu.memory_space<vmem>>) dst(%dma_wait3A_52 : memref<128x128xf32, #tpu.memory_space<vmem_shared>>)
      tpu.yield
    }) : () -> ()
    %mul3A_22 = arith.constant 640 : i32
    %mul3A_23 = arith.muli %arg1, %mul3A_22 : i32
    %add3A_24 = arith.constant 512 : i32
    %add3A_25 = arith.addi %mul3A_23, %add3A_24 : i32
    "tpu.region"() ({
      %run_scoped3A = tpu.sem_alloc : memref<!tpu.dma_semaphore, #tpu.memory_space<semaphore_mem>>
      %dma_start3A_46 = arith.constant 0 : i32
      %dma_start3A_47 = tpu.memref_slice %arg12[%add3A_25, %dma_start3A_46] : memref<10240x128xf32, #tpu.memory_space<vmem_shared>> -> memref<128x128xf32, #tpu.memory_space<vmem_shared>>
      %dma_start3A_48 = arith.constant 0 : i32
      %dma_start3A_49 = tpu.memref_slice %arg12[%add3A_25, %dma_start3A_48] : memref<10240x128xf32, #tpu.memory_space<vmem_shared>> -> memref<128x128xf32, #tpu.memory_space<vmem_shared>>
      tpu.enqueue_dma source(%arg10 : memref<128x128xf32, #tpu.memory_space<vmem>>) target(%dma_start3A_49 : memref<128x128xf32, #tpu.memory_space<vmem_shared>>) target_semaphore(%run_scoped3A : memref<!tpu.dma_semaphore, #tpu.memory_space<semaphore_mem>>)
      %dma_wait3A = arith.constant 0 : i32
      %dma_wait3A_50 = tpu.memref_slice %arg12[%add3A_25, %dma_wait3A] : memref<10240x128xf32, #tpu.memory_space<vmem_shared>> -> memref<128x128xf32, #tpu.memory_space<vmem_shared>>
      %dma_wait3A_51 = arith.constant 0 : i32
      %dma_wait3A_52 = tpu.memref_slice %arg12[%add3A_25, %dma_wait3A_51] : memref<10240x128xf32, #tpu.memory_space<vmem_shared>> -> memref<128x128xf32, #tpu.memory_space<vmem_shared>>
      tpu.wait_dma2 semaphore(%run_scoped3A : memref<!tpu.dma_semaphore, #tpu.memory_space<semaphore_mem>>) src(%arg10 : memref<128x128xf32, #tpu.memory_space<vmem>>) dst(%dma_wait3A_52 : memref<128x128xf32, #tpu.memory_space<vmem_shared>>)
      tpu.yield
    }) : () -> ()
    %barrier3A = arith.constant 0 : index
    tpu.barrier barrier_id(%barrier3A)
    %mul3A_26 = arith.constant 10496 : i32
    %mul3A_27 = arith.muli %add3A, %mul3A_26 : i32
    %add3A_28 = arith.constant 0 : i32
    %add3A_29 = arith.addi %mul3A_27, %add3A_28 : i32
    "tpu.region"() ({
      %run_scoped3A = tpu.sem_alloc : memref<!tpu.dma_semaphore, #tpu.memory_space<semaphore_mem>>
      %dma_start3A_46 = tpu.memref_slice %arg3[%add3A_29] : memref<335872xi32, #tpu.memory_space<hbm>> -> memref<128xi32, #tpu.memory_space<hbm>>
      %dma_start3A_47 = tpu.memref_slice %arg3[%add3A_29] : memref<335872xi32, #tpu.memory_space<hbm>> -> memref<128xi32, #tpu.memory_space<hbm>>
      tpu.enqueue_dma source(%dma_start3A_47 : memref<128xi32, #tpu.memory_space<hbm>>) target(%arg6 : memref<128xi32, #tpu.memory_space<vmem>>) target_semaphore(%run_scoped3A : memref<!tpu.dma_semaphore, #tpu.memory_space<semaphore_mem>>)
      %dma_wait3A = tpu.memref_slice %arg3[%add3A_29] : memref<335872xi32, #tpu.memory_space<hbm>> -> memref<128xi32, #tpu.memory_space<hbm>>
      %dma_wait3A_48 = tpu.memref_slice %arg3[%add3A_29] : memref<335872xi32, #tpu.memory_space<hbm>> -> memref<128xi32, #tpu.memory_space<hbm>>
      tpu.wait_dma2 semaphore(%run_scoped3A : memref<!tpu.dma_semaphore, #tpu.memory_space<semaphore_mem>>) src(%dma_wait3A_48 : memref<128xi32, #tpu.memory_space<hbm>>) dst(%arg6 : memref<128xi32, #tpu.memory_space<vmem>>)
      tpu.yield
    }) : () -> ()
    "tpu.region"() ({
      %run_scoped3A = tpu.sem_alloc : memref<!tpu.dma_semaphore, #tpu.memory_space<semaphore_mem>>
      %dma_start3A_46 = tpu.memref_slice %arg4[%add3A_29] : memref<335872xi32, #tpu.memory_space<hbm>> -> memref<128xi32, #tpu.memory_space<hbm>>
      %dma_start3A_47 = tpu.memref_slice %arg4[%add3A_29] : memref<335872xi32, #tpu.memory_space<hbm>> -> memref<128xi32, #tpu.memory_space<hbm>>
      tpu.enqueue_dma source(%dma_start3A_47 : memref<128xi32, #tpu.memory_space<hbm>>) target(%arg8 : memref<128xi32, #tpu.memory_space<vmem>>) target_semaphore(%run_scoped3A : memref<!tpu.dma_semaphore, #tpu.memory_space<semaphore_mem>>)
      %dma_wait3A = tpu.memref_slice %arg4[%add3A_29] : memref<335872xi32, #tpu.memory_space<hbm>> -> memref<128xi32, #tpu.memory_space<hbm>>
      %dma_wait3A_48 = tpu.memref_slice %arg4[%add3A_29] : memref<335872xi32, #tpu.memory_space<hbm>> -> memref<128xi32, #tpu.memory_space<hbm>>
      tpu.wait_dma2 semaphore(%run_scoped3A : memref<!tpu.dma_semaphore, #tpu.memory_space<semaphore_mem>>) src(%dma_wait3A_48 : memref<128xi32, #tpu.memory_space<hbm>>) dst(%arg8 : memref<128xi32, #tpu.memory_space<vmem>>)
      tpu.yield
    }) : () -> ()
    %dma_start3A = arith.constant 0 : i32
    %dma_start3A_30 = arith.constant 0 : i32
    %dma_start3A_31 = tpu.memref_slice %arg2[%dma_start3A, %dma_start3A_30] : memref<10240x128xf32, #tpu.memory_space<hbm>> -> memref<10240x128xf32, #tpu.memory_space<hbm>>
    tpu.enqueue_indirect_dma source(%dma_start3A_31 : memref<10240x128xf32, #tpu.memory_space<hbm>>) target(%arg10 : memref<128x128xf32, #tpu.memory_space<vmem>>) offsets(%arg6 : memref<128xi32, #tpu.memory_space<vmem>>) semaphore(%arg13 : memref<!tpu.dma_semaphore, #tpu.memory_space<semaphore_mem>>)
    %scan3A_32 = arith.constant 0 : i32
    %scan3A_33 = arith.constant 0 : i32
    %scan3A_34 = arith.constant 41 : i32
    %scan3A_35 = arith.addi %scan3A_33, %scan3A_34 : i32
    %scan3A_36 = arith.constant 1 : i32
    scf.for %scan3A_46 = %scan3A_33 to %scan3A_35 step %scan3A_36  : i32 {
      %mul3A_47 = arith.constant 2 : i32
      %mul3A_48 = arith.muli %mul3A_47, %scan3A_46 : i32
      %dma_wait3A = arith.constant 0 : i32
      %dma_wait3A_49 = arith.constant 0 : i32
      %dma_wait3A_50 = tpu.memref_slice %arg2[%dma_wait3A, %dma_wait3A_49] : memref<10240x128xf32, #tpu.memory_space<hbm>> -> memref<10240x128xf32, #tpu.memory_space<hbm>>
      tpu.wait_indirect_dma semaphore(%arg13 : memref<!tpu.dma_semaphore, #tpu.memory_space<semaphore_mem>>) src(%dma_wait3A_50 : memref<10240x128xf32, #tpu.memory_space<hbm>>) dst(%arg10 : memref<128x128xf32, #tpu.memory_space<vmem>>)
      %add3A_51 = arith.constant 1 : i32
      %add3A_52 = arith.addi %mul3A_48, %add3A_51 : i32
      %mul3A_53 = arith.constant 10496 : i32
      %mul3A_54 = arith.muli %add3A, %mul3A_53 : i32
      %mul3A_55 = arith.constant 128 : i32
      %mul3A_56 = arith.muli %add3A_52, %mul3A_55 : i32
      %add3A_57 = arith.addi %mul3A_54, %mul3A_56 : i32
      "tpu.region"() ({
        %run_scoped3A = tpu.sem_alloc : memref<!tpu.dma_semaphore, #tpu.memory_space<semaphore_mem>>
        %dma_start3A_68 = tpu.memref_slice %arg3[%add3A_57] : memref<335872xi32, #tpu.memory_space<hbm>> -> memref<128xi32, #tpu.memory_space<hbm>>
        %dma_start3A_69 = tpu.memref_slice %arg3[%add3A_57] : memref<335872xi32, #tpu.memory_space<hbm>> -> memref<128xi32, #tpu.memory_space<hbm>>
        tpu.enqueue_dma source(%dma_start3A_69 : memref<128xi32, #tpu.memory_space<hbm>>) target(%arg7 : memref<128xi32, #tpu.memory_space<vmem>>) target_semaphore(%run_scoped3A : memref<!tpu.dma_semaphore, #tpu.memory_space<semaphore_mem>>)
        %dma_wait3A_70 = tpu.memref_slice %arg3[%add3A_57] : memref<335872xi32, #tpu.memory_space<hbm>> -> memref<128xi32, #tpu.memory_space<hbm>>
        %dma_wait3A_71 = tpu.memref_slice %arg3[%add3A_57] : memref<335872xi32, #tpu.memory_space<hbm>> -> memref<128xi32, #tpu.memory_space<hbm>>
        tpu.wait_dma2 semaphore(%run_scoped3A : memref<!tpu.dma_semaphore, #tpu.memory_space<semaphore_mem>>) src(%dma_wait3A_71 : memref<128xi32, #tpu.memory_space<hbm>>) dst(%arg7 : memref<128xi32, #tpu.memory_space<vmem>>)
        tpu.yield
      }) : () -> ()
      "tpu.region"() ({
        %run_scoped3A = tpu.sem_alloc : memref<!tpu.dma_semaphore, #tpu.memory_space<semaphore_mem>>
        %dma_start3A_68 = tpu.memref_slice %arg4[%add3A_57] : memref<335872xi32, #tpu.memory_space<hbm>> -> memref<128xi32, #tpu.memory_space<hbm>>
        %dma_start3A_69 = tpu.memref_slice %arg4[%add3A_57] : memref<335872xi32, #tpu.memory_space<hbm>> -> memref<128xi32, #tpu.memory_space<hbm>>
        tpu.enqueue_dma source(%dma_start3A_69 : memref<128xi32, #tpu.memory_space<hbm>>) target(%arg9 : memref<128xi32, #tpu.memory_space<vmem>>) target_semaphore(%run_scoped3A : memref<!tpu.dma_semaphore, #tpu.memory_space<semaphore_mem>>)
        %dma_wait3A_70 = tpu.memref_slice %arg4[%add3A_57] : memref<335872xi32, #tpu.memory_space<hbm>> -> memref<128xi32, #tpu.memory_space<hbm>>
        %dma_wait3A_71 = tpu.memref_slice %arg4[%add3A_57] : memref<335872xi32, #tpu.memory_space<hbm>> -> memref<128xi32, #tpu.memory_space<hbm>>
        tpu.wait_dma2 semaphore(%run_scoped3A : memref<!tpu.dma_semaphore, #tpu.memory_space<semaphore_mem>>) src(%dma_wait3A_71 : memref<128xi32, #tpu.memory_space<hbm>>) dst(%arg9 : memref<128xi32, #tpu.memory_space<vmem>>)
        tpu.yield
      }) : () -> ()
      %dma_start3A_58 = arith.constant 0 : i32
      %dma_start3A_59 = arith.constant 0 : i32
      %dma_start3A_60 = tpu.memref_slice %arg2[%dma_start3A_58, %dma_start3A_59] : memref<10240x128xf32, #tpu.memory_space<hbm>> -> memref<10240x128xf32, #tpu.memory_space<hbm>>
      tpu.enqueue_indirect_dma source(%dma_start3A_60 : memref<10240x128xf32, #tpu.memory_space<hbm>>) target(%arg11 : memref<128x128xf32, #tpu.memory_space<vmem>>) offsets(%arg7 : memref<128xi32, #tpu.memory_space<vmem>>) semaphore(%arg14 : memref<!tpu.dma_semaphore, #tpu.memory_space<semaphore_mem>>)
      "tpu.region"() ({
        %run_scoped3A = tpu.sem_alloc : memref<!tpu.dma_semaphore, #tpu.memory_space<semaphore_mem>>
        %dma_start3A_68 = arith.constant 0 : i32
        %dma_start3A_69 = arith.constant 0 : i32
        %dma_start3A_70 = tpu.memref_slice %arg12[%dma_start3A_68, %dma_start3A_69] : memref<10240x128xf32, #tpu.memory_space<vmem_shared>> -> memref<10240x128xf32, #tpu.memory_space<vmem_shared>>
        tpu.enqueue_indirect_dma source(%arg10 : memref<128x128xf32, #tpu.memory_space<vmem>>) target(%dma_start3A_70 : memref<10240x128xf32, #tpu.memory_space<vmem_shared>>) offsets(%arg8 : memref<128xi32, #tpu.memory_space<vmem>>) semaphore(%run_scoped3A : memref<!tpu.dma_semaphore, #tpu.memory_space<semaphore_mem>>) {add = true}
        %dma_wait3A_71 = arith.constant 0 : i32
        %dma_wait3A_72 = arith.constant 0 : i32
        %dma_wait3A_73 = tpu.memref_slice %arg12[%dma_wait3A_71, %dma_wait3A_72] : memref<10240x128xf32, #tpu.memory_space<vmem_shared>> -> memref<10240x128xf32, #tpu.memory_space<vmem_shared>>
        tpu.wait_indirect_dma semaphore(%run_scoped3A : memref<!tpu.dma_semaphore, #tpu.memory_space<semaphore_mem>>) src(%arg10 : memref<128x128xf32, #tpu.memory_space<vmem>>) dst(%dma_wait3A_73 : memref<10240x128xf32, #tpu.memory_space<vmem_shared>>)
        tpu.yield
      }) : () -> ()
      %dma_wait3A_61 = arith.constant 0 : i32
      %dma_wait3A_62 = arith.constant 0 : i32
      %dma_wait3A_63 = tpu.memref_slice %arg2[%dma_wait3A_61, %dma_wait3A_62] : memref<10240x128xf32, #tpu.memory_space<hbm>> -> memref<10240x128xf32, #tpu.memory_space<hbm>>
      tpu.wait_indirect_dma semaphore(%arg14 : memref<!tpu.dma_semaphore, #tpu.memory_space<semaphore_mem>>) src(%dma_wait3A_63 : memref<10240x128xf32, #tpu.memory_space<hbm>>) dst(%arg11 : memref<128x128xf32, #tpu.memory_space<vmem>>)
      %add3A_64 = arith.constant 2 : i32
      %add3A_65 = arith.addi %mul3A_48, %add3A_64 : i32
      %lt3A = arith.constant 82 : i32
      %lt3A_66 = arith.cmpi slt, %add3A_65, %lt3A : i32
      %convert_element_type3A = arith.extui %lt3A_66 : i1 to i32
      %cond3A = arith.constant 0 : i32
      %cond3A_67 = arith.cmpi ne, %convert_element_type3A, %cond3A : i32
      scf.if %cond3A_67 {
        %add3A_68 = arith.constant 2 : i32
        %add3A_69 = arith.addi %mul3A_48, %add3A_68 : i32
        %mul3A_70 = arith.constant 10496 : i32
        %mul3A_71 = arith.muli %add3A, %mul3A_70 : i32
        %mul3A_72 = arith.constant 128 : i32
        %mul3A_73 = arith.muli %add3A_69, %mul3A_72 : i32
        %add3A_74 = arith.addi %mul3A_71, %mul3A_73 : i32
        "tpu.region"() ({
          %run_scoped3A = tpu.sem_alloc : memref<!tpu.dma_semaphore, #tpu.memory_space<semaphore_mem>>
          %dma_start3A_78 = tpu.memref_slice %arg3[%add3A_74] : memref<335872xi32, #tpu.memory_space<hbm>> -> memref<128xi32, #tpu.memory_space<hbm>>
          %dma_start3A_79 = tpu.memref_slice %arg3[%add3A_74] : memref<335872xi32, #tpu.memory_space<hbm>> -> memref<128xi32, #tpu.memory_space<hbm>>
          tpu.enqueue_dma source(%dma_start3A_79 : memref<128xi32, #tpu.memory_space<hbm>>) target(%arg6 : memref<128xi32, #tpu.memory_space<vmem>>) target_semaphore(%run_scoped3A : memref<!tpu.dma_semaphore, #tpu.memory_space<semaphore_mem>>)
          %dma_wait3A_80 = tpu.memref_slice %arg3[%add3A_74] : memref<335872xi32, #tpu.memory_space<hbm>> -> memref<128xi32, #tpu.memory_space<hbm>>
          %dma_wait3A_81 = tpu.memref_slice %arg3[%add3A_74] : memref<335872xi32, #tpu.memory_space<hbm>> -> memref<128xi32, #tpu.memory_space<hbm>>
          tpu.wait_dma2 semaphore(%run_scoped3A : memref<!tpu.dma_semaphore, #tpu.memory_space<semaphore_mem>>) src(%dma_wait3A_81 : memref<128xi32, #tpu.memory_space<hbm>>) dst(%arg6 : memref<128xi32, #tpu.memory_space<vmem>>)
          tpu.yield
        }) : () -> ()
        "tpu.region"() ({
          %run_scoped3A = tpu.sem_alloc : memref<!tpu.dma_semaphore, #tpu.memory_space<semaphore_mem>>
          %dma_start3A_78 = tpu.memref_slice %arg4[%add3A_74] : memref<335872xi32, #tpu.memory_space<hbm>> -> memref<128xi32, #tpu.memory_space<hbm>>
          %dma_start3A_79 = tpu.memref_slice %arg4[%add3A_74] : memref<335872xi32, #tpu.memory_space<hbm>> -> memref<128xi32, #tpu.memory_space<hbm>>
          tpu.enqueue_dma source(%dma_start3A_79 : memref<128xi32, #tpu.memory_space<hbm>>) target(%arg8 : memref<128xi32, #tpu.memory_space<vmem>>) target_semaphore(%run_scoped3A : memref<!tpu.dma_semaphore, #tpu.memory_space<semaphore_mem>>)
          %dma_wait3A_80 = tpu.memref_slice %arg4[%add3A_74] : memref<335872xi32, #tpu.memory_space<hbm>> -> memref<128xi32, #tpu.memory_space<hbm>>
          %dma_wait3A_81 = tpu.memref_slice %arg4[%add3A_74] : memref<335872xi32, #tpu.memory_space<hbm>> -> memref<128xi32, #tpu.memory_space<hbm>>
          tpu.wait_dma2 semaphore(%run_scoped3A : memref<!tpu.dma_semaphore, #tpu.memory_space<semaphore_mem>>) src(%dma_wait3A_81 : memref<128xi32, #tpu.memory_space<hbm>>) dst(%arg8 : memref<128xi32, #tpu.memory_space<vmem>>)
          tpu.yield
        }) : () -> ()
        %dma_start3A_75 = arith.constant 0 : i32
        %dma_start3A_76 = arith.constant 0 : i32
        %dma_start3A_77 = tpu.memref_slice %arg2[%dma_start3A_75, %dma_start3A_76] : memref<10240x128xf32, #tpu.memory_space<hbm>> -> memref<10240x128xf32, #tpu.memory_space<hbm>>
        tpu.enqueue_indirect_dma source(%dma_start3A_77 : memref<10240x128xf32, #tpu.memory_space<hbm>>) target(%arg10 : memref<128x128xf32, #tpu.memory_space<vmem>>) offsets(%arg6 : memref<128xi32, #tpu.memory_space<vmem>>) semaphore(%arg13 : memref<!tpu.dma_semaphore, #tpu.memory_space<semaphore_mem>>)
      } else {
      }
      "tpu.region"() ({
        %run_scoped3A = tpu.sem_alloc : memref<!tpu.dma_semaphore, #tpu.memory_space<semaphore_mem>>
        %dma_start3A_68 = arith.constant 0 : i32
        %dma_start3A_69 = arith.constant 0 : i32
        %dma_start3A_70 = tpu.memref_slice %arg12[%dma_start3A_68, %dma_start3A_69] : memref<10240x128xf32, #tpu.memory_space<vmem_shared>> -> memref<10240x128xf32, #tpu.memory_space<vmem_shared>>
        tpu.enqueue_indirect_dma source(%arg11 : memref<128x128xf32, #tpu.memory_space<vmem>>) target(%dma_start3A_70 : memref<10240x128xf32, #tpu.memory_space<vmem_shared>>) offsets(%arg9 : memref<128xi32, #tpu.memory_space<vmem>>) semaphore(%run_scoped3A : memref<!tpu.dma_semaphore, #tpu.memory_space<semaphore_mem>>) {add = true}
        %dma_wait3A_71 = arith.constant 0 : i32
        %dma_wait3A_72 = arith.constant 0 : i32
        %dma_wait3A_73 = tpu.memref_slice %arg12[%dma_wait3A_71, %dma_wait3A_72] : memref<10240x128xf32, #tpu.memory_space<vmem_shared>> -> memref<10240x128xf32, #tpu.memory_space<vmem_shared>>
        tpu.wait_indirect_dma semaphore(%run_scoped3A : memref<!tpu.dma_semaphore, #tpu.memory_space<semaphore_mem>>) src(%arg11 : memref<128x128xf32, #tpu.memory_space<vmem>>) dst(%dma_wait3A_73 : memref<10240x128xf32, #tpu.memory_space<vmem_shared>>)
        tpu.yield
      }) : () -> ()
    }
    %scan3A_37 = arith.constant 41 : i32
    %barrier3A_38 = arith.constant 0 : index
    tpu.barrier barrier_id(%barrier3A_38)
    %mul3A_39 = arith.constant 640 : i32
    %mul3A_40 = arith.muli %arg1, %mul3A_39 : i32
    %mul3A_41 = arith.constant 10240 : i32
    %mul3A_42 = arith.muli %arg0, %mul3A_41 : i32
    %mul3A_43 = arith.constant 640 : i32
    %mul3A_44 = arith.muli %arg1, %mul3A_43 : i32
    %add3A_45 = arith.addi %mul3A_42, %mul3A_44 : i32
    "tpu.region"() ({
      %run_scoped3A = tpu.sem_alloc : memref<!tpu.dma_semaphore, #tpu.memory_space<semaphore_mem>>
      %dma_start3A_46 = arith.constant 0 : i32
      %dma_start3A_47 = tpu.memref_slice %arg5[%add3A_45, %dma_start3A_46] : memref<20480x128xf32, #tpu.memory_space<hbm>> -> memref<640x128xf32, #tpu.memory_space<hbm>>
      %dma_start3A_48 = arith.constant 0 : i32
      %dma_start3A_49 = tpu.memref_slice %arg12[%mul3A_40, %dma_start3A_48] : memref<10240x128xf32, #tpu.memory_space<vmem_shared>> -> memref<640x128xf32, #tpu.memory_space<vmem_shared>>
      tpu.enqueue_dma source(%dma_start3A_49 : memref<640x128xf32, #tpu.memory_space<vmem_shared>>) target(%dma_start3A_47 : memref<640x128xf32, #tpu.memory_space<hbm>>) target_semaphore(%run_scoped3A : memref<!tpu.dma_semaphore, #tpu.memory_space<semaphore_mem>>)
      %dma_wait3A = arith.constant 0 : i32
      %dma_wait3A_50 = tpu.memref_slice %arg5[%add3A_45, %dma_wait3A] : memref<20480x128xf32, #tpu.memory_space<hbm>> -> memref<640x128xf32, #tpu.memory_space<hbm>>
      %dma_wait3A_51 = arith.constant 0 : i32
      %dma_wait3A_52 = tpu.memref_slice %arg12[%mul3A_40, %dma_wait3A_51] : memref<10240x128xf32, #tpu.memory_space<vmem_shared>> -> memref<640x128xf32, #tpu.memory_space<vmem_shared>>
      tpu.wait_dma2 semaphore(%run_scoped3A : memref<!tpu.dma_semaphore, #tpu.memory_space<semaphore_mem>>) src(%dma_wait3A_52 : memref<640x128xf32, #tpu.memory_space<vmem_shared>>) dst(%dma_wait3A_50 : memref<640x128xf32, #tpu.memory_space<hbm>>)
      tpu.yield
    }) : () -> ()
    return
  }
}

#map = affine_map<(d0, d1) -> (0, 0)>
#map1 = affine_map<(d0, d1) -> (0)>
module attributes {stable_mosaic.version = 14 : i64} {
  func.func @_sc_agg_body(%arg0: i32, %arg1: i32, %arg2: memref<10240x128xf32, #tpu.memory_space<hbm>>, %arg3: memref<335872xi32, #tpu.memory_space<hbm>>, %arg4: memref<335872xi32, #tpu.memory_space<hbm>>, %arg5: memref<20480x128xf32, #tpu.memory_space<hbm>>, %arg6: memref<128xi32, #tpu.memory_space<vmem>>, %arg7: memref<128xi32, #tpu.memory_space<vmem>>, %arg8: memref<128xi32, #tpu.memory_space<vmem>>, %arg9: memref<128xi32, #tpu.memory_space<vmem>>, %arg10: memref<128x128xf32, #tpu.memory_space<vmem>>, %arg11: memref<128x128xf32, #tpu.memory_space<vmem>>, %arg12: memref<10240x128xf32, #tpu.memory_space<vmem_shared>>, %arg13: memref<!tpu.dma_semaphore, #tpu.memory_space<semaphore_mem>>, %arg14: memref<!tpu.dma_semaphore, #tpu.memory_space<semaphore_mem>>) attributes {dimension_semantics = [#tpu.dimension_semantics<core_parallel>, #tpu.dimension_semantics<subcore_parallel>], iteration_bounds = array<i64: 2, 16>, scalar_prefetch = 0 : i64, scratch_operands = 9 : i64, tpu.core_type = #tpu.core_type<sc_vector_subcore>, window_params = [{transform_indices = #map}, {transform_indices = #map1}, {transform_indices = #map1}, {transform_indices = #map}]} {
    %mul3A = arith.constant 16 : i32
    %mul3A_0 = arith.muli %arg0, %mul3A : i32
    %add3A = arith.addi %mul3A_0, %arg1 : i32
    %scan3A = arith.constant 0 : i32
    %scan3A_1 = arith.constant 0 : i32
    %scan3A_2 = arith.constant 128 : i32
    %scan3A_3 = arith.addi %scan3A_1, %scan3A_2 : i32
    %scan3A_4 = arith.constant 1 : i32
    scf.for %scan3A_46 = %scan3A_1 to %scan3A_3 step %scan3A_4  : i32 {
      %broadcast_in_dim3A = arith.constant 0.000000e+00 : f32
      %broadcast_in_dim3A_47 = vector.broadcast %broadcast_in_dim3A : f32 to vector<16xf32>
      %swap3A = arith.index_cast %scan3A_46 : i32 to index
      %swap3A_48 = arith.constant 0 : index
      %swap3A_49 = tpu.vector_load %arg10[%swap3A, %swap3A_48] {strides = array<i32>} : memref<128x128xf32, #tpu.memory_space<vmem>>, vector<1x16xf32>,
      %swap3A_50 = vector.shape_cast %swap3A_49 : vector<1x16xf32> to vector<16xf32>
      %swap3A_51 = vector.shape_cast %broadcast_in_dim3A_47 : vector<16xf32> to vector<1x16xf32>
      tpu.vector_store %arg10[%swap3A, %swap3A_48], %swap3A_51 {strides = array<i32>} : memref<128x128xf32, #tpu.memory_space<vmem>>, vector<1x16xf32>,
      %broadcast_in_dim3A_52 = arith.constant 0.000000e+00 : f32
      %broadcast_in_dim3A_53 = vector.broadcast %broadcast_in_dim3A_52 : f32 to vector<16xf32>
      %swap3A_54 = arith.index_cast %scan3A_46 : i32 to index
      %swap3A_55 = arith.constant 16 : index
      %swap3A_56 = tpu.vector_load %arg10[%swap3A_54, %swap3A_55] {strides = array<i32>} : memref<128x128xf32, #tpu.memory_space<vmem>>, vector<1x16xf32>,
      %swap3A_57 = vector.shape_cast %swap3A_56 : vector<1x16xf32> to vector<16xf32>
      %swap3A_58 = vector.shape_cast %broadcast_in_dim3A_53 : vector<16xf32> to vector<1x16xf32>
      tpu.vector_store %arg10[%swap3A_54, %swap3A_55], %swap3A_58 {strides = array<i32>} : memref<128x128xf32, #tpu.memory_space<vmem>>, vector<1x16xf32>,
      %broadcast_in_dim3A_59 = arith.constant 0.000000e+00 : f32
      %broadcast_in_dim3A_60 = vector.broadcast %broadcast_in_dim3A_59 : f32 to vector<16xf32>
      %swap3A_61 = arith.index_cast %scan3A_46 : i32 to index
      %swap3A_62 = arith.constant 32 : index
      %swap3A_63 = tpu.vector_load %arg10[%swap3A_61, %swap3A_62] {strides = array<i32>} : memref<128x128xf32, #tpu.memory_space<vmem>>, vector<1x16xf32>,
      %swap3A_64 = vector.shape_cast %swap3A_63 : vector<1x16xf32> to vector<16xf32>
      %swap3A_65 = vector.shape_cast %broadcast_in_dim3A_60 : vector<16xf32> to vector<1x16xf32>
      tpu.vector_store %arg10[%swap3A_61, %swap3A_62], %swap3A_65 {strides = array<i32>} : memref<128x128xf32, #tpu.memory_space<vmem>>, vector<1x16xf32>,
      %broadcast_in_dim3A_66 = arith.constant 0.000000e+00 : f32
      %broadcast_in_dim3A_67 = vector.broadcast %broadcast_in_dim3A_66 : f32 to vector<16xf32>
      %swap3A_68 = arith.index_cast %scan3A_46 : i32 to index
      %swap3A_69 = arith.constant 48 : index
      %swap3A_70 = tpu.vector_load %arg10[%swap3A_68, %swap3A_69] {strides = array<i32>} : memref<128x128xf32, #tpu.memory_space<vmem>>, vector<1x16xf32>,
      %swap3A_71 = vector.shape_cast %swap3A_70 : vector<1x16xf32> to vector<16xf32>
      %swap3A_72 = vector.shape_cast %broadcast_in_dim3A_67 : vector<16xf32> to vector<1x16xf32>
      tpu.vector_store %arg10[%swap3A_68, %swap3A_69], %swap3A_72 {strides = array<i32>} : memref<128x128xf32, #tpu.memory_space<vmem>>, vector<1x16xf32>,
      %broadcast_in_dim3A_73 = arith.constant 0.000000e+00 : f32
      %broadcast_in_dim3A_74 = vector.broadcast %broadcast_in_dim3A_73 : f32 to vector<16xf32>
      %swap3A_75 = arith.index_cast %scan3A_46 : i32 to index
      %swap3A_76 = arith.constant 64 : index
      %swap3A_77 = tpu.vector_load %arg10[%swap3A_75, %swap3A_76] {strides = array<i32>} : memref<128x128xf32, #tpu.memory_space<vmem>>, vector<1x16xf32>,
      %swap3A_78 = vector.shape_cast %swap3A_77 : vector<1x16xf32> to vector<16xf32>
      %swap3A_79 = vector.shape_cast %broadcast_in_dim3A_74 : vector<16xf32> to vector<1x16xf32>
      tpu.vector_store %arg10[%swap3A_75, %swap3A_76], %swap3A_79 {strides = array<i32>} : memref<128x128xf32, #tpu.memory_space<vmem>>, vector<1x16xf32>,
      %broadcast_in_dim3A_80 = arith.constant 0.000000e+00 : f32
      %broadcast_in_dim3A_81 = vector.broadcast %broadcast_in_dim3A_80 : f32 to vector<16xf32>
      %swap3A_82 = arith.index_cast %scan3A_46 : i32 to index
      %swap3A_83 = arith.constant 80 : index
      %swap3A_84 = tpu.vector_load %arg10[%swap3A_82, %swap3A_83] {strides = array<i32>} : memref<128x128xf32, #tpu.memory_space<vmem>>, vector<1x16xf32>,
      %swap3A_85 = vector.shape_cast %swap3A_84 : vector<1x16xf32> to vector<16xf32>
      %swap3A_86 = vector.shape_cast %broadcast_in_dim3A_81 : vector<16xf32> to vector<1x16xf32>
      tpu.vector_store %arg10[%swap3A_82, %swap3A_83], %swap3A_86 {strides = array<i32>} : memref<128x128xf32, #tpu.memory_space<vmem>>, vector<1x16xf32>,
      %broadcast_in_dim3A_87 = arith.constant 0.000000e+00 : f32
      %broadcast_in_dim3A_88 = vector.broadcast %broadcast_in_dim3A_87 : f32 to vector<16xf32>
      %swap3A_89 = arith.index_cast %scan3A_46 : i32 to index
      %swap3A_90 = arith.constant 96 : index
      %swap3A_91 = tpu.vector_load %arg10[%swap3A_89, %swap3A_90] {strides = array<i32>} : memref<128x128xf32, #tpu.memory_space<vmem>>, vector<1x16xf32>,
      %swap3A_92 = vector.shape_cast %swap3A_91 : vector<1x16xf32> to vector<16xf32>
      %swap3A_93 = vector.shape_cast %broadcast_in_dim3A_88 : vector<16xf32> to vector<1x16xf32>
      tpu.vector_store %arg10[%swap3A_89, %swap3A_90], %swap3A_93 {strides = array<i32>} : memref<128x128xf32, #tpu.memory_space<vmem>>, vector<1x16xf32>,
      %broadcast_in_dim3A_94 = arith.constant 0.000000e+00 : f32
      %broadcast_in_dim3A_95 = vector.broadcast %broadcast_in_dim3A_94 : f32 to vector<16xf32>
      %swap3A_96 = arith.index_cast %scan3A_46 : i32 to index
      %swap3A_97 = arith.constant 112 : index
      %swap3A_98 = tpu.vector_load %arg10[%swap3A_96, %swap3A_97] {strides = array<i32>} : memref<128x128xf32, #tpu.memory_space<vmem>>, vector<1x16xf32>,
      %swap3A_99 = vector.shape_cast %swap3A_98 : vector<1x16xf32> to vector<16xf32>
      %swap3A_100 = vector.shape_cast %broadcast_in_dim3A_95 : vector<16xf32> to vector<1x16xf32>
      tpu.vector_store %arg10[%swap3A_96, %swap3A_97], %swap3A_100 {strides = array<i32>} : memref<128x128xf32, #tpu.memory_space<vmem>>, vector<1x16xf32>,
    }
    %scan3A_5 = arith.constant 128 : i32
    %mul3A_6 = arith.constant 640 : i32
    %mul3A_7 = arith.muli %arg1, %mul3A_6 : i32
    %add3A_8 = arith.constant 0 : i32
    %add3A_9 = arith.addi %mul3A_7, %add3A_8 : i32
    "tpu.region"() ({
      %run_scoped3A = tpu.sem_alloc : memref<!tpu.dma_semaphore, #tpu.memory_space<semaphore_mem>>
      %dma_start3A_46 = arith.constant 0 : i32
      %dma_start3A_47 = tpu.memref_slice %arg12[%add3A_9, %dma_start3A_46] : memref<10240x128xf32, #tpu.memory_space<vmem_shared>> -> memref<128x128xf32, #tpu.memory_space<vmem_shared>>
      %dma_start3A_48 = arith.constant 0 : i32
      %dma_start3A_49 = tpu.memref_slice %arg12[%add3A_9, %dma_start3A_48] : memref<10240x128xf32, #tpu.memory_space<vmem_shared>> -> memref<128x128xf32, #tpu.memory_space<vmem_shared>>
      tpu.enqueue_dma source(%arg10 : memref<128x128xf32, #tpu.memory_space<vmem>>) target(%dma_start3A_49 : memref<128x128xf32, #tpu.memory_space<vmem_shared>>) target_semaphore(%run_scoped3A : memref<!tpu.dma_semaphore, #tpu.memory_space<semaphore_mem>>)
      %dma_wait3A = arith.constant 0 : i32
      %dma_wait3A_50 = tpu.memref_slice %arg12[%add3A_9, %dma_wait3A] : memref<10240x128xf32, #tpu.memory_space<vmem_shared>> -> memref<128x128xf32, #tpu.memory_space<vmem_shared>>
      %dma_wait3A_51 = arith.constant 0 : i32
      %dma_wait3A_52 = tpu.memref_slice %arg12[%add3A_9, %dma_wait3A_51] : memref<10240x128xf32, #tpu.memory_space<vmem_shared>> -> memref<128x128xf32, #tpu.memory_space<vmem_shared>>
      tpu.wait_dma2 semaphore(%run_scoped3A : memref<!tpu.dma_semaphore, #tpu.memory_space<semaphore_mem>>) src(%arg10 : memref<128x128xf32, #tpu.memory_space<vmem>>) dst(%dma_wait3A_52 : memref<128x128xf32, #tpu.memory_space<vmem_shared>>)
      tpu.yield
    }) : () -> ()
    %mul3A_10 = arith.constant 640 : i32
    %mul3A_11 = arith.muli %arg1, %mul3A_10 : i32
    %add3A_12 = arith.constant 128 : i32
    %add3A_13 = arith.addi %mul3A_11, %add3A_12 : i32
    "tpu.region"() ({
      %run_scoped3A = tpu.sem_alloc : memref<!tpu.dma_semaphore, #tpu.memory_space<semaphore_mem>>
      %dma_start3A_46 = arith.constant 0 : i32
      %dma_start3A_47 = tpu.memref_slice %arg12[%add3A_13, %dma_start3A_46] : memref<10240x128xf32, #tpu.memory_space<vmem_shared>> -> memref<128x128xf32, #tpu.memory_space<vmem_shared>>
      %dma_start3A_48 = arith.constant 0 : i32
      %dma_start3A_49 = tpu.memref_slice %arg12[%add3A_13, %dma_start3A_48] : memref<10240x128xf32, #tpu.memory_space<vmem_shared>> -> memref<128x128xf32, #tpu.memory_space<vmem_shared>>
      tpu.enqueue_dma source(%arg10 : memref<128x128xf32, #tpu.memory_space<vmem>>) target(%dma_start3A_49 : memref<128x128xf32, #tpu.memory_space<vmem_shared>>) target_semaphore(%run_scoped3A : memref<!tpu.dma_semaphore, #tpu.memory_space<semaphore_mem>>)
      %dma_wait3A = arith.constant 0 : i32
      %dma_wait3A_50 = tpu.memref_slice %arg12[%add3A_13, %dma_wait3A] : memref<10240x128xf32, #tpu.memory_space<vmem_shared>> -> memref<128x128xf32, #tpu.memory_space<vmem_shared>>
      %dma_wait3A_51 = arith.constant 0 : i32
      %dma_wait3A_52 = tpu.memref_slice %arg12[%add3A_13, %dma_wait3A_51] : memref<10240x128xf32, #tpu.memory_space<vmem_shared>> -> memref<128x128xf32, #tpu.memory_space<vmem_shared>>
      tpu.wait_dma2 semaphore(%run_scoped3A : memref<!tpu.dma_semaphore, #tpu.memory_space<semaphore_mem>>) src(%arg10 : memref<128x128xf32, #tpu.memory_space<vmem>>) dst(%dma_wait3A_52 : memref<128x128xf32, #tpu.memory_space<vmem_shared>>)
      tpu.yield
    }) : () -> ()
    %mul3A_14 = arith.constant 640 : i32
    %mul3A_15 = arith.muli %arg1, %mul3A_14 : i32
    %add3A_16 = arith.constant 256 : i32
    %add3A_17 = arith.addi %mul3A_15, %add3A_16 : i32
    "tpu.region"() ({
      %run_scoped3A = tpu.sem_alloc : memref<!tpu.dma_semaphore, #tpu.memory_space<semaphore_mem>>
      %dma_start3A_46 = arith.constant 0 : i32
      %dma_start3A_47 = tpu.memref_slice %arg12[%add3A_17, %dma_start3A_46] : memref<10240x128xf32, #tpu.memory_space<vmem_shared>> -> memref<128x128xf32, #tpu.memory_space<vmem_shared>>
      %dma_start3A_48 = arith.constant 0 : i32
      %dma_start3A_49 = tpu.memref_slice %arg12[%add3A_17, %dma_start3A_48] : memref<10240x128xf32, #tpu.memory_space<vmem_shared>> -> memref<128x128xf32, #tpu.memory_space<vmem_shared>>
      tpu.enqueue_dma source(%arg10 : memref<128x128xf32, #tpu.memory_space<vmem>>) target(%dma_start3A_49 : memref<128x128xf32, #tpu.memory_space<vmem_shared>>) target_semaphore(%run_scoped3A : memref<!tpu.dma_semaphore, #tpu.memory_space<semaphore_mem>>)
      %dma_wait3A = arith.constant 0 : i32
      %dma_wait3A_50 = tpu.memref_slice %arg12[%add3A_17, %dma_wait3A] : memref<10240x128xf32, #tpu.memory_space<vmem_shared>> -> memref<128x128xf32, #tpu.memory_space<vmem_shared>>
      %dma_wait3A_51 = arith.constant 0 : i32
      %dma_wait3A_52 = tpu.memref_slice %arg12[%add3A_17, %dma_wait3A_51] : memref<10240x128xf32, #tpu.memory_space<vmem_shared>> -> memref<128x128xf32, #tpu.memory_space<vmem_shared>>
      tpu.wait_dma2 semaphore(%run_scoped3A : memref<!tpu.dma_semaphore, #tpu.memory_space<semaphore_mem>>) src(%arg10 : memref<128x128xf32, #tpu.memory_space<vmem>>) dst(%dma_wait3A_52 : memref<128x128xf32, #tpu.memory_space<vmem_shared>>)
      tpu.yield
    }) : () -> ()
    %mul3A_18 = arith.constant 640 : i32
    %mul3A_19 = arith.muli %arg1, %mul3A_18 : i32
    %add3A_20 = arith.constant 384 : i32
    %add3A_21 = arith.addi %mul3A_19, %add3A_20 : i32
    "tpu.region"() ({
      %run_scoped3A = tpu.sem_alloc : memref<!tpu.dma_semaphore, #tpu.memory_space<semaphore_mem>>
      %dma_start3A_46 = arith.constant 0 : i32
      %dma_start3A_47 = tpu.memref_slice %arg12[%add3A_21, %dma_start3A_46] : memref<10240x128xf32, #tpu.memory_space<vmem_shared>> -> memref<128x128xf32, #tpu.memory_space<vmem_shared>>
      %dma_start3A_48 = arith.constant 0 : i32
      %dma_start3A_49 = tpu.memref_slice %arg12[%add3A_21, %dma_start3A_48] : memref<10240x128xf32, #tpu.memory_space<vmem_shared>> -> memref<128x128xf32, #tpu.memory_space<vmem_shared>>
      tpu.enqueue_dma source(%arg10 : memref<128x128xf32, #tpu.memory_space<vmem>>) target(%dma_start3A_49 : memref<128x128xf32, #tpu.memory_space<vmem_shared>>) target_semaphore(%run_scoped3A : memref<!tpu.dma_semaphore, #tpu.memory_space<semaphore_mem>>)
      %dma_wait3A = arith.constant 0 : i32
      %dma_wait3A_50 = tpu.memref_slice %arg12[%add3A_21, %dma_wait3A] : memref<10240x128xf32, #tpu.memory_space<vmem_shared>> -> memref<128x128xf32, #tpu.memory_space<vmem_shared>>
      %dma_wait3A_51 = arith.constant 0 : i32
      %dma_wait3A_52 = tpu.memref_slice %arg12[%add3A_21, %dma_wait3A_51] : memref<10240x128xf32, #tpu.memory_space<vmem_shared>> -> memref<128x128xf32, #tpu.memory_space<vmem_shared>>
      tpu.wait_dma2 semaphore(%run_scoped3A : memref<!tpu.dma_semaphore, #tpu.memory_space<semaphore_mem>>) src(%arg10 : memref<128x128xf32, #tpu.memory_space<vmem>>) dst(%dma_wait3A_52 : memref<128x128xf32, #tpu.memory_space<vmem_shared>>)
      tpu.yield
    }) : () -> ()
    %mul3A_22 = arith.constant 640 : i32
    %mul3A_23 = arith.muli %arg1, %mul3A_22 : i32
    %add3A_24 = arith.constant 512 : i32
    %add3A_25 = arith.addi %mul3A_23, %add3A_24 : i32
    "tpu.region"() ({
      %run_scoped3A = tpu.sem_alloc : memref<!tpu.dma_semaphore, #tpu.memory_space<semaphore_mem>>
      %dma_start3A_46 = arith.constant 0 : i32
      %dma_start3A_47 = tpu.memref_slice %arg12[%add3A_25, %dma_start3A_46] : memref<10240x128xf32, #tpu.memory_space<vmem_shared>> -> memref<128x128xf32, #tpu.memory_space<vmem_shared>>
      %dma_start3A_48 = arith.constant 0 : i32
      %dma_start3A_49 = tpu.memref_slice %arg12[%add3A_25, %dma_start3A_48] : memref<10240x128xf32, #tpu.memory_space<vmem_shared>> -> memref<128x128xf32, #tpu.memory_space<vmem_shared>>
      tpu.enqueue_dma source(%arg10 : memref<128x128xf32, #tpu.memory_space<vmem>>) target(%dma_start3A_49 : memref<128x128xf32, #tpu.memory_space<vmem_shared>>) target_semaphore(%run_scoped3A : memref<!tpu.dma_semaphore, #tpu.memory_space<semaphore_mem>>)
      %dma_wait3A = arith.constant 0 : i32
      %dma_wait3A_50 = tpu.memref_slice %arg12[%add3A_25, %dma_wait3A] : memref<10240x128xf32, #tpu.memory_space<vmem_shared>> -> memref<128x128xf32, #tpu.memory_space<vmem_shared>>
      %dma_wait3A_51 = arith.constant 0 : i32
      %dma_wait3A_52 = tpu.memref_slice %arg12[%add3A_25, %dma_wait3A_51] : memref<10240x128xf32, #tpu.memory_space<vmem_shared>> -> memref<128x128xf32, #tpu.memory_space<vmem_shared>>
      tpu.wait_dma2 semaphore(%run_scoped3A : memref<!tpu.dma_semaphore, #tpu.memory_space<semaphore_mem>>) src(%arg10 : memref<128x128xf32, #tpu.memory_space<vmem>>) dst(%dma_wait3A_52 : memref<128x128xf32, #tpu.memory_space<vmem_shared>>)
      tpu.yield
    }) : () -> ()
    %barrier3A = arith.constant 0 : index
    tpu.barrier barrier_id(%barrier3A)
    %mul3A_26 = arith.constant 10496 : i32
    %mul3A_27 = arith.muli %add3A, %mul3A_26 : i32
    %add3A_28 = arith.constant 0 : i32
    %add3A_29 = arith.addi %mul3A_27, %add3A_28 : i32
    "tpu.region"() ({
      %run_scoped3A = tpu.sem_alloc : memref<!tpu.dma_semaphore, #tpu.memory_space<semaphore_mem>>
      %dma_start3A_46 = tpu.memref_slice %arg3[%add3A_29] : memref<335872xi32, #tpu.memory_space<hbm>> -> memref<128xi32, #tpu.memory_space<hbm>>
      %dma_start3A_47 = tpu.memref_slice %arg3[%add3A_29] : memref<335872xi32, #tpu.memory_space<hbm>> -> memref<128xi32, #tpu.memory_space<hbm>>
      tpu.enqueue_dma source(%dma_start3A_47 : memref<128xi32, #tpu.memory_space<hbm>>) target(%arg6 : memref<128xi32, #tpu.memory_space<vmem>>) target_semaphore(%run_scoped3A : memref<!tpu.dma_semaphore, #tpu.memory_space<semaphore_mem>>)
      %dma_wait3A = tpu.memref_slice %arg3[%add3A_29] : memref<335872xi32, #tpu.memory_space<hbm>> -> memref<128xi32, #tpu.memory_space<hbm>>
      %dma_wait3A_48 = tpu.memref_slice %arg3[%add3A_29] : memref<335872xi32, #tpu.memory_space<hbm>> -> memref<128xi32, #tpu.memory_space<hbm>>
      tpu.wait_dma2 semaphore(%run_scoped3A : memref<!tpu.dma_semaphore, #tpu.memory_space<semaphore_mem>>) src(%dma_wait3A_48 : memref<128xi32, #tpu.memory_space<hbm>>) dst(%arg6 : memref<128xi32, #tpu.memory_space<vmem>>)
      tpu.yield
    }) : () -> ()
    "tpu.region"() ({
      %run_scoped3A = tpu.sem_alloc : memref<!tpu.dma_semaphore, #tpu.memory_space<semaphore_mem>>
      %dma_start3A_46 = tpu.memref_slice %arg4[%add3A_29] : memref<335872xi32, #tpu.memory_space<hbm>> -> memref<128xi32, #tpu.memory_space<hbm>>
      %dma_start3A_47 = tpu.memref_slice %arg4[%add3A_29] : memref<335872xi32, #tpu.memory_space<hbm>> -> memref<128xi32, #tpu.memory_space<hbm>>
      tpu.enqueue_dma source(%dma_start3A_47 : memref<128xi32, #tpu.memory_space<hbm>>) target(%arg8 : memref<128xi32, #tpu.memory_space<vmem>>) target_semaphore(%run_scoped3A : memref<!tpu.dma_semaphore, #tpu.memory_space<semaphore_mem>>)
      %dma_wait3A = tpu.memref_slice %arg4[%add3A_29] : memref<335872xi32, #tpu.memory_space<hbm>> -> memref<128xi32, #tpu.memory_space<hbm>>
      %dma_wait3A_48 = tpu.memref_slice %arg4[%add3A_29] : memref<335872xi32, #tpu.memory_space<hbm>> -> memref<128xi32, #tpu.memory_space<hbm>>
      tpu.wait_dma2 semaphore(%run_scoped3A : memref<!tpu.dma_semaphore, #tpu.memory_space<semaphore_mem>>) src(%dma_wait3A_48 : memref<128xi32, #tpu.memory_space<hbm>>) dst(%arg8 : memref<128xi32, #tpu.memory_space<vmem>>)
      tpu.yield
    }) : () -> ()
    %dma_start3A = arith.constant 0 : i32
    %dma_start3A_30 = arith.constant 0 : i32
    %dma_start3A_31 = tpu.memref_slice %arg2[%dma_start3A, %dma_start3A_30] : memref<10240x128xf32, #tpu.memory_space<hbm>> -> memref<10240x128xf32, #tpu.memory_space<hbm>>
    tpu.enqueue_indirect_dma source(%dma_start3A_31 : memref<10240x128xf32, #tpu.memory_space<hbm>>) target(%arg10 : memref<128x128xf32, #tpu.memory_space<vmem>>) offsets(%arg6 : memref<128xi32, #tpu.memory_space<vmem>>) semaphore(%arg13 : memref<!tpu.dma_semaphore, #tpu.memory_space<semaphore_mem>>)
    %scan3A_32 = arith.constant 0 : i32
    %scan3A_33 = arith.constant 0 : i32
    %scan3A_34 = arith.constant 41 : i32
    %scan3A_35 = arith.addi %scan3A_33, %scan3A_34 : i32
    %scan3A_36 = arith.constant 1 : i32
    scf.for %scan3A_46 = %scan3A_33 to %scan3A_35 step %scan3A_36  : i32 {
      %mul3A_47 = arith.constant 2 : i32
      %mul3A_48 = arith.muli %mul3A_47, %scan3A_46 : i32
      %dma_wait3A = arith.constant 0 : i32
      %dma_wait3A_49 = arith.constant 0 : i32
      %dma_wait3A_50 = tpu.memref_slice %arg2[%dma_wait3A, %dma_wait3A_49] : memref<10240x128xf32, #tpu.memory_space<hbm>> -> memref<10240x128xf32, #tpu.memory_space<hbm>>
      tpu.wait_indirect_dma semaphore(%arg13 : memref<!tpu.dma_semaphore, #tpu.memory_space<semaphore_mem>>) src(%dma_wait3A_50 : memref<10240x128xf32, #tpu.memory_space<hbm>>) dst(%arg10 : memref<128x128xf32, #tpu.memory_space<vmem>>)
      %add3A_51 = arith.constant 1 : i32
      %add3A_52 = arith.addi %mul3A_48, %add3A_51 : i32
      %mul3A_53 = arith.constant 10496 : i32
      %mul3A_54 = arith.muli %add3A, %mul3A_53 : i32
      %mul3A_55 = arith.constant 128 : i32
      %mul3A_56 = arith.muli %add3A_52, %mul3A_55 : i32
      %add3A_57 = arith.addi %mul3A_54, %mul3A_56 : i32
      "tpu.region"() ({
        %run_scoped3A = tpu.sem_alloc : memref<!tpu.dma_semaphore, #tpu.memory_space<semaphore_mem>>
        %dma_start3A_68 = tpu.memref_slice %arg3[%add3A_57] : memref<335872xi32, #tpu.memory_space<hbm>> -> memref<128xi32, #tpu.memory_space<hbm>>
        %dma_start3A_69 = tpu.memref_slice %arg3[%add3A_57] : memref<335872xi32, #tpu.memory_space<hbm>> -> memref<128xi32, #tpu.memory_space<hbm>>
        tpu.enqueue_dma source(%dma_start3A_69 : memref<128xi32, #tpu.memory_space<hbm>>) target(%arg7 : memref<128xi32, #tpu.memory_space<vmem>>) target_semaphore(%run_scoped3A : memref<!tpu.dma_semaphore, #tpu.memory_space<semaphore_mem>>)
        %dma_wait3A_70 = tpu.memref_slice %arg3[%add3A_57] : memref<335872xi32, #tpu.memory_space<hbm>> -> memref<128xi32, #tpu.memory_space<hbm>>
        %dma_wait3A_71 = tpu.memref_slice %arg3[%add3A_57] : memref<335872xi32, #tpu.memory_space<hbm>> -> memref<128xi32, #tpu.memory_space<hbm>>
        tpu.wait_dma2 semaphore(%run_scoped3A : memref<!tpu.dma_semaphore, #tpu.memory_space<semaphore_mem>>) src(%dma_wait3A_71 : memref<128xi32, #tpu.memory_space<hbm>>) dst(%arg7 : memref<128xi32, #tpu.memory_space<vmem>>)
        tpu.yield
      }) : () -> ()
      "tpu.region"() ({
        %run_scoped3A = tpu.sem_alloc : memref<!tpu.dma_semaphore, #tpu.memory_space<semaphore_mem>>
        %dma_start3A_68 = tpu.memref_slice %arg4[%add3A_57] : memref<335872xi32, #tpu.memory_space<hbm>> -> memref<128xi32, #tpu.memory_space<hbm>>
        %dma_start3A_69 = tpu.memref_slice %arg4[%add3A_57] : memref<335872xi32, #tpu.memory_space<hbm>> -> memref<128xi32, #tpu.memory_space<hbm>>
        tpu.enqueue_dma source(%dma_start3A_69 : memref<128xi32, #tpu.memory_space<hbm>>) target(%arg9 : memref<128xi32, #tpu.memory_space<vmem>>) target_semaphore(%run_scoped3A : memref<!tpu.dma_semaphore, #tpu.memory_space<semaphore_mem>>)
        %dma_wait3A_70 = tpu.memref_slice %arg4[%add3A_57] : memref<335872xi32, #tpu.memory_space<hbm>> -> memref<128xi32, #tpu.memory_space<hbm>>
        %dma_wait3A_71 = tpu.memref_slice %arg4[%add3A_57] : memref<335872xi32, #tpu.memory_space<hbm>> -> memref<128xi32, #tpu.memory_space<hbm>>
        tpu.wait_dma2 semaphore(%run_scoped3A : memref<!tpu.dma_semaphore, #tpu.memory_space<semaphore_mem>>) src(%dma_wait3A_71 : memref<128xi32, #tpu.memory_space<hbm>>) dst(%arg9 : memref<128xi32, #tpu.memory_space<vmem>>)
        tpu.yield
      }) : () -> ()
      %dma_start3A_58 = arith.constant 0 : i32
      %dma_start3A_59 = arith.constant 0 : i32
      %dma_start3A_60 = tpu.memref_slice %arg2[%dma_start3A_58, %dma_start3A_59] : memref<10240x128xf32, #tpu.memory_space<hbm>> -> memref<10240x128xf32, #tpu.memory_space<hbm>>
      tpu.enqueue_indirect_dma source(%dma_start3A_60 : memref<10240x128xf32, #tpu.memory_space<hbm>>) target(%arg11 : memref<128x128xf32, #tpu.memory_space<vmem>>) offsets(%arg7 : memref<128xi32, #tpu.memory_space<vmem>>) semaphore(%arg14 : memref<!tpu.dma_semaphore, #tpu.memory_space<semaphore_mem>>)
      "tpu.region"() ({
        %run_scoped3A = tpu.sem_alloc : memref<!tpu.dma_semaphore, #tpu.memory_space<semaphore_mem>>
        %dma_start3A_68 = arith.constant 0 : i32
        %dma_start3A_69 = arith.constant 0 : i32
        %dma_start3A_70 = tpu.memref_slice %arg12[%dma_start3A_68, %dma_start3A_69] : memref<10240x128xf32, #tpu.memory_space<vmem_shared>> -> memref<10240x128xf32, #tpu.memory_space<vmem_shared>>
        tpu.enqueue_indirect_dma source(%arg10 : memref<128x128xf32, #tpu.memory_space<vmem>>) target(%dma_start3A_70 : memref<10240x128xf32, #tpu.memory_space<vmem_shared>>) offsets(%arg8 : memref<128xi32, #tpu.memory_space<vmem>>) semaphore(%run_scoped3A : memref<!tpu.dma_semaphore, #tpu.memory_space<semaphore_mem>>) {add = true}
        %dma_wait3A_71 = arith.constant 0 : i32
        %dma_wait3A_72 = arith.constant 0 : i32
        %dma_wait3A_73 = tpu.memref_slice %arg12[%dma_wait3A_71, %dma_wait3A_72] : memref<10240x128xf32, #tpu.memory_space<vmem_shared>> -> memref<10240x128xf32, #tpu.memory_space<vmem_shared>>
        tpu.wait_indirect_dma semaphore(%run_scoped3A : memref<!tpu.dma_semaphore, #tpu.memory_space<semaphore_mem>>) src(%arg10 : memref<128x128xf32, #tpu.memory_space<vmem>>) dst(%dma_wait3A_73 : memref<10240x128xf32, #tpu.memory_space<vmem_shared>>)
        tpu.yield
      }) : () -> ()
      %dma_wait3A_61 = arith.constant 0 : i32
      %dma_wait3A_62 = arith.constant 0 : i32
      %dma_wait3A_63 = tpu.memref_slice %arg2[%dma_wait3A_61, %dma_wait3A_62] : memref<10240x128xf32, #tpu.memory_space<hbm>> -> memref<10240x128xf32, #tpu.memory_space<hbm>>
      tpu.wait_indirect_dma semaphore(%arg14 : memref<!tpu.dma_semaphore, #tpu.memory_space<semaphore_mem>>) src(%dma_wait3A_63 : memref<10240x128xf32, #tpu.memory_space<hbm>>) dst(%arg11 : memref<128x128xf32, #tpu.memory_space<vmem>>)
      %add3A_64 = arith.constant 2 : i32
      %add3A_65 = arith.addi %mul3A_48, %add3A_64 : i32
      %lt3A = arith.constant 82 : i32
      %lt3A_66 = arith.cmpi slt, %add3A_65, %lt3A : i32
      %convert_element_type3A = arith.extui %lt3A_66 : i1 to i32
      %cond3A = arith.constant 0 : i32
      %cond3A_67 = arith.cmpi ne, %convert_element_type3A, %cond3A : i32
      scf.if %cond3A_67 {
        %add3A_68 = arith.constant 2 : i32
        %add3A_69 = arith.addi %mul3A_48, %add3A_68 : i32
        %mul3A_70 = arith.constant 10496 : i32
        %mul3A_71 = arith.muli %add3A, %mul3A_70 : i32
        %mul3A_72 = arith.constant 128 : i32
        %mul3A_73 = arith.muli %add3A_69, %mul3A_72 : i32
        %add3A_74 = arith.addi %mul3A_71, %mul3A_73 : i32
        "tpu.region"() ({
          %run_scoped3A = tpu.sem_alloc : memref<!tpu.dma_semaphore, #tpu.memory_space<semaphore_mem>>
          %dma_start3A_78 = tpu.memref_slice %arg3[%add3A_74] : memref<335872xi32, #tpu.memory_space<hbm>> -> memref<128xi32, #tpu.memory_space<hbm>>
          %dma_start3A_79 = tpu.memref_slice %arg3[%add3A_74] : memref<335872xi32, #tpu.memory_space<hbm>> -> memref<128xi32, #tpu.memory_space<hbm>>
          tpu.enqueue_dma source(%dma_start3A_79 : memref<128xi32, #tpu.memory_space<hbm>>) target(%arg6 : memref<128xi32, #tpu.memory_space<vmem>>) target_semaphore(%run_scoped3A : memref<!tpu.dma_semaphore, #tpu.memory_space<semaphore_mem>>)
          %dma_wait3A_80 = tpu.memref_slice %arg3[%add3A_74] : memref<335872xi32, #tpu.memory_space<hbm>> -> memref<128xi32, #tpu.memory_space<hbm>>
          %dma_wait3A_81 = tpu.memref_slice %arg3[%add3A_74] : memref<335872xi32, #tpu.memory_space<hbm>> -> memref<128xi32, #tpu.memory_space<hbm>>
          tpu.wait_dma2 semaphore(%run_scoped3A : memref<!tpu.dma_semaphore, #tpu.memory_space<semaphore_mem>>) src(%dma_wait3A_81 : memref<128xi32, #tpu.memory_space<hbm>>) dst(%arg6 : memref<128xi32, #tpu.memory_space<vmem>>)
          tpu.yield
        }) : () -> ()
        "tpu.region"() ({
          %run_scoped3A = tpu.sem_alloc : memref<!tpu.dma_semaphore, #tpu.memory_space<semaphore_mem>>
          %dma_start3A_78 = tpu.memref_slice %arg4[%add3A_74] : memref<335872xi32, #tpu.memory_space<hbm>> -> memref<128xi32, #tpu.memory_space<hbm>>
          %dma_start3A_79 = tpu.memref_slice %arg4[%add3A_74] : memref<335872xi32, #tpu.memory_space<hbm>> -> memref<128xi32, #tpu.memory_space<hbm>>
          tpu.enqueue_dma source(%dma_start3A_79 : memref<128xi32, #tpu.memory_space<hbm>>) target(%arg8 : memref<128xi32, #tpu.memory_space<vmem>>) target_semaphore(%run_scoped3A : memref<!tpu.dma_semaphore, #tpu.memory_space<semaphore_mem>>)
          %dma_wait3A_80 = tpu.memref_slice %arg4[%add3A_74] : memref<335872xi32, #tpu.memory_space<hbm>> -> memref<128xi32, #tpu.memory_space<hbm>>
          %dma_wait3A_81 = tpu.memref_slice %arg4[%add3A_74] : memref<335872xi32, #tpu.memory_space<hbm>> -> memref<128xi32, #tpu.memory_space<hbm>>
          tpu.wait_dma2 semaphore(%run_scoped3A : memref<!tpu.dma_semaphore, #tpu.memory_space<semaphore_mem>>) src(%dma_wait3A_81 : memref<128xi32, #tpu.memory_space<hbm>>) dst(%arg8 : memref<128xi32, #tpu.memory_space<vmem>>)
          tpu.yield
        }) : () -> ()
        %dma_start3A_75 = arith.constant 0 : i32
        %dma_start3A_76 = arith.constant 0 : i32
        %dma_start3A_77 = tpu.memref_slice %arg2[%dma_start3A_75, %dma_start3A_76] : memref<10240x128xf32, #tpu.memory_space<hbm>> -> memref<10240x128xf32, #tpu.memory_space<hbm>>
        tpu.enqueue_indirect_dma source(%dma_start3A_77 : memref<10240x128xf32, #tpu.memory_space<hbm>>) target(%arg10 : memref<128x128xf32, #tpu.memory_space<vmem>>) offsets(%arg6 : memref<128xi32, #tpu.memory_space<vmem>>) semaphore(%arg13 : memref<!tpu.dma_semaphore, #tpu.memory_space<semaphore_mem>>)
      } else {
      }
      "tpu.region"() ({
        %run_scoped3A = tpu.sem_alloc : memref<!tpu.dma_semaphore, #tpu.memory_space<semaphore_mem>>
        %dma_start3A_68 = arith.constant 0 : i32
        %dma_start3A_69 = arith.constant 0 : i32
        %dma_start3A_70 = tpu.memref_slice %arg12[%dma_start3A_68, %dma_start3A_69] : memref<10240x128xf32, #tpu.memory_space<vmem_shared>> -> memref<10240x128xf32, #tpu.memory_space<vmem_shared>>
        tpu.enqueue_indirect_dma source(%arg11 : memref<128x128xf32, #tpu.memory_space<vmem>>) target(%dma_start3A_70 : memref<10240x128xf32, #tpu.memory_space<vmem_shared>>) offsets(%arg9 : memref<128xi32, #tpu.memory_space<vmem>>) semaphore(%run_scoped3A : memref<!tpu.dma_semaphore, #tpu.memory_space<semaphore_mem>>) {add = true}
        %dma_wait3A_71 = arith.constant 0 : i32
        %dma_wait3A_72 = arith.constant 0 : i32
        %dma_wait3A_73 = tpu.memref_slice %arg12[%dma_wait3A_71, %dma_wait3A_72] : memref<10240x128xf32, #tpu.memory_space<vmem_shared>> -> memref<10240x128xf32, #tpu.memory_space<vmem_shared>>
        tpu.wait_indirect_dma semaphore(%run_scoped3A : memref<!tpu.dma_semaphore, #tpu.memory_space<semaphore_mem>>) src(%arg11 : memref<128x128xf32, #tpu.memory_space<vmem>>) dst(%dma_wait3A_73 : memref<10240x128xf32, #tpu.memory_space<vmem_shared>>)
        tpu.yield
      }) : () -> ()
    }
    %scan3A_37 = arith.constant 41 : i32
    %barrier3A_38 = arith.constant 0 : index
    tpu.barrier barrier_id(%barrier3A_38)
    %mul3A_39 = arith.constant 640 : i32
    %mul3A_40 = arith.muli %arg1, %mul3A_39 : i32
    %mul3A_41 = arith.constant 10240 : i32
    %mul3A_42 = arith.muli %arg0, %mul3A_41 : i32
    %mul3A_43 = arith.constant 640 : i32
    %mul3A_44 = arith.muli %arg1, %mul3A_43 : i32
    %add3A_45 = arith.addi %mul3A_42, %mul3A_44 : i32
    "tpu.region"() ({
      %run_scoped3A = tpu.sem_alloc : memref<!tpu.dma_semaphore, #tpu.memory_space<semaphore_mem>>
      %dma_start3A_46 = arith.constant 0 : i32
      %dma_start3A_47 = tpu.memref_slice %arg5[%add3A_45, %dma_start3A_46] : memref<20480x128xf32, #tpu.memory_space<hbm>> -> memref<640x128xf32, #tpu.memory_space<hbm>>
      %dma_start3A_48 = arith.constant 0 : i32
      %dma_start3A_49 = tpu.memref_slice %arg12[%mul3A_40, %dma_start3A_48] : memref<10240x128xf32, #tpu.memory_space<vmem_shared>> -> memref<640x128xf32, #tpu.memory_space<vmem_shared>>
      tpu.enqueue_dma source(%dma_start3A_49 : memref<640x128xf32, #tpu.memory_space<vmem_shared>>) target(%dma_start3A_47 : memref<640x128xf32, #tpu.memory_space<hbm>>) target_semaphore(%run_scoped3A : memref<!tpu.dma_semaphore, #tpu.memory_space<semaphore_mem>>)
      %dma_wait3A = arith.constant 0 : i32
      %dma_wait3A_50 = tpu.memref_slice %arg5[%add3A_45, %dma_wait3A] : memref<20480x128xf32, #tpu.memory_space<hbm>> -> memref<640x128xf32, #tpu.memory_space<hbm>>
      %dma_wait3A_51 = arith.constant 0 : i32
      %dma_wait3A_52 = tpu.memref_slice %arg12[%mul3A_40, %dma_wait3A_51] : memref<10240x128xf32, #tpu.memory_space<vmem_shared>> -> memref<640x128xf32, #tpu.memory_space<vmem_shared>>
      tpu.wait_dma2 semaphore(%run_scoped3A : memref<!tpu.dma_semaphore, #tpu.memory_space<semaphore_mem>>) src(%dma_wait3A_52 : memref<640x128xf32, #tpu.memory_space<vmem_shared>>) dst(%dma_wait3A_50 : memref<640x128xf32, #tpu.memory_space<hbm>>)
      tpu.yield
    }) : () -> ()
    return
  }
}

#map = affine_map<(d0, d1) -> (0, 0)>
#map1 = affine_map<(d0, d1) -> (0)>
module attributes {stable_mosaic.version = 14 : i64} {
  func.func @_sc_edge_gather_body(%arg0: i32, %arg1: i32, %arg2: memref<10240x128xf32, #tpu.memory_space<hbm>>, %arg3: memref<81920xi32, #tpu.memory_space<hbm>>, %arg4: memref<81920xi32, #tpu.memory_space<hbm>>, %arg5: memref<81920x128xf32, #tpu.memory_space<hbm>>, %arg6: memref<81920x128xf32, #tpu.memory_space<hbm>>, %arg7: memref<128xi32, #tpu.memory_space<vmem>>, %arg8: memref<128xi32, #tpu.memory_space<vmem>>, %arg9: memref<128xi32, #tpu.memory_space<vmem>>, %arg10: memref<128xi32, #tpu.memory_space<vmem>>, %arg11: memref<128x128xf32, #tpu.memory_space<vmem>>, %arg12: memref<128x128xf32, #tpu.memory_space<vmem>>, %arg13: memref<128x128xf32, #tpu.memory_space<vmem>>, %arg14: memref<128x128xf32, #tpu.memory_space<vmem>>, %arg15: memref<!tpu.dma_semaphore, #tpu.memory_space<semaphore_mem>>, %arg16: memref<!tpu.dma_semaphore, #tpu.memory_space<semaphore_mem>>, %arg17: memref<!tpu.dma_semaphore, #tpu.memory_space<semaphore_mem>>, %arg18: memref<!tpu.dma_semaphore, #tpu.memory_space<semaphore_mem>>) attributes {dimension_semantics = [#tpu.dimension_semantics<core_parallel>, #tpu.dimension_semantics<subcore_parallel>], iteration_bounds = array<i64: 2, 16>, scalar_prefetch = 0 : i64, scratch_operands = 12 : i64, tpu.core_type = #tpu.core_type<sc_vector_subcore>, window_params = [{transform_indices = #map}, {transform_indices = #map1}, {transform_indices = #map1}, {transform_indices = #map}, {transform_indices = #map}]} {
    %mul3A = arith.constant 16 : i32
    %mul3A_0 = arith.muli %arg0, %mul3A : i32
    %add3A = arith.addi %mul3A_0, %arg1 : i32
    %mul3A_1 = arith.constant 2560 : i32
    %mul3A_2 = arith.muli %add3A, %mul3A_1 : i32
    %add3A_3 = arith.constant 0 : i32
    %add3A_4 = arith.addi %mul3A_2, %add3A_3 : i32
    "tpu.region"() ({
      %run_scoped3A = tpu.sem_alloc : memref<!tpu.dma_semaphore, #tpu.memory_space<semaphore_mem>>
      %dma_start3A_15 = tpu.memref_slice %arg3[%add3A_4] : memref<81920xi32, #tpu.memory_space<hbm>> -> memref<128xi32, #tpu.memory_space<hbm>>
      %dma_start3A_16 = tpu.memref_slice %arg3[%add3A_4] : memref<81920xi32, #tpu.memory_space<hbm>> -> memref<128xi32, #tpu.memory_space<hbm>>
      tpu.enqueue_dma source(%dma_start3A_16 : memref<128xi32, #tpu.memory_space<hbm>>) target(%arg7 : memref<128xi32, #tpu.memory_space<vmem>>) target_semaphore(%run_scoped3A : memref<!tpu.dma_semaphore, #tpu.memory_space<semaphore_mem>>)
      %dma_wait3A = tpu.memref_slice %arg3[%add3A_4] : memref<81920xi32, #tpu.memory_space<hbm>> -> memref<128xi32, #tpu.memory_space<hbm>>
      %dma_wait3A_17 = tpu.memref_slice %arg3[%add3A_4] : memref<81920xi32, #tpu.memory_space<hbm>> -> memref<128xi32, #tpu.memory_space<hbm>>
      tpu.wait_dma2 semaphore(%run_scoped3A : memref<!tpu.dma_semaphore, #tpu.memory_space<semaphore_mem>>) src(%dma_wait3A_17 : memref<128xi32, #tpu.memory_space<hbm>>) dst(%arg7 : memref<128xi32, #tpu.memory_space<vmem>>)
      tpu.yield
    }) : () -> ()
    "tpu.region"() ({
      %run_scoped3A = tpu.sem_alloc : memref<!tpu.dma_semaphore, #tpu.memory_space<semaphore_mem>>
      %dma_start3A_15 = tpu.memref_slice %arg4[%add3A_4] : memref<81920xi32, #tpu.memory_space<hbm>> -> memref<128xi32, #tpu.memory_space<hbm>>
      %dma_start3A_16 = tpu.memref_slice %arg4[%add3A_4] : memref<81920xi32, #tpu.memory_space<hbm>> -> memref<128xi32, #tpu.memory_space<hbm>>
      tpu.enqueue_dma source(%dma_start3A_16 : memref<128xi32, #tpu.memory_space<hbm>>) target(%arg9 : memref<128xi32, #tpu.memory_space<vmem>>) target_semaphore(%run_scoped3A : memref<!tpu.dma_semaphore, #tpu.memory_space<semaphore_mem>>)
      %dma_wait3A = tpu.memref_slice %arg4[%add3A_4] : memref<81920xi32, #tpu.memory_space<hbm>> -> memref<128xi32, #tpu.memory_space<hbm>>
      %dma_wait3A_17 = tpu.memref_slice %arg4[%add3A_4] : memref<81920xi32, #tpu.memory_space<hbm>> -> memref<128xi32, #tpu.memory_space<hbm>>
      tpu.wait_dma2 semaphore(%run_scoped3A : memref<!tpu.dma_semaphore, #tpu.memory_space<semaphore_mem>>) src(%dma_wait3A_17 : memref<128xi32, #tpu.memory_space<hbm>>) dst(%arg9 : memref<128xi32, #tpu.memory_space<vmem>>)
      tpu.yield
    }) : () -> ()
    %dma_start3A = arith.constant 0 : i32
    %dma_start3A_5 = arith.constant 0 : i32
    %dma_start3A_6 = tpu.memref_slice %arg2[%dma_start3A, %dma_start3A_5] : memref<10240x128xf32, #tpu.memory_space<hbm>> -> memref<10240x128xf32, #tpu.memory_space<hbm>>
    tpu.enqueue_indirect_dma source(%dma_start3A_6 : memref<10240x128xf32, #tpu.memory_space<hbm>>) target(%arg11 : memref<128x128xf32, #tpu.memory_space<vmem>>) offsets(%arg7 : memref<128xi32, #tpu.memory_space<vmem>>) semaphore(%arg15 : memref<!tpu.dma_semaphore, #tpu.memory_space<semaphore_mem>>)
    %dma_start3A_7 = arith.constant 0 : i32
    %dma_start3A_8 = arith.constant 0 : i32
    %dma_start3A_9 = tpu.memref_slice %arg2[%dma_start3A_7, %dma_start3A_8] : memref<10240x128xf32, #tpu.memory_space<hbm>> -> memref<10240x128xf32, #tpu.memory_space<hbm>>
    tpu.enqueue_indirect_dma source(%dma_start3A_9 : memref<10240x128xf32, #tpu.memory_space<hbm>>) target(%arg13 : memref<128x128xf32, #tpu.memory_space<vmem>>) offsets(%arg9 : memref<128xi32, #tpu.memory_space<vmem>>) semaphore(%arg17 : memref<!tpu.dma_semaphore, #tpu.memory_space<semaphore_mem>>)
    %scan3A = arith.constant 0 : i32
    %scan3A_10 = arith.constant 0 : i32
    %scan3A_11 = arith.constant 10 : i32
    %scan3A_12 = arith.addi %scan3A_10, %scan3A_11 : i32
    %scan3A_13 = arith.constant 1 : i32
    scf.for %scan3A_15 = %scan3A_10 to %scan3A_12 step %scan3A_13  : i32 {
      %mul3A_16 = arith.constant 2 : i32
      %mul3A_17 = arith.muli %mul3A_16, %scan3A_15 : i32
      %dma_wait3A = arith.constant 0 : i32
      %dma_wait3A_18 = arith.constant 0 : i32
      %dma_wait3A_19 = tpu.memref_slice %arg2[%dma_wait3A, %dma_wait3A_18] : memref<10240x128xf32, #tpu.memory_space<hbm>> -> memref<10240x128xf32, #tpu.memory_space<hbm>>
      tpu.wait_indirect_dma semaphore(%arg15 : memref<!tpu.dma_semaphore, #tpu.memory_space<semaphore_mem>>) src(%dma_wait3A_19 : memref<10240x128xf32, #tpu.memory_space<hbm>>) dst(%arg11 : memref<128x128xf32, #tpu.memory_space<vmem>>)
      %dma_wait3A_20 = arith.constant 0 : i32
      %dma_wait3A_21 = arith.constant 0 : i32
      %dma_wait3A_22 = tpu.memref_slice %arg2[%dma_wait3A_20, %dma_wait3A_21] : memref<10240x128xf32, #tpu.memory_space<hbm>> -> memref<10240x128xf32, #tpu.memory_space<hbm>>
      tpu.wait_indirect_dma semaphore(%arg17 : memref<!tpu.dma_semaphore, #tpu.memory_space<semaphore_mem>>) src(%dma_wait3A_22 : memref<10240x128xf32, #tpu.memory_space<hbm>>) dst(%arg13 : memref<128x128xf32, #tpu.memory_space<vmem>>)
      %add3A_23 = arith.constant 1 : i32
      %add3A_24 = arith.addi %mul3A_17, %add3A_23 : i32
      %mul3A_25 = arith.constant 2560 : i32
      %mul3A_26 = arith.muli %add3A, %mul3A_25 : i32
      %mul3A_27 = arith.constant 128 : i32
      %mul3A_28 = arith.muli %add3A_24, %mul3A_27 : i32
      %add3A_29 = arith.addi %mul3A_26, %mul3A_28 : i32
      "tpu.region"() ({
        %run_scoped3A = tpu.sem_alloc : memref<!tpu.dma_semaphore, #tpu.memory_space<semaphore_mem>>
        %dma_start3A_58 = tpu.memref_slice %arg3[%add3A_29] : memref<81920xi32, #tpu.memory_space<hbm>> -> memref<128xi32, #tpu.memory_space<hbm>>
        %dma_start3A_59 = tpu.memref_slice %arg3[%add3A_29] : memref<81920xi32, #tpu.memory_space<hbm>> -> memref<128xi32, #tpu.memory_space<hbm>>
        tpu.enqueue_dma source(%dma_start3A_59 : memref<128xi32, #tpu.memory_space<hbm>>) target(%arg8 : memref<128xi32, #tpu.memory_space<vmem>>) target_semaphore(%run_scoped3A : memref<!tpu.dma_semaphore, #tpu.memory_space<semaphore_mem>>)
        %dma_wait3A_60 = tpu.memref_slice %arg3[%add3A_29] : memref<81920xi32, #tpu.memory_space<hbm>> -> memref<128xi32, #tpu.memory_space<hbm>>
        %dma_wait3A_61 = tpu.memref_slice %arg3[%add3A_29] : memref<81920xi32, #tpu.memory_space<hbm>> -> memref<128xi32, #tpu.memory_space<hbm>>
        tpu.wait_dma2 semaphore(%run_scoped3A : memref<!tpu.dma_semaphore, #tpu.memory_space<semaphore_mem>>) src(%dma_wait3A_61 : memref<128xi32, #tpu.memory_space<hbm>>) dst(%arg8 : memref<128xi32, #tpu.memory_space<vmem>>)
        tpu.yield
      }) : () -> ()
      "tpu.region"() ({
        %run_scoped3A = tpu.sem_alloc : memref<!tpu.dma_semaphore, #tpu.memory_space<semaphore_mem>>
        %dma_start3A_58 = tpu.memref_slice %arg4[%add3A_29] : memref<81920xi32, #tpu.memory_space<hbm>> -> memref<128xi32, #tpu.memory_space<hbm>>
        %dma_start3A_59 = tpu.memref_slice %arg4[%add3A_29] : memref<81920xi32, #tpu.memory_space<hbm>> -> memref<128xi32, #tpu.memory_space<hbm>>
        tpu.enqueue_dma source(%dma_start3A_59 : memref<128xi32, #tpu.memory_space<hbm>>) target(%arg10 : memref<128xi32, #tpu.memory_space<vmem>>) target_semaphore(%run_scoped3A : memref<!tpu.dma_semaphore, #tpu.memory_space<semaphore_mem>>)
        %dma_wait3A_60 = tpu.memref_slice %arg4[%add3A_29] : memref<81920xi32, #tpu.memory_space<hbm>> -> memref<128xi32, #tpu.memory_space<hbm>>
        %dma_wait3A_61 = tpu.memref_slice %arg4[%add3A_29] : memref<81920xi32, #tpu.memory_space<hbm>> -> memref<128xi32, #tpu.memory_space<hbm>>
        tpu.wait_dma2 semaphore(%run_scoped3A : memref<!tpu.dma_semaphore, #tpu.memory_space<semaphore_mem>>) src(%dma_wait3A_61 : memref<128xi32, #tpu.memory_space<hbm>>) dst(%arg10 : memref<128xi32, #tpu.memory_space<vmem>>)
        tpu.yield
      }) : () -> ()
      %dma_start3A_30 = arith.constant 0 : i32
      %dma_start3A_31 = arith.constant 0 : i32
      %dma_start3A_32 = tpu.memref_slice %arg2[%dma_start3A_30, %dma_start3A_31] : memref<10240x128xf32, #tpu.memory_space<hbm>> -> memref<10240x128xf32, #tpu.memory_space<hbm>>
      tpu.enqueue_indirect_dma source(%dma_start3A_32 : memref<10240x128xf32, #tpu.memory_space<hbm>>) target(%arg12 : memref<128x128xf32, #tpu.memory_space<vmem>>) offsets(%arg8 : memref<128xi32, #tpu.memory_space<vmem>>) semaphore(%arg16 : memref<!tpu.dma_semaphore, #tpu.memory_space<semaphore_mem>>)
      %dma_start3A_33 = arith.constant 0 : i32
      %dma_start3A_34 = arith.constant 0 : i32
      %dma_start3A_35 = tpu.memref_slice %arg2[%dma_start3A_33, %dma_start3A_34] : memref<10240x128xf32, #tpu.memory_space<hbm>> -> memref<10240x128xf32, #tpu.memory_space<hbm>>
      tpu.enqueue_indirect_dma source(%dma_start3A_35 : memref<10240x128xf32, #tpu.memory_space<hbm>>) target(%arg14 : memref<128x128xf32, #tpu.memory_space<vmem>>) offsets(%arg10 : memref<128xi32, #tpu.memory_space<vmem>>) semaphore(%arg18 : memref<!tpu.dma_semaphore, #tpu.memory_space<semaphore_mem>>)
      %mul3A_36 = arith.constant 2560 : i32
      %mul3A_37 = arith.muli %add3A, %mul3A_36 : i32
      %mul3A_38 = arith.constant 128 : i32
      %mul3A_39 = arith.muli %mul3A_17, %mul3A_38 : i32
      %add3A_40 = arith.addi %mul3A_37, %mul3A_39 : i32
      "tpu.region"() ({
        %run_scoped3A = tpu.sem_alloc : memref<!tpu.dma_semaphore, #tpu.memory_space<semaphore_mem>>
        %dma_start3A_58 = arith.constant 0 : i32
        %dma_start3A_59 = tpu.memref_slice %arg5[%add3A_40, %dma_start3A_58] : memref<81920x128xf32, #tpu.memory_space<hbm>> -> memref<128x128xf32, #tpu.memory_space<hbm>>
        %dma_start3A_60 = arith.constant 0 : i32
        %dma_start3A_61 = tpu.memref_slice %arg5[%add3A_40, %dma_start3A_60] : memref<81920x128xf32, #tpu.memory_space<hbm>> -> memref<128x128xf32, #tpu.memory_space<hbm>>
        tpu.enqueue_dma source(%arg11 : memref<128x128xf32, #tpu.memory_space<vmem>>) target(%dma_start3A_61 : memref<128x128xf32, #tpu.memory_space<hbm>>) target_semaphore(%run_scoped3A : memref<!tpu.dma_semaphore, #tpu.memory_space<semaphore_mem>>)
        %dma_wait3A_62 = arith.constant 0 : i32
        %dma_wait3A_63 = tpu.memref_slice %arg5[%add3A_40, %dma_wait3A_62] : memref<81920x128xf32, #tpu.memory_space<hbm>> -> memref<128x128xf32, #tpu.memory_space<hbm>>
        %dma_wait3A_64 = arith.constant 0 : i32
        %dma_wait3A_65 = tpu.memref_slice %arg5[%add3A_40, %dma_wait3A_64] : memref<81920x128xf32, #tpu.memory_space<hbm>> -> memref<128x128xf32, #tpu.memory_space<hbm>>
        tpu.wait_dma2 semaphore(%run_scoped3A : memref<!tpu.dma_semaphore, #tpu.memory_space<semaphore_mem>>) src(%arg11 : memref<128x128xf32, #tpu.memory_space<vmem>>) dst(%dma_wait3A_65 : memref<128x128xf32, #tpu.memory_space<hbm>>)
        tpu.yield
      }) : () -> ()
      "tpu.region"() ({
        %run_scoped3A = tpu.sem_alloc : memref<!tpu.dma_semaphore, #tpu.memory_space<semaphore_mem>>
        %dma_start3A_58 = arith.constant 0 : i32
        %dma_start3A_59 = tpu.memref_slice %arg6[%add3A_40, %dma_start3A_58] : memref<81920x128xf32, #tpu.memory_space<hbm>> -> memref<128x128xf32, #tpu.memory_space<hbm>>
        %dma_start3A_60 = arith.constant 0 : i32
        %dma_start3A_61 = tpu.memref_slice %arg6[%add3A_40, %dma_start3A_60] : memref<81920x128xf32, #tpu.memory_space<hbm>> -> memref<128x128xf32, #tpu.memory_space<hbm>>
        tpu.enqueue_dma source(%arg13 : memref<128x128xf32, #tpu.memory_space<vmem>>) target(%dma_start3A_61 : memref<128x128xf32, #tpu.memory_space<hbm>>) target_semaphore(%run_scoped3A : memref<!tpu.dma_semaphore, #tpu.memory_space<semaphore_mem>>)
        %dma_wait3A_62 = arith.constant 0 : i32
        %dma_wait3A_63 = tpu.memref_slice %arg6[%add3A_40, %dma_wait3A_62] : memref<81920x128xf32, #tpu.memory_space<hbm>> -> memref<128x128xf32, #tpu.memory_space<hbm>>
        %dma_wait3A_64 = arith.constant 0 : i32
        %dma_wait3A_65 = tpu.memref_slice %arg6[%add3A_40, %dma_wait3A_64] : memref<81920x128xf32, #tpu.memory_space<hbm>> -> memref<128x128xf32, #tpu.memory_space<hbm>>
        tpu.wait_dma2 semaphore(%run_scoped3A : memref<!tpu.dma_semaphore, #tpu.memory_space<semaphore_mem>>) src(%arg13 : memref<128x128xf32, #tpu.memory_space<vmem>>) dst(%dma_wait3A_65 : memref<128x128xf32, #tpu.memory_space<hbm>>)
        tpu.yield
      }) : () -> ()
      %dma_wait3A_41 = arith.constant 0 : i32
      %dma_wait3A_42 = arith.constant 0 : i32
      %dma_wait3A_43 = tpu.memref_slice %arg2[%dma_wait3A_41, %dma_wait3A_42] : memref<10240x128xf32, #tpu.memory_space<hbm>> -> memref<10240x128xf32, #tpu.memory_space<hbm>>
      tpu.wait_indirect_dma semaphore(%arg16 : memref<!tpu.dma_semaphore, #tpu.memory_space<semaphore_mem>>) src(%dma_wait3A_43 : memref<10240x128xf32, #tpu.memory_space<hbm>>) dst(%arg12 : memref<128x128xf32, #tpu.memory_space<vmem>>)
      %dma_wait3A_44 = arith.constant 0 : i32
      %dma_wait3A_45 = arith.constant 0 : i32
      %dma_wait3A_46 = tpu.memref_slice %arg2[%dma_wait3A_44, %dma_wait3A_45] : memref<10240x128xf32, #tpu.memory_space<hbm>> -> memref<10240x128xf32, #tpu.memory_space<hbm>>
      tpu.wait_indirect_dma semaphore(%arg18 : memref<!tpu.dma_semaphore, #tpu.memory_space<semaphore_mem>>) src(%dma_wait3A_46 : memref<10240x128xf32, #tpu.memory_space<hbm>>) dst(%arg14 : memref<128x128xf32, #tpu.memory_space<vmem>>)
      %add3A_47 = arith.constant 2 : i32
      %add3A_48 = arith.addi %mul3A_17, %add3A_47 : i32
      %lt3A = arith.constant 20 : i32
      %lt3A_49 = arith.cmpi slt, %add3A_48, %lt3A : i32
      %convert_element_type3A = arith.extui %lt3A_49 : i1 to i32
      %cond3A = arith.constant 0 : i32
      %cond3A_50 = arith.cmpi ne, %convert_element_type3A, %cond3A : i32
      scf.if %cond3A_50 {
        %add3A_58 = arith.constant 2 : i32
        %add3A_59 = arith.addi %mul3A_17, %add3A_58 : i32
        %mul3A_60 = arith.constant 2560 : i32
        %mul3A_61 = arith.muli %add3A, %mul3A_60 : i32
        %mul3A_62 = arith.constant 128 : i32
        %mul3A_63 = arith.muli %add3A_59, %mul3A_62 : i32
        %add3A_64 = arith.addi %mul3A_61, %mul3A_63 : i32
        "tpu.region"() ({
          %run_scoped3A = tpu.sem_alloc : memref<!tpu.dma_semaphore, #tpu.memory_space<semaphore_mem>>
          %dma_start3A_71 = tpu.memref_slice %arg3[%add3A_64] : memref<81920xi32, #tpu.memory_space<hbm>> -> memref<128xi32, #tpu.memory_space<hbm>>
          %dma_start3A_72 = tpu.memref_slice %arg3[%add3A_64] : memref<81920xi32, #tpu.memory_space<hbm>> -> memref<128xi32, #tpu.memory_space<hbm>>
          tpu.enqueue_dma source(%dma_start3A_72 : memref<128xi32, #tpu.memory_space<hbm>>) target(%arg7 : memref<128xi32, #tpu.memory_space<vmem>>) target_semaphore(%run_scoped3A : memref<!tpu.dma_semaphore, #tpu.memory_space<semaphore_mem>>)
          %dma_wait3A_73 = tpu.memref_slice %arg3[%add3A_64] : memref<81920xi32, #tpu.memory_space<hbm>> -> memref<128xi32, #tpu.memory_space<hbm>>
          %dma_wait3A_74 = tpu.memref_slice %arg3[%add3A_64] : memref<81920xi32, #tpu.memory_space<hbm>> -> memref<128xi32, #tpu.memory_space<hbm>>
          tpu.wait_dma2 semaphore(%run_scoped3A : memref<!tpu.dma_semaphore, #tpu.memory_space<semaphore_mem>>) src(%dma_wait3A_74 : memref<128xi32, #tpu.memory_space<hbm>>) dst(%arg7 : memref<128xi32, #tpu.memory_space<vmem>>)
          tpu.yield
        }) : () -> ()
        "tpu.region"() ({
          %run_scoped3A = tpu.sem_alloc : memref<!tpu.dma_semaphore, #tpu.memory_space<semaphore_mem>>
          %dma_start3A_71 = tpu.memref_slice %arg4[%add3A_64] : memref<81920xi32, #tpu.memory_space<hbm>> -> memref<128xi32, #tpu.memory_space<hbm>>
          %dma_start3A_72 = tpu.memref_slice %arg4[%add3A_64] : memref<81920xi32, #tpu.memory_space<hbm>> -> memref<128xi32, #tpu.memory_space<hbm>>
          tpu.enqueue_dma source(%dma_start3A_72 : memref<128xi32, #tpu.memory_space<hbm>>) target(%arg9 : memref<128xi32, #tpu.memory_space<vmem>>) target_semaphore(%run_scoped3A : memref<!tpu.dma_semaphore, #tpu.memory_space<semaphore_mem>>)
          %dma_wait3A_73 = tpu.memref_slice %arg4[%add3A_64] : memref<81920xi32, #tpu.memory_space<hbm>> -> memref<128xi32, #tpu.memory_space<hbm>>
          %dma_wait3A_74 = tpu.memref_slice %arg4[%add3A_64] : memref<81920xi32, #tpu.memory_space<hbm>> -> memref<128xi32, #tpu.memory_space<hbm>>
          tpu.wait_dma2 semaphore(%run_scoped3A : memref<!tpu.dma_semaphore, #tpu.memory_space<semaphore_mem>>) src(%dma_wait3A_74 : memref<128xi32, #tpu.memory_space<hbm>>) dst(%arg9 : memref<128xi32, #tpu.memory_space<vmem>>)
          tpu.yield
        }) : () -> ()
        %dma_start3A_65 = arith.constant 0 : i32
        %dma_start3A_66 = arith.constant 0 : i32
        %dma_start3A_67 = tpu.memref_slice %arg2[%dma_start3A_65, %dma_start3A_66] : memref<10240x128xf32, #tpu.memory_space<hbm>> -> memref<10240x128xf32, #tpu.memory_space<hbm>>
        tpu.enqueue_indirect_dma source(%dma_start3A_67 : memref<10240x128xf32, #tpu.memory_space<hbm>>) target(%arg11 : memref<128x128xf32, #tpu.memory_space<vmem>>) offsets(%arg7 : memref<128xi32, #tpu.memory_space<vmem>>) semaphore(%arg15 : memref<!tpu.dma_semaphore, #tpu.memory_space<semaphore_mem>>)
        %dma_start3A_68 = arith.constant 0 : i32
        %dma_start3A_69 = arith.constant 0 : i32
        %dma_start3A_70 = tpu.memref_slice %arg2[%dma_start3A_68, %dma_start3A_69] : memref<10240x128xf32, #tpu.memory_space<hbm>> -> memref<10240x128xf32, #tpu.memory_space<hbm>>
        tpu.enqueue_indirect_dma source(%dma_start3A_70 : memref<10240x128xf32, #tpu.memory_space<hbm>>) target(%arg13 : memref<128x128xf32, #tpu.memory_space<vmem>>) offsets(%arg9 : memref<128xi32, #tpu.memory_space<vmem>>) semaphore(%arg17 : memref<!tpu.dma_semaphore, #tpu.memory_space<semaphore_mem>>)
      } else {
      }
      %add3A_51 = arith.constant 1 : i32
      %add3A_52 = arith.addi %mul3A_17, %add3A_51 : i32
      %mul3A_53 = arith.constant 2560 : i32
      %mul3A_54 = arith.muli %add3A, %mul3A_53 : i32
      %mul3A_55 = arith.constant 128 : i32
      %mul3A_56 = arith.muli %add3A_52, %mul3A_55 : i32
      %add3A_57 = arith.addi %mul3A_54, %mul3A_56 : i32
      "tpu.region"() ({
        %run_scoped3A = tpu.sem_alloc : memref<!tpu.dma_semaphore, #tpu.memory_space<semaphore_mem>>
        %dma_start3A_58 = arith.constant 0 : i32
        %dma_start3A_59 = tpu.memref_slice %arg5[%add3A_57, %dma_start3A_58] : memref<81920x128xf32, #tpu.memory_space<hbm>> -> memref<128x128xf32, #tpu.memory_space<hbm>>
        %dma_start3A_60 = arith.constant 0 : i32
        %dma_start3A_61 = tpu.memref_slice %arg5[%add3A_57, %dma_start3A_60] : memref<81920x128xf32, #tpu.memory_space<hbm>> -> memref<128x128xf32, #tpu.memory_space<hbm>>
        tpu.enqueue_dma source(%arg12 : memref<128x128xf32, #tpu.memory_space<vmem>>) target(%dma_start3A_61 : memref<128x128xf32, #tpu.memory_space<hbm>>) target_semaphore(%run_scoped3A : memref<!tpu.dma_semaphore, #tpu.memory_space<semaphore_mem>>)
        %dma_wait3A_62 = arith.constant 0 : i32
        %dma_wait3A_63 = tpu.memref_slice %arg5[%add3A_57, %dma_wait3A_62] : memref<81920x128xf32, #tpu.memory_space<hbm>> -> memref<128x128xf32, #tpu.memory_space<hbm>>
        %dma_wait3A_64 = arith.constant 0 : i32
        %dma_wait3A_65 = tpu.memref_slice %arg5[%add3A_57, %dma_wait3A_64] : memref<81920x128xf32, #tpu.memory_space<hbm>> -> memref<128x128xf32, #tpu.memory_space<hbm>>
        tpu.wait_dma2 semaphore(%run_scoped3A : memref<!tpu.dma_semaphore, #tpu.memory_space<semaphore_mem>>) src(%arg12 : memref<128x128xf32, #tpu.memory_space<vmem>>) dst(%dma_wait3A_65 : memref<128x128xf32, #tpu.memory_space<hbm>>)
        tpu.yield
      }) : () -> ()
      "tpu.region"() ({
        %run_scoped3A = tpu.sem_alloc : memref<!tpu.dma_semaphore, #tpu.memory_space<semaphore_mem>>
        %dma_start3A_58 = arith.constant 0 : i32
        %dma_start3A_59 = tpu.memref_slice %arg6[%add3A_57, %dma_start3A_58] : memref<81920x128xf32, #tpu.memory_space<hbm>> -> memref<128x128xf32, #tpu.memory_space<hbm>>
        %dma_start3A_60 = arith.constant 0 : i32
        %dma_start3A_61 = tpu.memref_slice %arg6[%add3A_57, %dma_start3A_60] : memref<81920x128xf32, #tpu.memory_space<hbm>> -> memref<128x128xf32, #tpu.memory_space<hbm>>
        tpu.enqueue_dma source(%arg14 : memref<128x128xf32, #tpu.memory_space<vmem>>) target(%dma_start3A_61 : memref<128x128xf32, #tpu.memory_space<hbm>>) target_semaphore(%run_scoped3A : memref<!tpu.dma_semaphore, #tpu.memory_space<semaphore_mem>>)
        %dma_wait3A_62 = arith.constant 0 : i32
        %dma_wait3A_63 = tpu.memref_slice %arg6[%add3A_57, %dma_wait3A_62] : memref<81920x128xf32, #tpu.memory_space<hbm>> -> memref<128x128xf32, #tpu.memory_space<hbm>>
        %dma_wait3A_64 = arith.constant 0 : i32
        %dma_wait3A_65 = tpu.memref_slice %arg6[%add3A_57, %dma_wait3A_64] : memref<81920x128xf32, #tpu.memory_space<hbm>> -> memref<128x128xf32, #tpu.memory_space<hbm>>
        tpu.wait_dma2 semaphore(%run_scoped3A : memref<!tpu.dma_semaphore, #tpu.memory_space<semaphore_mem>>) src(%arg14 : memref<128x128xf32, #tpu.memory_space<vmem>>) dst(%dma_wait3A_65 : memref<128x128xf32, #tpu.memory_space<hbm>>)
        tpu.yield
      }) : () -> ()
    }
    %scan3A_14 = arith.constant 10 : i32
    return
  }
}

#map = affine_map<(d0, d1) -> (0, 0)>
#map1 = affine_map<(d0, d1) -> (0)>
module attributes {stable_mosaic.version = 14 : i64} {
  func.func @_sc_edge_gather_body(%arg0: i32, %arg1: i32, %arg2: memref<10240x128xf32, #tpu.memory_space<hbm>>, %arg3: memref<81920xi32, #tpu.memory_space<hbm>>, %arg4: memref<81920xi32, #tpu.memory_space<hbm>>, %arg5: memref<81920x128xf32, #tpu.memory_space<hbm>>, %arg6: memref<81920x128xf32, #tpu.memory_space<hbm>>, %arg7: memref<128xi32, #tpu.memory_space<vmem>>, %arg8: memref<128xi32, #tpu.memory_space<vmem>>, %arg9: memref<128xi32, #tpu.memory_space<vmem>>, %arg10: memref<128xi32, #tpu.memory_space<vmem>>, %arg11: memref<128x128xf32, #tpu.memory_space<vmem>>, %arg12: memref<128x128xf32, #tpu.memory_space<vmem>>, %arg13: memref<128x128xf32, #tpu.memory_space<vmem>>, %arg14: memref<128x128xf32, #tpu.memory_space<vmem>>, %arg15: memref<!tpu.dma_semaphore, #tpu.memory_space<semaphore_mem>>, %arg16: memref<!tpu.dma_semaphore, #tpu.memory_space<semaphore_mem>>, %arg17: memref<!tpu.dma_semaphore, #tpu.memory_space<semaphore_mem>>, %arg18: memref<!tpu.dma_semaphore, #tpu.memory_space<semaphore_mem>>) attributes {dimension_semantics = [#tpu.dimension_semantics<core_parallel>, #tpu.dimension_semantics<subcore_parallel>], iteration_bounds = array<i64: 2, 16>, scalar_prefetch = 0 : i64, scratch_operands = 12 : i64, tpu.core_type = #tpu.core_type<sc_vector_subcore>, window_params = [{transform_indices = #map}, {transform_indices = #map1}, {transform_indices = #map1}, {transform_indices = #map}, {transform_indices = #map}]} {
    %mul3A = arith.constant 16 : i32
    %mul3A_0 = arith.muli %arg0, %mul3A : i32
    %add3A = arith.addi %mul3A_0, %arg1 : i32
    %mul3A_1 = arith.constant 2560 : i32
    %mul3A_2 = arith.muli %add3A, %mul3A_1 : i32
    %add3A_3 = arith.constant 0 : i32
    %add3A_4 = arith.addi %mul3A_2, %add3A_3 : i32
    "tpu.region"() ({
      %run_scoped3A = tpu.sem_alloc : memref<!tpu.dma_semaphore, #tpu.memory_space<semaphore_mem>>
      %dma_start3A_15 = tpu.memref_slice %arg3[%add3A_4] : memref<81920xi32, #tpu.memory_space<hbm>> -> memref<128xi32, #tpu.memory_space<hbm>>
      %dma_start3A_16 = tpu.memref_slice %arg3[%add3A_4] : memref<81920xi32, #tpu.memory_space<hbm>> -> memref<128xi32, #tpu.memory_space<hbm>>
      tpu.enqueue_dma source(%dma_start3A_16 : memref<128xi32, #tpu.memory_space<hbm>>) target(%arg7 : memref<128xi32, #tpu.memory_space<vmem>>) target_semaphore(%run_scoped3A : memref<!tpu.dma_semaphore, #tpu.memory_space<semaphore_mem>>)
      %dma_wait3A = tpu.memref_slice %arg3[%add3A_4] : memref<81920xi32, #tpu.memory_space<hbm>> -> memref<128xi32, #tpu.memory_space<hbm>>
      %dma_wait3A_17 = tpu.memref_slice %arg3[%add3A_4] : memref<81920xi32, #tpu.memory_space<hbm>> -> memref<128xi32, #tpu.memory_space<hbm>>
      tpu.wait_dma2 semaphore(%run_scoped3A : memref<!tpu.dma_semaphore, #tpu.memory_space<semaphore_mem>>) src(%dma_wait3A_17 : memref<128xi32, #tpu.memory_space<hbm>>) dst(%arg7 : memref<128xi32, #tpu.memory_space<vmem>>)
      tpu.yield
    }) : () -> ()
    "tpu.region"() ({
      %run_scoped3A = tpu.sem_alloc : memref<!tpu.dma_semaphore, #tpu.memory_space<semaphore_mem>>
      %dma_start3A_15 = tpu.memref_slice %arg4[%add3A_4] : memref<81920xi32, #tpu.memory_space<hbm>> -> memref<128xi32, #tpu.memory_space<hbm>>
      %dma_start3A_16 = tpu.memref_slice %arg4[%add3A_4] : memref<81920xi32, #tpu.memory_space<hbm>> -> memref<128xi32, #tpu.memory_space<hbm>>
      tpu.enqueue_dma source(%dma_start3A_16 : memref<128xi32, #tpu.memory_space<hbm>>) target(%arg9 : memref<128xi32, #tpu.memory_space<vmem>>) target_semaphore(%run_scoped3A : memref<!tpu.dma_semaphore, #tpu.memory_space<semaphore_mem>>)
      %dma_wait3A = tpu.memref_slice %arg4[%add3A_4] : memref<81920xi32, #tpu.memory_space<hbm>> -> memref<128xi32, #tpu.memory_space<hbm>>
      %dma_wait3A_17 = tpu.memref_slice %arg4[%add3A_4] : memref<81920xi32, #tpu.memory_space<hbm>> -> memref<128xi32, #tpu.memory_space<hbm>>
      tpu.wait_dma2 semaphore(%run_scoped3A : memref<!tpu.dma_semaphore, #tpu.memory_space<semaphore_mem>>) src(%dma_wait3A_17 : memref<128xi32, #tpu.memory_space<hbm>>) dst(%arg9 : memref<128xi32, #tpu.memory_space<vmem>>)
      tpu.yield
    }) : () -> ()
    %dma_start3A = arith.constant 0 : i32
    %dma_start3A_5 = arith.constant 0 : i32
    %dma_start3A_6 = tpu.memref_slice %arg2[%dma_start3A, %dma_start3A_5] : memref<10240x128xf32, #tpu.memory_space<hbm>> -> memref<10240x128xf32, #tpu.memory_space<hbm>>
    tpu.enqueue_indirect_dma source(%dma_start3A_6 : memref<10240x128xf32, #tpu.memory_space<hbm>>) target(%arg11 : memref<128x128xf32, #tpu.memory_space<vmem>>) offsets(%arg7 : memref<128xi32, #tpu.memory_space<vmem>>) semaphore(%arg15 : memref<!tpu.dma_semaphore, #tpu.memory_space<semaphore_mem>>)
    %dma_start3A_7 = arith.constant 0 : i32
    %dma_start3A_8 = arith.constant 0 : i32
    %dma_start3A_9 = tpu.memref_slice %arg2[%dma_start3A_7, %dma_start3A_8] : memref<10240x128xf32, #tpu.memory_space<hbm>> -> memref<10240x128xf32, #tpu.memory_space<hbm>>
    tpu.enqueue_indirect_dma source(%dma_start3A_9 : memref<10240x128xf32, #tpu.memory_space<hbm>>) target(%arg13 : memref<128x128xf32, #tpu.memory_space<vmem>>) offsets(%arg9 : memref<128xi32, #tpu.memory_space<vmem>>) semaphore(%arg17 : memref<!tpu.dma_semaphore, #tpu.memory_space<semaphore_mem>>)
    %scan3A = arith.constant 0 : i32
    %scan3A_10 = arith.constant 0 : i32
    %scan3A_11 = arith.constant 10 : i32
    %scan3A_12 = arith.addi %scan3A_10, %scan3A_11 : i32
    %scan3A_13 = arith.constant 1 : i32
    scf.for %scan3A_15 = %scan3A_10 to %scan3A_12 step %scan3A_13  : i32 {
      %mul3A_16 = arith.constant 2 : i32
      %mul3A_17 = arith.muli %mul3A_16, %scan3A_15 : i32
      %dma_wait3A = arith.constant 0 : i32
      %dma_wait3A_18 = arith.constant 0 : i32
      %dma_wait3A_19 = tpu.memref_slice %arg2[%dma_wait3A, %dma_wait3A_18] : memref<10240x128xf32, #tpu.memory_space<hbm>> -> memref<10240x128xf32, #tpu.memory_space<hbm>>
      tpu.wait_indirect_dma semaphore(%arg15 : memref<!tpu.dma_semaphore, #tpu.memory_space<semaphore_mem>>) src(%dma_wait3A_19 : memref<10240x128xf32, #tpu.memory_space<hbm>>) dst(%arg11 : memref<128x128xf32, #tpu.memory_space<vmem>>)
      %dma_wait3A_20 = arith.constant 0 : i32
      %dma_wait3A_21 = arith.constant 0 : i32
      %dma_wait3A_22 = tpu.memref_slice %arg2[%dma_wait3A_20, %dma_wait3A_21] : memref<10240x128xf32, #tpu.memory_space<hbm>> -> memref<10240x128xf32, #tpu.memory_space<hbm>>
      tpu.wait_indirect_dma semaphore(%arg17 : memref<!tpu.dma_semaphore, #tpu.memory_space<semaphore_mem>>) src(%dma_wait3A_22 : memref<10240x128xf32, #tpu.memory_space<hbm>>) dst(%arg13 : memref<128x128xf32, #tpu.memory_space<vmem>>)
      %add3A_23 = arith.constant 1 : i32
      %add3A_24 = arith.addi %mul3A_17, %add3A_23 : i32
      %mul3A_25 = arith.constant 2560 : i32
      %mul3A_26 = arith.muli %add3A, %mul3A_25 : i32
      %mul3A_27 = arith.constant 128 : i32
      %mul3A_28 = arith.muli %add3A_24, %mul3A_27 : i32
      %add3A_29 = arith.addi %mul3A_26, %mul3A_28 : i32
      "tpu.region"() ({
        %run_scoped3A = tpu.sem_alloc : memref<!tpu.dma_semaphore, #tpu.memory_space<semaphore_mem>>
        %dma_start3A_58 = tpu.memref_slice %arg3[%add3A_29] : memref<81920xi32, #tpu.memory_space<hbm>> -> memref<128xi32, #tpu.memory_space<hbm>>
        %dma_start3A_59 = tpu.memref_slice %arg3[%add3A_29] : memref<81920xi32, #tpu.memory_space<hbm>> -> memref<128xi32, #tpu.memory_space<hbm>>
        tpu.enqueue_dma source(%dma_start3A_59 : memref<128xi32, #tpu.memory_space<hbm>>) target(%arg8 : memref<128xi32, #tpu.memory_space<vmem>>) target_semaphore(%run_scoped3A : memref<!tpu.dma_semaphore, #tpu.memory_space<semaphore_mem>>)
        %dma_wait3A_60 = tpu.memref_slice %arg3[%add3A_29] : memref<81920xi32, #tpu.memory_space<hbm>> -> memref<128xi32, #tpu.memory_space<hbm>>
        %dma_wait3A_61 = tpu.memref_slice %arg3[%add3A_29] : memref<81920xi32, #tpu.memory_space<hbm>> -> memref<128xi32, #tpu.memory_space<hbm>>
        tpu.wait_dma2 semaphore(%run_scoped3A : memref<!tpu.dma_semaphore, #tpu.memory_space<semaphore_mem>>) src(%dma_wait3A_61 : memref<128xi32, #tpu.memory_space<hbm>>) dst(%arg8 : memref<128xi32, #tpu.memory_space<vmem>>)
        tpu.yield
      }) : () -> ()
      "tpu.region"() ({
        %run_scoped3A = tpu.sem_alloc : memref<!tpu.dma_semaphore, #tpu.memory_space<semaphore_mem>>
        %dma_start3A_58 = tpu.memref_slice %arg4[%add3A_29] : memref<81920xi32, #tpu.memory_space<hbm>> -> memref<128xi32, #tpu.memory_space<hbm>>
        %dma_start3A_59 = tpu.memref_slice %arg4[%add3A_29] : memref<81920xi32, #tpu.memory_space<hbm>> -> memref<128xi32, #tpu.memory_space<hbm>>
        tpu.enqueue_dma source(%dma_start3A_59 : memref<128xi32, #tpu.memory_space<hbm>>) target(%arg10 : memref<128xi32, #tpu.memory_space<vmem>>) target_semaphore(%run_scoped3A : memref<!tpu.dma_semaphore, #tpu.memory_space<semaphore_mem>>)
        %dma_wait3A_60 = tpu.memref_slice %arg4[%add3A_29] : memref<81920xi32, #tpu.memory_space<hbm>> -> memref<128xi32, #tpu.memory_space<hbm>>
        %dma_wait3A_61 = tpu.memref_slice %arg4[%add3A_29] : memref<81920xi32, #tpu.memory_space<hbm>> -> memref<128xi32, #tpu.memory_space<hbm>>
        tpu.wait_dma2 semaphore(%run_scoped3A : memref<!tpu.dma_semaphore, #tpu.memory_space<semaphore_mem>>) src(%dma_wait3A_61 : memref<128xi32, #tpu.memory_space<hbm>>) dst(%arg10 : memref<128xi32, #tpu.memory_space<vmem>>)
        tpu.yield
      }) : () -> ()
      %dma_start3A_30 = arith.constant 0 : i32
      %dma_start3A_31 = arith.constant 0 : i32
      %dma_start3A_32 = tpu.memref_slice %arg2[%dma_start3A_30, %dma_start3A_31] : memref<10240x128xf32, #tpu.memory_space<hbm>> -> memref<10240x128xf32, #tpu.memory_space<hbm>>
      tpu.enqueue_indirect_dma source(%dma_start3A_32 : memref<10240x128xf32, #tpu.memory_space<hbm>>) target(%arg12 : memref<128x128xf32, #tpu.memory_space<vmem>>) offsets(%arg8 : memref<128xi32, #tpu.memory_space<vmem>>) semaphore(%arg16 : memref<!tpu.dma_semaphore, #tpu.memory_space<semaphore_mem>>)
      %dma_start3A_33 = arith.constant 0 : i32
      %dma_start3A_34 = arith.constant 0 : i32
      %dma_start3A_35 = tpu.memref_slice %arg2[%dma_start3A_33, %dma_start3A_34] : memref<10240x128xf32, #tpu.memory_space<hbm>> -> memref<10240x128xf32, #tpu.memory_space<hbm>>
      tpu.enqueue_indirect_dma source(%dma_start3A_35 : memref<10240x128xf32, #tpu.memory_space<hbm>>) target(%arg14 : memref<128x128xf32, #tpu.memory_space<vmem>>) offsets(%arg10 : memref<128xi32, #tpu.memory_space<vmem>>) semaphore(%arg18 : memref<!tpu.dma_semaphore, #tpu.memory_space<semaphore_mem>>)
      %mul3A_36 = arith.constant 2560 : i32
      %mul3A_37 = arith.muli %add3A, %mul3A_36 : i32
      %mul3A_38 = arith.constant 128 : i32
      %mul3A_39 = arith.muli %mul3A_17, %mul3A_38 : i32
      %add3A_40 = arith.addi %mul3A_37, %mul3A_39 : i32
      "tpu.region"() ({
        %run_scoped3A = tpu.sem_alloc : memref<!tpu.dma_semaphore, #tpu.memory_space<semaphore_mem>>
        %dma_start3A_58 = arith.constant 0 : i32
        %dma_start3A_59 = tpu.memref_slice %arg5[%add3A_40, %dma_start3A_58] : memref<81920x128xf32, #tpu.memory_space<hbm>> -> memref<128x128xf32, #tpu.memory_space<hbm>>
        %dma_start3A_60 = arith.constant 0 : i32
        %dma_start3A_61 = tpu.memref_slice %arg5[%add3A_40, %dma_start3A_60] : memref<81920x128xf32, #tpu.memory_space<hbm>> -> memref<128x128xf32, #tpu.memory_space<hbm>>
        tpu.enqueue_dma source(%arg11 : memref<128x128xf32, #tpu.memory_space<vmem>>) target(%dma_start3A_61 : memref<128x128xf32, #tpu.memory_space<hbm>>) target_semaphore(%run_scoped3A : memref<!tpu.dma_semaphore, #tpu.memory_space<semaphore_mem>>)
        %dma_wait3A_62 = arith.constant 0 : i32
        %dma_wait3A_63 = tpu.memref_slice %arg5[%add3A_40, %dma_wait3A_62] : memref<81920x128xf32, #tpu.memory_space<hbm>> -> memref<128x128xf32, #tpu.memory_space<hbm>>
        %dma_wait3A_64 = arith.constant 0 : i32
        %dma_wait3A_65 = tpu.memref_slice %arg5[%add3A_40, %dma_wait3A_64] : memref<81920x128xf32, #tpu.memory_space<hbm>> -> memref<128x128xf32, #tpu.memory_space<hbm>>
        tpu.wait_dma2 semaphore(%run_scoped3A : memref<!tpu.dma_semaphore, #tpu.memory_space<semaphore_mem>>) src(%arg11 : memref<128x128xf32, #tpu.memory_space<vmem>>) dst(%dma_wait3A_65 : memref<128x128xf32, #tpu.memory_space<hbm>>)
        tpu.yield
      }) : () -> ()
      "tpu.region"() ({
        %run_scoped3A = tpu.sem_alloc : memref<!tpu.dma_semaphore, #tpu.memory_space<semaphore_mem>>
        %dma_start3A_58 = arith.constant 0 : i32
        %dma_start3A_59 = tpu.memref_slice %arg6[%add3A_40, %dma_start3A_58] : memref<81920x128xf32, #tpu.memory_space<hbm>> -> memref<128x128xf32, #tpu.memory_space<hbm>>
        %dma_start3A_60 = arith.constant 0 : i32
        %dma_start3A_61 = tpu.memref_slice %arg6[%add3A_40, %dma_start3A_60] : memref<81920x128xf32, #tpu.memory_space<hbm>> -> memref<128x128xf32, #tpu.memory_space<hbm>>
        tpu.enqueue_dma source(%arg13 : memref<128x128xf32, #tpu.memory_space<vmem>>) target(%dma_start3A_61 : memref<128x128xf32, #tpu.memory_space<hbm>>) target_semaphore(%run_scoped3A : memref<!tpu.dma_semaphore, #tpu.memory_space<semaphore_mem>>)
        %dma_wait3A_62 = arith.constant 0 : i32
        %dma_wait3A_63 = tpu.memref_slice %arg6[%add3A_40, %dma_wait3A_62] : memref<81920x128xf32, #tpu.memory_space<hbm>> -> memref<128x128xf32, #tpu.memory_space<hbm>>
        %dma_wait3A_64 = arith.constant 0 : i32
        %dma_wait3A_65 = tpu.memref_slice %arg6[%add3A_40, %dma_wait3A_64] : memref<81920x128xf32, #tpu.memory_space<hbm>> -> memref<128x128xf32, #tpu.memory_space<hbm>>
        tpu.wait_dma2 semaphore(%run_scoped3A : memref<!tpu.dma_semaphore, #tpu.memory_space<semaphore_mem>>) src(%arg13 : memref<128x128xf32, #tpu.memory_space<vmem>>) dst(%dma_wait3A_65 : memref<128x128xf32, #tpu.memory_space<hbm>>)
        tpu.yield
      }) : () -> ()
      %dma_wait3A_41 = arith.constant 0 : i32
      %dma_wait3A_42 = arith.constant 0 : i32
      %dma_wait3A_43 = tpu.memref_slice %arg2[%dma_wait3A_41, %dma_wait3A_42] : memref<10240x128xf32, #tpu.memory_space<hbm>> -> memref<10240x128xf32, #tpu.memory_space<hbm>>
      tpu.wait_indirect_dma semaphore(%arg16 : memref<!tpu.dma_semaphore, #tpu.memory_space<semaphore_mem>>) src(%dma_wait3A_43 : memref<10240x128xf32, #tpu.memory_space<hbm>>) dst(%arg12 : memref<128x128xf32, #tpu.memory_space<vmem>>)
      %dma_wait3A_44 = arith.constant 0 : i32
      %dma_wait3A_45 = arith.constant 0 : i32
      %dma_wait3A_46 = tpu.memref_slice %arg2[%dma_wait3A_44, %dma_wait3A_45] : memref<10240x128xf32, #tpu.memory_space<hbm>> -> memref<10240x128xf32, #tpu.memory_space<hbm>>
      tpu.wait_indirect_dma semaphore(%arg18 : memref<!tpu.dma_semaphore, #tpu.memory_space<semaphore_mem>>) src(%dma_wait3A_46 : memref<10240x128xf32, #tpu.memory_space<hbm>>) dst(%arg14 : memref<128x128xf32, #tpu.memory_space<vmem>>)
      %add3A_47 = arith.constant 2 : i32
      %add3A_48 = arith.addi %mul3A_17, %add3A_47 : i32
      %lt3A = arith.constant 20 : i32
      %lt3A_49 = arith.cmpi slt, %add3A_48, %lt3A : i32
      %convert_element_type3A = arith.extui %lt3A_49 : i1 to i32
      %cond3A = arith.constant 0 : i32
      %cond3A_50 = arith.cmpi ne, %convert_element_type3A, %cond3A : i32
      scf.if %cond3A_50 {
        %add3A_58 = arith.constant 2 : i32
        %add3A_59 = arith.addi %mul3A_17, %add3A_58 : i32
        %mul3A_60 = arith.constant 2560 : i32
        %mul3A_61 = arith.muli %add3A, %mul3A_60 : i32
        %mul3A_62 = arith.constant 128 : i32
        %mul3A_63 = arith.muli %add3A_59, %mul3A_62 : i32
        %add3A_64 = arith.addi %mul3A_61, %mul3A_63 : i32
        "tpu.region"() ({
          %run_scoped3A = tpu.sem_alloc : memref<!tpu.dma_semaphore, #tpu.memory_space<semaphore_mem>>
          %dma_start3A_71 = tpu.memref_slice %arg3[%add3A_64] : memref<81920xi32, #tpu.memory_space<hbm>> -> memref<128xi32, #tpu.memory_space<hbm>>
          %dma_start3A_72 = tpu.memref_slice %arg3[%add3A_64] : memref<81920xi32, #tpu.memory_space<hbm>> -> memref<128xi32, #tpu.memory_space<hbm>>
          tpu.enqueue_dma source(%dma_start3A_72 : memref<128xi32, #tpu.memory_space<hbm>>) target(%arg7 : memref<128xi32, #tpu.memory_space<vmem>>) target_semaphore(%run_scoped3A : memref<!tpu.dma_semaphore, #tpu.memory_space<semaphore_mem>>)
          %dma_wait3A_73 = tpu.memref_slice %arg3[%add3A_64] : memref<81920xi32, #tpu.memory_space<hbm>> -> memref<128xi32, #tpu.memory_space<hbm>>
          %dma_wait3A_74 = tpu.memref_slice %arg3[%add3A_64] : memref<81920xi32, #tpu.memory_space<hbm>> -> memref<128xi32, #tpu.memory_space<hbm>>
          tpu.wait_dma2 semaphore(%run_scoped3A : memref<!tpu.dma_semaphore, #tpu.memory_space<semaphore_mem>>) src(%dma_wait3A_74 : memref<128xi32, #tpu.memory_space<hbm>>) dst(%arg7 : memref<128xi32, #tpu.memory_space<vmem>>)
          tpu.yield
        }) : () -> ()
        "tpu.region"() ({
          %run_scoped3A = tpu.sem_alloc : memref<!tpu.dma_semaphore, #tpu.memory_space<semaphore_mem>>
          %dma_start3A_71 = tpu.memref_slice %arg4[%add3A_64] : memref<81920xi32, #tpu.memory_space<hbm>> -> memref<128xi32, #tpu.memory_space<hbm>>
          %dma_start3A_72 = tpu.memref_slice %arg4[%add3A_64] : memref<81920xi32, #tpu.memory_space<hbm>> -> memref<128xi32, #tpu.memory_space<hbm>>
          tpu.enqueue_dma source(%dma_start3A_72 : memref<128xi32, #tpu.memory_space<hbm>>) target(%arg9 : memref<128xi32, #tpu.memory_space<vmem>>) target_semaphore(%run_scoped3A : memref<!tpu.dma_semaphore, #tpu.memory_space<semaphore_mem>>)
          %dma_wait3A_73 = tpu.memref_slice %arg4[%add3A_64] : memref<81920xi32, #tpu.memory_space<hbm>> -> memref<128xi32, #tpu.memory_space<hbm>>
          %dma_wait3A_74 = tpu.memref_slice %arg4[%add3A_64] : memref<81920xi32, #tpu.memory_space<hbm>> -> memref<128xi32, #tpu.memory_space<hbm>>
          tpu.wait_dma2 semaphore(%run_scoped3A : memref<!tpu.dma_semaphore, #tpu.memory_space<semaphore_mem>>) src(%dma_wait3A_74 : memref<128xi32, #tpu.memory_space<hbm>>) dst(%arg9 : memref<128xi32, #tpu.memory_space<vmem>>)
          tpu.yield
        }) : () -> ()
        %dma_start3A_65 = arith.constant 0 : i32
        %dma_start3A_66 = arith.constant 0 : i32
        %dma_start3A_67 = tpu.memref_slice %arg2[%dma_start3A_65, %dma_start3A_66] : memref<10240x128xf32, #tpu.memory_space<hbm>> -> memref<10240x128xf32, #tpu.memory_space<hbm>>
        tpu.enqueue_indirect_dma source(%dma_start3A_67 : memref<10240x128xf32, #tpu.memory_space<hbm>>) target(%arg11 : memref<128x128xf32, #tpu.memory_space<vmem>>) offsets(%arg7 : memref<128xi32, #tpu.memory_space<vmem>>) semaphore(%arg15 : memref<!tpu.dma_semaphore, #tpu.memory_space<semaphore_mem>>)
        %dma_start3A_68 = arith.constant 0 : i32
        %dma_start3A_69 = arith.constant 0 : i32
        %dma_start3A_70 = tpu.memref_slice %arg2[%dma_start3A_68, %dma_start3A_69] : memref<10240x128xf32, #tpu.memory_space<hbm>> -> memref<10240x128xf32, #tpu.memory_space<hbm>>
        tpu.enqueue_indirect_dma source(%dma_start3A_70 : memref<10240x128xf32, #tpu.memory_space<hbm>>) target(%arg13 : memref<128x128xf32, #tpu.memory_space<vmem>>) offsets(%arg9 : memref<128xi32, #tpu.memory_space<vmem>>) semaphore(%arg17 : memref<!tpu.dma_semaphore, #tpu.memory_space<semaphore_mem>>)
      } else {
      }
      %add3A_51 = arith.constant 1 : i32
      %add3A_52 = arith.addi %mul3A_17, %add3A_51 : i32
      %mul3A_53 = arith.constant 2560 : i32
      %mul3A_54 = arith.muli %add3A, %mul3A_53 : i32
      %mul3A_55 = arith.constant 128 : i32
      %mul3A_56 = arith.muli %add3A_52, %mul3A_55 : i32
      %add3A_57 = arith.addi %mul3A_54, %mul3A_56 : i32
      "tpu.region"() ({
        %run_scoped3A = tpu.sem_alloc : memref<!tpu.dma_semaphore, #tpu.memory_space<semaphore_mem>>
        %dma_start3A_58 = arith.constant 0 : i32
        %dma_start3A_59 = tpu.memref_slice %arg5[%add3A_57, %dma_start3A_58] : memref<81920x128xf32, #tpu.memory_space<hbm>> -> memref<128x128xf32, #tpu.memory_space<hbm>>
        %dma_start3A_60 = arith.constant 0 : i32
        %dma_start3A_61 = tpu.memref_slice %arg5[%add3A_57, %dma_start3A_60] : memref<81920x128xf32, #tpu.memory_space<hbm>> -> memref<128x128xf32, #tpu.memory_space<hbm>>
        tpu.enqueue_dma source(%arg12 : memref<128x128xf32, #tpu.memory_space<vmem>>) target(%dma_start3A_61 : memref<128x128xf32, #tpu.memory_space<hbm>>) target_semaphore(%run_scoped3A : memref<!tpu.dma_semaphore, #tpu.memory_space<semaphore_mem>>)
        %dma_wait3A_62 = arith.constant 0 : i32
        %dma_wait3A_63 = tpu.memref_slice %arg5[%add3A_57, %dma_wait3A_62] : memref<81920x128xf32, #tpu.memory_space<hbm>> -> memref<128x128xf32, #tpu.memory_space<hbm>>
        %dma_wait3A_64 = arith.constant 0 : i32
        %dma_wait3A_65 = tpu.memref_slice %arg5[%add3A_57, %dma_wait3A_64] : memref<81920x128xf32, #tpu.memory_space<hbm>> -> memref<128x128xf32, #tpu.memory_space<hbm>>
        tpu.wait_dma2 semaphore(%run_scoped3A : memref<!tpu.dma_semaphore, #tpu.memory_space<semaphore_mem>>) src(%arg12 : memref<128x128xf32, #tpu.memory_space<vmem>>) dst(%dma_wait3A_65 : memref<128x128xf32, #tpu.memory_space<hbm>>)
        tpu.yield
      }) : () -> ()
      "tpu.region"() ({
        %run_scoped3A = tpu.sem_alloc : memref<!tpu.dma_semaphore, #tpu.memory_space<semaphore_mem>>
        %dma_start3A_58 = arith.constant 0 : i32
        %dma_start3A_59 = tpu.memref_slice %arg6[%add3A_57, %dma_start3A_58] : memref<81920x128xf32, #tpu.memory_space<hbm>> -> memref<128x128xf32, #tpu.memory_space<hbm>>
        %dma_start3A_60 = arith.constant 0 : i32
        %dma_start3A_61 = tpu.memref_slice %arg6[%add3A_57, %dma_start3A_60] : memref<81920x128xf32, #tpu.memory_space<hbm>> -> memref<128x128xf32, #tpu.memory_space<hbm>>
        tpu.enqueue_dma source(%arg14 : memref<128x128xf32, #tpu.memory_space<vmem>>) target(%dma_start3A_61 : memref<128x128xf32, #tpu.memory_space<hbm>>) target_semaphore(%run_scoped3A : memref<!tpu.dma_semaphore, #tpu.memory_space<semaphore_mem>>)
        %dma_wait3A_62 = arith.constant 0 : i32
        %dma_wait3A_63 = tpu.memref_slice %arg6[%add3A_57, %dma_wait3A_62] : memref<81920x128xf32, #tpu.memory_space<hbm>> -> memref<128x128xf32, #tpu.memory_space<hbm>>
        %dma_wait3A_64 = arith.constant 0 : i32
        %dma_wait3A_65 = tpu.memref_slice %arg6[%add3A_57, %dma_wait3A_64] : memref<81920x128xf32, #tpu.memory_space<hbm>> -> memref<128x128xf32, #tpu.memory_space<hbm>>
        tpu.wait_dma2 semaphore(%run_scoped3A : memref<!tpu.dma_semaphore, #tpu.memory_space<semaphore_mem>>) src(%arg14 : memref<128x128xf32, #tpu.memory_space<vmem>>) dst(%dma_wait3A_65 : memref<128x128xf32, #tpu.memory_space<hbm>>)
        tpu.yield
      }) : () -> ()
    }
    %scan3A_14 = arith.constant 10 : i32
    return
  }
}

#map = affine_map<(d0, d1) -> (0, 0)>
#map1 = affine_map<(d0, d1) -> (0)>
module attributes {stable_mosaic.version = 14 : i64} {
  func.func @_sc_edge_gather_body(%arg0: i32, %arg1: i32, %arg2: memref<10240x128xf32, #tpu.memory_space<hbm>>, %arg3: memref<81920xi32, #tpu.memory_space<hbm>>, %arg4: memref<81920xi32, #tpu.memory_space<hbm>>, %arg5: memref<81920x128xf32, #tpu.memory_space<hbm>>, %arg6: memref<81920x128xf32, #tpu.memory_space<hbm>>, %arg7: memref<128xi32, #tpu.memory_space<vmem>>, %arg8: memref<128xi32, #tpu.memory_space<vmem>>, %arg9: memref<128xi32, #tpu.memory_space<vmem>>, %arg10: memref<128xi32, #tpu.memory_space<vmem>>, %arg11: memref<128x128xf32, #tpu.memory_space<vmem>>, %arg12: memref<128x128xf32, #tpu.memory_space<vmem>>, %arg13: memref<128x128xf32, #tpu.memory_space<vmem>>, %arg14: memref<128x128xf32, #tpu.memory_space<vmem>>, %arg15: memref<!tpu.dma_semaphore, #tpu.memory_space<semaphore_mem>>, %arg16: memref<!tpu.dma_semaphore, #tpu.memory_space<semaphore_mem>>, %arg17: memref<!tpu.dma_semaphore, #tpu.memory_space<semaphore_mem>>, %arg18: memref<!tpu.dma_semaphore, #tpu.memory_space<semaphore_mem>>) attributes {dimension_semantics = [#tpu.dimension_semantics<core_parallel>, #tpu.dimension_semantics<subcore_parallel>], iteration_bounds = array<i64: 2, 16>, scalar_prefetch = 0 : i64, scratch_operands = 12 : i64, tpu.core_type = #tpu.core_type<sc_vector_subcore>, window_params = [{transform_indices = #map}, {transform_indices = #map1}, {transform_indices = #map1}, {transform_indices = #map}, {transform_indices = #map}]} {
    %mul3A = arith.constant 16 : i32
    %mul3A_0 = arith.muli %arg0, %mul3A : i32
    %add3A = arith.addi %mul3A_0, %arg1 : i32
    %mul3A_1 = arith.constant 2560 : i32
    %mul3A_2 = arith.muli %add3A, %mul3A_1 : i32
    %add3A_3 = arith.constant 0 : i32
    %add3A_4 = arith.addi %mul3A_2, %add3A_3 : i32
    "tpu.region"() ({
      %run_scoped3A = tpu.sem_alloc : memref<!tpu.dma_semaphore, #tpu.memory_space<semaphore_mem>>
      %dma_start3A_15 = tpu.memref_slice %arg3[%add3A_4] : memref<81920xi32, #tpu.memory_space<hbm>> -> memref<128xi32, #tpu.memory_space<hbm>>
      %dma_start3A_16 = tpu.memref_slice %arg3[%add3A_4] : memref<81920xi32, #tpu.memory_space<hbm>> -> memref<128xi32, #tpu.memory_space<hbm>>
      tpu.enqueue_dma source(%dma_start3A_16 : memref<128xi32, #tpu.memory_space<hbm>>) target(%arg7 : memref<128xi32, #tpu.memory_space<vmem>>) target_semaphore(%run_scoped3A : memref<!tpu.dma_semaphore, #tpu.memory_space<semaphore_mem>>)
      %dma_wait3A = tpu.memref_slice %arg3[%add3A_4] : memref<81920xi32, #tpu.memory_space<hbm>> -> memref<128xi32, #tpu.memory_space<hbm>>
      %dma_wait3A_17 = tpu.memref_slice %arg3[%add3A_4] : memref<81920xi32, #tpu.memory_space<hbm>> -> memref<128xi32, #tpu.memory_space<hbm>>
      tpu.wait_dma2 semaphore(%run_scoped3A : memref<!tpu.dma_semaphore, #tpu.memory_space<semaphore_mem>>) src(%dma_wait3A_17 : memref<128xi32, #tpu.memory_space<hbm>>) dst(%arg7 : memref<128xi32, #tpu.memory_space<vmem>>)
      tpu.yield
    }) : () -> ()
    "tpu.region"() ({
      %run_scoped3A = tpu.sem_alloc : memref<!tpu.dma_semaphore, #tpu.memory_space<semaphore_mem>>
      %dma_start3A_15 = tpu.memref_slice %arg4[%add3A_4] : memref<81920xi32, #tpu.memory_space<hbm>> -> memref<128xi32, #tpu.memory_space<hbm>>
      %dma_start3A_16 = tpu.memref_slice %arg4[%add3A_4] : memref<81920xi32, #tpu.memory_space<hbm>> -> memref<128xi32, #tpu.memory_space<hbm>>
      tpu.enqueue_dma source(%dma_start3A_16 : memref<128xi32, #tpu.memory_space<hbm>>) target(%arg9 : memref<128xi32, #tpu.memory_space<vmem>>) target_semaphore(%run_scoped3A : memref<!tpu.dma_semaphore, #tpu.memory_space<semaphore_mem>>)
      %dma_wait3A = tpu.memref_slice %arg4[%add3A_4] : memref<81920xi32, #tpu.memory_space<hbm>> -> memref<128xi32, #tpu.memory_space<hbm>>
      %dma_wait3A_17 = tpu.memref_slice %arg4[%add3A_4] : memref<81920xi32, #tpu.memory_space<hbm>> -> memref<128xi32, #tpu.memory_space<hbm>>
      tpu.wait_dma2 semaphore(%run_scoped3A : memref<!tpu.dma_semaphore, #tpu.memory_space<semaphore_mem>>) src(%dma_wait3A_17 : memref<128xi32, #tpu.memory_space<hbm>>) dst(%arg9 : memref<128xi32, #tpu.memory_space<vmem>>)
      tpu.yield
    }) : () -> ()
    %dma_start3A = arith.constant 0 : i32
    %dma_start3A_5 = arith.constant 0 : i32
    %dma_start3A_6 = tpu.memref_slice %arg2[%dma_start3A, %dma_start3A_5] : memref<10240x128xf32, #tpu.memory_space<hbm>> -> memref<10240x128xf32, #tpu.memory_space<hbm>>
    tpu.enqueue_indirect_dma source(%dma_start3A_6 : memref<10240x128xf32, #tpu.memory_space<hbm>>) target(%arg11 : memref<128x128xf32, #tpu.memory_space<vmem>>) offsets(%arg7 : memref<128xi32, #tpu.memory_space<vmem>>) semaphore(%arg15 : memref<!tpu.dma_semaphore, #tpu.memory_space<semaphore_mem>>)
    %dma_start3A_7 = arith.constant 0 : i32
    %dma_start3A_8 = arith.constant 0 : i32
    %dma_start3A_9 = tpu.memref_slice %arg2[%dma_start3A_7, %dma_start3A_8] : memref<10240x128xf32, #tpu.memory_space<hbm>> -> memref<10240x128xf32, #tpu.memory_space<hbm>>
    tpu.enqueue_indirect_dma source(%dma_start3A_9 : memref<10240x128xf32, #tpu.memory_space<hbm>>) target(%arg13 : memref<128x128xf32, #tpu.memory_space<vmem>>) offsets(%arg9 : memref<128xi32, #tpu.memory_space<vmem>>) semaphore(%arg17 : memref<!tpu.dma_semaphore, #tpu.memory_space<semaphore_mem>>)
    %scan3A = arith.constant 0 : i32
    %scan3A_10 = arith.constant 0 : i32
    %scan3A_11 = arith.constant 10 : i32
    %scan3A_12 = arith.addi %scan3A_10, %scan3A_11 : i32
    %scan3A_13 = arith.constant 1 : i32
    scf.for %scan3A_15 = %scan3A_10 to %scan3A_12 step %scan3A_13  : i32 {
      %mul3A_16 = arith.constant 2 : i32
      %mul3A_17 = arith.muli %mul3A_16, %scan3A_15 : i32
      %dma_wait3A = arith.constant 0 : i32
      %dma_wait3A_18 = arith.constant 0 : i32
      %dma_wait3A_19 = tpu.memref_slice %arg2[%dma_wait3A, %dma_wait3A_18] : memref<10240x128xf32, #tpu.memory_space<hbm>> -> memref<10240x128xf32, #tpu.memory_space<hbm>>
      tpu.wait_indirect_dma semaphore(%arg15 : memref<!tpu.dma_semaphore, #tpu.memory_space<semaphore_mem>>) src(%dma_wait3A_19 : memref<10240x128xf32, #tpu.memory_space<hbm>>) dst(%arg11 : memref<128x128xf32, #tpu.memory_space<vmem>>)
      %dma_wait3A_20 = arith.constant 0 : i32
      %dma_wait3A_21 = arith.constant 0 : i32
      %dma_wait3A_22 = tpu.memref_slice %arg2[%dma_wait3A_20, %dma_wait3A_21] : memref<10240x128xf32, #tpu.memory_space<hbm>> -> memref<10240x128xf32, #tpu.memory_space<hbm>>
      tpu.wait_indirect_dma semaphore(%arg17 : memref<!tpu.dma_semaphore, #tpu.memory_space<semaphore_mem>>) src(%dma_wait3A_22 : memref<10240x128xf32, #tpu.memory_space<hbm>>) dst(%arg13 : memref<128x128xf32, #tpu.memory_space<vmem>>)
      %add3A_23 = arith.constant 1 : i32
      %add3A_24 = arith.addi %mul3A_17, %add3A_23 : i32
      %mul3A_25 = arith.constant 2560 : i32
      %mul3A_26 = arith.muli %add3A, %mul3A_25 : i32
      %mul3A_27 = arith.constant 128 : i32
      %mul3A_28 = arith.muli %add3A_24, %mul3A_27 : i32
      %add3A_29 = arith.addi %mul3A_26, %mul3A_28 : i32
      "tpu.region"() ({
        %run_scoped3A = tpu.sem_alloc : memref<!tpu.dma_semaphore, #tpu.memory_space<semaphore_mem>>
        %dma_start3A_58 = tpu.memref_slice %arg3[%add3A_29] : memref<81920xi32, #tpu.memory_space<hbm>> -> memref<128xi32, #tpu.memory_space<hbm>>
        %dma_start3A_59 = tpu.memref_slice %arg3[%add3A_29] : memref<81920xi32, #tpu.memory_space<hbm>> -> memref<128xi32, #tpu.memory_space<hbm>>
        tpu.enqueue_dma source(%dma_start3A_59 : memref<128xi32, #tpu.memory_space<hbm>>) target(%arg8 : memref<128xi32, #tpu.memory_space<vmem>>) target_semaphore(%run_scoped3A : memref<!tpu.dma_semaphore, #tpu.memory_space<semaphore_mem>>)
        %dma_wait3A_60 = tpu.memref_slice %arg3[%add3A_29] : memref<81920xi32, #tpu.memory_space<hbm>> -> memref<128xi32, #tpu.memory_space<hbm>>
        %dma_wait3A_61 = tpu.memref_slice %arg3[%add3A_29] : memref<81920xi32, #tpu.memory_space<hbm>> -> memref<128xi32, #tpu.memory_space<hbm>>
        tpu.wait_dma2 semaphore(%run_scoped3A : memref<!tpu.dma_semaphore, #tpu.memory_space<semaphore_mem>>) src(%dma_wait3A_61 : memref<128xi32, #tpu.memory_space<hbm>>) dst(%arg8 : memref<128xi32, #tpu.memory_space<vmem>>)
        tpu.yield
      }) : () -> ()
      "tpu.region"() ({
        %run_scoped3A = tpu.sem_alloc : memref<!tpu.dma_semaphore, #tpu.memory_space<semaphore_mem>>
        %dma_start3A_58 = tpu.memref_slice %arg4[%add3A_29] : memref<81920xi32, #tpu.memory_space<hbm>> -> memref<128xi32, #tpu.memory_space<hbm>>
        %dma_start3A_59 = tpu.memref_slice %arg4[%add3A_29] : memref<81920xi32, #tpu.memory_space<hbm>> -> memref<128xi32, #tpu.memory_space<hbm>>
        tpu.enqueue_dma source(%dma_start3A_59 : memref<128xi32, #tpu.memory_space<hbm>>) target(%arg10 : memref<128xi32, #tpu.memory_space<vmem>>) target_semaphore(%run_scoped3A : memref<!tpu.dma_semaphore, #tpu.memory_space<semaphore_mem>>)
        %dma_wait3A_60 = tpu.memref_slice %arg4[%add3A_29] : memref<81920xi32, #tpu.memory_space<hbm>> -> memref<128xi32, #tpu.memory_space<hbm>>
        %dma_wait3A_61 = tpu.memref_slice %arg4[%add3A_29] : memref<81920xi32, #tpu.memory_space<hbm>> -> memref<128xi32, #tpu.memory_space<hbm>>
        tpu.wait_dma2 semaphore(%run_scoped3A : memref<!tpu.dma_semaphore, #tpu.memory_space<semaphore_mem>>) src(%dma_wait3A_61 : memref<128xi32, #tpu.memory_space<hbm>>) dst(%arg10 : memref<128xi32, #tpu.memory_space<vmem>>)
        tpu.yield
      }) : () -> ()
      %dma_start3A_30 = arith.constant 0 : i32
      %dma_start3A_31 = arith.constant 0 : i32
      %dma_start3A_32 = tpu.memref_slice %arg2[%dma_start3A_30, %dma_start3A_31] : memref<10240x128xf32, #tpu.memory_space<hbm>> -> memref<10240x128xf32, #tpu.memory_space<hbm>>
      tpu.enqueue_indirect_dma source(%dma_start3A_32 : memref<10240x128xf32, #tpu.memory_space<hbm>>) target(%arg12 : memref<128x128xf32, #tpu.memory_space<vmem>>) offsets(%arg8 : memref<128xi32, #tpu.memory_space<vmem>>) semaphore(%arg16 : memref<!tpu.dma_semaphore, #tpu.memory_space<semaphore_mem>>)
      %dma_start3A_33 = arith.constant 0 : i32
      %dma_start3A_34 = arith.constant 0 : i32
      %dma_start3A_35 = tpu.memref_slice %arg2[%dma_start3A_33, %dma_start3A_34] : memref<10240x128xf32, #tpu.memory_space<hbm>> -> memref<10240x128xf32, #tpu.memory_space<hbm>>
      tpu.enqueue_indirect_dma source(%dma_start3A_35 : memref<10240x128xf32, #tpu.memory_space<hbm>>) target(%arg14 : memref<128x128xf32, #tpu.memory_space<vmem>>) offsets(%arg10 : memref<128xi32, #tpu.memory_space<vmem>>) semaphore(%arg18 : memref<!tpu.dma_semaphore, #tpu.memory_space<semaphore_mem>>)
      %mul3A_36 = arith.constant 2560 : i32
      %mul3A_37 = arith.muli %add3A, %mul3A_36 : i32
      %mul3A_38 = arith.constant 128 : i32
      %mul3A_39 = arith.muli %mul3A_17, %mul3A_38 : i32
      %add3A_40 = arith.addi %mul3A_37, %mul3A_39 : i32
      "tpu.region"() ({
        %run_scoped3A = tpu.sem_alloc : memref<!tpu.dma_semaphore, #tpu.memory_space<semaphore_mem>>
        %dma_start3A_58 = arith.constant 0 : i32
        %dma_start3A_59 = tpu.memref_slice %arg5[%add3A_40, %dma_start3A_58] : memref<81920x128xf32, #tpu.memory_space<hbm>> -> memref<128x128xf32, #tpu.memory_space<hbm>>
        %dma_start3A_60 = arith.constant 0 : i32
        %dma_start3A_61 = tpu.memref_slice %arg5[%add3A_40, %dma_start3A_60] : memref<81920x128xf32, #tpu.memory_space<hbm>> -> memref<128x128xf32, #tpu.memory_space<hbm>>
        tpu.enqueue_dma source(%arg11 : memref<128x128xf32, #tpu.memory_space<vmem>>) target(%dma_start3A_61 : memref<128x128xf32, #tpu.memory_space<hbm>>) target_semaphore(%run_scoped3A : memref<!tpu.dma_semaphore, #tpu.memory_space<semaphore_mem>>)
        %dma_wait3A_62 = arith.constant 0 : i32
        %dma_wait3A_63 = tpu.memref_slice %arg5[%add3A_40, %dma_wait3A_62] : memref<81920x128xf32, #tpu.memory_space<hbm>> -> memref<128x128xf32, #tpu.memory_space<hbm>>
        %dma_wait3A_64 = arith.constant 0 : i32
        %dma_wait3A_65 = tpu.memref_slice %arg5[%add3A_40, %dma_wait3A_64] : memref<81920x128xf32, #tpu.memory_space<hbm>> -> memref<128x128xf32, #tpu.memory_space<hbm>>
        tpu.wait_dma2 semaphore(%run_scoped3A : memref<!tpu.dma_semaphore, #tpu.memory_space<semaphore_mem>>) src(%arg11 : memref<128x128xf32, #tpu.memory_space<vmem>>) dst(%dma_wait3A_65 : memref<128x128xf32, #tpu.memory_space<hbm>>)
        tpu.yield
      }) : () -> ()
      "tpu.region"() ({
        %run_scoped3A = tpu.sem_alloc : memref<!tpu.dma_semaphore, #tpu.memory_space<semaphore_mem>>
        %dma_start3A_58 = arith.constant 0 : i32
        %dma_start3A_59 = tpu.memref_slice %arg6[%add3A_40, %dma_start3A_58] : memref<81920x128xf32, #tpu.memory_space<hbm>> -> memref<128x128xf32, #tpu.memory_space<hbm>>
        %dma_start3A_60 = arith.constant 0 : i32
        %dma_start3A_61 = tpu.memref_slice %arg6[%add3A_40, %dma_start3A_60] : memref<81920x128xf32, #tpu.memory_space<hbm>> -> memref<128x128xf32, #tpu.memory_space<hbm>>
        tpu.enqueue_dma source(%arg13 : memref<128x128xf32, #tpu.memory_space<vmem>>) target(%dma_start3A_61 : memref<128x128xf32, #tpu.memory_space<hbm>>) target_semaphore(%run_scoped3A : memref<!tpu.dma_semaphore, #tpu.memory_space<semaphore_mem>>)
        %dma_wait3A_62 = arith.constant 0 : i32
        %dma_wait3A_63 = tpu.memref_slice %arg6[%add3A_40, %dma_wait3A_62] : memref<81920x128xf32, #tpu.memory_space<hbm>> -> memref<128x128xf32, #tpu.memory_space<hbm>>
        %dma_wait3A_64 = arith.constant 0 : i32
        %dma_wait3A_65 = tpu.memref_slice %arg6[%add3A_40, %dma_wait3A_64] : memref<81920x128xf32, #tpu.memory_space<hbm>> -> memref<128x128xf32, #tpu.memory_space<hbm>>
        tpu.wait_dma2 semaphore(%run_scoped3A : memref<!tpu.dma_semaphore, #tpu.memory_space<semaphore_mem>>) src(%arg13 : memref<128x128xf32, #tpu.memory_space<vmem>>) dst(%dma_wait3A_65 : memref<128x128xf32, #tpu.memory_space<hbm>>)
        tpu.yield
      }) : () -> ()
      %dma_wait3A_41 = arith.constant 0 : i32
      %dma_wait3A_42 = arith.constant 0 : i32
      %dma_wait3A_43 = tpu.memref_slice %arg2[%dma_wait3A_41, %dma_wait3A_42] : memref<10240x128xf32, #tpu.memory_space<hbm>> -> memref<10240x128xf32, #tpu.memory_space<hbm>>
      tpu.wait_indirect_dma semaphore(%arg16 : memref<!tpu.dma_semaphore, #tpu.memory_space<semaphore_mem>>) src(%dma_wait3A_43 : memref<10240x128xf32, #tpu.memory_space<hbm>>) dst(%arg12 : memref<128x128xf32, #tpu.memory_space<vmem>>)
      %dma_wait3A_44 = arith.constant 0 : i32
      %dma_wait3A_45 = arith.constant 0 : i32
      %dma_wait3A_46 = tpu.memref_slice %arg2[%dma_wait3A_44, %dma_wait3A_45] : memref<10240x128xf32, #tpu.memory_space<hbm>> -> memref<10240x128xf32, #tpu.memory_space<hbm>>
      tpu.wait_indirect_dma semaphore(%arg18 : memref<!tpu.dma_semaphore, #tpu.memory_space<semaphore_mem>>) src(%dma_wait3A_46 : memref<10240x128xf32, #tpu.memory_space<hbm>>) dst(%arg14 : memref<128x128xf32, #tpu.memory_space<vmem>>)
      %add3A_47 = arith.constant 2 : i32
      %add3A_48 = arith.addi %mul3A_17, %add3A_47 : i32
      %lt3A = arith.constant 20 : i32
      %lt3A_49 = arith.cmpi slt, %add3A_48, %lt3A : i32
      %convert_element_type3A = arith.extui %lt3A_49 : i1 to i32
      %cond3A = arith.constant 0 : i32
      %cond3A_50 = arith.cmpi ne, %convert_element_type3A, %cond3A : i32
      scf.if %cond3A_50 {
        %add3A_58 = arith.constant 2 : i32
        %add3A_59 = arith.addi %mul3A_17, %add3A_58 : i32
        %mul3A_60 = arith.constant 2560 : i32
        %mul3A_61 = arith.muli %add3A, %mul3A_60 : i32
        %mul3A_62 = arith.constant 128 : i32
        %mul3A_63 = arith.muli %add3A_59, %mul3A_62 : i32
        %add3A_64 = arith.addi %mul3A_61, %mul3A_63 : i32
        "tpu.region"() ({
          %run_scoped3A = tpu.sem_alloc : memref<!tpu.dma_semaphore, #tpu.memory_space<semaphore_mem>>
          %dma_start3A_71 = tpu.memref_slice %arg3[%add3A_64] : memref<81920xi32, #tpu.memory_space<hbm>> -> memref<128xi32, #tpu.memory_space<hbm>>
          %dma_start3A_72 = tpu.memref_slice %arg3[%add3A_64] : memref<81920xi32, #tpu.memory_space<hbm>> -> memref<128xi32, #tpu.memory_space<hbm>>
          tpu.enqueue_dma source(%dma_start3A_72 : memref<128xi32, #tpu.memory_space<hbm>>) target(%arg7 : memref<128xi32, #tpu.memory_space<vmem>>) target_semaphore(%run_scoped3A : memref<!tpu.dma_semaphore, #tpu.memory_space<semaphore_mem>>)
          %dma_wait3A_73 = tpu.memref_slice %arg3[%add3A_64] : memref<81920xi32, #tpu.memory_space<hbm>> -> memref<128xi32, #tpu.memory_space<hbm>>
          %dma_wait3A_74 = tpu.memref_slice %arg3[%add3A_64] : memref<81920xi32, #tpu.memory_space<hbm>> -> memref<128xi32, #tpu.memory_space<hbm>>
          tpu.wait_dma2 semaphore(%run_scoped3A : memref<!tpu.dma_semaphore, #tpu.memory_space<semaphore_mem>>) src(%dma_wait3A_74 : memref<128xi32, #tpu.memory_space<hbm>>) dst(%arg7 : memref<128xi32, #tpu.memory_space<vmem>>)
          tpu.yield
        }) : () -> ()
        "tpu.region"() ({
          %run_scoped3A = tpu.sem_alloc : memref<!tpu.dma_semaphore, #tpu.memory_space<semaphore_mem>>
          %dma_start3A_71 = tpu.memref_slice %arg4[%add3A_64] : memref<81920xi32, #tpu.memory_space<hbm>> -> memref<128xi32, #tpu.memory_space<hbm>>
          %dma_start3A_72 = tpu.memref_slice %arg4[%add3A_64] : memref<81920xi32, #tpu.memory_space<hbm>> -> memref<128xi32, #tpu.memory_space<hbm>>
          tpu.enqueue_dma source(%dma_start3A_72 : memref<128xi32, #tpu.memory_space<hbm>>) target(%arg9 : memref<128xi32, #tpu.memory_space<vmem>>) target_semaphore(%run_scoped3A : memref<!tpu.dma_semaphore, #tpu.memory_space<semaphore_mem>>)
          %dma_wait3A_73 = tpu.memref_slice %arg4[%add3A_64] : memref<81920xi32, #tpu.memory_space<hbm>> -> memref<128xi32, #tpu.memory_space<hbm>>
          %dma_wait3A_74 = tpu.memref_slice %arg4[%add3A_64] : memref<81920xi32, #tpu.memory_space<hbm>> -> memref<128xi32, #tpu.memory_space<hbm>>
          tpu.wait_dma2 semaphore(%run_scoped3A : memref<!tpu.dma_semaphore, #tpu.memory_space<semaphore_mem>>) src(%dma_wait3A_74 : memref<128xi32, #tpu.memory_space<hbm>>) dst(%arg9 : memref<128xi32, #tpu.memory_space<vmem>>)
          tpu.yield
        }) : () -> ()
        %dma_start3A_65 = arith.constant 0 : i32
        %dma_start3A_66 = arith.constant 0 : i32
        %dma_start3A_67 = tpu.memref_slice %arg2[%dma_start3A_65, %dma_start3A_66] : memref<10240x128xf32, #tpu.memory_space<hbm>> -> memref<10240x128xf32, #tpu.memory_space<hbm>>
        tpu.enqueue_indirect_dma source(%dma_start3A_67 : memref<10240x128xf32, #tpu.memory_space<hbm>>) target(%arg11 : memref<128x128xf32, #tpu.memory_space<vmem>>) offsets(%arg7 : memref<128xi32, #tpu.memory_space<vmem>>) semaphore(%arg15 : memref<!tpu.dma_semaphore, #tpu.memory_space<semaphore_mem>>)
        %dma_start3A_68 = arith.constant 0 : i32
        %dma_start3A_69 = arith.constant 0 : i32
        %dma_start3A_70 = tpu.memref_slice %arg2[%dma_start3A_68, %dma_start3A_69] : memref<10240x128xf32, #tpu.memory_space<hbm>> -> memref<10240x128xf32, #tpu.memory_space<hbm>>
        tpu.enqueue_indirect_dma source(%dma_start3A_70 : memref<10240x128xf32, #tpu.memory_space<hbm>>) target(%arg13 : memref<128x128xf32, #tpu.memory_space<vmem>>) offsets(%arg9 : memref<128xi32, #tpu.memory_space<vmem>>) semaphore(%arg17 : memref<!tpu.dma_semaphore, #tpu.memory_space<semaphore_mem>>)
      } else {
      }
      %add3A_51 = arith.constant 1 : i32
      %add3A_52 = arith.addi %mul3A_17, %add3A_51 : i32
      %mul3A_53 = arith.constant 2560 : i32
      %mul3A_54 = arith.muli %add3A, %mul3A_53 : i32
      %mul3A_55 = arith.constant 128 : i32
      %mul3A_56 = arith.muli %add3A_52, %mul3A_55 : i32
      %add3A_57 = arith.addi %mul3A_54, %mul3A_56 : i32
      "tpu.region"() ({
        %run_scoped3A = tpu.sem_alloc : memref<!tpu.dma_semaphore, #tpu.memory_space<semaphore_mem>>
        %dma_start3A_58 = arith.constant 0 : i32
        %dma_start3A_59 = tpu.memref_slice %arg5[%add3A_57, %dma_start3A_58] : memref<81920x128xf32, #tpu.memory_space<hbm>> -> memref<128x128xf32, #tpu.memory_space<hbm>>
        %dma_start3A_60 = arith.constant 0 : i32
        %dma_start3A_61 = tpu.memref_slice %arg5[%add3A_57, %dma_start3A_60] : memref<81920x128xf32, #tpu.memory_space<hbm>> -> memref<128x128xf32, #tpu.memory_space<hbm>>
        tpu.enqueue_dma source(%arg12 : memref<128x128xf32, #tpu.memory_space<vmem>>) target(%dma_start3A_61 : memref<128x128xf32, #tpu.memory_space<hbm>>) target_semaphore(%run_scoped3A : memref<!tpu.dma_semaphore, #tpu.memory_space<semaphore_mem>>)
        %dma_wait3A_62 = arith.constant 0 : i32
        %dma_wait3A_63 = tpu.memref_slice %arg5[%add3A_57, %dma_wait3A_62] : memref<81920x128xf32, #tpu.memory_space<hbm>> -> memref<128x128xf32, #tpu.memory_space<hbm>>
        %dma_wait3A_64 = arith.constant 0 : i32
        %dma_wait3A_65 = tpu.memref_slice %arg5[%add3A_57, %dma_wait3A_64] : memref<81920x128xf32, #tpu.memory_space<hbm>> -> memref<128x128xf32, #tpu.memory_space<hbm>>
        tpu.wait_dma2 semaphore(%run_scoped3A : memref<!tpu.dma_semaphore, #tpu.memory_space<semaphore_mem>>) src(%arg12 : memref<128x128xf32, #tpu.memory_space<vmem>>) dst(%dma_wait3A_65 : memref<128x128xf32, #tpu.memory_space<hbm>>)
        tpu.yield
      }) : () -> ()
      "tpu.region"() ({
        %run_scoped3A = tpu.sem_alloc : memref<!tpu.dma_semaphore, #tpu.memory_space<semaphore_mem>>
        %dma_start3A_58 = arith.constant 0 : i32
        %dma_start3A_59 = tpu.memref_slice %arg6[%add3A_57, %dma_start3A_58] : memref<81920x128xf32, #tpu.memory_space<hbm>> -> memref<128x128xf32, #tpu.memory_space<hbm>>
        %dma_start3A_60 = arith.constant 0 : i32
        %dma_start3A_61 = tpu.memref_slice %arg6[%add3A_57, %dma_start3A_60] : memref<81920x128xf32, #tpu.memory_space<hbm>> -> memref<128x128xf32, #tpu.memory_space<hbm>>
        tpu.enqueue_dma source(%arg14 : memref<128x128xf32, #tpu.memory_space<vmem>>) target(%dma_start3A_61 : memref<128x128xf32, #tpu.memory_space<hbm>>) target_semaphore(%run_scoped3A : memref<!tpu.dma_semaphore, #tpu.memory_space<semaphore_mem>>)
        %dma_wait3A_62 = arith.constant 0 : i32
        %dma_wait3A_63 = tpu.memref_slice %arg6[%add3A_57, %dma_wait3A_62] : memref<81920x128xf32, #tpu.memory_space<hbm>> -> memref<128x128xf32, #tpu.memory_space<hbm>>
        %dma_wait3A_64 = arith.constant 0 : i32
        %dma_wait3A_65 = tpu.memref_slice %arg6[%add3A_57, %dma_wait3A_64] : memref<81920x128xf32, #tpu.memory_space<hbm>> -> memref<128x128xf32, #tpu.memory_space<hbm>>
        tpu.wait_dma2 semaphore(%run_scoped3A : memref<!tpu.dma_semaphore, #tpu.memory_space<semaphore_mem>>) src(%arg14 : memref<128x128xf32, #tpu.memory_space<vmem>>) dst(%dma_wait3A_65 : memref<128x128xf32, #tpu.memory_space<hbm>>)
        tpu.yield
      }) : () -> ()
    }
    %scan3A_14 = arith.constant 10 : i32
    return
  }
}

#map = affine_map<(d0, d1) -> (0, 0)>
#map1 = affine_map<(d0, d1) -> (0)>
module attributes {stable_mosaic.version = 14 : i64} {
  func.func @_sc_edge_gather_body(%arg0: i32, %arg1: i32, %arg2: memref<10240x128xf32, #tpu.memory_space<hbm>>, %arg3: memref<81920xi32, #tpu.memory_space<hbm>>, %arg4: memref<81920xi32, #tpu.memory_space<hbm>>, %arg5: memref<81920x128xf32, #tpu.memory_space<hbm>>, %arg6: memref<81920x128xf32, #tpu.memory_space<hbm>>, %arg7: memref<128xi32, #tpu.memory_space<vmem>>, %arg8: memref<128xi32, #tpu.memory_space<vmem>>, %arg9: memref<128xi32, #tpu.memory_space<vmem>>, %arg10: memref<128xi32, #tpu.memory_space<vmem>>, %arg11: memref<128x128xf32, #tpu.memory_space<vmem>>, %arg12: memref<128x128xf32, #tpu.memory_space<vmem>>, %arg13: memref<128x128xf32, #tpu.memory_space<vmem>>, %arg14: memref<128x128xf32, #tpu.memory_space<vmem>>, %arg15: memref<!tpu.dma_semaphore, #tpu.memory_space<semaphore_mem>>, %arg16: memref<!tpu.dma_semaphore, #tpu.memory_space<semaphore_mem>>, %arg17: memref<!tpu.dma_semaphore, #tpu.memory_space<semaphore_mem>>, %arg18: memref<!tpu.dma_semaphore, #tpu.memory_space<semaphore_mem>>) attributes {dimension_semantics = [#tpu.dimension_semantics<core_parallel>, #tpu.dimension_semantics<subcore_parallel>], iteration_bounds = array<i64: 2, 16>, scalar_prefetch = 0 : i64, scratch_operands = 12 : i64, tpu.core_type = #tpu.core_type<sc_vector_subcore>, window_params = [{transform_indices = #map}, {transform_indices = #map1}, {transform_indices = #map1}, {transform_indices = #map}, {transform_indices = #map}]} {
    %mul3A = arith.constant 16 : i32
    %mul3A_0 = arith.muli %arg0, %mul3A : i32
    %add3A = arith.addi %mul3A_0, %arg1 : i32
    %mul3A_1 = arith.constant 2560 : i32
    %mul3A_2 = arith.muli %add3A, %mul3A_1 : i32
    %add3A_3 = arith.constant 0 : i32
    %add3A_4 = arith.addi %mul3A_2, %add3A_3 : i32
    "tpu.region"() ({
      %run_scoped3A = tpu.sem_alloc : memref<!tpu.dma_semaphore, #tpu.memory_space<semaphore_mem>>
      %dma_start3A_15 = tpu.memref_slice %arg3[%add3A_4] : memref<81920xi32, #tpu.memory_space<hbm>> -> memref<128xi32, #tpu.memory_space<hbm>>
      %dma_start3A_16 = tpu.memref_slice %arg3[%add3A_4] : memref<81920xi32, #tpu.memory_space<hbm>> -> memref<128xi32, #tpu.memory_space<hbm>>
      tpu.enqueue_dma source(%dma_start3A_16 : memref<128xi32, #tpu.memory_space<hbm>>) target(%arg7 : memref<128xi32, #tpu.memory_space<vmem>>) target_semaphore(%run_scoped3A : memref<!tpu.dma_semaphore, #tpu.memory_space<semaphore_mem>>)
      %dma_wait3A = tpu.memref_slice %arg3[%add3A_4] : memref<81920xi32, #tpu.memory_space<hbm>> -> memref<128xi32, #tpu.memory_space<hbm>>
      %dma_wait3A_17 = tpu.memref_slice %arg3[%add3A_4] : memref<81920xi32, #tpu.memory_space<hbm>> -> memref<128xi32, #tpu.memory_space<hbm>>
      tpu.wait_dma2 semaphore(%run_scoped3A : memref<!tpu.dma_semaphore, #tpu.memory_space<semaphore_mem>>) src(%dma_wait3A_17 : memref<128xi32, #tpu.memory_space<hbm>>) dst(%arg7 : memref<128xi32, #tpu.memory_space<vmem>>)
      tpu.yield
    }) : () -> ()
    "tpu.region"() ({
      %run_scoped3A = tpu.sem_alloc : memref<!tpu.dma_semaphore, #tpu.memory_space<semaphore_mem>>
      %dma_start3A_15 = tpu.memref_slice %arg4[%add3A_4] : memref<81920xi32, #tpu.memory_space<hbm>> -> memref<128xi32, #tpu.memory_space<hbm>>
      %dma_start3A_16 = tpu.memref_slice %arg4[%add3A_4] : memref<81920xi32, #tpu.memory_space<hbm>> -> memref<128xi32, #tpu.memory_space<hbm>>
      tpu.enqueue_dma source(%dma_start3A_16 : memref<128xi32, #tpu.memory_space<hbm>>) target(%arg9 : memref<128xi32, #tpu.memory_space<vmem>>) target_semaphore(%run_scoped3A : memref<!tpu.dma_semaphore, #tpu.memory_space<semaphore_mem>>)
      %dma_wait3A = tpu.memref_slice %arg4[%add3A_4] : memref<81920xi32, #tpu.memory_space<hbm>> -> memref<128xi32, #tpu.memory_space<hbm>>
      %dma_wait3A_17 = tpu.memref_slice %arg4[%add3A_4] : memref<81920xi32, #tpu.memory_space<hbm>> -> memref<128xi32, #tpu.memory_space<hbm>>
      tpu.wait_dma2 semaphore(%run_scoped3A : memref<!tpu.dma_semaphore, #tpu.memory_space<semaphore_mem>>) src(%dma_wait3A_17 : memref<128xi32, #tpu.memory_space<hbm>>) dst(%arg9 : memref<128xi32, #tpu.memory_space<vmem>>)
      tpu.yield
    }) : () -> ()
    %dma_start3A = arith.constant 0 : i32
    %dma_start3A_5 = arith.constant 0 : i32
    %dma_start3A_6 = tpu.memref_slice %arg2[%dma_start3A, %dma_start3A_5] : memref<10240x128xf32, #tpu.memory_space<hbm>> -> memref<10240x128xf32, #tpu.memory_space<hbm>>
    tpu.enqueue_indirect_dma source(%dma_start3A_6 : memref<10240x128xf32, #tpu.memory_space<hbm>>) target(%arg11 : memref<128x128xf32, #tpu.memory_space<vmem>>) offsets(%arg7 : memref<128xi32, #tpu.memory_space<vmem>>) semaphore(%arg15 : memref<!tpu.dma_semaphore, #tpu.memory_space<semaphore_mem>>)
    %dma_start3A_7 = arith.constant 0 : i32
    %dma_start3A_8 = arith.constant 0 : i32
    %dma_start3A_9 = tpu.memref_slice %arg2[%dma_start3A_7, %dma_start3A_8] : memref<10240x128xf32, #tpu.memory_space<hbm>> -> memref<10240x128xf32, #tpu.memory_space<hbm>>
    tpu.enqueue_indirect_dma source(%dma_start3A_9 : memref<10240x128xf32, #tpu.memory_space<hbm>>) target(%arg13 : memref<128x128xf32, #tpu.memory_space<vmem>>) offsets(%arg9 : memref<128xi32, #tpu.memory_space<vmem>>) semaphore(%arg17 : memref<!tpu.dma_semaphore, #tpu.memory_space<semaphore_mem>>)
    %scan3A = arith.constant 0 : i32
    %scan3A_10 = arith.constant 0 : i32
    %scan3A_11 = arith.constant 10 : i32
    %scan3A_12 = arith.addi %scan3A_10, %scan3A_11 : i32
    %scan3A_13 = arith.constant 1 : i32
    scf.for %scan3A_15 = %scan3A_10 to %scan3A_12 step %scan3A_13  : i32 {
      %mul3A_16 = arith.constant 2 : i32
      %mul3A_17 = arith.muli %mul3A_16, %scan3A_15 : i32
      %dma_wait3A = arith.constant 0 : i32
      %dma_wait3A_18 = arith.constant 0 : i32
      %dma_wait3A_19 = tpu.memref_slice %arg2[%dma_wait3A, %dma_wait3A_18] : memref<10240x128xf32, #tpu.memory_space<hbm>> -> memref<10240x128xf32, #tpu.memory_space<hbm>>
      tpu.wait_indirect_dma semaphore(%arg15 : memref<!tpu.dma_semaphore, #tpu.memory_space<semaphore_mem>>) src(%dma_wait3A_19 : memref<10240x128xf32, #tpu.memory_space<hbm>>) dst(%arg11 : memref<128x128xf32, #tpu.memory_space<vmem>>)
      %dma_wait3A_20 = arith.constant 0 : i32
      %dma_wait3A_21 = arith.constant 0 : i32
      %dma_wait3A_22 = tpu.memref_slice %arg2[%dma_wait3A_20, %dma_wait3A_21] : memref<10240x128xf32, #tpu.memory_space<hbm>> -> memref<10240x128xf32, #tpu.memory_space<hbm>>
      tpu.wait_indirect_dma semaphore(%arg17 : memref<!tpu.dma_semaphore, #tpu.memory_space<semaphore_mem>>) src(%dma_wait3A_22 : memref<10240x128xf32, #tpu.memory_space<hbm>>) dst(%arg13 : memref<128x128xf32, #tpu.memory_space<vmem>>)
      %add3A_23 = arith.constant 1 : i32
      %add3A_24 = arith.addi %mul3A_17, %add3A_23 : i32
      %mul3A_25 = arith.constant 2560 : i32
      %mul3A_26 = arith.muli %add3A, %mul3A_25 : i32
      %mul3A_27 = arith.constant 128 : i32
      %mul3A_28 = arith.muli %add3A_24, %mul3A_27 : i32
      %add3A_29 = arith.addi %mul3A_26, %mul3A_28 : i32
      "tpu.region"() ({
        %run_scoped3A = tpu.sem_alloc : memref<!tpu.dma_semaphore, #tpu.memory_space<semaphore_mem>>
        %dma_start3A_58 = tpu.memref_slice %arg3[%add3A_29] : memref<81920xi32, #tpu.memory_space<hbm>> -> memref<128xi32, #tpu.memory_space<hbm>>
        %dma_start3A_59 = tpu.memref_slice %arg3[%add3A_29] : memref<81920xi32, #tpu.memory_space<hbm>> -> memref<128xi32, #tpu.memory_space<hbm>>
        tpu.enqueue_dma source(%dma_start3A_59 : memref<128xi32, #tpu.memory_space<hbm>>) target(%arg8 : memref<128xi32, #tpu.memory_space<vmem>>) target_semaphore(%run_scoped3A : memref<!tpu.dma_semaphore, #tpu.memory_space<semaphore_mem>>)
        %dma_wait3A_60 = tpu.memref_slice %arg3[%add3A_29] : memref<81920xi32, #tpu.memory_space<hbm>> -> memref<128xi32, #tpu.memory_space<hbm>>
        %dma_wait3A_61 = tpu.memref_slice %arg3[%add3A_29] : memref<81920xi32, #tpu.memory_space<hbm>> -> memref<128xi32, #tpu.memory_space<hbm>>
        tpu.wait_dma2 semaphore(%run_scoped3A : memref<!tpu.dma_semaphore, #tpu.memory_space<semaphore_mem>>) src(%dma_wait3A_61 : memref<128xi32, #tpu.memory_space<hbm>>) dst(%arg8 : memref<128xi32, #tpu.memory_space<vmem>>)
        tpu.yield
      }) : () -> ()
      "tpu.region"() ({
        %run_scoped3A = tpu.sem_alloc : memref<!tpu.dma_semaphore, #tpu.memory_space<semaphore_mem>>
        %dma_start3A_58 = tpu.memref_slice %arg4[%add3A_29] : memref<81920xi32, #tpu.memory_space<hbm>> -> memref<128xi32, #tpu.memory_space<hbm>>
        %dma_start3A_59 = tpu.memref_slice %arg4[%add3A_29] : memref<81920xi32, #tpu.memory_space<hbm>> -> memref<128xi32, #tpu.memory_space<hbm>>
        tpu.enqueue_dma source(%dma_start3A_59 : memref<128xi32, #tpu.memory_space<hbm>>) target(%arg10 : memref<128xi32, #tpu.memory_space<vmem>>) target_semaphore(%run_scoped3A : memref<!tpu.dma_semaphore, #tpu.memory_space<semaphore_mem>>)
        %dma_wait3A_60 = tpu.memref_slice %arg4[%add3A_29] : memref<81920xi32, #tpu.memory_space<hbm>> -> memref<128xi32, #tpu.memory_space<hbm>>
        %dma_wait3A_61 = tpu.memref_slice %arg4[%add3A_29] : memref<81920xi32, #tpu.memory_space<hbm>> -> memref<128xi32, #tpu.memory_space<hbm>>
        tpu.wait_dma2 semaphore(%run_scoped3A : memref<!tpu.dma_semaphore, #tpu.memory_space<semaphore_mem>>) src(%dma_wait3A_61 : memref<128xi32, #tpu.memory_space<hbm>>) dst(%arg10 : memref<128xi32, #tpu.memory_space<vmem>>)
        tpu.yield
      }) : () -> ()
      %dma_start3A_30 = arith.constant 0 : i32
      %dma_start3A_31 = arith.constant 0 : i32
      %dma_start3A_32 = tpu.memref_slice %arg2[%dma_start3A_30, %dma_start3A_31] : memref<10240x128xf32, #tpu.memory_space<hbm>> -> memref<10240x128xf32, #tpu.memory_space<hbm>>
      tpu.enqueue_indirect_dma source(%dma_start3A_32 : memref<10240x128xf32, #tpu.memory_space<hbm>>) target(%arg12 : memref<128x128xf32, #tpu.memory_space<vmem>>) offsets(%arg8 : memref<128xi32, #tpu.memory_space<vmem>>) semaphore(%arg16 : memref<!tpu.dma_semaphore, #tpu.memory_space<semaphore_mem>>)
      %dma_start3A_33 = arith.constant 0 : i32
      %dma_start3A_34 = arith.constant 0 : i32
      %dma_start3A_35 = tpu.memref_slice %arg2[%dma_start3A_33, %dma_start3A_34] : memref<10240x128xf32, #tpu.memory_space<hbm>> -> memref<10240x128xf32, #tpu.memory_space<hbm>>
      tpu.enqueue_indirect_dma source(%dma_start3A_35 : memref<10240x128xf32, #tpu.memory_space<hbm>>) target(%arg14 : memref<128x128xf32, #tpu.memory_space<vmem>>) offsets(%arg10 : memref<128xi32, #tpu.memory_space<vmem>>) semaphore(%arg18 : memref<!tpu.dma_semaphore, #tpu.memory_space<semaphore_mem>>)
      %mul3A_36 = arith.constant 2560 : i32
      %mul3A_37 = arith.muli %add3A, %mul3A_36 : i32
      %mul3A_38 = arith.constant 128 : i32
      %mul3A_39 = arith.muli %mul3A_17, %mul3A_38 : i32
      %add3A_40 = arith.addi %mul3A_37, %mul3A_39 : i32
      "tpu.region"() ({
        %run_scoped3A = tpu.sem_alloc : memref<!tpu.dma_semaphore, #tpu.memory_space<semaphore_mem>>
        %dma_start3A_58 = arith.constant 0 : i32
        %dma_start3A_59 = tpu.memref_slice %arg5[%add3A_40, %dma_start3A_58] : memref<81920x128xf32, #tpu.memory_space<hbm>> -> memref<128x128xf32, #tpu.memory_space<hbm>>
        %dma_start3A_60 = arith.constant 0 : i32
        %dma_start3A_61 = tpu.memref_slice %arg5[%add3A_40, %dma_start3A_60] : memref<81920x128xf32, #tpu.memory_space<hbm>> -> memref<128x128xf32, #tpu.memory_space<hbm>>
        tpu.enqueue_dma source(%arg11 : memref<128x128xf32, #tpu.memory_space<vmem>>) target(%dma_start3A_61 : memref<128x128xf32, #tpu.memory_space<hbm>>) target_semaphore(%run_scoped3A : memref<!tpu.dma_semaphore, #tpu.memory_space<semaphore_mem>>)
        %dma_wait3A_62 = arith.constant 0 : i32
        %dma_wait3A_63 = tpu.memref_slice %arg5[%add3A_40, %dma_wait3A_62] : memref<81920x128xf32, #tpu.memory_space<hbm>> -> memref<128x128xf32, #tpu.memory_space<hbm>>
        %dma_wait3A_64 = arith.constant 0 : i32
        %dma_wait3A_65 = tpu.memref_slice %arg5[%add3A_40, %dma_wait3A_64] : memref<81920x128xf32, #tpu.memory_space<hbm>> -> memref<128x128xf32, #tpu.memory_space<hbm>>
        tpu.wait_dma2 semaphore(%run_scoped3A : memref<!tpu.dma_semaphore, #tpu.memory_space<semaphore_mem>>) src(%arg11 : memref<128x128xf32, #tpu.memory_space<vmem>>) dst(%dma_wait3A_65 : memref<128x128xf32, #tpu.memory_space<hbm>>)
        tpu.yield
      }) : () -> ()
      "tpu.region"() ({
        %run_scoped3A = tpu.sem_alloc : memref<!tpu.dma_semaphore, #tpu.memory_space<semaphore_mem>>
        %dma_start3A_58 = arith.constant 0 : i32
        %dma_start3A_59 = tpu.memref_slice %arg6[%add3A_40, %dma_start3A_58] : memref<81920x128xf32, #tpu.memory_space<hbm>> -> memref<128x128xf32, #tpu.memory_space<hbm>>
        %dma_start3A_60 = arith.constant 0 : i32
        %dma_start3A_61 = tpu.memref_slice %arg6[%add3A_40, %dma_start3A_60] : memref<81920x128xf32, #tpu.memory_space<hbm>> -> memref<128x128xf32, #tpu.memory_space<hbm>>
        tpu.enqueue_dma source(%arg13 : memref<128x128xf32, #tpu.memory_space<vmem>>) target(%dma_start3A_61 : memref<128x128xf32, #tpu.memory_space<hbm>>) target_semaphore(%run_scoped3A : memref<!tpu.dma_semaphore, #tpu.memory_space<semaphore_mem>>)
        %dma_wait3A_62 = arith.constant 0 : i32
        %dma_wait3A_63 = tpu.memref_slice %arg6[%add3A_40, %dma_wait3A_62] : memref<81920x128xf32, #tpu.memory_space<hbm>> -> memref<128x128xf32, #tpu.memory_space<hbm>>
        %dma_wait3A_64 = arith.constant 0 : i32
        %dma_wait3A_65 = tpu.memref_slice %arg6[%add3A_40, %dma_wait3A_64] : memref<81920x128xf32, #tpu.memory_space<hbm>> -> memref<128x128xf32, #tpu.memory_space<hbm>>
        tpu.wait_dma2 semaphore(%run_scoped3A : memref<!tpu.dma_semaphore, #tpu.memory_space<semaphore_mem>>) src(%arg13 : memref<128x128xf32, #tpu.memory_space<vmem>>) dst(%dma_wait3A_65 : memref<128x128xf32, #tpu.memory_space<hbm>>)
        tpu.yield
      }) : () -> ()
      %dma_wait3A_41 = arith.constant 0 : i32
      %dma_wait3A_42 = arith.constant 0 : i32
      %dma_wait3A_43 = tpu.memref_slice %arg2[%dma_wait3A_41, %dma_wait3A_42] : memref<10240x128xf32, #tpu.memory_space<hbm>> -> memref<10240x128xf32, #tpu.memory_space<hbm>>
      tpu.wait_indirect_dma semaphore(%arg16 : memref<!tpu.dma_semaphore, #tpu.memory_space<semaphore_mem>>) src(%dma_wait3A_43 : memref<10240x128xf32, #tpu.memory_space<hbm>>) dst(%arg12 : memref<128x128xf32, #tpu.memory_space<vmem>>)
      %dma_wait3A_44 = arith.constant 0 : i32
      %dma_wait3A_45 = arith.constant 0 : i32
      %dma_wait3A_46 = tpu.memref_slice %arg2[%dma_wait3A_44, %dma_wait3A_45] : memref<10240x128xf32, #tpu.memory_space<hbm>> -> memref<10240x128xf32, #tpu.memory_space<hbm>>
      tpu.wait_indirect_dma semaphore(%arg18 : memref<!tpu.dma_semaphore, #tpu.memory_space<semaphore_mem>>) src(%dma_wait3A_46 : memref<10240x128xf32, #tpu.memory_space<hbm>>) dst(%arg14 : memref<128x128xf32, #tpu.memory_space<vmem>>)
      %add3A_47 = arith.constant 2 : i32
      %add3A_48 = arith.addi %mul3A_17, %add3A_47 : i32
      %lt3A = arith.constant 20 : i32
      %lt3A_49 = arith.cmpi slt, %add3A_48, %lt3A : i32
      %convert_element_type3A = arith.extui %lt3A_49 : i1 to i32
      %cond3A = arith.constant 0 : i32
      %cond3A_50 = arith.cmpi ne, %convert_element_type3A, %cond3A : i32
      scf.if %cond3A_50 {
        %add3A_58 = arith.constant 2 : i32
        %add3A_59 = arith.addi %mul3A_17, %add3A_58 : i32
        %mul3A_60 = arith.constant 2560 : i32
        %mul3A_61 = arith.muli %add3A, %mul3A_60 : i32
        %mul3A_62 = arith.constant 128 : i32
        %mul3A_63 = arith.muli %add3A_59, %mul3A_62 : i32
        %add3A_64 = arith.addi %mul3A_61, %mul3A_63 : i32
        "tpu.region"() ({
          %run_scoped3A = tpu.sem_alloc : memref<!tpu.dma_semaphore, #tpu.memory_space<semaphore_mem>>
          %dma_start3A_71 = tpu.memref_slice %arg3[%add3A_64] : memref<81920xi32, #tpu.memory_space<hbm>> -> memref<128xi32, #tpu.memory_space<hbm>>
          %dma_start3A_72 = tpu.memref_slice %arg3[%add3A_64] : memref<81920xi32, #tpu.memory_space<hbm>> -> memref<128xi32, #tpu.memory_space<hbm>>
          tpu.enqueue_dma source(%dma_start3A_72 : memref<128xi32, #tpu.memory_space<hbm>>) target(%arg7 : memref<128xi32, #tpu.memory_space<vmem>>) target_semaphore(%run_scoped3A : memref<!tpu.dma_semaphore, #tpu.memory_space<semaphore_mem>>)
          %dma_wait3A_73 = tpu.memref_slice %arg3[%add3A_64] : memref<81920xi32, #tpu.memory_space<hbm>> -> memref<128xi32, #tpu.memory_space<hbm>>
          %dma_wait3A_74 = tpu.memref_slice %arg3[%add3A_64] : memref<81920xi32, #tpu.memory_space<hbm>> -> memref<128xi32, #tpu.memory_space<hbm>>
          tpu.wait_dma2 semaphore(%run_scoped3A : memref<!tpu.dma_semaphore, #tpu.memory_space<semaphore_mem>>) src(%dma_wait3A_74 : memref<128xi32, #tpu.memory_space<hbm>>) dst(%arg7 : memref<128xi32, #tpu.memory_space<vmem>>)
          tpu.yield
        }) : () -> ()
        "tpu.region"() ({
          %run_scoped3A = tpu.sem_alloc : memref<!tpu.dma_semaphore, #tpu.memory_space<semaphore_mem>>
          %dma_start3A_71 = tpu.memref_slice %arg4[%add3A_64] : memref<81920xi32, #tpu.memory_space<hbm>> -> memref<128xi32, #tpu.memory_space<hbm>>
          %dma_start3A_72 = tpu.memref_slice %arg4[%add3A_64] : memref<81920xi32, #tpu.memory_space<hbm>> -> memref<128xi32, #tpu.memory_space<hbm>>
          tpu.enqueue_dma source(%dma_start3A_72 : memref<128xi32, #tpu.memory_space<hbm>>) target(%arg9 : memref<128xi32, #tpu.memory_space<vmem>>) target_semaphore(%run_scoped3A : memref<!tpu.dma_semaphore, #tpu.memory_space<semaphore_mem>>)
          %dma_wait3A_73 = tpu.memref_slice %arg4[%add3A_64] : memref<81920xi32, #tpu.memory_space<hbm>> -> memref<128xi32, #tpu.memory_space<hbm>>
          %dma_wait3A_74 = tpu.memref_slice %arg4[%add3A_64] : memref<81920xi32, #tpu.memory_space<hbm>> -> memref<128xi32, #tpu.memory_space<hbm>>
          tpu.wait_dma2 semaphore(%run_scoped3A : memref<!tpu.dma_semaphore, #tpu.memory_space<semaphore_mem>>) src(%dma_wait3A_74 : memref<128xi32, #tpu.memory_space<hbm>>) dst(%arg9 : memref<128xi32, #tpu.memory_space<vmem>>)
          tpu.yield
        }) : () -> ()
        %dma_start3A_65 = arith.constant 0 : i32
        %dma_start3A_66 = arith.constant 0 : i32
        %dma_start3A_67 = tpu.memref_slice %arg2[%dma_start3A_65, %dma_start3A_66] : memref<10240x128xf32, #tpu.memory_space<hbm>> -> memref<10240x128xf32, #tpu.memory_space<hbm>>
        tpu.enqueue_indirect_dma source(%dma_start3A_67 : memref<10240x128xf32, #tpu.memory_space<hbm>>) target(%arg11 : memref<128x128xf32, #tpu.memory_space<vmem>>) offsets(%arg7 : memref<128xi32, #tpu.memory_space<vmem>>) semaphore(%arg15 : memref<!tpu.dma_semaphore, #tpu.memory_space<semaphore_mem>>)
        %dma_start3A_68 = arith.constant 0 : i32
        %dma_start3A_69 = arith.constant 0 : i32
        %dma_start3A_70 = tpu.memref_slice %arg2[%dma_start3A_68, %dma_start3A_69] : memref<10240x128xf32, #tpu.memory_space<hbm>> -> memref<10240x128xf32, #tpu.memory_space<hbm>>
        tpu.enqueue_indirect_dma source(%dma_start3A_70 : memref<10240x128xf32, #tpu.memory_space<hbm>>) target(%arg13 : memref<128x128xf32, #tpu.memory_space<vmem>>) offsets(%arg9 : memref<128xi32, #tpu.memory_space<vmem>>) semaphore(%arg17 : memref<!tpu.dma_semaphore, #tpu.memory_space<semaphore_mem>>)
      } else {
      }
      %add3A_51 = arith.constant 1 : i32
      %add3A_52 = arith.addi %mul3A_17, %add3A_51 : i32
      %mul3A_53 = arith.constant 2560 : i32
      %mul3A_54 = arith.muli %add3A, %mul3A_53 : i32
      %mul3A_55 = arith.constant 128 : i32
      %mul3A_56 = arith.muli %add3A_52, %mul3A_55 : i32
      %add3A_57 = arith.addi %mul3A_54, %mul3A_56 : i32
      "tpu.region"() ({
        %run_scoped3A = tpu.sem_alloc : memref<!tpu.dma_semaphore, #tpu.memory_space<semaphore_mem>>
        %dma_start3A_58 = arith.constant 0 : i32
        %dma_start3A_59 = tpu.memref_slice %arg5[%add3A_57, %dma_start3A_58] : memref<81920x128xf32, #tpu.memory_space<hbm>> -> memref<128x128xf32, #tpu.memory_space<hbm>>
        %dma_start3A_60 = arith.constant 0 : i32
        %dma_start3A_61 = tpu.memref_slice %arg5[%add3A_57, %dma_start3A_60] : memref<81920x128xf32, #tpu.memory_space<hbm>> -> memref<128x128xf32, #tpu.memory_space<hbm>>
        tpu.enqueue_dma source(%arg12 : memref<128x128xf32, #tpu.memory_space<vmem>>) target(%dma_start3A_61 : memref<128x128xf32, #tpu.memory_space<hbm>>) target_semaphore(%run_scoped3A : memref<!tpu.dma_semaphore, #tpu.memory_space<semaphore_mem>>)
        %dma_wait3A_62 = arith.constant 0 : i32
        %dma_wait3A_63 = tpu.memref_slice %arg5[%add3A_57, %dma_wait3A_62] : memref<81920x128xf32, #tpu.memory_space<hbm>> -> memref<128x128xf32, #tpu.memory_space<hbm>>
        %dma_wait3A_64 = arith.constant 0 : i32
        %dma_wait3A_65 = tpu.memref_slice %arg5[%add3A_57, %dma_wait3A_64] : memref<81920x128xf32, #tpu.memory_space<hbm>> -> memref<128x128xf32, #tpu.memory_space<hbm>>
        tpu.wait_dma2 semaphore(%run_scoped3A : memref<!tpu.dma_semaphore, #tpu.memory_space<semaphore_mem>>) src(%arg12 : memref<128x128xf32, #tpu.memory_space<vmem>>) dst(%dma_wait3A_65 : memref<128x128xf32, #tpu.memory_space<hbm>>)
        tpu.yield
      }) : () -> ()
      "tpu.region"() ({
        %run_scoped3A = tpu.sem_alloc : memref<!tpu.dma_semaphore, #tpu.memory_space<semaphore_mem>>
        %dma_start3A_58 = arith.constant 0 : i32
        %dma_start3A_59 = tpu.memref_slice %arg6[%add3A_57, %dma_start3A_58] : memref<81920x128xf32, #tpu.memory_space<hbm>> -> memref<128x128xf32, #tpu.memory_space<hbm>>
        %dma_start3A_60 = arith.constant 0 : i32
        %dma_start3A_61 = tpu.memref_slice %arg6[%add3A_57, %dma_start3A_60] : memref<81920x128xf32, #tpu.memory_space<hbm>> -> memref<128x128xf32, #tpu.memory_space<hbm>>
        tpu.enqueue_dma source(%arg14 : memref<128x128xf32, #tpu.memory_space<vmem>>) target(%dma_start3A_61 : memref<128x128xf32, #tpu.memory_space<hbm>>) target_semaphore(%run_scoped3A : memref<!tpu.dma_semaphore, #tpu.memory_space<semaphore_mem>>)
        %dma_wait3A_62 = arith.constant 0 : i32
        %dma_wait3A_63 = tpu.memref_slice %arg6[%add3A_57, %dma_wait3A_62] : memref<81920x128xf32, #tpu.memory_space<hbm>> -> memref<128x128xf32, #tpu.memory_space<hbm>>
        %dma_wait3A_64 = arith.constant 0 : i32
        %dma_wait3A_65 = tpu.memref_slice %arg6[%add3A_57, %dma_wait3A_64] : memref<81920x128xf32, #tpu.memory_space<hbm>> -> memref<128x128xf32, #tpu.memory_space<hbm>>
        tpu.wait_dma2 semaphore(%run_scoped3A : memref<!tpu.dma_semaphore, #tpu.memory_space<semaphore_mem>>) src(%arg14 : memref<128x128xf32, #tpu.memory_space<vmem>>) dst(%dma_wait3A_65 : memref<128x128xf32, #tpu.memory_space<hbm>>)
        tpu.yield
      }) : () -> ()
    }
    %scan3A_14 = arith.constant 10 : i32
    return
  }
}

module attributes {stable_mosaic.version = 14 : i64} {
  func.func @body(%arg0: i32, %arg1: memref<1024x128xf32, #tpu.memory_space<vmem>>, %arg2: memref<128x64xf32, #tpu.memory_space<vmem>>, %arg3: memref<128x64xf32, #tpu.memory_space<vmem>>, %arg4: memref<1024x64xf32, #tpu.memory_space<vmem>>, %arg5: memref<1024x64xf32, #tpu.memory_space<vmem>>) attributes {dimension_semantics = [#tpu.dimension_semantics<arbitrary>], iteration_bounds = array<i64: 10>, scalar_prefetch = 0 : i64, scratch_operands = 0 : i64, tpu.core_type = #tpu.core_type<tc>, window_params = [{transform_indices = @transform_0, window_bounds = array<i64: 1024, 128>}, {pipeline_mode = #tpu.pipeline_mode<synchronous>, transform_indices = @transform_1, window_bounds = array<i64: 128, 64>}, {pipeline_mode = #tpu.pipeline_mode<synchronous>, transform_indices = @transform_2, window_bounds = array<i64: 128, 64>}, {transform_indices = @transform_3, window_bounds = array<i64: 1024, 64>}, {transform_indices = @transform_4, window_bounds = array<i64: 1024, 64>}]} {
    %get3A = arith.constant 0 : index
    %get3A_0 = arith.constant 0 : index
    %get3A_1 = vector.load %arg1[%get3A, %get3A_0] : memref<1024x128xf32, #tpu.memory_space<vmem>>, vector<1024x128xf32>
    %get3A_2 = arith.constant 0 : index
    %get3A_3 = arith.constant 0 : index
    %get3A_4 = vector.load %arg2[%get3A_2, %get3A_3] : memref<128x64xf32, #tpu.memory_space<vmem>>, vector<128x64xf32>
    %dot_general3A = arith.constant dense<0.000000e+00> : vector<1024x64xf32>
    %dot_general3A_5 = tpu.matmul %get3A_1, %get3A_4, %dot_general3A {dimension_numbers = #tpu.dot_dimension_numbers<[1], [0], [0], [1], [0, 0, 1, 1], [], []>, transpose_lhs_hint = false} : vector<1024x128xf32>, vector<128x64xf32>, vector<1024x64xf32> -> vector<1024x64xf32>
    %swap3A = arith.constant 0 : index
    %swap3A_6 = arith.constant 0 : index
    %swap3A_7 = vector.load %arg4[%swap3A, %swap3A_6] : memref<1024x64xf32, #tpu.memory_space<vmem>>, vector<1024x64xf32>
    tpu.vector_store %arg4[%swap3A, %swap3A_6], %dot_general3A_5 {strides = array<i32>} : memref<1024x64xf32, #tpu.memory_space<vmem>>, vector<1024x64xf32>,
    %get3A_8 = arith.constant 0 : index
    %get3A_9 = arith.constant 0 : index
    %get3A_10 = vector.load %arg3[%get3A_8, %get3A_9] : memref<128x64xf32, #tpu.memory_space<vmem>>, vector<128x64xf32>
    %dot_general3A_11 = arith.constant dense<0.000000e+00> : vector<1024x64xf32>
    %dot_general3A_12 = tpu.matmul %get3A_1, %get3A_10, %dot_general3A_11 {dimension_numbers = #tpu.dot_dimension_numbers<[1], [0], [0], [1], [0, 0, 1, 1], [], []>, transpose_lhs_hint = false} : vector<1024x128xf32>, vector<128x64xf32>, vector<1024x64xf32> -> vector<1024x64xf32>
    %swap3A_13 = arith.constant 0 : index
    %swap3A_14 = arith.constant 0 : index
    %swap3A_15 = vector.load %arg5[%swap3A_13, %swap3A_14] : memref<1024x64xf32, #tpu.memory_space<vmem>>, vector<1024x64xf32>
    tpu.vector_store %arg5[%swap3A_13, %swap3A_14], %dot_general3A_12 {strides = array<i32>} : memref<1024x64xf32, #tpu.memory_space<vmem>>, vector<1024x64xf32>,
    return
  }
  func.func @transform_0(%arg0: i32) -> (i32, i32) {
    %c0_i32 = arith.constant 0 : i32
    %c0_i32_0 = arith.constant 0 : i32
    return %arg0, %c0_i32 : i32, i32
  }
  func.func @transform_1(%arg0: i32) -> (i32, i32) {
    %c0_i32 = arith.constant 0 : i32
    %c0_i32_0 = arith.constant 0 : i32
    %c0_i32_1 = arith.constant 0 : i32
    return %c0_i32, %c0_i32_0 : i32, i32
  }
  func.func @transform_2(%arg0: i32) -> (i32, i32) {
    %c0_i32 = arith.constant 0 : i32
    %c0_i32_0 = arith.constant 0 : i32
    %c0_i32_1 = arith.constant 0 : i32
    return %c0_i32, %c0_i32_0 : i32, i32
  }
  func.func @transform_3(%arg0: i32) -> (i32, i32) {
    %c0_i32 = arith.constant 0 : i32
    %c0_i32_0 = arith.constant 0 : i32
    return %arg0, %c0_i32 : i32, i32
  }
  func.func @transform_4(%arg0: i32) -> (i32, i32) {
    %c0_i32 = arith.constant 0 : i32
    %c0_i32_0 = arith.constant 0 : i32
    return %arg0, %c0_i32 : i32, i32
  }
}

module attributes {stable_mosaic.version = 14 : i64} {
  func.func @body(%arg0: i32, %arg1: memref<1024x64xf32, #tpu.memory_space<vmem>>, %arg2: memref<1024x128xf32, #tpu.memory_space<vmem>>, %arg3: memref<1024x128xf32, #tpu.memory_space<vmem>>, %arg4: memref<1024x128xf32, #tpu.memory_space<vmem>>) attributes {dimension_semantics = [#tpu.dimension_semantics<arbitrary>], iteration_bounds = array<i64: 10>, scalar_prefetch = 0 : i64, scratch_operands = 0 : i64, tpu.core_type = #tpu.core_type<tc>, window_params = [{transform_indices = @transform_0, window_bounds = array<i64: 1024, 64>}, {transform_indices = @transform_1, window_bounds = array<i64: 1024, 128>}, {transform_indices = @transform_2, window_bounds = array<i64: 1024, 128>}, {transform_indices = @transform_3, window_bounds = array<i64: 1024, 128>}]} {
    %get3A = arith.constant 0 : index
    %get3A_0 = arith.constant 0 : index
    %get3A_1 = vector.load %arg2[%get3A, %get3A_0] : memref<1024x128xf32, #tpu.memory_space<vmem>>, vector<1024x1xf32>
    %get3A_2 = arith.constant 0 : index
    %get3A_3 = arith.constant 0 : index
    %get3A_4 = vector.load %arg3[%get3A_2, %get3A_3] : memref<1024x128xf32, #tpu.memory_space<vmem>>, vector<1024x1xf32>
    %add3A = arith.addf %get3A_1, %get3A_4 : vector<1024x1xf32>
    %gt3A = arith.constant 0.000000e+00 : f32
    %gt3A_5 = vector.broadcast %gt3A : f32 to vector<1024x1xf32>
    %gt3A_6 = arith.cmpf ogt, %add3A, %gt3A_5 : vector<1024x1xf32>
    %rsqrt3A = math.rsqrt %add3A : vector<1024x1xf32>
    %jit3A = arith.constant 0.000000e+00 : f32
    %broadcast_in_dim3A = vector.broadcast %jit3A : f32 to vector<1024x1xf32>
    %select_n3A = arith.select %gt3A_6, %rsqrt3A, %broadcast_in_dim3A : vector<1024x1xi1>, vector<1024x1xf32>
    %get3A_7 = arith.constant 0 : index
    %get3A_8 = arith.constant 0 : index
    %get3A_9 = vector.load %arg1[%get3A_7, %get3A_8] : memref<1024x64xf32, #tpu.memory_space<vmem>>, vector<1024x64xf32>
    %mul3A = vector.broadcast %select_n3A : vector<1024x1xf32> to vector<1024x64xf32>
    %mul3A_10 = arith.mulf %get3A_9, %mul3A : vector<1024x64xf32>
    %broadcast_in_dim3A_11 = arith.constant 0.000000e+00 : f32
    %broadcast_in_dim3A_12 = vector.broadcast %broadcast_in_dim3A_11 : f32 to vector<1024x64xf32>
    %concatenate3A = tpu.concatenate %mul3A_10, %broadcast_in_dim3A_12 in 1 : vector<1024x64xf32>, vector<1024x64xf32> -> vector<1024x128xf32>
    %swap3A = arith.constant 0 : index
    %swap3A_13 = arith.constant 0 : index
    %swap3A_14 = vector.load %arg4[%swap3A, %swap3A_13] : memref<1024x128xf32, #tpu.memory_space<vmem>>, vector<1024x128xf32>
    tpu.vector_store %arg4[%swap3A, %swap3A_13], %concatenate3A {strides = array<i32>} : memref<1024x128xf32, #tpu.memory_space<vmem>>, vector<1024x128xf32>,
    return
  }
  func.func @transform_0(%arg0: i32) -> (i32, i32) {
    %c0_i32 = arith.constant 0 : i32
    %c0_i32_0 = arith.constant 0 : i32
    return %arg0, %c0_i32 : i32, i32
  }
  func.func @transform_1(%arg0: i32) -> (i32, i32) {
    %c0_i32 = arith.constant 0 : i32
    %c0_i32_0 = arith.constant 0 : i32
    return %arg0, %c0_i32 : i32, i32
  }
  func.func @transform_2(%arg0: i32) -> (i32, i32) {
    %add3A = arith.constant 10 : i32
    %add3A_0 = arith.addi %arg0, %add3A : i32
    %c0_i32 = arith.constant 0 : i32
    %c0_i32_1 = arith.constant 0 : i32
    return %add3A_0, %c0_i32 : i32, i32
  }
  func.func @transform_3(%arg0: i32) -> (i32, i32) {
    %c0_i32 = arith.constant 0 : i32
    %c0_i32_0 = arith.constant 0 : i32
    return %arg0, %c0_i32 : i32, i32
  }
}

module attributes {stable_mosaic.version = 14 : i64} {
  func.func @body(%arg0: i32, %arg1: memref<1024x128xf32, #tpu.memory_space<vmem>>, %arg2: memref<1024x128xf32, #tpu.memory_space<vmem>>, %arg3: memref<1024x128xf32, #tpu.memory_space<vmem>>, %arg4: memref<1024x128xf32, #tpu.memory_space<vmem>>, %arg5: memref<1024x64xf32, #tpu.memory_space<vmem>>, %arg6: memref<1x64xf32, #tpu.memory_space<vmem>>, %arg7: memref<1x64xf32, #tpu.memory_space<vmem>>, %arg8: memref<1x64xf32, #tpu.memory_space<vmem>>, %arg9: memref<64x64xf32, #tpu.memory_space<vmem>>, %arg10: memref<1024x128xf32, #tpu.memory_space<vmem>>, %arg11: memref<1024x64xf32, #tpu.memory_space<vmem>>, %arg12: memref<1024x128xf32, #tpu.memory_space<vmem>>) attributes {dimension_semantics = [#tpu.dimension_semantics<arbitrary>], iteration_bounds = array<i64: 10>, scalar_prefetch = 0 : i64, scratch_operands = 0 : i64, tpu.core_type = #tpu.core_type<tc>, window_params = [{transform_indices = @transform_0, window_bounds = array<i64: 1024, 128>}, {transform_indices = @transform_1, window_bounds = array<i64: 1024, 128>}, {transform_indices = @transform_2, window_bounds = array<i64: 1024, 128>}, {transform_indices = @transform_3, window_bounds = array<i64: 1024, 128>}, {transform_indices = @transform_4, window_bounds = array<i64: 1024, 64>}, {pipeline_mode = #tpu.pipeline_mode<synchronous>, transform_indices = @transform_5, window_bounds = array<i64: 1, 64>}, {pipeline_mode = #tpu.pipeline_mode<synchronous>, transform_indices = @transform_6, window_bounds = array<i64: 1, 64>}, {pipeline_mode = #tpu.pipeline_mode<synchronous>, transform_indices = @transform_7, window_bounds = array<i64: 1, 64>}, {pipeline_mode = #tpu.pipeline_mode<synchronous>, transform_indices = @transform_8, window_bounds = array<i64: 64, 64>}, {transform_indices = @transform_9, window_bounds = array<i64: 1024, 128>}, {transform_indices = @transform_10, window_bounds = array<i64: 1024, 64>}, {transform_indices = @transform_11, window_bounds = array<i64: 1024, 128>}]} {
    %get3A = arith.constant 0 : index
    %get3A_0 = arith.constant 0 : index
    %get3A_1 = vector.load %arg3[%get3A, %get3A_0] : memref<1024x128xf32, #tpu.memory_space<vmem>>, vector<1024x1xf32>
    %get3A_2 = arith.constant 0 : index
    %get3A_3 = arith.constant 0 : index
    %get3A_4 = vector.load %arg4[%get3A_2, %get3A_3] : memref<1024x128xf32, #tpu.memory_space<vmem>>, vector<1024x1xf32>
    %add3A = arith.addf %get3A_1, %get3A_4 : vector<1024x1xf32>
    %gt3A = arith.constant 0.000000e+00 : f32
    %gt3A_5 = vector.broadcast %gt3A : f32 to vector<1024x1xf32>
    %gt3A_6 = arith.cmpf ogt, %add3A, %gt3A_5 : vector<1024x1xf32>
    %rsqrt3A = math.rsqrt %add3A : vector<1024x1xf32>
    %jit3A = arith.constant 0.000000e+00 : f32
    %broadcast_in_dim3A = vector.broadcast %jit3A : f32 to vector<1024x1xf32>
    %select_n3A = arith.select %gt3A_6, %rsqrt3A, %broadcast_in_dim3A : vector<1024x1xi1>, vector<1024x1xf32>
    %get3A_7 = arith.constant 0 : index
    %get3A_8 = arith.constant 0 : index
    %get3A_9 = vector.load %arg1[%get3A_7, %get3A_8] : memref<1024x128xf32, #tpu.memory_space<vmem>>, vector<1024x64xf32>
    %get3A_10 = arith.constant 0 : index
    %get3A_11 = arith.constant 0 : index
    %get3A_12 = vector.load %arg2[%get3A_10, %get3A_11] : memref<1024x128xf32, #tpu.memory_space<vmem>>, vector<1024x64xf32>
    %add3A_13 = arith.addf %get3A_9, %get3A_12 : vector<1024x64xf32>
    %mul3A = vector.broadcast %select_n3A : vector<1024x1xf32> to vector<1024x64xf32>
    %mul3A_14 = arith.mulf %add3A_13, %mul3A : vector<1024x64xf32>
    %get3A_15 = arith.constant 0 : index
    %get3A_16 = arith.constant 0 : index
    %get3A_17 = vector.load %arg6[%get3A_15, %get3A_16] : memref<1x64xf32, #tpu.memory_space<vmem>>, vector<1x64xf32>
    %add3A_18 = vector.broadcast %get3A_17 : vector<1x64xf32> to vector<1024x64xf32>
    %add3A_19 = arith.addf %mul3A_14, %add3A_18 : vector<1024x64xf32>
    %get3A_20 = arith.constant 0 : index
    %get3A_21 = arith.constant 0 : index
    %get3A_22 = vector.load %arg7[%get3A_20, %get3A_21] : memref<1x64xf32, #tpu.memory_space<vmem>>, vector<1x64xf32>
    %get3A_23 = arith.constant 0 : index
    %get3A_24 = arith.constant 0 : index
    %get3A_25 = vector.load %arg8[%get3A_23, %get3A_24] : memref<1x64xf32, #tpu.memory_space<vmem>>, vector<1x64xf32>
    %reduce_sum3A = arith.constant dense<0.000000e+00> : vector<1024xf32>
    %reduce_sum3A_26 = vector.multi_reduction <add>, %add3A_19, %reduce_sum3A [1] : vector<1024x64xf32> to vector<1024xf32>
    %broadcast_in_dim3A_27 = vector.shape_cast %reduce_sum3A_26 : vector<1024xf32> to vector<1024x1xf32>
    %div3A = arith.constant 6.400000e+01 : f32
    %div3A_28 = vector.broadcast %div3A : f32 to vector<1024x1xf32>
    %div3A_29 = arith.divf %broadcast_in_dim3A_27, %div3A_28 : vector<1024x1xf32>
    %sub3A = vector.broadcast %div3A_29 : vector<1024x1xf32> to vector<1024x64xf32>
    %sub3A_30 = arith.subf %add3A_19, %sub3A : vector<1024x64xf32>
    %integer_pow3A = arith.mulf %sub3A_30, %sub3A_30 : vector<1024x64xf32>
    %reduce_sum3A_31 = arith.constant dense<0.000000e+00> : vector<1024xf32>
    %reduce_sum3A_32 = vector.multi_reduction <add>, %integer_pow3A, %reduce_sum3A_31 [1] : vector<1024x64xf32> to vector<1024xf32>
    %broadcast_in_dim3A_33 = vector.shape_cast %reduce_sum3A_32 : vector<1024xf32> to vector<1024x1xf32>
    %div3A_34 = arith.constant 6.400000e+01 : f32
    %div3A_35 = vector.broadcast %div3A_34 : f32 to vector<1024x1xf32>
    %div3A_36 = arith.divf %broadcast_in_dim3A_33, %div3A_35 : vector<1024x1xf32>
    %sub3A_37 = vector.broadcast %div3A_29 : vector<1024x1xf32> to vector<1024x64xf32>
    %sub3A_38 = arith.subf %add3A_19, %sub3A_37 : vector<1024x64xf32>
    %add3A_39 = arith.constant 9.99999974E-6 : f32
    %add3A_40 = vector.broadcast %add3A_39 : f32 to vector<1024x1xf32>
    %add3A_41 = arith.addf %div3A_36, %add3A_40 : vector<1024x1xf32>
    %rsqrt3A_42 = math.rsqrt %add3A_41 : vector<1024x1xf32>
    %mul3A_43 = vector.broadcast %rsqrt3A_42 : vector<1024x1xf32> to vector<1024x64xf32>
    %mul3A_44 = arith.mulf %sub3A_38, %mul3A_43 : vector<1024x64xf32>
    %mul3A_45 = vector.broadcast %get3A_22 : vector<1x64xf32> to vector<1024x64xf32>
    %mul3A_46 = arith.mulf %mul3A_44, %mul3A_45 : vector<1024x64xf32>
    %add3A_47 = vector.broadcast %get3A_25 : vector<1x64xf32> to vector<1024x64xf32>
    %add3A_48 = arith.addf %mul3A_46, %add3A_47 : vector<1024x64xf32>
    %get3A_49 = arith.constant 0 : index
    %get3A_50 = arith.constant 0 : index
    %get3A_51 = vector.load %arg5[%get3A_49, %get3A_50] : memref<1024x64xf32, #tpu.memory_space<vmem>>, vector<1024x64xf32>
    %add3A_52 = arith.addf %add3A_48, %get3A_51 : vector<1024x64xf32>
    %max3A = arith.constant 0.000000e+00 : f32
    %max3A_53 = vector.broadcast %max3A : f32 to vector<1024x64xf32>
    %max3A_54 = arith.maximumf %add3A_52, %max3A_53 : vector<1024x64xf32>
    %swap3A = arith.constant 0 : index
    %swap3A_55 = arith.constant 0 : index
    %swap3A_56 = vector.load %arg11[%swap3A, %swap3A_55] : memref<1024x64xf32, #tpu.memory_space<vmem>>, vector<1024x64xf32>
    tpu.vector_store %arg11[%swap3A, %swap3A_55], %max3A_54 {strides = array<i32>} : memref<1024x64xf32, #tpu.memory_space<vmem>>, vector<1024x64xf32>,
    %get3A_57 = arith.constant 0 : index
    %get3A_58 = arith.constant 0 : index
    %get3A_59 = vector.load %arg9[%get3A_57, %get3A_58] : memref<64x64xf32, #tpu.memory_space<vmem>>, vector<64x64xf32>
    %dot_general3A = arith.constant dense<0.000000e+00> : vector<1024x64xf32>
    %dot_general3A_60 = tpu.matmul %max3A_54, %get3A_59, %dot_general3A {dimension_numbers = #tpu.dot_dimension_numbers<[1], [0], [0], [1], [0, 0, 1, 1], [], []>, transpose_lhs_hint = false} : vector<1024x64xf32>, vector<64x64xf32>, vector<1024x64xf32> -> vector<1024x64xf32>
    %mul3A_61 = vector.broadcast %select_n3A : vector<1024x1xf32> to vector<1024x64xf32>
    %mul3A_62 = arith.mulf %dot_general3A_60, %mul3A_61 : vector<1024x64xf32>
    %broadcast_in_dim3A_63 = arith.constant 0.000000e+00 : f32
    %broadcast_in_dim3A_64 = vector.broadcast %broadcast_in_dim3A_63 : f32 to vector<1024x64xf32>
    %concatenate3A = tpu.concatenate %mul3A_62, %broadcast_in_dim3A_64 in 1 : vector<1024x64xf32>, vector<1024x64xf32> -> vector<1024x128xf32>
    %swap3A_65 = arith.constant 0 : index
    %swap3A_66 = arith.constant 0 : index
    %swap3A_67 = vector.load %arg12[%swap3A_65, %swap3A_66] : memref<1024x128xf32, #tpu.memory_space<vmem>>, vector<1024x128xf32>
    tpu.vector_store %arg12[%swap3A_65, %swap3A_66], %concatenate3A {strides = array<i32>} : memref<1024x128xf32, #tpu.memory_space<vmem>>, vector<1024x128xf32>,
    return
  }
  func.func @transform_0(%arg0: i32) -> (i32, i32) {
    %c0_i32 = arith.constant 0 : i32
    %c0_i32_0 = arith.constant 0 : i32
    return %arg0, %c0_i32 : i32, i32
  }
  func.func @transform_1(%arg0: i32) -> (i32, i32) {
    %add3A = arith.constant 10 : i32
    %add3A_0 = arith.addi %arg0, %add3A : i32
    %c0_i32 = arith.constant 0 : i32
    %c0_i32_1 = arith.constant 0 : i32
    return %add3A_0, %c0_i32 : i32, i32
  }
  func.func @transform_2(%arg0: i32) -> (i32, i32) {
    %c0_i32 = arith.constant 0 : i32
    %c0_i32_0 = arith.constant 0 : i32
    return %arg0, %c0_i32 : i32, i32
  }
  func.func @transform_3(%arg0: i32) -> (i32, i32) {
    %add3A = arith.constant 10 : i32
    %add3A_0 = arith.addi %arg0, %add3A : i32
    %c0_i32 = arith.constant 0 : i32
    %c0_i32_1 = arith.constant 0 : i32
    return %add3A_0, %c0_i32 : i32, i32
  }
  func.func @transform_4(%arg0: i32) -> (i32, i32) {
    %c0_i32 = arith.constant 0 : i32
    %c0_i32_0 = arith.constant 0 : i32
    return %arg0, %c0_i32 : i32, i32
  }
  func.func @transform_5(%arg0: i32) -> (i32, i32) {
    %c0_i32 = arith.constant 0 : i32
    %c0_i32_0 = arith.constant 0 : i32
    %c0_i32_1 = arith.constant 0 : i32
    return %c0_i32, %c0_i32_0 : i32, i32
  }
  func.func @transform_6(%arg0: i32) -> (i32, i32) {
    %c0_i32 = arith.constant 0 : i32
    %c0_i32_0 = arith.constant 0 : i32
    %c0_i32_1 = arith.constant 0 : i32
    return %c0_i32, %c0_i32_0 : i32, i32
  }
  func.func @transform_7(%arg0: i32) -> (i32, i32) {
    %c0_i32 = arith.constant 0 : i32
    %c0_i32_0 = arith.constant 0 : i32
    %c0_i32_1 = arith.constant 0 : i32
    return %c0_i32, %c0_i32_0 : i32, i32
  }
  func.func @transform_8(%arg0: i32) -> (i32, i32) {
    %c0_i32 = arith.constant 0 : i32
    %c0_i32_0 = arith.constant 0 : i32
    %c0_i32_1 = arith.constant 0 : i32
    return %c0_i32, %c0_i32_0 : i32, i32
  }
  func.func @transform_9(%arg0: i32) -> (i32, i32) {
    %c0_i32 = arith.constant 0 : i32
    %c0_i32_0 = arith.constant 0 : i32
    return %arg0, %c0_i32 : i32, i32
  }
  func.func @transform_10(%arg0: i32) -> (i32, i32) {
    %c0_i32 = arith.constant 0 : i32
    %c0_i32_0 = arith.constant 0 : i32
    return %arg0, %c0_i32 : i32, i32
  }
  func.func @transform_11(%arg0: i32) -> (i32, i32) {
    %c0_i32 = arith.constant 0 : i32
    %c0_i32_0 = arith.constant 0 : i32
    return %arg0, %c0_i32 : i32, i32
  }
}

module attributes {stable_mosaic.version = 14 : i64} {
  func.func @body(%arg0: i32, %arg1: memref<1024x128xf32, #tpu.memory_space<vmem>>, %arg2: memref<1024x128xf32, #tpu.memory_space<vmem>>, %arg3: memref<1024x128xf32, #tpu.memory_space<vmem>>, %arg4: memref<1024x128xf32, #tpu.memory_space<vmem>>, %arg5: memref<1024x64xf32, #tpu.memory_space<vmem>>, %arg6: memref<1x64xf32, #tpu.memory_space<vmem>>, %arg7: memref<1x64xf32, #tpu.memory_space<vmem>>, %arg8: memref<1x64xf32, #tpu.memory_space<vmem>>, %arg9: memref<1024x128xf32, #tpu.memory_space<vmem>>, %arg10: memref<1024x128xf32, #tpu.memory_space<vmem>>) attributes {dimension_semantics = [#tpu.dimension_semantics<arbitrary>], iteration_bounds = array<i64: 10>, scalar_prefetch = 0 : i64, scratch_operands = 0 : i64, tpu.core_type = #tpu.core_type<tc>, window_params = [{transform_indices = @transform_0, window_bounds = array<i64: 1024, 128>}, {transform_indices = @transform_1, window_bounds = array<i64: 1024, 128>}, {transform_indices = @transform_2, window_bounds = array<i64: 1024, 128>}, {transform_indices = @transform_3, window_bounds = array<i64: 1024, 128>}, {transform_indices = @transform_4, window_bounds = array<i64: 1024, 64>}, {pipeline_mode = #tpu.pipeline_mode<synchronous>, transform_indices = @transform_5, window_bounds = array<i64: 1, 64>}, {pipeline_mode = #tpu.pipeline_mode<synchronous>, transform_indices = @transform_6, window_bounds = array<i64: 1, 64>}, {pipeline_mode = #tpu.pipeline_mode<synchronous>, transform_indices = @transform_7, window_bounds = array<i64: 1, 64>}, {transform_indices = @transform_8, window_bounds = array<i64: 1024, 128>}, {transform_indices = @transform_9, window_bounds = array<i64: 1024, 128>}]} {
    %get3A = arith.constant 0 : index
    %get3A_0 = arith.constant 0 : index
    %get3A_1 = vector.load %arg3[%get3A, %get3A_0] : memref<1024x128xf32, #tpu.memory_space<vmem>>, vector<1024x1xf32>
    %get3A_2 = arith.constant 0 : index
    %get3A_3 = arith.constant 0 : index
    %get3A_4 = vector.load %arg4[%get3A_2, %get3A_3] : memref<1024x128xf32, #tpu.memory_space<vmem>>, vector<1024x1xf32>
    %add3A = arith.addf %get3A_1, %get3A_4 : vector<1024x1xf32>
    %gt3A = arith.constant 0.000000e+00 : f32
    %gt3A_5 = vector.broadcast %gt3A : f32 to vector<1024x1xf32>
    %gt3A_6 = arith.cmpf ogt, %add3A, %gt3A_5 : vector<1024x1xf32>
    %rsqrt3A = math.rsqrt %add3A : vector<1024x1xf32>
    %jit3A = arith.constant 0.000000e+00 : f32
    %broadcast_in_dim3A = vector.broadcast %jit3A : f32 to vector<1024x1xf32>
    %select_n3A = arith.select %gt3A_6, %rsqrt3A, %broadcast_in_dim3A : vector<1024x1xi1>, vector<1024x1xf32>
    %get3A_7 = arith.constant 0 : index
    %get3A_8 = arith.constant 0 : index
    %get3A_9 = vector.load %arg1[%get3A_7, %get3A_8] : memref<1024x128xf32, #tpu.memory_space<vmem>>, vector<1024x64xf32>
    %get3A_10 = arith.constant 0 : index
    %get3A_11 = arith.constant 0 : index
    %get3A_12 = vector.load %arg2[%get3A_10, %get3A_11] : memref<1024x128xf32, #tpu.memory_space<vmem>>, vector<1024x64xf32>
    %add3A_13 = arith.addf %get3A_9, %get3A_12 : vector<1024x64xf32>
    %mul3A = vector.broadcast %select_n3A : vector<1024x1xf32> to vector<1024x64xf32>
    %mul3A_14 = arith.mulf %add3A_13, %mul3A : vector<1024x64xf32>
    %get3A_15 = arith.constant 0 : index
    %get3A_16 = arith.constant 0 : index
    %get3A_17 = vector.load %arg6[%get3A_15, %get3A_16] : memref<1x64xf32, #tpu.memory_space<vmem>>, vector<1x64xf32>
    %add3A_18 = vector.broadcast %get3A_17 : vector<1x64xf32> to vector<1024x64xf32>
    %add3A_19 = arith.addf %mul3A_14, %add3A_18 : vector<1024x64xf32>
    %get3A_20 = arith.constant 0 : index
    %get3A_21 = arith.constant 0 : index
    %get3A_22 = vector.load %arg7[%get3A_20, %get3A_21] : memref<1x64xf32, #tpu.memory_space<vmem>>, vector<1x64xf32>
    %get3A_23 = arith.constant 0 : index
    %get3A_24 = arith.constant 0 : index
    %get3A_25 = vector.load %arg8[%get3A_23, %get3A_24] : memref<1x64xf32, #tpu.memory_space<vmem>>, vector<1x64xf32>
    %reduce_sum3A = arith.constant dense<0.000000e+00> : vector<1024xf32>
    %reduce_sum3A_26 = vector.multi_reduction <add>, %add3A_19, %reduce_sum3A [1] : vector<1024x64xf32> to vector<1024xf32>
    %broadcast_in_dim3A_27 = vector.shape_cast %reduce_sum3A_26 : vector<1024xf32> to vector<1024x1xf32>
    %div3A = arith.constant 6.400000e+01 : f32
    %div3A_28 = vector.broadcast %div3A : f32 to vector<1024x1xf32>
    %div3A_29 = arith.divf %broadcast_in_dim3A_27, %div3A_28 : vector<1024x1xf32>
    %sub3A = vector.broadcast %div3A_29 : vector<1024x1xf32> to vector<1024x64xf32>
    %sub3A_30 = arith.subf %add3A_19, %sub3A : vector<1024x64xf32>
    %integer_pow3A = arith.mulf %sub3A_30, %sub3A_30 : vector<1024x64xf32>
    %reduce_sum3A_31 = arith.constant dense<0.000000e+00> : vector<1024xf32>
    %reduce_sum3A_32 = vector.multi_reduction <add>, %integer_pow3A, %reduce_sum3A_31 [1] : vector<1024x64xf32> to vector<1024xf32>
    %broadcast_in_dim3A_33 = vector.shape_cast %reduce_sum3A_32 : vector<1024xf32> to vector<1024x1xf32>
    %div3A_34 = arith.constant 6.400000e+01 : f32
    %div3A_35 = vector.broadcast %div3A_34 : f32 to vector<1024x1xf32>
    %div3A_36 = arith.divf %broadcast_in_dim3A_33, %div3A_35 : vector<1024x1xf32>
    %sub3A_37 = vector.broadcast %div3A_29 : vector<1024x1xf32> to vector<1024x64xf32>
    %sub3A_38 = arith.subf %add3A_19, %sub3A_37 : vector<1024x64xf32>
    %add3A_39 = arith.constant 9.99999974E-6 : f32
    %add3A_40 = vector.broadcast %add3A_39 : f32 to vector<1024x1xf32>
    %add3A_41 = arith.addf %div3A_36, %add3A_40 : vector<1024x1xf32>
    %rsqrt3A_42 = math.rsqrt %add3A_41 : vector<1024x1xf32>
    %mul3A_43 = vector.broadcast %rsqrt3A_42 : vector<1024x1xf32> to vector<1024x64xf32>
    %mul3A_44 = arith.mulf %sub3A_38, %mul3A_43 : vector<1024x64xf32>
    %mul3A_45 = vector.broadcast %get3A_22 : vector<1x64xf32> to vector<1024x64xf32>
    %mul3A_46 = arith.mulf %mul3A_44, %mul3A_45 : vector<1024x64xf32>
    %add3A_47 = vector.broadcast %get3A_25 : vector<1x64xf32> to vector<1024x64xf32>
    %add3A_48 = arith.addf %mul3A_46, %add3A_47 : vector<1024x64xf32>
    %get3A_49 = arith.constant 0 : index
    %get3A_50 = arith.constant 0 : index
    %get3A_51 = vector.load %arg5[%get3A_49, %get3A_50] : memref<1024x64xf32, #tpu.memory_space<vmem>>, vector<1024x64xf32>
    %add3A_52 = arith.addf %add3A_48, %get3A_51 : vector<1024x64xf32>
    %max3A = arith.constant 0.000000e+00 : f32
    %max3A_53 = vector.broadcast %max3A : f32 to vector<1024x64xf32>
    %max3A_54 = arith.maximumf %add3A_52, %max3A_53 : vector<1024x64xf32>
    %broadcast_in_dim3A_55 = arith.constant 0.000000e+00 : f32
    %broadcast_in_dim3A_56 = vector.broadcast %broadcast_in_dim3A_55 : f32 to vector<1024x64xf32>
    %concatenate3A = tpu.concatenate %max3A_54, %broadcast_in_dim3A_56 in 1 : vector<1024x64xf32>, vector<1024x64xf32> -> vector<1024x128xf32>
    %swap3A = arith.constant 0 : index
    %swap3A_57 = arith.constant 0 : index
    %swap3A_58 = vector.load %arg10[%swap3A, %swap3A_57] : memref<1024x128xf32, #tpu.memory_space<vmem>>, vector<1024x128xf32>
    tpu.vector_store %arg10[%swap3A, %swap3A_57], %concatenate3A {strides = array<i32>} : memref<1024x128xf32, #tpu.memory_space<vmem>>, vector<1024x128xf32>,
    return
  }
  func.func @transform_0(%arg0: i32) -> (i32, i32) {
    %c0_i32 = arith.constant 0 : i32
    %c0_i32_0 = arith.constant 0 : i32
    return %arg0, %c0_i32 : i32, i32
  }
  func.func @transform_1(%arg0: i32) -> (i32, i32) {
    %add3A = arith.constant 10 : i32
    %add3A_0 = arith.addi %arg0, %add3A : i32
    %c0_i32 = arith.constant 0 : i32
    %c0_i32_1 = arith.constant 0 : i32
    return %add3A_0, %c0_i32 : i32, i32
  }
  func.func @transform_2(%arg0: i32) -> (i32, i32) {
    %c0_i32 = arith.constant 0 : i32
    %c0_i32_0 = arith.constant 0 : i32
    return %arg0, %c0_i32 : i32, i32
  }
  func.func @transform_3(%arg0: i32) -> (i32, i32) {
    %add3A = arith.constant 10 : i32
    %add3A_0 = arith.addi %arg0, %add3A : i32
    %c0_i32 = arith.constant 0 : i32
    %c0_i32_1 = arith.constant 0 : i32
    return %add3A_0, %c0_i32 : i32, i32
  }
  func.func @transform_4(%arg0: i32) -> (i32, i32) {
    %c0_i32 = arith.constant 0 : i32
    %c0_i32_0 = arith.constant 0 : i32
    return %arg0, %c0_i32 : i32, i32
  }
  func.func @transform_5(%arg0: i32) -> (i32, i32) {
    %c0_i32 = arith.constant 0 : i32
    %c0_i32_0 = arith.constant 0 : i32
    %c0_i32_1 = arith.constant 0 : i32
    return %c0_i32, %c0_i32_0 : i32, i32
  }
  func.func @transform_6(%arg0: i32) -> (i32, i32) {
    %c0_i32 = arith.constant 0 : i32
    %c0_i32_0 = arith.constant 0 : i32
    %c0_i32_1 = arith.constant 0 : i32
    return %c0_i32, %c0_i32_0 : i32, i32
  }
  func.func @transform_7(%arg0: i32) -> (i32, i32) {
    %c0_i32 = arith.constant 0 : i32
    %c0_i32_0 = arith.constant 0 : i32
    %c0_i32_1 = arith.constant 0 : i32
    return %c0_i32, %c0_i32_0 : i32, i32
  }
  func.func @transform_8(%arg0: i32) -> (i32, i32) {
    %c0_i32 = arith.constant 0 : i32
    %c0_i32_0 = arith.constant 0 : i32
    return %arg0, %c0_i32 : i32, i32
  }
  func.func @transform_9(%arg0: i32) -> (i32, i32) {
    %c0_i32 = arith.constant 0 : i32
    %c0_i32_0 = arith.constant 0 : i32
    return %arg0, %c0_i32 : i32, i32
  }
}

module attributes {stable_mosaic.version = 14 : i64} {
  func.func @body(%arg0: i32, %arg1: memref<1024x128xf32, #tpu.memory_space<vmem>>, %arg2: memref<64x64xf32, #tpu.memory_space<vmem>>, %arg3: memref<1x64xf32, #tpu.memory_space<vmem>>, %arg4: memref<1x64xf32, #tpu.memory_space<vmem>>, %arg5: memref<1x64xf32, #tpu.memory_space<vmem>>, %arg6: memref<64x32xf32, #tpu.memory_space<vmem>>, %arg7: memref<1x32xf32, #tpu.memory_space<vmem>>, %arg8: memref<1x32xf32, #tpu.memory_space<vmem>>, %arg9: memref<1x32xf32, #tpu.memory_space<vmem>>, %arg10: memref<32x8xf32, #tpu.memory_space<vmem>>, %arg11: memref<1x8xf32, #tpu.memory_space<vmem>>, %arg12: memref<1024x8xf32, #tpu.memory_space<vmem>>) attributes {dimension_semantics = [#tpu.dimension_semantics<arbitrary>], iteration_bounds = array<i64: 10>, scalar_prefetch = 0 : i64, scratch_operands = 0 : i64, tpu.core_type = #tpu.core_type<tc>, window_params = [{transform_indices = @transform_0, window_bounds = array<i64: 1024, 128>}, {pipeline_mode = #tpu.pipeline_mode<synchronous>, transform_indices = @transform_1, window_bounds = array<i64: 64, 64>}, {pipeline_mode = #tpu.pipeline_mode<synchronous>, transform_indices = @transform_2, window_bounds = array<i64: 1, 64>}, {pipeline_mode = #tpu.pipeline_mode<synchronous>, transform_indices = @transform_3, window_bounds = array<i64: 1, 64>}, {pipeline_mode = #tpu.pipeline_mode<synchronous>, transform_indices = @transform_4, window_bounds = array<i64: 1, 64>}, {pipeline_mode = #tpu.pipeline_mode<synchronous>, transform_indices = @transform_5, window_bounds = array<i64: 64, 32>}, {pipeline_mode = #tpu.pipeline_mode<synchronous>, transform_indices = @transform_6, window_bounds = array<i64: 1, 32>}, {pipeline_mode = #tpu.pipeline_mode<synchronous>, transform_indices = @transform_7, window_bounds = array<i64: 1, 32>}, {pipeline_mode = #tpu.pipeline_mode<synchronous>, transform_indices = @transform_8, window_bounds = array<i64: 1, 32>}, {pipeline_mode = #tpu.pipeline_mode<synchronous>, transform_indices = @transform_9, window_bounds = array<i64: 32, 8>}, {pipeline_mode = #tpu.pipeline_mode<synchronous>, transform_indices = @transform_10, window_bounds = array<i64: 1, 8>}, {transform_indices = @transform_11, window_bounds = array<i64: 1024, 8>}]} {
    %get3A = arith.constant 0 : index
    %get3A_0 = arith.constant 0 : index
    %get3A_1 = vector.load %arg1[%get3A, %get3A_0] : memref<1024x128xf32, #tpu.memory_space<vmem>>, vector<1024x64xf32>
    %get3A_2 = arith.constant 0 : index
    %get3A_3 = arith.constant 0 : index
    %get3A_4 = vector.load %arg2[%get3A_2, %get3A_3] : memref<64x64xf32, #tpu.memory_space<vmem>>, vector<64x64xf32>
    %dot_general3A = arith.constant dense<0.000000e+00> : vector<1024x64xf32>
    %dot_general3A_5 = tpu.matmul %get3A_1, %get3A_4, %dot_general3A {dimension_numbers = #tpu.dot_dimension_numbers<[1], [0], [0], [1], [0, 0, 1, 1], [], []>, transpose_lhs_hint = false} : vector<1024x64xf32>, vector<64x64xf32>, vector<1024x64xf32> -> vector<1024x64xf32>
    %get3A_6 = arith.constant 0 : index
    %get3A_7 = arith.constant 0 : index
    %get3A_8 = vector.load %arg3[%get3A_6, %get3A_7] : memref<1x64xf32, #tpu.memory_space<vmem>>, vector<1x64xf32>
    %add3A = vector.broadcast %get3A_8 : vector<1x64xf32> to vector<1024x64xf32>
    %add3A_9 = arith.addf %dot_general3A_5, %add3A : vector<1024x64xf32>
    %get3A_10 = arith.constant 0 : index
    %get3A_11 = arith.constant 0 : index
    %get3A_12 = vector.load %arg4[%get3A_10, %get3A_11] : memref<1x64xf32, #tpu.memory_space<vmem>>, vector<1x64xf32>
    %get3A_13 = arith.constant 0 : index
    %get3A_14 = arith.constant 0 : index
    %get3A_15 = vector.load %arg5[%get3A_13, %get3A_14] : memref<1x64xf32, #tpu.memory_space<vmem>>, vector<1x64xf32>
    %reduce_sum3A = arith.constant dense<0.000000e+00> : vector<1024xf32>
    %reduce_sum3A_16 = vector.multi_reduction <add>, %add3A_9, %reduce_sum3A [1] : vector<1024x64xf32> to vector<1024xf32>
    %broadcast_in_dim3A = vector.shape_cast %reduce_sum3A_16 : vector<1024xf32> to vector<1024x1xf32>
    %div3A = arith.constant 6.400000e+01 : f32
    %div3A_17 = vector.broadcast %div3A : f32 to vector<1024x1xf32>
    %div3A_18 = arith.divf %broadcast_in_dim3A, %div3A_17 : vector<1024x1xf32>
    %sub3A = vector.broadcast %div3A_18 : vector<1024x1xf32> to vector<1024x64xf32>
    %sub3A_19 = arith.subf %add3A_9, %sub3A : vector<1024x64xf32>
    %integer_pow3A = arith.mulf %sub3A_19, %sub3A_19 : vector<1024x64xf32>
    %reduce_sum3A_20 = arith.constant dense<0.000000e+00> : vector<1024xf32>
    %reduce_sum3A_21 = vector.multi_reduction <add>, %integer_pow3A, %reduce_sum3A_20 [1] : vector<1024x64xf32> to vector<1024xf32>
    %broadcast_in_dim3A_22 = vector.shape_cast %reduce_sum3A_21 : vector<1024xf32> to vector<1024x1xf32>
    %div3A_23 = arith.constant 6.400000e+01 : f32
    %div3A_24 = vector.broadcast %div3A_23 : f32 to vector<1024x1xf32>
    %div3A_25 = arith.divf %broadcast_in_dim3A_22, %div3A_24 : vector<1024x1xf32>
    %sub3A_26 = vector.broadcast %div3A_18 : vector<1024x1xf32> to vector<1024x64xf32>
    %sub3A_27 = arith.subf %add3A_9, %sub3A_26 : vector<1024x64xf32>
    %add3A_28 = arith.constant 9.99999974E-6 : f32
    %add3A_29 = vector.broadcast %add3A_28 : f32 to vector<1024x1xf32>
    %add3A_30 = arith.addf %div3A_25, %add3A_29 : vector<1024x1xf32>
    %rsqrt3A = math.rsqrt %add3A_30 : vector<1024x1xf32>
    %mul3A = vector.broadcast %rsqrt3A : vector<1024x1xf32> to vector<1024x64xf32>
    %mul3A_31 = arith.mulf %sub3A_27, %mul3A : vector<1024x64xf32>
    %mul3A_32 = vector.broadcast %get3A_12 : vector<1x64xf32> to vector<1024x64xf32>
    %mul3A_33 = arith.mulf %mul3A_31, %mul3A_32 : vector<1024x64xf32>
    %add3A_34 = vector.broadcast %get3A_15 : vector<1x64xf32> to vector<1024x64xf32>
    %add3A_35 = arith.addf %mul3A_33, %add3A_34 : vector<1024x64xf32>
    %max3A = arith.constant 0.000000e+00 : f32
    %max3A_36 = vector.broadcast %max3A : f32 to vector<1024x64xf32>
    %max3A_37 = arith.maximumf %add3A_35, %max3A_36 : vector<1024x64xf32>
    %get3A_38 = arith.constant 0 : index
    %get3A_39 = arith.constant 0 : index
    %get3A_40 = vector.load %arg6[%get3A_38, %get3A_39] : memref<64x32xf32, #tpu.memory_space<vmem>>, vector<64x32xf32>
    %dot_general3A_41 = arith.constant dense<0.000000e+00> : vector<1024x32xf32>
    %dot_general3A_42 = tpu.matmul %max3A_37, %get3A_40, %dot_general3A_41 {dimension_numbers = #tpu.dot_dimension_numbers<[1], [0], [0], [1], [0, 0, 1, 1], [], []>, transpose_lhs_hint = false} : vector<1024x64xf32>, vector<64x32xf32>, vector<1024x32xf32> -> vector<1024x32xf32>
    %get3A_43 = arith.constant 0 : index
    %get3A_44 = arith.constant 0 : index
    %get3A_45 = vector.load %arg7[%get3A_43, %get3A_44] : memref<1x32xf32, #tpu.memory_space<vmem>>, vector<1x32xf32>
    %add3A_46 = vector.broadcast %get3A_45 : vector<1x32xf32> to vector<1024x32xf32>
    %add3A_47 = arith.addf %dot_general3A_42, %add3A_46 : vector<1024x32xf32>
    %get3A_48 = arith.constant 0 : index
    %get3A_49 = arith.constant 0 : index
    %get3A_50 = vector.load %arg8[%get3A_48, %get3A_49] : memref<1x32xf32, #tpu.memory_space<vmem>>, vector<1x32xf32>
    %get3A_51 = arith.constant 0 : index
    %get3A_52 = arith.constant 0 : index
    %get3A_53 = vector.load %arg9[%get3A_51, %get3A_52] : memref<1x32xf32, #tpu.memory_space<vmem>>, vector<1x32xf32>
    %reduce_sum3A_54 = arith.constant dense<0.000000e+00> : vector<1024xf32>
    %reduce_sum3A_55 = vector.multi_reduction <add>, %add3A_47, %reduce_sum3A_54 [1] : vector<1024x32xf32> to vector<1024xf32>
    %broadcast_in_dim3A_56 = vector.shape_cast %reduce_sum3A_55 : vector<1024xf32> to vector<1024x1xf32>
    %div3A_57 = arith.constant 3.200000e+01 : f32
    %div3A_58 = vector.broadcast %div3A_57 : f32 to vector<1024x1xf32>
    %div3A_59 = arith.divf %broadcast_in_dim3A_56, %div3A_58 : vector<1024x1xf32>
    %sub3A_60 = vector.broadcast %div3A_59 : vector<1024x1xf32> to vector<1024x32xf32>
    %sub3A_61 = arith.subf %add3A_47, %sub3A_60 : vector<1024x32xf32>
    %integer_pow3A_62 = arith.mulf %sub3A_61, %sub3A_61 : vector<1024x32xf32>
    %reduce_sum3A_63 = arith.constant dense<0.000000e+00> : vector<1024xf32>
    %reduce_sum3A_64 = vector.multi_reduction <add>, %integer_pow3A_62, %reduce_sum3A_63 [1] : vector<1024x32xf32> to vector<1024xf32>
    %broadcast_in_dim3A_65 = vector.shape_cast %reduce_sum3A_64 : vector<1024xf32> to vector<1024x1xf32>
    %div3A_66 = arith.constant 3.200000e+01 : f32
    %div3A_67 = vector.broadcast %div3A_66 : f32 to vector<1024x1xf32>
    %div3A_68 = arith.divf %broadcast_in_dim3A_65, %div3A_67 : vector<1024x1xf32>
    %sub3A_69 = vector.broadcast %div3A_59 : vector<1024x1xf32> to vector<1024x32xf32>
    %sub3A_70 = arith.subf %add3A_47, %sub3A_69 : vector<1024x32xf32>
    %add3A_71 = arith.constant 9.99999974E-6 : f32
    %add3A_72 = vector.broadcast %add3A_71 : f32 to vector<1024x1xf32>
    %add3A_73 = arith.addf %div3A_68, %add3A_72 : vector<1024x1xf32>
    %rsqrt3A_74 = math.rsqrt %add3A_73 : vector<1024x1xf32>
    %mul3A_75 = vector.broadcast %rsqrt3A_74 : vector<1024x1xf32> to vector<1024x32xf32>
    %mul3A_76 = arith.mulf %sub3A_70, %mul3A_75 : vector<1024x32xf32>
    %mul3A_77 = vector.broadcast %get3A_50 : vector<1x32xf32> to vector<1024x32xf32>
    %mul3A_78 = arith.mulf %mul3A_76, %mul3A_77 : vector<1024x32xf32>
    %add3A_79 = vector.broadcast %get3A_53 : vector<1x32xf32> to vector<1024x32xf32>
    %add3A_80 = arith.addf %mul3A_78, %add3A_79 : vector<1024x32xf32>
    %max3A_81 = arith.constant 0.000000e+00 : f32
    %max3A_82 = vector.broadcast %max3A_81 : f32 to vector<1024x32xf32>
    %max3A_83 = arith.maximumf %add3A_80, %max3A_82 : vector<1024x32xf32>
    %get3A_84 = arith.constant 0 : index
    %get3A_85 = arith.constant 0 : index
    %get3A_86 = vector.load %arg10[%get3A_84, %get3A_85] : memref<32x8xf32, #tpu.memory_space<vmem>>, vector<32x8xf32>
    %dot_general3A_87 = arith.constant dense<0.000000e+00> : vector<1024x8xf32>
    %dot_general3A_88 = tpu.matmul %max3A_83, %get3A_86, %dot_general3A_87 {dimension_numbers = #tpu.dot_dimension_numbers<[1], [0], [0], [1], [0, 0, 1, 1], [], []>, transpose_lhs_hint = false} : vector<1024x32xf32>, vector<32x8xf32>, vector<1024x8xf32> -> vector<1024x8xf32>
    %get3A_89 = arith.constant 0 : index
    %get3A_90 = arith.constant 0 : index
    %get3A_91 = vector.load %arg11[%get3A_89, %get3A_90] : memref<1x8xf32, #tpu.memory_space<vmem>>, vector<1x8xf32>
    %add3A_92 = vector.broadcast %get3A_91 : vector<1x8xf32> to vector<1024x8xf32>
    %add3A_93 = arith.addf %dot_general3A_88, %add3A_92 : vector<1024x8xf32>
    %jit3A = arith.constant -2.000000e+01 : f32
    %jit3A_94 = arith.constant 2.000000e+01 : f32
    %max3A_95 = vector.broadcast %jit3A : f32 to vector<1024x8xf32>
    %max3A_96 = arith.maximumf %max3A_95, %add3A_93 : vector<1024x8xf32>
    %min3A = vector.broadcast %jit3A_94 : f32 to vector<1024x8xf32>
    %min3A_97 = arith.minimumf %min3A, %max3A_96 : vector<1024x8xf32>
    %swap3A = arith.constant 0 : index
    %swap3A_98 = arith.constant 0 : index
    %swap3A_99 = vector.load %arg12[%swap3A, %swap3A_98] : memref<1024x8xf32, #tpu.memory_space<vmem>>, vector<1024x8xf32>
    tpu.vector_store %arg12[%swap3A, %swap3A_98], %min3A_97 {strides = array<i32>} : memref<1024x8xf32, #tpu.memory_space<vmem>>, vector<1024x8xf32>,
    return
  }
  func.func @transform_0(%arg0: i32) -> (i32, i32) {
    %c0_i32 = arith.constant 0 : i32
    %c0_i32_0 = arith.constant 0 : i32
    return %arg0, %c0_i32 : i32, i32
  }
  func.func @transform_1(%arg0: i32) -> (i32, i32) {
    %c0_i32 = arith.constant 0 : i32
    %c0_i32_0 = arith.constant 0 : i32
    %c0_i32_1 = arith.constant 0 : i32
    return %c0_i32, %c0_i32_0 : i32, i32
  }
  func.func @transform_2(%arg0: i32) -> (i32, i32) {
    %c0_i32 = arith.constant 0 : i32
    %c0_i32_0 = arith.constant 0 : i32
    %c0_i32_1 = arith.constant 0 : i32
    return %c0_i32, %c0_i32_0 : i32, i32
  }
  func.func @transform_3(%arg0: i32) -> (i32, i32) {
    %c0_i32 = arith.constant 0 : i32
    %c0_i32_0 = arith.constant 0 : i32
    %c0_i32_1 = arith.constant 0 : i32
    return %c0_i32, %c0_i32_0 : i32, i32
  }
  func.func @transform_4(%arg0: i32) -> (i32, i32) {
    %c0_i32 = arith.constant 0 : i32
    %c0_i32_0 = arith.constant 0 : i32
    %c0_i32_1 = arith.constant 0 : i32
    return %c0_i32, %c0_i32_0 : i32, i32
  }
  func.func @transform_5(%arg0: i32) -> (i32, i32) {
    %c0_i32 = arith.constant 0 : i32
    %c0_i32_0 = arith.constant 0 : i32
    %c0_i32_1 = arith.constant 0 : i32
    return %c0_i32, %c0_i32_0 : i32, i32
  }
  func.func @transform_6(%arg0: i32) -> (i32, i32) {
    %c0_i32 = arith.constant 0 : i32
    %c0_i32_0 = arith.constant 0 : i32
    %c0_i32_1 = arith.constant 0 : i32
    return %c0_i32, %c0_i32_0 : i32, i32
  }
  func.func @transform_7(%arg0: i32) -> (i32, i32) {
    %c0_i32 = arith.constant 0 : i32
    %c0_i32_0 = arith.constant 0 : i32
    %c0_i32_1 = arith.constant 0 : i32
    return %c0_i32, %c0_i32_0 : i32, i32
  }
  func.func @transform_8(%arg0: i32) -> (i32, i32) {
    %c0_i32 = arith.constant 0 : i32
    %c0_i32_0 = arith.constant 0 : i32
    %c0_i32_1 = arith.constant 0 : i32
    return %c0_i32, %c0_i32_0 : i32, i32
  }
  func.func @transform_9(%arg0: i32) -> (i32, i32) {
    %c0_i32 = arith.constant 0 : i32
    %c0_i32_0 = arith.constant 0 : i32
    %c0_i32_1 = arith.constant 0 : i32
    return %c0_i32, %c0_i32_0 : i32, i32
  }
  func.func @transform_10(%arg0: i32) -> (i32, i32) {
    %c0_i32 = arith.constant 0 : i32
    %c0_i32_0 = arith.constant 0 : i32
    %c0_i32_1 = arith.constant 0 : i32
    return %c0_i32, %c0_i32_0 : i32, i32
  }
  func.func @transform_11(%arg0: i32) -> (i32, i32) {
    %c0_i32 = arith.constant 0 : i32
    %c0_i32_0 = arith.constant 0 : i32
    return %arg0, %c0_i32 : i32, i32
  }
}

module attributes {stable_mosaic.version = 14 : i64} {
  func.func @body(%arg0: i32, %arg1: memref<1024x128xf32, #tpu.memory_space<vmem>>, %arg2: memref<1024x128xf32, #tpu.memory_space<vmem>>, %arg3: memref<64x64xbf16, #tpu.memory_space<vmem>>, %arg4: memref<64x64xbf16, #tpu.memory_space<vmem>>, %arg5: memref<1x64xf32, #tpu.memory_space<vmem>>, %arg6: memref<1x64xf32, #tpu.memory_space<vmem>>, %arg7: memref<1x64xf32, #tpu.memory_space<vmem>>, %arg8: memref<64x32xbf16, #tpu.memory_space<vmem>>, %arg9: memref<1x32xf32, #tpu.memory_space<vmem>>, %arg10: memref<1x32xf32, #tpu.memory_space<vmem>>, %arg11: memref<1x32xf32, #tpu.memory_space<vmem>>, %arg12: memref<32x8xbf16, #tpu.memory_space<vmem>>, %arg13: memref<1x8xf32, #tpu.memory_space<vmem>>, %arg14: memref<64x128xbf16, #tpu.memory_space<vmem>>, %arg15: memref<64x128xbf16, #tpu.memory_space<vmem>>, %arg16: memref<1x128xf32, #tpu.memory_space<vmem>>, %arg17: memref<1x128xf32, #tpu.memory_space<vmem>>, %arg18: memref<1x128xf32, #tpu.memory_space<vmem>>, %arg19: memref<128x64xbf16, #tpu.memory_space<vmem>>, %arg20: memref<1x64xf32, #tpu.memory_space<vmem>>, %arg21: memref<1x64xf32, #tpu.memory_space<vmem>>, %arg22: memref<1x64xf32, #tpu.memory_space<vmem>>, %arg23: memref<64x8xbf16, #tpu.memory_space<vmem>>, %arg24: memref<1x8xf32, #tpu.memory_space<vmem>>, %arg25: memref<1024x16xf32, #tpu.memory_space<vmem>>) attributes {dimension_semantics = [#tpu.dimension_semantics<arbitrary>], iteration_bounds = array<i64: 80>, scalar_prefetch = 0 : i64, scratch_operands = 0 : i64, tpu.core_type = #tpu.core_type<tc>, window_params = [{transform_indices = @transform_0, window_bounds = array<i64: 1024, 128>}, {transform_indices = @transform_1, window_bounds = array<i64: 1024, 128>}, {pipeline_mode = #tpu.pipeline_mode<synchronous>, transform_indices = @transform_2, window_bounds = array<i64: 64, 64>}, {pipeline_mode = #tpu.pipeline_mode<synchronous>, transform_indices = @transform_3, window_bounds = array<i64: 64, 64>}, {pipeline_mode = #tpu.pipeline_mode<synchronous>, transform_indices = @transform_4, window_bounds = array<i64: 1, 64>}, {pipeline_mode = #tpu.pipeline_mode<synchronous>, transform_indices = @transform_5, window_bounds = array<i64: 1, 64>}, {pipeline_mode = #tpu.pipeline_mode<synchronous>, transform_indices = @transform_6, window_bounds = array<i64: 1, 64>}, {pipeline_mode = #tpu.pipeline_mode<synchronous>, transform_indices = @transform_7, window_bounds = array<i64: 64, 32>}, {pipeline_mode = #tpu.pipeline_mode<synchronous>, transform_indices = @transform_8, window_bounds = array<i64: 1, 32>}, {pipeline_mode = #tpu.pipeline_mode<synchronous>, transform_indices = @transform_9, window_bounds = array<i64: 1, 32>}, {pipeline_mode = #tpu.pipeline_mode<synchronous>, transform_indices = @transform_10, window_bounds = array<i64: 1, 32>}, {pipeline_mode = #tpu.pipeline_mode<synchronous>, transform_indices = @transform_11, window_bounds = array<i64: 32, 8>}, {pipeline_mode = #tpu.pipeline_mode<synchronous>, transform_indices = @transform_12, window_bounds = array<i64: 1, 8>}, {pipeline_mode = #tpu.pipeline_mode<synchronous>, transform_indices = @transform_13, window_bounds = array<i64: 64, 128>}, {pipeline_mode = #tpu.pipeline_mode<synchronous>, transform_indices = @transform_14, window_bounds = array<i64: 64, 128>}, {pipeline_mode = #tpu.pipeline_mode<synchronous>, transform_indices = @transform_15, window_bounds = array<i64: 1, 128>}, {pipeline_mode = #tpu.pipeline_mode<synchronous>, transform_indices = @transform_16, window_bounds = array<i64: 1, 128>}, {pipeline_mode = #tpu.pipeline_mode<synchronous>, transform_indices = @transform_17, window_bounds = array<i64: 1, 128>}, {pipeline_mode = #tpu.pipeline_mode<synchronous>, transform_indices = @transform_18, window_bounds = array<i64: 128, 64>}, {pipeline_mode = #tpu.pipeline_mode<synchronous>, transform_indices = @transform_19, window_bounds = array<i64: 1, 64>}, {pipeline_mode = #tpu.pipeline_mode<synchronous>, transform_indices = @transform_20, window_bounds = array<i64: 1, 64>}, {pipeline_mode = #tpu.pipeline_mode<synchronous>, transform_indices = @transform_21, window_bounds = array<i64: 1, 64>}, {pipeline_mode = #tpu.pipeline_mode<synchronous>, transform_indices = @transform_22, window_bounds = array<i64: 64, 8>}, {pipeline_mode = #tpu.pipeline_mode<synchronous>, transform_indices = @transform_23, window_bounds = array<i64: 1, 8>}, {transform_indices = @transform_24, window_bounds = array<i64: 1024, 16>}]} {
    %get3A = arith.constant 0 : index
    %get3A_0 = arith.constant 0 : index
    %get3A_1 = vector.load %arg1[%get3A, %get3A_0] : memref<1024x128xf32, #tpu.memory_space<vmem>>, vector<1024x64xf32>
    %jit3A = arith.constant -1.000000e+01 : f32
    %jit3A_2 = arith.constant 1.000000e+01 : f32
    %max3A = vector.broadcast %jit3A : f32 to vector<1024x64xf32>
    %max3A_3 = arith.maximumf %max3A, %get3A_1 : vector<1024x64xf32>
    %min3A = vector.broadcast %jit3A_2 : f32 to vector<1024x64xf32>
    %min3A_4 = arith.minimumf %min3A, %max3A_3 : vector<1024x64xf32>
    %convert_element_type3A = arith.truncf %min3A_4 : vector<1024x64xf32> to vector<1024x64xbf16>
    %get3A_5 = arith.constant 0 : index
    %get3A_6 = arith.constant 0 : index
    %get3A_7 = vector.load %arg2[%get3A_5, %get3A_6] : memref<1024x128xf32, #tpu.memory_space<vmem>>, vector<1024x64xf32>
    %jit3A_8 = arith.constant -1.000000e+01 : f32
    %jit3A_9 = arith.constant 1.000000e+01 : f32
    %max3A_10 = vector.broadcast %jit3A_8 : f32 to vector<1024x64xf32>
    %max3A_11 = arith.maximumf %max3A_10, %get3A_7 : vector<1024x64xf32>
    %min3A_12 = vector.broadcast %jit3A_9 : f32 to vector<1024x64xf32>
    %min3A_13 = arith.minimumf %min3A_12, %max3A_11 : vector<1024x64xf32>
    %convert_element_type3A_14 = arith.truncf %min3A_13 : vector<1024x64xf32> to vector<1024x64xbf16>
    %get3A_15 = arith.constant 0 : index
    %get3A_16 = arith.constant 0 : index
    %get3A_17 = vector.load %arg3[%get3A_15, %get3A_16] : memref<64x64xbf16, #tpu.memory_space<vmem>>, vector<64x64xbf16>
    %dot_general3A = arith.constant dense<0.000000e+00> : vector<1024x64xf32>
    %dot_general3A_18 = tpu.matmul %convert_element_type3A, %get3A_17, %dot_general3A {dimension_numbers = #tpu.dot_dimension_numbers<[1], [0], [0], [1], [0, 0, 1, 1], [], []>, transpose_lhs_hint = false} : vector<1024x64xbf16>, vector<64x64xbf16>, vector<1024x64xf32> -> vector<1024x64xf32>
    %get3A_19 = arith.constant 0 : index
    %get3A_20 = arith.constant 0 : index
    %get3A_21 = vector.load %arg4[%get3A_19, %get3A_20] : memref<64x64xbf16, #tpu.memory_space<vmem>>, vector<64x64xbf16>
    %dot_general3A_22 = arith.constant dense<0.000000e+00> : vector<1024x64xf32>
    %dot_general3A_23 = tpu.matmul %convert_element_type3A_14, %get3A_21, %dot_general3A_22 {dimension_numbers = #tpu.dot_dimension_numbers<[1], [0], [0], [1], [0, 0, 1, 1], [], []>, transpose_lhs_hint = false} : vector<1024x64xbf16>, vector<64x64xbf16>, vector<1024x64xf32> -> vector<1024x64xf32>
    %add3A = arith.addf %dot_general3A_18, %dot_general3A_23 : vector<1024x64xf32>
    %get3A_24 = arith.constant 0 : index
    %get3A_25 = arith.constant 0 : index
    %get3A_26 = vector.load %arg5[%get3A_24, %get3A_25] : memref<1x64xf32, #tpu.memory_space<vmem>>, vector<1x64xf32>
    %add3A_27 = vector.broadcast %get3A_26 : vector<1x64xf32> to vector<1024x64xf32>
    %add3A_28 = arith.addf %add3A, %add3A_27 : vector<1024x64xf32>
    %get3A_29 = arith.constant 0 : index
    %get3A_30 = arith.constant 0 : index
    %get3A_31 = vector.load %arg6[%get3A_29, %get3A_30] : memref<1x64xf32, #tpu.memory_space<vmem>>, vector<1x64xf32>
    %get3A_32 = arith.constant 0 : index
    %get3A_33 = arith.constant 0 : index
    %get3A_34 = vector.load %arg7[%get3A_32, %get3A_33] : memref<1x64xf32, #tpu.memory_space<vmem>>, vector<1x64xf32>
    %reduce_sum3A = arith.constant dense<0.000000e+00> : vector<1024xf32>
    %reduce_sum3A_35 = vector.multi_reduction <add>, %add3A_28, %reduce_sum3A [1] : vector<1024x64xf32> to vector<1024xf32>
    %broadcast_in_dim3A = vector.shape_cast %reduce_sum3A_35 : vector<1024xf32> to vector<1024x1xf32>
    %div3A = arith.constant 6.400000e+01 : f32
    %div3A_36 = vector.broadcast %div3A : f32 to vector<1024x1xf32>
    %div3A_37 = arith.divf %broadcast_in_dim3A, %div3A_36 : vector<1024x1xf32>
    %sub3A = vector.broadcast %div3A_37 : vector<1024x1xf32> to vector<1024x64xf32>
    %sub3A_38 = arith.subf %add3A_28, %sub3A : vector<1024x64xf32>
    %integer_pow3A = arith.mulf %sub3A_38, %sub3A_38 : vector<1024x64xf32>
    %reduce_sum3A_39 = arith.constant dense<0.000000e+00> : vector<1024xf32>
    %reduce_sum3A_40 = vector.multi_reduction <add>, %integer_pow3A, %reduce_sum3A_39 [1] : vector<1024x64xf32> to vector<1024xf32>
    %broadcast_in_dim3A_41 = vector.shape_cast %reduce_sum3A_40 : vector<1024xf32> to vector<1024x1xf32>
    %div3A_42 = arith.constant 6.400000e+01 : f32
    %div3A_43 = vector.broadcast %div3A_42 : f32 to vector<1024x1xf32>
    %div3A_44 = arith.divf %broadcast_in_dim3A_41, %div3A_43 : vector<1024x1xf32>
    %sub3A_45 = vector.broadcast %div3A_37 : vector<1024x1xf32> to vector<1024x64xf32>
    %sub3A_46 = arith.subf %add3A_28, %sub3A_45 : vector<1024x64xf32>
    %add3A_47 = arith.constant 9.99999974E-6 : f32
    %add3A_48 = vector.broadcast %add3A_47 : f32 to vector<1024x1xf32>
    %add3A_49 = arith.addf %div3A_44, %add3A_48 : vector<1024x1xf32>
    %rsqrt3A = math.rsqrt %add3A_49 : vector<1024x1xf32>
    %mul3A = vector.broadcast %rsqrt3A : vector<1024x1xf32> to vector<1024x64xf32>
    %mul3A_50 = arith.mulf %sub3A_46, %mul3A : vector<1024x64xf32>
    %mul3A_51 = vector.broadcast %get3A_31 : vector<1x64xf32> to vector<1024x64xf32>
    %mul3A_52 = arith.mulf %mul3A_50, %mul3A_51 : vector<1024x64xf32>
    %add3A_53 = vector.broadcast %get3A_34 : vector<1x64xf32> to vector<1024x64xf32>
    %add3A_54 = arith.addf %mul3A_52, %add3A_53 : vector<1024x64xf32>
    %max3A_55 = arith.constant 0.000000e+00 : f32
    %max3A_56 = vector.broadcast %max3A_55 : f32 to vector<1024x64xf32>
    %max3A_57 = arith.maximumf %add3A_54, %max3A_56 : vector<1024x64xf32>
    %convert_element_type3A_58 = arith.truncf %max3A_57 : vector<1024x64xf32> to vector<1024x64xbf16>
    %get3A_59 = arith.constant 0 : index
    %get3A_60 = arith.constant 0 : index
    %get3A_61 = vector.load %arg8[%get3A_59, %get3A_60] : memref<64x32xbf16, #tpu.memory_space<vmem>>, vector<64x32xbf16>
    %dot_general3A_62 = arith.constant dense<0.000000e+00> : vector<1024x32xf32>
    %dot_general3A_63 = tpu.matmul %convert_element_type3A_58, %get3A_61, %dot_general3A_62 {dimension_numbers = #tpu.dot_dimension_numbers<[1], [0], [0], [1], [0, 0, 1, 1], [], []>, transpose_lhs_hint = false} : vector<1024x64xbf16>, vector<64x32xbf16>, vector<1024x32xf32> -> vector<1024x32xf32>
    %get3A_64 = arith.constant 0 : index
    %get3A_65 = arith.constant 0 : index
    %get3A_66 = vector.load %arg9[%get3A_64, %get3A_65] : memref<1x32xf32, #tpu.memory_space<vmem>>, vector<1x32xf32>
    %add3A_67 = vector.broadcast %get3A_66 : vector<1x32xf32> to vector<1024x32xf32>
    %add3A_68 = arith.addf %dot_general3A_63, %add3A_67 : vector<1024x32xf32>
    %get3A_69 = arith.constant 0 : index
    %get3A_70 = arith.constant 0 : index
    %get3A_71 = vector.load %arg10[%get3A_69, %get3A_70] : memref<1x32xf32, #tpu.memory_space<vmem>>, vector<1x32xf32>
    %get3A_72 = arith.constant 0 : index
    %get3A_73 = arith.constant 0 : index
    %get3A_74 = vector.load %arg11[%get3A_72, %get3A_73] : memref<1x32xf32, #tpu.memory_space<vmem>>, vector<1x32xf32>
    %reduce_sum3A_75 = arith.constant dense<0.000000e+00> : vector<1024xf32>
    %reduce_sum3A_76 = vector.multi_reduction <add>, %add3A_68, %reduce_sum3A_75 [1] : vector<1024x32xf32> to vector<1024xf32>
    %broadcast_in_dim3A_77 = vector.shape_cast %reduce_sum3A_76 : vector<1024xf32> to vector<1024x1xf32>
    %div3A_78 = arith.constant 3.200000e+01 : f32
    %div3A_79 = vector.broadcast %div3A_78 : f32 to vector<1024x1xf32>
    %div3A_80 = arith.divf %broadcast_in_dim3A_77, %div3A_79 : vector<1024x1xf32>
    %sub3A_81 = vector.broadcast %div3A_80 : vector<1024x1xf32> to vector<1024x32xf32>
    %sub3A_82 = arith.subf %add3A_68, %sub3A_81 : vector<1024x32xf32>
    %integer_pow3A_83 = arith.mulf %sub3A_82, %sub3A_82 : vector<1024x32xf32>
    %reduce_sum3A_84 = arith.constant dense<0.000000e+00> : vector<1024xf32>
    %reduce_sum3A_85 = vector.multi_reduction <add>, %integer_pow3A_83, %reduce_sum3A_84 [1] : vector<1024x32xf32> to vector<1024xf32>
    %broadcast_in_dim3A_86 = vector.shape_cast %reduce_sum3A_85 : vector<1024xf32> to vector<1024x1xf32>
    %div3A_87 = arith.constant 3.200000e+01 : f32
    %div3A_88 = vector.broadcast %div3A_87 : f32 to vector<1024x1xf32>
    %div3A_89 = arith.divf %broadcast_in_dim3A_86, %div3A_88 : vector<1024x1xf32>
    %sub3A_90 = vector.broadcast %div3A_80 : vector<1024x1xf32> to vector<1024x32xf32>
    %sub3A_91 = arith.subf %add3A_68, %sub3A_90 : vector<1024x32xf32>
    %add3A_92 = arith.constant 9.99999974E-6 : f32
    %add3A_93 = vector.broadcast %add3A_92 : f32 to vector<1024x1xf32>
    %add3A_94 = arith.addf %div3A_89, %add3A_93 : vector<1024x1xf32>
    %rsqrt3A_95 = math.rsqrt %add3A_94 : vector<1024x1xf32>
    %mul3A_96 = vector.broadcast %rsqrt3A_95 : vector<1024x1xf32> to vector<1024x32xf32>
    %mul3A_97 = arith.mulf %sub3A_91, %mul3A_96 : vector<1024x32xf32>
    %mul3A_98 = vector.broadcast %get3A_71 : vector<1x32xf32> to vector<1024x32xf32>
    %mul3A_99 = arith.mulf %mul3A_97, %mul3A_98 : vector<1024x32xf32>
    %add3A_100 = vector.broadcast %get3A_74 : vector<1x32xf32> to vector<1024x32xf32>
    %add3A_101 = arith.addf %mul3A_99, %add3A_100 : vector<1024x32xf32>
    %max3A_102 = arith.constant 0.000000e+00 : f32
    %max3A_103 = vector.broadcast %max3A_102 : f32 to vector<1024x32xf32>
    %max3A_104 = arith.maximumf %add3A_101, %max3A_103 : vector<1024x32xf32>
    %convert_element_type3A_105 = arith.truncf %max3A_104 : vector<1024x32xf32> to vector<1024x32xbf16>
    %get3A_106 = arith.constant 0 : index
    %get3A_107 = arith.constant 0 : index
    %get3A_108 = vector.load %arg12[%get3A_106, %get3A_107] : memref<32x8xbf16, #tpu.memory_space<vmem>>, vector<32x8xbf16>
    %dot_general3A_109 = arith.constant dense<0.000000e+00> : vector<1024x8xf32>
    %dot_general3A_110 = tpu.matmul %convert_element_type3A_105, %get3A_108, %dot_general3A_109 {dimension_numbers = #tpu.dot_dimension_numbers<[1], [0], [0], [1], [0, 0, 1, 1], [], []>, transpose_lhs_hint = false} : vector<1024x32xbf16>, vector<32x8xbf16>, vector<1024x8xf32> -> vector<1024x8xf32>
    %get3A_111 = arith.constant 0 : index
    %get3A_112 = arith.constant 0 : index
    %get3A_113 = vector.load %arg13[%get3A_111, %get3A_112] : memref<1x8xf32, #tpu.memory_space<vmem>>, vector<1x8xf32>
    %add3A_114 = vector.broadcast %get3A_113 : vector<1x8xf32> to vector<1024x8xf32>
    %add3A_115 = arith.addf %dot_general3A_110, %add3A_114 : vector<1024x8xf32>
    %jit3A_116 = arith.constant -2.000000e+01 : f32
    %jit3A_117 = arith.constant 2.000000e+01 : f32
    %max3A_118 = vector.broadcast %jit3A_116 : f32 to vector<1024x8xf32>
    %max3A_119 = arith.maximumf %max3A_118, %add3A_115 : vector<1024x8xf32>
    %min3A_120 = vector.broadcast %jit3A_117 : f32 to vector<1024x8xf32>
    %min3A_121 = arith.minimumf %min3A_120, %max3A_119 : vector<1024x8xf32>
    %get3A_122 = arith.constant 0 : index
    %get3A_123 = arith.constant 0 : index
    %get3A_124 = vector.load %arg14[%get3A_122, %get3A_123] : memref<64x128xbf16, #tpu.memory_space<vmem>>, vector<64x128xbf16>
    %dot_general3A_125 = arith.constant dense<0.000000e+00> : vector<1024x128xf32>
    %dot_general3A_126 = tpu.matmul %convert_element_type3A, %get3A_124, %dot_general3A_125 {dimension_numbers = #tpu.dot_dimension_numbers<[1], [0], [0], [1], [0, 0, 1, 1], [], []>, transpose_lhs_hint = false} : vector<1024x64xbf16>, vector<64x128xbf16>, vector<1024x128xf32> -> vector<1024x128xf32>
    %get3A_127 = arith.constant 0 : index
    %get3A_128 = arith.constant 0 : index
    %get3A_129 = vector.load %arg15[%get3A_127, %get3A_128] : memref<64x128xbf16, #tpu.memory_space<vmem>>, vector<64x128xbf16>
    %dot_general3A_130 = arith.constant dense<0.000000e+00> : vector<1024x128xf32>
    %dot_general3A_131 = tpu.matmul %convert_element_type3A_14, %get3A_129, %dot_general3A_130 {dimension_numbers = #tpu.dot_dimension_numbers<[1], [0], [0], [1], [0, 0, 1, 1], [], []>, transpose_lhs_hint = false} : vector<1024x64xbf16>, vector<64x128xbf16>, vector<1024x128xf32> -> vector<1024x128xf32>
    %add3A_132 = arith.addf %dot_general3A_126, %dot_general3A_131 : vector<1024x128xf32>
    %get3A_133 = arith.constant 0 : index
    %get3A_134 = arith.constant 0 : index
    %get3A_135 = vector.load %arg16[%get3A_133, %get3A_134] : memref<1x128xf32, #tpu.memory_space<vmem>>, vector<1x128xf32>
    %add3A_136 = vector.broadcast %get3A_135 : vector<1x128xf32> to vector<1024x128xf32>
    %add3A_137 = arith.addf %add3A_132, %add3A_136 : vector<1024x128xf32>
    %get3A_138 = arith.constant 0 : index
    %get3A_139 = arith.constant 0 : index
    %get3A_140 = vector.load %arg17[%get3A_138, %get3A_139] : memref<1x128xf32, #tpu.memory_space<vmem>>, vector<1x128xf32>
    %get3A_141 = arith.constant 0 : index
    %get3A_142 = arith.constant 0 : index
    %get3A_143 = vector.load %arg18[%get3A_141, %get3A_142] : memref<1x128xf32, #tpu.memory_space<vmem>>, vector<1x128xf32>
    %reduce_sum3A_144 = arith.constant dense<0.000000e+00> : vector<1024xf32>
    %reduce_sum3A_145 = vector.multi_reduction <add>, %add3A_137, %reduce_sum3A_144 [1] : vector<1024x128xf32> to vector<1024xf32>
    %broadcast_in_dim3A_146 = vector.shape_cast %reduce_sum3A_145 : vector<1024xf32> to vector<1024x1xf32>
    %div3A_147 = arith.constant 1.280000e+02 : f32
    %div3A_148 = vector.broadcast %div3A_147 : f32 to vector<1024x1xf32>
    %div3A_149 = arith.divf %broadcast_in_dim3A_146, %div3A_148 : vector<1024x1xf32>
    %sub3A_150 = vector.broadcast %div3A_149 : vector<1024x1xf32> to vector<1024x128xf32>
    %sub3A_151 = arith.subf %add3A_137, %sub3A_150 : vector<1024x128xf32>
    %integer_pow3A_152 = arith.mulf %sub3A_151, %sub3A_151 : vector<1024x128xf32>
    %reduce_sum3A_153 = arith.constant dense<0.000000e+00> : vector<1024xf32>
    %reduce_sum3A_154 = vector.multi_reduction <add>, %integer_pow3A_152, %reduce_sum3A_153 [1] : vector<1024x128xf32> to vector<1024xf32>
    %broadcast_in_dim3A_155 = vector.shape_cast %reduce_sum3A_154 : vector<1024xf32> to vector<1024x1xf32>
    %div3A_156 = arith.constant 1.280000e+02 : f32
    %div3A_157 = vector.broadcast %div3A_156 : f32 to vector<1024x1xf32>
    %div3A_158 = arith.divf %broadcast_in_dim3A_155, %div3A_157 : vector<1024x1xf32>
    %sub3A_159 = vector.broadcast %div3A_149 : vector<1024x1xf32> to vector<1024x128xf32>
    %sub3A_160 = arith.subf %add3A_137, %sub3A_159 : vector<1024x128xf32>
    %add3A_161 = arith.constant 9.99999974E-6 : f32
    %add3A_162 = vector.broadcast %add3A_161 : f32 to vector<1024x1xf32>
    %add3A_163 = arith.addf %div3A_158, %add3A_162 : vector<1024x1xf32>
    %rsqrt3A_164 = math.rsqrt %add3A_163 : vector<1024x1xf32>
    %mul3A_165 = vector.broadcast %rsqrt3A_164 : vector<1024x1xf32> to vector<1024x128xf32>
    %mul3A_166 = arith.mulf %sub3A_160, %mul3A_165 : vector<1024x128xf32>
    %mul3A_167 = vector.broadcast %get3A_140 : vector<1x128xf32> to vector<1024x128xf32>
    %mul3A_168 = arith.mulf %mul3A_166, %mul3A_167 : vector<1024x128xf32>
    %add3A_169 = vector.broadcast %get3A_143 : vector<1x128xf32> to vector<1024x128xf32>
    %add3A_170 = arith.addf %mul3A_168, %add3A_169 : vector<1024x128xf32>
    %max3A_171 = arith.constant 0.000000e+00 : f32
    %max3A_172 = vector.broadcast %max3A_171 : f32 to vector<1024x128xf32>
    %max3A_173 = arith.maximumf %add3A_170, %max3A_172 : vector<1024x128xf32>
    %convert_element_type3A_174 = arith.truncf %max3A_173 : vector<1024x128xf32> to vector<1024x128xbf16>
    %get3A_175 = arith.constant 0 : index
    %get3A_176 = arith.constant 0 : index
    %get3A_177 = vector.load %arg19[%get3A_175, %get3A_176] : memref<128x64xbf16, #tpu.memory_space<vmem>>, vector<128x64xbf16>
    %dot_general3A_178 = arith.constant dense<0.000000e+00> : vector<1024x64xf32>
    %dot_general3A_179 = tpu.matmul %convert_element_type3A_174, %get3A_177, %dot_general3A_178 {dimension_numbers = #tpu.dot_dimension_numbers<[1], [0], [0], [1], [0, 0, 1, 1], [], []>, transpose_lhs_hint = false} : vector<1024x128xbf16>, vector<128x64xbf16>, vector<1024x64xf32> -> vector<1024x64xf32>
    %get3A_180 = arith.constant 0 : index
    %get3A_181 = arith.constant 0 : index
    %get3A_182 = vector.load %arg20[%get3A_180, %get3A_181] : memref<1x64xf32, #tpu.memory_space<vmem>>, vector<1x64xf32>
    %add3A_183 = vector.broadcast %get3A_182 : vector<1x64xf32> to vector<1024x64xf32>
    %add3A_184 = arith.addf %dot_general3A_179, %add3A_183 : vector<1024x64xf32>
    %get3A_185 = arith.constant 0 : index
    %get3A_186 = arith.constant 0 : index
    %get3A_187 = vector.load %arg21[%get3A_185, %get3A_186] : memref<1x64xf32, #tpu.memory_space<vmem>>, vector<1x64xf32>
    %get3A_188 = arith.constant 0 : index
    %get3A_189 = arith.constant 0 : index
    %get3A_190 = vector.load %arg22[%get3A_188, %get3A_189] : memref<1x64xf32, #tpu.memory_space<vmem>>, vector<1x64xf32>
    %reduce_sum3A_191 = arith.constant dense<0.000000e+00> : vector<1024xf32>
    %reduce_sum3A_192 = vector.multi_reduction <add>, %add3A_184, %reduce_sum3A_191 [1] : vector<1024x64xf32> to vector<1024xf32>
    %broadcast_in_dim3A_193 = vector.shape_cast %reduce_sum3A_192 : vector<1024xf32> to vector<1024x1xf32>
    %div3A_194 = arith.constant 6.400000e+01 : f32
    %div3A_195 = vector.broadcast %div3A_194 : f32 to vector<1024x1xf32>
    %div3A_196 = arith.divf %broadcast_in_dim3A_193, %div3A_195 : vector<1024x1xf32>
    %sub3A_197 = vector.broadcast %div3A_196 : vector<1024x1xf32> to vector<1024x64xf32>
    %sub3A_198 = arith.subf %add3A_184, %sub3A_197 : vector<1024x64xf32>
    %integer_pow3A_199 = arith.mulf %sub3A_198, %sub3A_198 : vector<1024x64xf32>
    %reduce_sum3A_200 = arith.constant dense<0.000000e+00> : vector<1024xf32>
    %reduce_sum3A_201 = vector.multi_reduction <add>, %integer_pow3A_199, %reduce_sum3A_200 [1] : vector<1024x64xf32> to vector<1024xf32>
    %broadcast_in_dim3A_202 = vector.shape_cast %reduce_sum3A_201 : vector<1024xf32> to vector<1024x1xf32>
    %div3A_203 = arith.constant 6.400000e+01 : f32
    %div3A_204 = vector.broadcast %div3A_203 : f32 to vector<1024x1xf32>
    %div3A_205 = arith.divf %broadcast_in_dim3A_202, %div3A_204 : vector<1024x1xf32>
    %sub3A_206 = vector.broadcast %div3A_196 : vector<1024x1xf32> to vector<1024x64xf32>
    %sub3A_207 = arith.subf %add3A_184, %sub3A_206 : vector<1024x64xf32>
    %add3A_208 = arith.constant 9.99999974E-6 : f32
    %add3A_209 = vector.broadcast %add3A_208 : f32 to vector<1024x1xf32>
    %add3A_210 = arith.addf %div3A_205, %add3A_209 : vector<1024x1xf32>
    %rsqrt3A_211 = math.rsqrt %add3A_210 : vector<1024x1xf32>
    %mul3A_212 = vector.broadcast %rsqrt3A_211 : vector<1024x1xf32> to vector<1024x64xf32>
    %mul3A_213 = arith.mulf %sub3A_207, %mul3A_212 : vector<1024x64xf32>
    %mul3A_214 = vector.broadcast %get3A_187 : vector<1x64xf32> to vector<1024x64xf32>
    %mul3A_215 = arith.mulf %mul3A_213, %mul3A_214 : vector<1024x64xf32>
    %add3A_216 = vector.broadcast %get3A_190 : vector<1x64xf32> to vector<1024x64xf32>
    %add3A_217 = arith.addf %mul3A_215, %add3A_216 : vector<1024x64xf32>
    %max3A_218 = arith.constant 0.000000e+00 : f32
    %max3A_219 = vector.broadcast %max3A_218 : f32 to vector<1024x64xf32>
    %max3A_220 = arith.maximumf %add3A_217, %max3A_219 : vector<1024x64xf32>
    %convert_element_type3A_221 = arith.truncf %max3A_220 : vector<1024x64xf32> to vector<1024x64xbf16>
    %get3A_222 = arith.constant 0 : index
    %get3A_223 = arith.constant 0 : index
    %get3A_224 = vector.load %arg23[%get3A_222, %get3A_223] : memref<64x8xbf16, #tpu.memory_space<vmem>>, vector<64x8xbf16>
    %dot_general3A_225 = arith.constant dense<0.000000e+00> : vector<1024x8xf32>
    %dot_general3A_226 = tpu.matmul %convert_element_type3A_221, %get3A_224, %dot_general3A_225 {dimension_numbers = #tpu.dot_dimension_numbers<[1], [0], [0], [1], [0, 0, 1, 1], [], []>, transpose_lhs_hint = false} : vector<1024x64xbf16>, vector<64x8xbf16>, vector<1024x8xf32> -> vector<1024x8xf32>
    %get3A_227 = arith.constant 0 : index
    %get3A_228 = arith.constant 0 : index
    %get3A_229 = vector.load %arg24[%get3A_227, %get3A_228] : memref<1x8xf32, #tpu.memory_space<vmem>>, vector<1x8xf32>
    %add3A_230 = vector.broadcast %get3A_229 : vector<1x8xf32> to vector<1024x8xf32>
    %add3A_231 = arith.addf %dot_general3A_226, %add3A_230 : vector<1024x8xf32>
    %jit3A_232 = arith.constant -2.000000e+01 : f32
    %jit3A_233 = arith.constant 2.000000e+01 : f32
    %max3A_234 = vector.broadcast %jit3A_232 : f32 to vector<1024x8xf32>
    %max3A_235 = arith.maximumf %max3A_234, %add3A_231 : vector<1024x8xf32>
    %min3A_236 = vector.broadcast %jit3A_233 : f32 to vector<1024x8xf32>
    %min3A_237 = arith.minimumf %min3A_236, %max3A_235 : vector<1024x8xf32>
    %concatenate3A = tpu.concatenate %min3A_121, %min3A_237 in 1 : vector<1024x8xf32>, vector<1024x8xf32> -> vector<1024x16xf32>
    %swap3A = arith.constant 0 : index
    %swap3A_238 = arith.constant 0 : index
    %swap3A_239 = vector.load %arg25[%swap3A, %swap3A_238] : memref<1024x16xf32, #tpu.memory_space<vmem>>, vector<1024x16xf32>
    tpu.vector_store %arg25[%swap3A, %swap3A_238], %concatenate3A {strides = array<i32>} : memref<1024x16xf32, #tpu.memory_space<vmem>>, vector<1024x16xf32>,
    return
  }
  func.func @transform_0(%arg0: i32) -> (i32, i32) {
    %c0_i32 = arith.constant 0 : i32
    %c0_i32_0 = arith.constant 0 : i32
    return %arg0, %c0_i32 : i32, i32
  }
  func.func @transform_1(%arg0: i32) -> (i32, i32) {
    %c0_i32 = arith.constant 0 : i32
    %c0_i32_0 = arith.constant 0 : i32
    return %arg0, %c0_i32 : i32, i32
  }
  func.func @transform_2(%arg0: i32) -> (i32, i32) {
    %c0_i32 = arith.constant 0 : i32
    %c0_i32_0 = arith.constant 0 : i32
    %c0_i32_1 = arith.constant 0 : i32
    return %c0_i32, %c0_i32_0 : i32, i32
  }
  func.func @transform_3(%arg0: i32) -> (i32, i32) {
    %c0_i32 = arith.constant 0 : i32
    %c0_i32_0 = arith.constant 0 : i32
    %c0_i32_1 = arith.constant 0 : i32
    return %c0_i32, %c0_i32_0 : i32, i32
  }
  func.func @transform_4(%arg0: i32) -> (i32, i32) {
    %c0_i32 = arith.constant 0 : i32
    %c0_i32_0 = arith.constant 0 : i32
    %c0_i32_1 = arith.constant 0 : i32
    return %c0_i32, %c0_i32_0 : i32, i32
  }
  func.func @transform_5(%arg0: i32) -> (i32, i32) {
    %c0_i32 = arith.constant 0 : i32
    %c0_i32_0 = arith.constant 0 : i32
    %c0_i32_1 = arith.constant 0 : i32
    return %c0_i32, %c0_i32_0 : i32, i32
  }
  func.func @transform_6(%arg0: i32) -> (i32, i32) {
    %c0_i32 = arith.constant 0 : i32
    %c0_i32_0 = arith.constant 0 : i32
    %c0_i32_1 = arith.constant 0 : i32
    return %c0_i32, %c0_i32_0 : i32, i32
  }
  func.func @transform_7(%arg0: i32) -> (i32, i32) {
    %c0_i32 = arith.constant 0 : i32
    %c0_i32_0 = arith.constant 0 : i32
    %c0_i32_1 = arith.constant 0 : i32
    return %c0_i32, %c0_i32_0 : i32, i32
  }
  func.func @transform_8(%arg0: i32) -> (i32, i32) {
    %c0_i32 = arith.constant 0 : i32
    %c0_i32_0 = arith.constant 0 : i32
    %c0_i32_1 = arith.constant 0 : i32
    return %c0_i32, %c0_i32_0 : i32, i32
  }
  func.func @transform_9(%arg0: i32) -> (i32, i32) {
    %c0_i32 = arith.constant 0 : i32
    %c0_i32_0 = arith.constant 0 : i32
    %c0_i32_1 = arith.constant 0 : i32
    return %c0_i32, %c0_i32_0 : i32, i32
  }
  func.func @transform_10(%arg0: i32) -> (i32, i32) {
    %c0_i32 = arith.constant 0 : i32
    %c0_i32_0 = arith.constant 0 : i32
    %c0_i32_1 = arith.constant 0 : i32
    return %c0_i32, %c0_i32_0 : i32, i32
  }
  func.func @transform_11(%arg0: i32) -> (i32, i32) {
    %c0_i32 = arith.constant 0 : i32
    %c0_i32_0 = arith.constant 0 : i32
    %c0_i32_1 = arith.constant 0 : i32
    return %c0_i32, %c0_i32_0 : i32, i32
  }
  func.func @transform_12(%arg0: i32) -> (i32, i32) {
    %c0_i32 = arith.constant 0 : i32
    %c0_i32_0 = arith.constant 0 : i32
    %c0_i32_1 = arith.constant 0 : i32
    return %c0_i32, %c0_i32_0 : i32, i32
  }
  func.func @transform_13(%arg0: i32) -> (i32, i32) {
    %c0_i32 = arith.constant 0 : i32
    %c0_i32_0 = arith.constant 0 : i32
    %c0_i32_1 = arith.constant 0 : i32
    return %c0_i32, %c0_i32_0 : i32, i32
  }
  func.func @transform_14(%arg0: i32) -> (i32, i32) {
    %c0_i32 = arith.constant 0 : i32
    %c0_i32_0 = arith.constant 0 : i32
    %c0_i32_1 = arith.constant 0 : i32
    return %c0_i32, %c0_i32_0 : i32, i32
  }
  func.func @transform_15(%arg0: i32) -> (i32, i32) {
    %c0_i32 = arith.constant 0 : i32
    %c0_i32_0 = arith.constant 0 : i32
    %c0_i32_1 = arith.constant 0 : i32
    return %c0_i32, %c0_i32_0 : i32, i32
  }
  func.func @transform_16(%arg0: i32) -> (i32, i32) {
    %c0_i32 = arith.constant 0 : i32
    %c0_i32_0 = arith.constant 0 : i32
    %c0_i32_1 = arith.constant 0 : i32
    return %c0_i32, %c0_i32_0 : i32, i32
  }
  func.func @transform_17(%arg0: i32) -> (i32, i32) {
    %c0_i32 = arith.constant 0 : i32
    %c0_i32_0 = arith.constant 0 : i32
    %c0_i32_1 = arith.constant 0 : i32
    return %c0_i32, %c0_i32_0 : i32, i32
  }
  func.func @transform_18(%arg0: i32) -> (i32, i32) {
    %c0_i32 = arith.constant 0 : i32
    %c0_i32_0 = arith.constant 0 : i32
    %c0_i32_1 = arith.constant 0 : i32
    return %c0_i32, %c0_i32_0 : i32, i32
  }
  func.func @transform_19(%arg0: i32) -> (i32, i32) {
    %c0_i32 = arith.constant 0 : i32
    %c0_i32_0 = arith.constant 0 : i32
    %c0_i32_1 = arith.constant 0 : i32
    return %c0_i32, %c0_i32_0 : i32, i32
  }
  func.func @transform_20(%arg0: i32) -> (i32, i32) {
    %c0_i32 = arith.constant 0 : i32
    %c0_i32_0 = arith.constant 0 : i32
    %c0_i32_1 = arith.constant 0 : i32
    return %c0_i32, %c0_i32_0 : i32, i32
  }
  func.func @transform_21(%arg0: i32) -> (i32, i32) {
    %c0_i32 = arith.constant 0 : i32
    %c0_i32_0 = arith.constant 0 : i32
    %c0_i32_1 = arith.constant 0 : i32
    return %c0_i32, %c0_i32_0 : i32, i32
  }
  func.func @transform_22(%arg0: i32) -> (i32, i32) {
    %c0_i32 = arith.constant 0 : i32
    %c0_i32_0 = arith.constant 0 : i32
    %c0_i32_1 = arith.constant 0 : i32
    return %c0_i32, %c0_i32_0 : i32, i32
  }
  func.func @transform_23(%arg0: i32) -> (i32, i32) {
    %c0_i32 = arith.constant 0 : i32
    %c0_i32_0 = arith.constant 0 : i32
    %c0_i32_1 = arith.constant 0 : i32
    return %c0_i32, %c0_i32_0 : i32, i32
  }
  func.func @transform_24(%arg0: i32) -> (i32, i32) {
    %c0_i32 = arith.constant 0 : i32
    %c0_i32_0 = arith.constant 0 : i32
    return %arg0, %c0_i32 : i32, i32
  }
}

</mosaic_0001>

<sc_bundles>
// kernel: kernel.20.cloned.1.call-start
scs
__scs_entry_jumppad:
0x0: {  	(pc) =	sbr.rel $0x88, $3  }
0x1: {  	(tag) =	ssettag $0x0;
	lr =	simm.s32 $0x1  }
0x2: {  	[smem:$0x3F73] =	sst lr;
	_ =	strace $0xD0000000  }
0x3: {  	_ = 	snop  }
0x4: {  	_ = 	snop  }
0x5: {  	_ = 	snop  }
0x6: {  	_ = 	snop  }
0x7: {  	_ = 	snop  }
__scs_overlays_trampoline_lowered:
0x8: {  	[smem:$0x3F82] =	sst s0  }
0x9: {  	[smem:$0x3F83] =	sst s1  }
0xa: {  	[smem:$0x3F84] =	sst s2  }
0xb: {  	[smem:$0x3F85] =	sst s3  }
0xc: {  	[smem:$0x3F86] =	sst s4  }
0xd: {  	[smem:$0x3F87] =	sst s5  }
0xe: {  	[smem:$0x3F88] =	sst s6  }
0xf: {  	[smem:$0x3F89] =	sst s7  }
0x10: {  	[smem:$0x3F8A] =	sst s8  }
0x11: {  	[smem:$0x3F8B] =	sst s9;
	s0 =	simm.s32 @!p0 $0x0  }
0x12: {  	s1 =	sld [smem:$0x3F71];
	s0 =	simm.s32 @p0 $0x1  }
0x13: {  	[smem:$0x3F8C] =	sst s0;
	s0 =	simm.s32 @!p1 $0x0  }
0x14: {  	s2 =	sld [smem:$0x3F70];
	s0 =	simm.s32 @p1 $0x1  }
0x15: {  	[smem:$0x3F8D] =	sst s0;
	s0 =	simm.s32 @!p2 $0x0  }
0x16: {  	s3 =	sld [smem:$0x3FDB];
	s0 =	simm.s32 @p2 $0x1  }
0x17: {  	s4 =	simm.s32 $0x1BF5;
	[smem:$0x3F8F] =	sst s0  }
0x18: {  	s0 =	sld [smem:$0x3F72];
	_ =	swait.ge [sflag:s4], $0x0  }
0x19: {  	s7 =	sld [smem:$0x3F73]  }
0x1a: {  	s8 =	sadd.s32 $0xFFFFE003, lr  }
0x1b: {  	s9 =	sadd.s32 $0xFFFFFEF7, lr;
	s5 =	simm.s32 $0xFFFFFFFF;
	p2 =	slt.u32 s8, $0xFFFFF086  }
0x1c: {  	p1 =	slt.u32 s9, $0xF7A;
	s5 =	simm.s32 @!p2 $0x0  }
0x1d: {  	s5 =	simm.s32 @p1 $0x1;
	p0 =	seq.s32 s7, s2  }
0x1e: {  	s7 =	smul.u32 @!p0 $0xF7A, s2;
	p2 =	seq.s32 @!p0 s5, $0x0  }
0x1f: {  	s9 =	smul.u32 $0xF7A, s1;
	s8 =	simm.s32 @!p0 $0x1BF5;
	p2 =	por !p2, p0  }
0x20: {  	[sflag:s8] =	ssyncset.s32 @!p0 $0xFFFFF086;
	s6 =	sadd.s32 @!p0 s3, s7;
	s7 =	simm.s32 @!p0 $0x108  }
0x21: {  	s3 =	sadd.s32 s3, s9;
	s6 =	sadd.s32 @!p0 $0x88, s6;
	s7 =	simm.s32 @p2 $0x1082  }
0x22: {  	[simem:s7], [sflag:s8] =	dma.local @!p0 [hbm:s6], $0xF7A  }
0x23: {  	s9 =	sor.u32 $0xD0000000, s2;
	s6 =	simm.s32 $0x108;
	_ =	swait.ge @!p0 [sflag:s8], $0x0  }
0x24: {  	s3 =	sadd.s32 $0x88, s3;
	s6 =	simm.s32 @!p1 $0x1082;
	[sflag:s4] =	ssyncset.s32 $0xFFFFF086  }
0x25: {  	[simem:s6], [sflag:s4] =	dma.local [hbm:s3], $0xF7A  }
0x26: {  	[smem:$0x3F73] =	sst s1;
	(tag) =	ssettag s2;
	_ =	strace s9  }
0x27: {  	s1 =	sld [smem:$0x3F83]  }
0x28: {  	s2 =	sld [smem:$0x3F84]  }
0x29: {  	s4 =	sld [smem:$0x3F86]  }
0x2a: {  	p0 =	seq.s32 s5, $0x0;
	s5 =	sld [smem:$0x3F87]  }
0x2b: {  	s6 =	sld [smem:$0x3F88]  }
0x2c: {  	s7 =	sld [smem:$0x3F89]  }
0x2d: {  	s3 =	simm.s32 $0x108;
	s8 =	sld [smem:$0x3F8A]  }
0x2e: {  	s3 =	simm.s32 @!p0 $0x1082;
	s9 =	sld [smem:$0x3F8B]  }
0x2f: {  	lr =	sadd.s32 s0, s3;
	s0 =	sld [smem:$0x3F82]  }
0x30: {  	s3 =	sld [smem:$0x3F85]  }
0x31: {  	[smem:$0x3F8E] =	sst s10  }
0x32: {  	s10 =	sld [smem:$0x3F8C];
	_ =	sdelay $0x3  }
0x33: {  	p0 =	seq.s32 s10, $0x1;
	s10 =	sld [smem:$0x3F8E];
	_ =	sdelay $0x3  }
0x34: {  	[smem:$0x3F8E] =	sst s10  }
0x35: {  	s10 =	sld [smem:$0x3F8D];
	_ =	sdelay $0x3  }
0x36: {  	p1 =	seq.s32 s10, $0x1;
	s10 =	sld [smem:$0x3F8E];
	_ =	sdelay $0x3  }
0x37: {  	[smem:$0x3F8E] =	sst s10  }
0x38: {  	s10 =	sld [smem:$0x3F8F]  }
0x39: {  	_ = 	snop;
	(pc) =	sbr.ind lr, $3  }
0x3a: {  	_ = 	snop  }
0x3b: {  	_ = 	snop  }
0x3c: {  	p2 =	seq.s32 s10, $0x1;
	s10 =	sld [smem:$0x3F8E]  }
0x3d: {  	_ =	shalt  }
0x3e: {  	_ =	shalt  }
0x3f: {  	_ =	shalt  }
0x40: {  	_ =	shalt  }
0x41: {  	_ =	shalt  }
0x42: {  	_ =	shalt  }
0x43: {  	_ =	shalt  }
0x44: {  	_ =	shalt  }
0x45: {  	_ =	shalt  }
0x46: {  	_ =	shalt  }
0x47: {  	_ =	shalt  }
0x48: {  	_ =	shalt  }
0x49: {  	_ =	shalt  }
0x4a: {  	_ =	shalt  }
0x4b: {  	_ =	shalt  }
0x4c: {  	_ =	shalt  }
0x4d: {  	_ =	shalt  }
0x4e: {  	_ =	shalt  }
0x4f: {  	_ =	shalt  }
0x50: {  	_ =	shalt  }
0x51: {  	_ =	shalt  }
0x52: {  	_ =	shalt  }
0x53: {  	_ =	shalt  }
0x54: {  	_ =	shalt  }
0x55: {  	_ =	shalt  }
0x56: {  	_ =	shalt  }
0x57: {  	_ =	shalt  }
0x58: {  	_ =	shalt  }
0x59: {  	_ =	shalt  }
0x5a: {  	_ =	shalt  }
0x5b: {  	_ =	shalt  }
0x5c: {  	_ =	shalt  }
0x5d: {  	_ =	shalt  }
0x5e: {  	_ =	shalt  }
0x5f: {  	_ =	shalt  }
0x60: {  	_ =	shalt  }
0x61: {  	_ =	shalt  }
0x62: {  	_ =	shalt  }
0x63: {  	_ =	shalt  }
0x64: {  	_ =	shalt  }
0x65: {  	_ =	shalt  }
0x66: {  	_ =	shalt  }
0x67: {  	_ =	shalt  }
0x68: {  	_ =	shalt  }
0x69: {  	_ =	shalt  }
0x6a: {  	_ =	shalt  }
0x6b: {  	_ =	shalt  }
0x6c: {  	_ =	shalt  }
0x6d: {  	_ =	shalt  }
0x6e: {  	_ =	shalt  }
0x6f: {  	_ =	shalt  }
0x70: {  	_ =	shalt  }
0x71: {  	_ =	shalt  }
0x72: {  	_ =	shalt  }
0x73: {  	_ =	shalt  }
0x74: {  	_ =	shalt  }
0x75: {  	_ =	shalt  }
0x76: {  	_ =	shalt  }
0x77: {  	_ =	shalt  }
0x78: {  	_ =	shalt  }
0x79: {  	_ =	shalt  }
0x7a: {  	_ =	shalt  }
0x7b: {  	_ =	shalt  }
0x7c: {  	_ =	shalt  }
0x7d: {  	_ =	shalt  }
0x7e: {  	_ =	shalt  }
0x7f: {  	_ =	shalt  }
0x80: {  	_ =	shalt  }
0x81: {  	_ =	shalt  }
0x82: {  	_ =	shalt  }
0x83: {  	_ =	shalt  }
0x84: {  	_ =	shalt  }
0x85: {  	_ =	shalt  }
0x86: {  	_ =	shalt  }
0x87: {  	_ =	shalt  }
.Lfunc_end0:
.L_simem_size_0:
called_computation_lowered:
.L_overlay_start_0:
0x88: {  	s2 =	sld [smem:$0x3FD9]  }
0x89: {  	s3 =	sld [smem:$0x3FFE];
	_ =	sdelay $0x1  }
0x8a: {  	s1 =	srdreg.scid  }
0x8b: {  	s0 =	sand.u32 $0x1, s1  }
0x8c: {  	s14 =	sshll.u32 s0, $0xA;
	s2 =	sadd.s32 s3, s2  }
0x8d: {  	s2 =	sadd.s32 s2, s14  }
0x8e: {  	[smem:$0x3F9A] =	sst s2  }
0x8f: {  	_ = 	snop  }
0x90: {  	s2 =	sld [smem:$0x3FD0];
	_ =	sdelay $0x2  }
0x91: {  	s15 =	simm.s32 $0xD;
	s4 =	simm.s32 $0x10  }
0x92: {  	[smem:s4], [sflag:s15] =	dma.local [hbm:s2], $0x1  }
0x93: {  	_ =	swait.eq [sflag:s15], $0x1  }
0x94: {  	[sflag:s15] =	ssyncset.done $0x0  }
0x95: {  	[sflag:s15] =	ssyncadd.s32 $0xFFFFFFFF  }
0x96: {  	s16 =	sld [smem:$0x12];
	(tm) =	ssettm $0x1  }
0x97: {  	s17 =	sld [smem:$0x3FFB];
	_ =	sdelay $0x3  }
0x98: {  	_ =	strace s17  }
0x99: {  	s3 =	sld [smem:$0x3FFC];
	_ =	sdelay $0x3  }
0x9a: {  	_ =	strace s3  }
0x9b: {  	s3 =	sld [smem:$0x3FFD];
	_ =	sdelay $0x3  }
0x9c: {  	_ =	strace s3  }
0x9d: {  	_ =	strace $0x8FFFFFFF  }
0x9e: {  	s18 =	sld [smem:$0x3FDB];
	_ =	sdelay $0x1  }
0x9f: {  	s19 =	simm.s32 $_scs_section_size  }
0xa0: {  	s5 =	simm.s32 $_size__tile_overlayer_lowered;
	s6 =	simm.s32 $_tile_overlayer_lowered  }
0xa1: {  	s22 =	simm.s32 $0x1BFF;
	s21 =	sshll.u32 s6, $0x1;
	s3 =	sadd.s32 s19, s18  }
0xa2: {  	s7 =	simm.s32 $0x0;
	s20 =	sshll.u32 s5, $0x1;
	s5 =	sadd.s32 s21, s3  }
0xa3: {  	[timem:s7], [sflag:s22] =	dma.local [hbm:s5], s20  }
0xa4: {  	_ =	swait.ge [sflag:s22], s20  }
0xa5: {  	s4 =	ssub.s32 $0x0, s20;
	[sflag:s22] =	ssyncset.done $0x0  }
0xa6: {  	[sflag:s22] =	ssyncadd.s32 s4;
	_ =	sdelay $0x1  }
0xa7: {  	s23 =	simm.s32 $0x1B8B  }
0xa8: {  	_ =	swait.ge [sflag:s23], $0x1  }
0xa9: {  	[sflag:s23] =	ssyncset.done $0x0  }
0xaa: {  	s25 =	simm.s32 $0x1B8E;
	s24 =	sld [smem:$0x3FFE];
	[sflag:s23] =	ssyncadd.s32 $0xFFFFFFFF  }
0xab: {  	s26 =	simm.s32 $execute0_lowered;
	[smem:$0x3FD2] =	sst s25  }
0xac: {  	s5 =	sshll.u32 s26, $0x1;
	_ =	strace $0x80000046;
	[dreg:$0x1] =	wrdreg $0xFFFFFFFF  }
0xad: {  	s28 =	simm.s32 $_size_execute0_lowered;
	s3 =	sadd.s32 s3, s5;
	[dreg:$0x0] =	wrdreg $0x0  }
0xae: {  	s5 =	sshll.u32 s28, $0x1;
	[dreg:$0x2] =	wrdreg s3  }
0xaf: {  	[dreg:$0x3] =	wrdreg s5  }
0xb0: {  	[dreg:$0x4] =	wrdreg $0xC0  }
0xb1: {  	_ =	task [dreg:s7], $0x5FFFF  }
0xb2: {  	[dreg:$0x1] =	wrdreg $0xFFFFFFFF  }
0xb3: {  	[dreg:$0x0] =	wrdreg $0x60  }
0xb4: {  	[dreg:$0x2] =	wrdreg s16  }
0xb5: {  	[dreg:$0x3] =	wrdreg s24  }
0xb6: {  	[dreg:$0x4] =	wrdreg $0x6C000  }
0xb7: {  	[dreg:$0x5] =	wrdreg $0x9  }
0xb8: {  	_ =	task.clear_ibuf [dreg:s7], $0x6FFFF;
	_ =	strace $0x90000046  }
0xb9: {  	s29 =	simm.s32 $0x9;
	_ =	strace $0x80000048  }
0xba: {  	_ =	swait.ge [sflag:s29], $0x1  }
0xbb: {  	[sflag:s29] =	ssyncadd.s32 $0xFFFFFFFF  }
0xbc: {  	_ =	strace $0x90000048  }
0xbd: {  	_ =	sfence  }
0xbe: {  	s30 =	sld [smem:$0x0];
	_ =	sdelay $0x2  }
0xbf: {  	s31 =	sshll.u32 s1, $0xD;
	s1 =	sshrl.u32 s1, $0x2  }
0xc0: {  	s3 =	sand.u32 $0x4000, s31;
	s1 =	sadd.s32 s1, s30  }
0xc1: {  	s0 =	sor.u32 s3, s0;
	s1 =	sshll.u32 s1, $0x11  }
0xc2: {  	s0 =	sor.u32 s1, s0  }
0xc3: {  	s0 =	sadd.s32 $0x8F2B, s0  }
0xc4: {  	[sflag:s0] =	ssyncadd.remote.s32 $0x1  }
0xc5: {  	_ =	sfence.sel $0xFFFF  }
0xc6: {  	[dreg:$0x0] =	wrdreg $0xFFFFFFFF;
	(pc) =	sbr.abs _section_cstart, $3  }
0xc7: {  	[dreg:$0x1] =	wrdreg $0xFFFFFFFF  }
0xc8: {  	_ =	task.clear_ibuf [dreg:s7], $0x2FFFF;
	_ =	strace $0x9FFFFFFF  }
0xc9: {  	(tm) =	ssettm $0x7FFFFFFF  }
tec
execute0_lowered:
.L_overlay_start_1:
0x0: {  	(tag) =	ssettag $0x1  }
0x1: {  	s9 =	rddreg [dreg:$0x0]  }
0x2: {  	s1 =	srdreg.scid;
	s4 =	rddreg [dreg:$0x1]  }
0x3: {  	s0 =	stileid.u32;
	s2 =	rddreg [dreg:$0x2];
	s3 =	simm.s32 $0x0  }
0x4: {  	s13 =	simm.s32 $0x1;
	s14 =	simm.s32 $0x80;
	s6 =	smul.u32 $0x2800, s0  }
0x5: {  	s5 =	sand.u32 $0x1, s1;
	s1 =	rddreg [dreg:$0x3];
	s26 =	smul.u32 $0x50000, s0  }
0x6: {  	[smem:$0x7FF] =	sst s3;
	s15 =	sshll.u32 s0, $0x6;
	s7 =	smul.u32 $0x28000, s5  }
0x7: {  	_ =	strace $0x80000047;
	s28 =	ssub.s32 $0x2, s5;
	s29 =	sshll.u32 s5, $0x4  }
0x8: {  	s15 =	sor.u32 $0x1C01, s15;
	s30 =	sshrl.u32 s26, $0x2;
	s31 =	sshrl.u32 s28, $0x1  }
0x9: {  	s8 =	sor.u32 s0, s29;
	s6 =	sadd.s32 s6, s7;
	s11 =	ssub.s32 s28, s31  }
0xa: {  	s12 =	smul.u32 $0x580, s8;
	s10 =	sadd.s32 s6, s4;
	s4 =	sadd.s32 s30, s2  }
0xb: {  	s11 =	smax.u32 s11, $0x1;
	s5 =	sadd.s32 $0x4000, s4;
	s6 =	sadd.s32 $0x8000, s4  }
0xc: {  	s7 =	sadd.s32 $0xC000, s4;
	s8 =	sadd.s32 $0x10000, s4;
	s9 =	sadd.s32 s9, s12  }
0xd: {  	v0 =	vimm.f32 $0.0e+00;
	v1 =	vimm.f32 $1.000000000e+00;
	s10 =	sadd.s32 $0x13400, s10;
	s12 =	simm.s32 $0x2C00;
	s16 =	sshrl.u32 s4, $0x3  }
.LBB2_1:
0xe: {  	s17 =	simm.s32 $0x0;
	s18 =	simm.s32 $0x200  }
.LBB2_2:
0xf: {  	p0 =	sne.s32 s18, $0xFE00;
	[tilespmem:s17+$0x2C70] =	vst v0  }
0x10: {  	[tilespmem:s17+$0x2C00] =	vst v0  }
0x11: {  	[tilespmem:s17+$0x2C10] =	vst v0  }
.Ltmp0:
0x12: {  	[tilespmem:s17+$0x2C20] =	vst v0;
	(pc) =	sbr.rel @p0 .LBB2_2-.Ltmp0, $4  }
0x13: {  	[tilespmem:s17+$0x2C30] =	vst v0  }
0x14: {  	[tilespmem:s17+$0x2C40] =	vst v0  }
0x15: {  	[tilespmem:s17+$0x2C50] =	vst v0  }
0x16: {  	[tilespmem:s17+$0x2C60] =	vst v0;
	s17 =	sshra.s32 s18, $0x2;
	s18 =	sadd.s32 $0x200, s18  }
0x17: {  	[tilespmem:s17+$0x2C70] =	vst v0  }
0x18: {  	[tilespmem:s17+$0x2C00] =	vst v0  }
0x19: {  	[tilespmem:s17+$0x2C10] =	vst v0  }
0x1a: {  	[tilespmem:s17+$0x2C20] =	vst v0  }
0x1b: {  	[tilespmem:s17+$0x2C30] =	vst v0  }
0x1c: {  	[tilespmem:s17+$0x2C40] =	vst v0  }
0x1d: {  	[tilespmem:s17+$0x2C50] =	vst v0  }
0x1e: {  	[tilespmem:s17+$0x2C60] =	vst v0  }
0x1f: {  	[spmem:s4] =	stream.linear.scatter [tilespmem:s12], [sflag:$0x1], $0x4000, $0x38;
	[tilespmem:$0x1AC00] =	vst v63  }
0x20: {  	_ =	swait.ge [sflag:s13], $0x4000  }
0x21: {  	[sflag:s13] =	ssyncset.done $0x0  }
0x22: {  	[sflag:s13] =	ssyncadd.s32 $0xFFFFC000  }
0x23: {  	[spmem:s5] =	stream.linear.scatter [tilespmem:s12], [sflag:$0x1], $0x4000, $0x38;
	[tilespmem:$0x1AC00] =	vst v63  }
0x24: {  	_ =	swait.ge [sflag:s13], $0x4000  }
0x25: {  	[sflag:s13] =	ssyncset.done $0x0  }
0x26: {  	[sflag:s13] =	ssyncadd.s32 $0xFFFFC000  }
0x27: {  	[spmem:s6] =	stream.linear.scatter [tilespmem:s12], [sflag:$0x1], $0x4000, $0x38;
	[tilespmem:$0x1AC00] =	vst v63  }
0x28: {  	_ =	swait.ge [sflag:s13], $0x4000  }
0x29: {  	[sflag:s13] =	ssyncset.done $0x0  }
0x2a: {  	[sflag:s13] =	ssyncadd.s32 $0xFFFFC000  }
0x2b: {  	[spmem:s7] =	stream.linear.scatter [tilespmem:s12], [sflag:$0x1], $0x4000, $0x38;
	[tilespmem:$0x1AC00] =	vst v63  }
0x2c: {  	_ =	swait.ge [sflag:s13], $0x4000  }
0x2d: {  	[sflag:s13] =	ssyncset.done $0x0  }
0x2e: {  	[sflag:s13] =	ssyncadd.s32 $0xFFFFC000  }
0x2f: {  	[spmem:s8] =	stream.linear.scatter [tilespmem:s12], [sflag:$0x1], $0x4000, $0x38;
	[tilespmem:$0x1AC00] =	vst v63  }
0x30: {  	_ =	swait.ge [sflag:s13], $0x4000  }
0x31: {  	[sflag:s13] =	ssyncset.done $0x0  }
0x32: {  	s17 =	simm.s32 $0x0;
	s18 =	simm.s32 $0x200;
	[sflag:s13] =	ssyncadd.s32 $0xFFFFC000  }
.LBB2_4:
0x33: {  	p0 =	sne.s32 s18, $0xFE00;
	[tilespmem:s17+$0x2C70] =	vst v1  }
0x34: {  	[tilespmem:s17+$0x2C00] =	vst v1  }
0x35: {  	[tilespmem:s17+$0x2C10] =	vst v1  }
.Ltmp1:
0x36: {  	[tilespmem:s17+$0x2C20] =	vst v1;
	(pc) =	sbr.rel @p0 .LBB2_4-.Ltmp1, $4  }
0x37: {  	[tilespmem:s17+$0x2C30] =	vst v1  }
0x38: {  	[tilespmem:s17+$0x2C40] =	vst v1  }
0x39: {  	[tilespmem:s17+$0x2C50] =	vst v1  }
0x3a: {  	[tilespmem:s17+$0x2C60] =	vst v1;
	s17 =	sshra.s32 s18, $0x2;
	s18 =	sadd.s32 $0x200, s18  }
0x3b: {  	[tilespmem:s17+$0x2C70] =	vst v1  }
0x3c: {  	[tilespmem:s17+$0x2C00] =	vst v1  }
0x3d: {  	[tilespmem:s17+$0x2C10] =	vst v1  }
0x3e: {  	[tilespmem:s17+$0x2C20] =	vst v1  }
0x3f: {  	[tilespmem:s17+$0x2C30] =	vst v1  }
0x40: {  	[tilespmem:s17+$0x2C40] =	vst v1  }
0x41: {  	[tilespmem:s17+$0x2C50] =	vst v1  }
0x42: {  	[tilespmem:s17+$0x2C60] =	vst v1  }
0x43: {  	s30 =	simm.s32 $0x0;
	[bflag:$0x0] =	sbarrier.arrive $0xFFFF  }
0x44: {  	[tilespmem:s30], [sflag:$0x1] =	stream.linear.gather [hbm4b:s9+s30], $0x2900, $0x38;
	[tilespmem:$0x1AC00] =	vst v63  }
0x45: {  	_ =	swait.ge [sflag:s13], $0x2900  }
0x46: {  	[sflag:s13] =	ssyncset.done $0x0  }
0x47: {  	s31 =	simm.s32 $0x0;
	[sflag:s13] =	ssyncadd.s32 $0xFFFFD700  }
0x48: {  	[spmem:s2] =	stream.indirect.scatter.add.f32 [tilespmem:s12], [sflag:$0x1], $0x80, s31, s14, $0xb8;
	[tilespmem:$0x1AC00] =	vst v63  }
0x49: {  	_ =	swait.ge [sflag:s13], $0x4000  }
0x4a: {  	s17 =	simm.s32 $0x200;
	[sflag:s13] =	ssyncset.done $0x0  }
.LBB2_6:
0x4b: {  	s18 =	sshra.s32 s17, $0x2;
	[sflag:s13] =	ssyncadd.s32 $0xFFFFC000;
	p0 =	sne.s32 s17, $0xA200  }
0x4c: {  	[spmem:s2] =	stream.indirect.scatter.add.f32 [tilespmem:s12], [sflag:$0x1], $0x80, s18, s14, $0xb8;
	[tilespmem:$0x1AC00] =	vst v63  }
.Ltmp2:
0x4d: {  	_ = 	snop;
	(pc) =	sbr.rel @p0 .LBB2_6-.Ltmp2, $4  }
0x4e: {  	_ = 	snop  }
0x4f: {  	s17 =	sadd.s32 $0x200, s17  }
0x50: {  	_ =	swait.ge [sflag:s13], $0x4000  }
0x51: {  	[sflag:s13] =	ssyncset.done $0x0  }
0x52: {  	s3 =	sadd.s32 $0x1, s3  }
0x53: {  	[sflag:s13] =	ssyncadd.s32 $0xFFFFC000;
	p0 =	sne.s32 s3, s11  }
.Ltmp3:
0x54: {  	[bflag:$0x0] =	sbarrier.arrive $0xFFFF;
	(pc) =	sbr.rel @p0 .LBB2_1-.Ltmp3, $4  }
0x55: {  	[hbm:s10], [sflag:s15] =	dma.local [spmem:s16], $0x2800  }
0x56: {  	_ =	swait.ge [sflag:s13], $0x2800  }
0x57: {  	[sflag:s13] =	ssyncset.done $0x0  }
0x58: {  	[sflag:s13] =	ssyncadd.s32 $0xFFFFD800  }
0x59: {  	_ =	sfence.sel $0x180000  }
0x5a: {  	[bflag:$0x0] =	sbarrier.arrive $0xFFFF  }
0x5b: {  	p0 =	sne.s32 s0, $0x0;
	_ =	strace $0x90000047  }
0x5c: {  	s0 =	sadd.s32 @!p0 $0x100000, s1;
	[bflag:$0x2] =	sbarrier.arrive $0xFFFF  }
0x5d: {  	[sflag:s0] =	ssyncadd.tile.s32 @!p0 $0x1;
	_ =	shalt  }
.Lfunc_end2:
_tile_overlayer_lowered:
.L_overlay_start_2:
0x5e: {  	(tag) =	ssettag $0x2  }
0x5f: {  	s0 =	rddreg [dreg:$0x0];
	s2 =	stileid.u32  }
0x60: {  	s1 =	rddreg [dreg:$0x1];
	p0 =	sne.s32 s2, $0x0  }
0x61: {  	s3 =	rddreg [dreg:$0x2];
	[bflag:$0x3] =	sbarrier.arrive $0xFFFF;
	s2 =	simm.s32 @!p0 $0x1C01  }
0x62: {  	[timem:s3], [sflag:s2] =	dma.local @!p0 [hbm:s0], s1  }
0x63: {  	s0 =	simm.s32 @!p0 $0x1  }
0x64: {  	_ =	swait.ge @!p0 [sflag:s0], s1  }
0x65: {  	s1 =	ssub.s32 @!p0 $0x0, s1;
	[sflag:s0] =	ssyncset.done @!p0 $0x0  }
0x66: {  	[sflag:s0] =	ssyncadd.s32 @!p0 s1  }
0x67: {  	[bflag:$0x3] =	sbarrier.arrive $0xFFFF  }
0x68: {  	_ =	shalt  }

// kernel: kernel.23.cloned.1.call-start
scs
__scs_entry_jumppad:
0x0: {  	(pc) =	sbr.rel $0x88, $3  }
0x1: {  	(tag) =	ssettag $0x0;
	lr =	simm.s32 $0x1  }
0x2: {  	[smem:$0x3F73] =	sst lr;
	_ =	strace $0xD0000000  }
0x3: {  	_ = 	snop  }
0x4: {  	_ = 	snop  }
0x5: {  	_ = 	snop  }
0x6: {  	_ = 	snop  }
0x7: {  	_ = 	snop  }
__scs_overlays_trampoline_lowered:
0x8: {  	[smem:$0x3F82] =	sst s0  }
0x9: {  	[smem:$0x3F83] =	sst s1  }
0xa: {  	[smem:$0x3F84] =	sst s2  }
0xb: {  	[smem:$0x3F85] =	sst s3  }
0xc: {  	[smem:$0x3F86] =	sst s4  }
0xd: {  	[smem:$0x3F87] =	sst s5  }
0xe: {  	[smem:$0x3F88] =	sst s6  }
0xf: {  	[smem:$0x3F89] =	sst s7  }
0x10: {  	[smem:$0x3F8A] =	sst s8  }
0x11: {  	[smem:$0x3F8B] =	sst s9;
	s0 =	simm.s32 @!p0 $0x0  }
0x12: {  	s1 =	sld [smem:$0x3F71];
	s0 =	simm.s32 @p0 $0x1  }
0x13: {  	[smem:$0x3F8C] =	sst s0;
	s0 =	simm.s32 @!p1 $0x0  }
0x14: {  	s2 =	sld [smem:$0x3F70];
	s0 =	simm.s32 @p1 $0x1  }
0x15: {  	[smem:$0x3F8D] =	sst s0;
	s0 =	simm.s32 @!p2 $0x0  }
0x16: {  	s3 =	sld [smem:$0x3FDB];
	s0 =	simm.s32 @p2 $0x1  }
0x17: {  	s4 =	simm.s32 $0x1BF5;
	[smem:$0x3F8F] =	sst s0  }
0x18: {  	s0 =	sld [smem:$0x3F72];
	_ =	swait.ge [sflag:s4], $0x0  }
0x19: {  	s7 =	sld [smem:$0x3F73]  }
0x1a: {  	s8 =	sadd.s32 $0xFFFFE003, lr  }
0x1b: {  	s9 =	sadd.s32 $0xFFFFFEF7, lr;
	s5 =	simm.s32 $0xFFFFFFFF;
	p2 =	slt.u32 s8, $0xFFFFF086  }
0x1c: {  	p1 =	slt.u32 s9, $0xF7A;
	s5 =	simm.s32 @!p2 $0x0  }
0x1d: {  	s5 =	simm.s32 @p1 $0x1;
	p0 =	seq.s32 s7, s2  }
0x1e: {  	s7 =	smul.u32 @!p0 $0xF7A, s2;
	p2 =	seq.s32 @!p0 s5, $0x0  }
0x1f: {  	s9 =	smul.u32 $0xF7A, s1;
	s8 =	simm.s32 @!p0 $0x1BF5;
	p2 =	por !p2, p0  }
0x20: {  	[sflag:s8] =	ssyncset.s32 @!p0 $0xFFFFF086;
	s6 =	sadd.s32 @!p0 s3, s7;
	s7 =	simm.s32 @!p0 $0x108  }
0x21: {  	s3 =	sadd.s32 s3, s9;
	s6 =	sadd.s32 @!p0 $0x88, s6;
	s7 =	simm.s32 @p2 $0x1082  }
0x22: {  	[simem:s7], [sflag:s8] =	dma.local @!p0 [hbm:s6], $0xF7A  }
0x23: {  	s9 =	sor.u32 $0xD0000000, s2;
	s6 =	simm.s32 $0x108;
	_ =	swait.ge @!p0 [sflag:s8], $0x0  }
0x24: {  	s3 =	sadd.s32 $0x88, s3;
	s6 =	simm.s32 @!p1 $0x1082;
	[sflag:s4] =	ssyncset.s32 $0xFFFFF086  }
0x25: {  	[simem:s6], [sflag:s4] =	dma.local [hbm:s3], $0xF7A  }
0x26: {  	[smem:$0x3F73] =	sst s1;
	(tag) =	ssettag s2;
	_ =	strace s9  }
0x27: {  	s1 =	sld [smem:$0x3F83]  }
0x28: {  	s2 =	sld [smem:$0x3F84]  }
0x29: {  	s4 =	sld [smem:$0x3F86]  }
0x2a: {  	p0 =	seq.s32 s5, $0x0;
	s5 =	sld [smem:$0x3F87]  }
0x2b: {  	s6 =	sld [smem:$0x3F88]  }
0x2c: {  	s7 =	sld [smem:$0x3F89]  }
0x2d: {  	s3 =	simm.s32 $0x108;
	s8 =	sld [smem:$0x3F8A]  }
0x2e: {  	s3 =	simm.s32 @!p0 $0x1082;
	s9 =	sld [smem:$0x3F8B]  }
0x2f: {  	lr =	sadd.s32 s0, s3;
	s0 =	sld [smem:$0x3F82]  }
0x30: {  	s3 =	sld [smem:$0x3F85]  }
0x31: {  	[smem:$0x3F8E] =	sst s10  }
0x32: {  	s10 =	sld [smem:$0x3F8C];
	_ =	sdelay $0x3  }
0x33: {  	p0 =	seq.s32 s10, $0x1;
	s10 =	sld [smem:$0x3F8E];
	_ =	sdelay $0x3  }
0x34: {  	[smem:$0x3F8E] =	sst s10  }
0x35: {  	s10 =	sld [smem:$0x3F8D];
	_ =	sdelay $0x3  }
0x36: {  	p1 =	seq.s32 s10, $0x1;
	s10 =	sld [smem:$0x3F8E];
	_ =	sdelay $0x3  }
0x37: {  	[smem:$0x3F8E] =	sst s10  }
0x38: {  	s10 =	sld [smem:$0x3F8F]  }
0x39: {  	_ = 	snop;
	(pc) =	sbr.ind lr, $3  }
0x3a: {  	_ = 	snop  }
0x3b: {  	_ = 	snop  }
0x3c: {  	p2 =	seq.s32 s10, $0x1;
	s10 =	sld [smem:$0x3F8E]  }
0x3d: {  	_ =	shalt  }
0x3e: {  	_ =	shalt  }
0x3f: {  	_ =	shalt  }
0x40: {  	_ =	shalt  }
0x41: {  	_ =	shalt  }
0x42: {  	_ =	shalt  }
0x43: {  	_ =	shalt  }
0x44: {  	_ =	shalt  }
0x45: {  	_ =	shalt  }
0x46: {  	_ =	shalt  }
0x47: {  	_ =	shalt  }
0x48: {  	_ =	shalt  }
0x49: {  	_ =	shalt  }
0x4a: {  	_ =	shalt  }
0x4b: {  	_ =	shalt  }
0x4c: {  	_ =	shalt  }
0x4d: {  	_ =	shalt  }
0x4e: {  	_ =	shalt  }
0x4f: {  	_ =	shalt  }
0x50: {  	_ =	shalt  }
0x51: {  	_ =	shalt  }
0x52: {  	_ =	shalt  }
0x53: {  	_ =	shalt  }
0x54: {  	_ =	shalt  }
0x55: {  	_ =	shalt  }
0x56: {  	_ =	shalt  }
0x57: {  	_ =	shalt  }
0x58: {  	_ =	shalt  }
0x59: {  	_ =	shalt  }
0x5a: {  	_ =	shalt  }
0x5b: {  	_ =	shalt  }
0x5c: {  	_ =	shalt  }
0x5d: {  	_ =	shalt  }
0x5e: {  	_ =	shalt  }
0x5f: {  	_ =	shalt  }
0x60: {  	_ =	shalt  }
0x61: {  	_ =	shalt  }
0x62: {  	_ =	shalt  }
0x63: {  	_ =	shalt  }
0x64: {  	_ =	shalt  }
0x65: {  	_ =	shalt  }
0x66: {  	_ =	shalt  }
0x67: {  	_ =	shalt  }
0x68: {  	_ =	shalt  }
0x69: {  	_ =	shalt  }
0x6a: {  	_ =	shalt  }
0x6b: {  	_ =	shalt  }
0x6c: {  	_ =	shalt  }
0x6d: {  	_ =	shalt  }
0x6e: {  	_ =	shalt  }
0x6f: {  	_ =	shalt  }
0x70: {  	_ =	shalt  }
0x71: {  	_ =	shalt  }
0x72: {  	_ =	shalt  }
0x73: {  	_ =	shalt  }
0x74: {  	_ =	shalt  }
0x75: {  	_ =	shalt  }
0x76: {  	_ =	shalt  }
0x77: {  	_ =	shalt  }
0x78: {  	_ =	shalt  }
0x79: {  	_ =	shalt  }
0x7a: {  	_ =	shalt  }
0x7b: {  	_ =	shalt  }
0x7c: {  	_ =	shalt  }
0x7d: {  	_ =	shalt  }
0x7e: {  	_ =	shalt  }
0x7f: {  	_ =	shalt  }
0x80: {  	_ =	shalt  }
0x81: {  	_ =	shalt  }
0x82: {  	_ =	shalt  }
0x83: {  	_ =	shalt  }
0x84: {  	_ =	shalt  }
0x85: {  	_ =	shalt  }
0x86: {  	_ =	shalt  }
0x87: {  	_ =	shalt  }
.Lfunc_end0:
.L_simem_size_0:
called_computation.1_lowered:
.L_overlay_start_0:
0x88: {  	s2 =	sld [smem:$0x3FD9]  }
0x89: {  	s3 =	sld [smem:$0x3FFE];
	_ =	sdelay $0x1  }
0x8a: {  	s1 =	srdreg.scid  }
0x8b: {  	s0 =	sand.u32 $0x1, s1  }
0x8c: {  	s16 =	sshll.u32 s0, $0xA;
	s2 =	sadd.s32 s3, s2  }
0x8d: {  	s2 =	sadd.s32 s2, s16  }
0x8e: {  	[smem:$0x3F9A] =	sst s2  }
0x8f: {  	_ = 	snop  }
0x90: {  	(tm) =	ssettm $0x1  }
0x91: {  	s17 =	sld [smem:$0x3FFB];
	_ =	sdelay $0x3  }
0x92: {  	_ =	strace s17  }
0x93: {  	s2 =	sld [smem:$0x3FFC];
	_ =	sdelay $0x3  }
0x94: {  	_ =	strace s2  }
0x95: {  	s2 =	sld [smem:$0x3FFD];
	_ =	sdelay $0x3  }
0x96: {  	_ =	strace s2  }
0x97: {  	_ =	strace $0x8FFFFFFF  }
0x98: {  	s18 =	sld [smem:$0x3FDB];
	_ =	sdelay $0x1  }
0x99: {  	s19 =	simm.s32 $_scs_section_size  }
0x9a: {  	s4 =	simm.s32 $_size__tile_overlayer_lowered;
	s5 =	simm.s32 $_tile_overlayer_lowered  }
0x9b: {  	s22 =	simm.s32 $0x1BFF;
	s21 =	sshll.u32 s5, $0x1;
	s2 =	sadd.s32 s19, s18  }
0x9c: {  	s6 =	simm.s32 $0x0;
	s20 =	sshll.u32 s4, $0x1;
	s4 =	sadd.s32 s21, s2  }
0x9d: {  	[timem:s6], [sflag:s22] =	dma.local [hbm:s4], s20  }
0x9e: {  	_ =	swait.ge [sflag:s22], s20  }
0x9f: {  	s3 =	ssub.s32 $0x0, s20;
	[sflag:s22] =	ssyncset.done $0x0  }
0xa0: {  	[sflag:s22] =	ssyncadd.s32 s3;
	_ =	sdelay $0x1  }
0xa1: {  	s23 =	simm.s32 $0x1B8B  }
0xa2: {  	_ =	swait.ge [sflag:s23], $0x1  }
0xa3: {  	[sflag:s23] =	ssyncset.done $0x0  }
0xa4: {  	s25 =	simm.s32 $0x1B8E;
	s24 =	sld [smem:$0x3FFE];
	[sflag:s23] =	ssyncadd.s32 $0xFFFFFFFF  }
0xa5: {  	s26 =	simm.s32 $execute0_lowered;
	[smem:$0x3FD2] =	sst s25  }
0xa6: {  	s4 =	sshll.u32 s26, $0x1;
	_ =	strace $0x80000049;
	[dreg:$0x1] =	wrdreg $0xFFFFFFFF  }
0xa7: {  	s28 =	simm.s32 $_size_execute0_lowered;
	s2 =	sadd.s32 s2, s4;
	[dreg:$0x0] =	wrdreg $0x0  }
0xa8: {  	s4 =	sshll.u32 s28, $0x1;
	[dreg:$0x2] =	wrdreg s2  }
0xa9: {  	[dreg:$0x3] =	wrdreg s4  }
0xaa: {  	[dreg:$0x4] =	wrdreg $0xC0  }
0xab: {  	_ =	task [dreg:s6], $0x5FFFF  }
0xac: {  	[dreg:$0x1] =	wrdreg $0xFFFFFFFF  }
0xad: {  	[dreg:$0x0] =	wrdreg $0x60  }
0xae: {  	[dreg:$0x2] =	wrdreg s24  }
0xaf: {  	[dreg:$0x3] =	wrdreg $0x82000  }
0xb0: {  	[dreg:$0x4] =	wrdreg $0x9  }
0xb1: {  	_ =	task.clear_ibuf [dreg:s6], $0x5FFFF;
	_ =	strace $0x90000049  }
0xb2: {  	s29 =	simm.s32 $0x9;
	_ =	strace $0x8000004B  }
0xb3: {  	_ =	swait.ge [sflag:s29], $0x1  }
0xb4: {  	[sflag:s29] =	ssyncadd.s32 $0xFFFFFFFF  }
0xb5: {  	_ =	strace $0x9000004B  }
0xb6: {  	_ =	sfence  }
0xb7: {  	s30 =	sld [smem:$0x0];
	_ =	sdelay $0x2  }
0xb8: {  	s31 =	sshll.u32 s1, $0xD;
	s1 =	sshrl.u32 s1, $0x2  }
0xb9: {  	s3 =	sand.u32 $0x4000, s31;
	s1 =	sadd.s32 s1, s30  }
0xba: {  	s0 =	sor.u32 s3, s0;
	s1 =	sshll.u32 s1, $0x11  }
0xbb: {  	s0 =	sor.u32 s1, s0  }
0xbc: {  	s0 =	sadd.s32 $0x8F2B, s0  }
0xbd: {  	[sflag:s0] =	ssyncadd.remote.s32 $0x1  }
0xbe: {  	_ =	sfence.sel $0xFFFF  }
0xbf: {  	[dreg:$0x0] =	wrdreg $0xFFFFFFFF;
	(pc) =	sbr.abs _section_cstart, $3  }
0xc0: {  	[dreg:$0x1] =	wrdreg $0xFFFFFFFF  }
0xc1: {  	_ =	task.clear_ibuf [dreg:s6], $0x2FFFF;
	_ =	strace $0x9FFFFFFF  }
0xc2: {  	(tm) =	ssettm $0x7FFFFFFF  }
0xc3: {  	_ =	shalt  }
tec
execute0_lowered:
.L_overlay_start_1:
0x0: {  	(tag) =	ssettag $0x1  }
0x1: {  	s0 =	rddreg [dreg:$0x0]  }
0x2: {  	s2 =	rddreg [dreg:$0x1];
	s4 =	srdreg.scid  }
0x3: {  	s1 =	stileid.u32;
	s3 =	simm.s32 $0x0;
	s21 =	simm.s32 $0x200  }
0x4: {  	s22 =	simm.s32 $0x3;
	s28 =	simm.s32 $0x4200;
	s6 =	smul.u32 $0x2800, s1  }
0x5: {  	s29 =	simm.s32 $0x2;
	s30 =	simm.s32 $0x0;
	s8 =	smul.u32 $0x50000, s1  }
0x6: {  	s9 =	sand.u32 $0x1, s4;
	[smem:$0x7FF] =	sst s3;
	s18 =	smul.u32 $0x2900, s1  }
0x7: {  	s4 =	sadd.s32 $0x6D800, s0;
	s5 =	sadd.s32 $0x63400, s0;
	s7 =	smul.u32 $0x28000, s9  }
0x8: {  	_ =	strace $0x8000004A;
	s23 =	sshll.u32 s9, $0x4;
	s10 =	ssub.s32 $0x2, s9  }
0x9: {  	s16 =	smul.u32 $0x29000, s9;
	s11 =	sor.u32 s1, s23;
	s24 =	sshrl.u32 s8, $0x2  }
0xa: {  	s25 =	sshrl.u32 s10, $0x1;
	s23 =	simm.s32 $0x100;
	s7 =	sadd.s32 s6, s7  }
0xb: {  	s6 =	sadd.s32 $0x9000, s0;
	s11 =	smul.u32 $0x2900, s11;
	s15 =	ssub.s32 s10, s25  }
0xc: {  	s31 =	sadd.s32 s18, s16;
	s25 =	simm.s32 $0x1;
	s0 =	sadd.s32 s7, s0  }
0xd: {  	s7 =	sadd.s32 s24, s2;
	s15 =	smax.u32 s15, $0x1;
	s18 =	sor.u32 $0x80, s31  }
0xe: {  	s24 =	simm.s32 $0x80;
	s26 =	sadd.s32 $0x4000, s7;
	s9 =	sadd.s32 $0x8000, s7  }
0xf: {  	s17 =	sshrl.u32 s11, $0x3;
	s10 =	sadd.s32 $0xC000, s7;
	s11 =	sadd.s32 $0x10000, s7  }
0x10: {  	s14 =	sadd.s32 $0x95800, s0;
	s18 =	sshrl.u32 s18, $0x3;
	s0 =	sadd.s32 $0x100, s31  }
0x11: {  	[dreg:$0x3] =	wrdreg s26;
	s12 =	sadd.s32 s5, s17;
	s13 =	sadd.s32 s6, s17  }
0x12: {  	s17 =	sadd.s32 $0x510, s17;
	s19 =	sadd.s32 s18, s6;
	s20 =	sadd.s32 s18, s5  }
0x13: {  	v0 =	vimm.f32 $0.0e+00;
	s26 =	simm.s32 $0x180;
	s16 =	sadd.s32 s5, s17;
	s17 =	sadd.s32 s6, s17  }
.LBB2_1:
0x14: {  	s18 =	simm.s32 $0x0;
	s31 =	simm.s32 $0x200  }
.LBB2_2:
0x15: {  	p0 =	sne.s32 s31, $0xFE00;
	[tilespmem:s18+$0x270] =	vst v0  }
0x16: {  	[tilespmem:s18+$0x200] =	vst v0  }
0x17: {  	[tilespmem:s18+$0x210] =	vst v0  }
.Ltmp0:
0x18: {  	[tilespmem:s18+$0x220] =	vst v0;
	(pc) =	sbr.rel @p0 .LBB2_2-.Ltmp0, $4  }
0x19: {  	[tilespmem:s18+$0x230] =	vst v0  }
0x1a: {  	[tilespmem:s18+$0x240] =	vst v0  }
0x1b: {  	[tilespmem:s18+$0x250] =	vst v0  }
0x1c: {  	[tilespmem:s18+$0x260] =	vst v0;
	s18 =	sshra.s32 s31, $0x2;
	s31 =	sadd.s32 $0x200, s31  }
0x1d: {  	[tilespmem:s18+$0x270] =	vst v0  }
0x1e: {  	[tilespmem:s18+$0x200] =	vst v0  }
0x1f: {  	[tilespmem:s18+$0x210] =	vst v0  }
0x20: {  	[tilespmem:s18+$0x220] =	vst v0  }
0x21: {  	[tilespmem:s18+$0x230] =	vst v0  }
0x22: {  	[tilespmem:s18+$0x240] =	vst v0  }
0x23: {  	[tilespmem:s18+$0x250] =	vst v0  }
0x24: {  	[tilespmem:s18+$0x260] =	vst v0  }
0x25: {  	[spmem:s7] =	stream.linear.scatter [tilespmem:s21], [sflag:$0x3], $0x4000, $0x38;
	[tilespmem:$0x1C200] =	vst v63  }
0x26: {  	_ =	swait.ge [sflag:s22], $0x4000  }
0x27: {  	[sflag:s22] =	ssyncset.done $0x0  }
0x28: {  	s1 =	rddreg [dreg:$0x3];
	[sflag:s22] =	ssyncadd.s32 $0xFFFFC000  }
0x29: {  	[spmem:s1] =	stream.linear.scatter [tilespmem:s21], [sflag:$0x3], $0x4000, $0x38;
	[tilespmem:$0x1C200] =	vst v63  }
0x2a: {  	_ =	swait.ge [sflag:s22], $0x4000  }
0x2b: {  	[sflag:s22] =	ssyncset.done $0x0  }
0x2c: {  	[sflag:s22] =	ssyncadd.s32 $0xFFFFC000  }
0x2d: {  	[spmem:s9] =	stream.linear.scatter [tilespmem:s21], [sflag:$0x3], $0x4000, $0x38;
	[tilespmem:$0x1C200] =	vst v63  }
0x2e: {  	_ =	swait.ge [sflag:s22], $0x4000  }
0x2f: {  	[sflag:s22] =	ssyncset.done $0x0  }
0x30: {  	[sflag:s22] =	ssyncadd.s32 $0xFFFFC000  }
0x31: {  	[spmem:s10] =	stream.linear.scatter [tilespmem:s21], [sflag:$0x3], $0x4000, $0x38;
	[tilespmem:$0x1C200] =	vst v63  }
0x32: {  	_ =	swait.ge [sflag:s22], $0x4000  }
0x33: {  	[sflag:s22] =	ssyncset.done $0x0  }
0x34: {  	[sflag:s22] =	ssyncadd.s32 $0xFFFFC000  }
0x35: {  	[spmem:s11] =	stream.linear.scatter [tilespmem:s21], [sflag:$0x3], $0x4000, $0x38;
	[tilespmem:$0x1C200] =	vst v63  }
0x36: {  	_ =	swait.ge [sflag:s22], $0x4000  }
0x37: {  	[sflag:s22] =	ssyncset.done $0x0  }
0x38: {  	[sflag:s22] =	ssyncadd.s32 $0xFFFFC000  }
0x39: {  	s1 =	simm.s32 $0x0;
	[bflag:$0x0] =	sbarrier.arrive $0xFFFF  }
0x3a: {  	[tilespmem:s1], [sflag:$0x3] =	stream.linear.gather [hbm4b:s12+s1], $0x80, $0x38;
	[tilespmem:$0x1C200] =	vst v63  }
0x3b: {  	_ =	swait.ge [sflag:s22], $0x80  }
0x3c: {  	[sflag:s22] =	ssyncset.done $0x0  }
0x3d: {  	[sflag:s22] =	ssyncadd.s32 $0xFFFFFF80  }
0x3e: {  	[tilespmem:s23], [sflag:$0x3] =	stream.linear.gather [hbm4b:s13+s1], $0x80, $0x38;
	[tilespmem:$0x1C200] =	vst v63  }
0x3f: {  	_ =	swait.ge [sflag:s22], $0x80  }
0x40: {  	[sflag:s22] =	ssyncset.done $0x0  }
0x41: {  	[sflag:s22] =	ssyncadd.s32 $0xFFFFFF80  }
0x42: {  	[tilespmem:s21], [sflag:$0x1] =	stream.indirect.gather [hbm4b:s4+s24], $0x80, s1, s24, $0xb8;
	[tilespmem:$0x1C200] =	vst v63  }
0x43: {  	_ =	swait.ge [sflag:s25], $0x4000  }
0x44: {  	[sflag:s25] =	ssyncset.done $0x0  }
0x45: {  	s8 =	sadd.s32 $0x0, s20;
	[sflag:s25] =	ssyncadd.s32 $0xFFFFC000  }
0x46: {  	[tilespmem:s24], [sflag:$0x3] =	stream.linear.gather [hbm4b:s8+s3], $0x80, $0x38;
	[tilespmem:$0x1C200] =	vst v63  }
0x47: {  	_ =	swait.ge [sflag:s22], $0x80  }
0x48: {  	[sflag:s22] =	ssyncset.done $0x0  }
0x49: {  	s1 =	sadd.s32 $0x0, s19;
	[sflag:s22] =	ssyncadd.s32 $0xFFFFFF80  }
0x4a: {  	[tilespmem:s26], [sflag:$0x3] =	stream.linear.gather [hbm4b:s1+s3], $0x80, $0x38;
	[tilespmem:$0x1C200] =	vst v63  }
0x4b: {  	_ =	swait.ge [sflag:s22], $0x80  }
0x4c: {  	[sflag:s22] =	ssyncset.done $0x0  }
0x4d: {  	[sflag:s22] =	ssyncadd.s32 $0xFFFFFF80  }
0x4e: {  	[tilespmem:s28], [sflag:$0x2] =	stream.indirect.gather [hbm4b:s4+s24], $0x80, s24, s24, $0xb8;
	[tilespmem:$0x1C200] =	vst v63  }
0x4f: {  	_ = 	snop  }
0x50: {  	[spmem:s2] =	stream.indirect.scatter.add.f32 [tilespmem:s21], [sflag:$0x3], $0x80, s23, s24, $0xb8;
	[tilespmem:$0x1C200] =	vst v63  }
0x51: {  	_ =	swait.ge [sflag:s22], $0x4000  }
0x52: {  	[sflag:s22] =	ssyncset.done $0x0  }
0x53: {  	[sflag:s22] =	ssyncadd.s32 $0xFFFFC000  }
0x54: {  	_ =	swait.ge [sflag:s29], $0x4000  }
0x55: {  	s8 =	sshrl.u32 s0, $0x3;
	[sflag:s29] =	ssyncset.done $0x0  }
0x56: {  	s31 =	sadd.s32 s5, s8;
	[sflag:s29] =	ssyncadd.s32 $0xFFFFC000  }
0x57: {  	[tilespmem:s3], [sflag:$0x3] =	stream.linear.gather [hbm4b:s31+s3], $0x80, $0x38;
	[tilespmem:$0x1C200] =	vst v63  }
0x58: {  	_ =	swait.ge [sflag:s22], $0x80  }
0x59: {  	[sflag:s22] =	ssyncset.done $0x0  }
0x5a: {  	s18 =	sadd.s32 s6, s8;
	[sflag:s22] =	ssyncadd.s32 $0xFFFFFF80  }
0x5b: {  	[tilespmem:s23], [sflag:$0x3] =	stream.linear.gather [hbm4b:s18+s3], $0x80, $0x38;
	[tilespmem:$0x1C200] =	vst v63  }
0x5c: {  	_ =	swait.ge [sflag:s22], $0x80  }
0x5d: {  	[sflag:s22] =	ssyncset.done $0x0  }
0x5e: {  	[sflag:s22] =	ssyncadd.s32 $0xFFFFFF80  }
0x5f: {  	[tilespmem:s21], [sflag:$0x1] =	stream.indirect.gather [hbm4b:s4+s24], $0x80, s3, s24, $0xb8;
	[tilespmem:$0x1C200] =	vst v63  }
0x60: {  	_ = 	snop  }
0x61: {  	[spmem:s2] =	stream.indirect.scatter.add.f32 [tilespmem:s28], [sflag:$0x3], $0x80, s26, s24, $0xb8;
	[tilespmem:$0x1C200] =	vst v63  }
0x62: {  	_ =	swait.ge [sflag:s22], $0x4000  }
0x63: {  	s31 =	simm.s32 $0x20;
	s18 =	smov.u32 s0;
	[sflag:s22] =	ssyncset.done $0x0  }
.LBB2_4:
0x64: {  	p0 =	sne.s32 s31, $0x4E0;
	[sflag:s22] =	ssyncadd.s32 $0xFFFFC000;
	s18 =	sadd.s32 $0x100, s18  }
0x65: {  	s1 =	smov.u32 s31;
	s31 =	sadd.s32 $0x20, s31  }
0x66: {  	_ =	swait.ge [sflag:s25], $0x4000  }
0x67: {  	[sflag:s25] =	ssyncset.done $0x0  }
0x68: {  	s8 =	sadd.s32 s1, s20;
	[sflag:s25] =	ssyncadd.s32 $0xFFFFC000  }
0x69: {  	[tilespmem:s24], [sflag:$0x3] =	stream.linear.gather [hbm4b:s8+s3], $0x80, $0x38;
	[tilespmem:$0x1C200] =	vst v63  }
0x6a: {  	_ =	swait.ge [sflag:s22], $0x80  }
0x6b: {  	[sflag:s22] =	ssyncset.done $0x0  }
0x6c: {  	s1 =	sadd.s32 s1, s19;
	[sflag:s22] =	ssyncadd.s32 $0xFFFFFF80  }
0x6d: {  	[tilespmem:s26], [sflag:$0x3] =	stream.linear.gather [hbm4b:s1+s3], $0x80, $0x38;
	[tilespmem:$0x1C200] =	vst v63  }
0x6e: {  	_ =	swait.ge [sflag:s22], $0x80  }
0x6f: {  	[sflag:s22] =	ssyncset.done $0x0  }
0x70: {  	[sflag:s22] =	ssyncadd.s32 $0xFFFFFF80  }
0x71: {  	[tilespmem:s28], [sflag:$0x2] =	stream.indirect.gather [hbm4b:s4+s24], $0x80, s24, s24, $0xb8;
	[tilespmem:$0x1C200] =	vst v63  }
0x72: {  	_ = 	snop  }
0x73: {  	[spmem:s2] =	stream.indirect.scatter.add.f32 [tilespmem:s21], [sflag:$0x3], $0x80, s23, s24, $0xb8;
	[tilespmem:$0x1C200] =	vst v63  }
0x74: {  	_ =	swait.ge [sflag:s22], $0x4000  }
0x75: {  	[sflag:s22] =	ssyncset.done $0x0  }
0x76: {  	[sflag:s22] =	ssyncadd.s32 $0xFFFFC000  }
0x77: {  	_ =	swait.ge [sflag:s29], $0x4000  }
0x78: {  	s1 =	sshrl.u32 s18, $0x3;
	[sflag:s29] =	ssyncset.done $0x0  }
0x79: {  	s8 =	sadd.s32 s5, s1;
	[sflag:s29] =	ssyncadd.s32 $0xFFFFC000  }
0x7a: {  	[tilespmem:s3], [sflag:$0x3] =	stream.linear.gather [hbm4b:s8+s3], $0x80, $0x38;
	[tilespmem:$0x1C200] =	vst v63  }
0x7b: {  	_ =	swait.ge [sflag:s22], $0x80  }
0x7c: {  	[sflag:s22] =	ssyncset.done $0x0  }
0x7d: {  	s1 =	sadd.s32 s6, s1;
	[sflag:s22] =	ssyncadd.s32 $0xFFFFFF80  }
0x7e: {  	[tilespmem:s23], [sflag:$0x3] =	stream.linear.gather [hbm4b:s1+s3], $0x80, $0x38;
	[tilespmem:$0x1C200] =	vst v63  }
0x7f: {  	_ =	swait.ge [sflag:s22], $0x80  }
0x80: {  	[sflag:s22] =	ssyncset.done $0x0  }
0x81: {  	[sflag:s22] =	ssyncadd.s32 $0xFFFFFF80  }
0x82: {  	[tilespmem:s21], [sflag:$0x1] =	stream.indirect.gather [hbm4b:s4+s24], $0x80, s3, s24, $0xb8;
	[tilespmem:$0x1C200] =	vst v63  }
.Ltmp1:
0x83: {  	_ = 	snop;
	(pc) =	sbr.rel @p0 .LBB2_4-.Ltmp1, $4  }
0x84: {  	_ = 	snop  }
0x85: {  	[spmem:s2] =	stream.indirect.scatter.add.f32 [tilespmem:s28], [sflag:$0x3], $0x80, s26, s24, $0xb8;
	[tilespmem:$0x1C200] =	vst v63  }
0x86: {  	_ =	swait.ge [sflag:s22], $0x4000  }
0x87: {  	[sflag:s22] =	ssyncset.done $0x0  }
0x88: {  	[sflag:s22] =	ssyncadd.s32 $0xFFFFC000  }
0x89: {  	_ =	swait.ge [sflag:s25], $0x4000  }
0x8a: {  	[sflag:s25] =	ssyncset.done $0x0  }
0x8b: {  	[sflag:s25] =	ssyncadd.s32 $0xFFFFC000  }
0x8c: {  	[tilespmem:s24], [sflag:$0x3] =	stream.linear.gather [hbm4b:s16+s3], $0x80, $0x38;
	[tilespmem:$0x1C200] =	vst v63  }
0x8d: {  	_ =	swait.ge [sflag:s22], $0x80  }
0x8e: {  	[sflag:s22] =	ssyncset.done $0x0  }
0x8f: {  	[sflag:s22] =	ssyncadd.s32 $0xFFFFFF80  }
0x90: {  	[tilespmem:s26], [sflag:$0x3] =	stream.linear.gather [hbm4b:s17+s3], $0x80, $0x38;
	[tilespmem:$0x1C200] =	vst v63  }
0x91: {  	_ =	swait.ge [sflag:s22], $0x80  }
0x92: {  	[sflag:s22] =	ssyncset.done $0x0  }
0x93: {  	[sflag:s22] =	ssyncadd.s32 $0xFFFFFF80  }
0x94: {  	[tilespmem:s28], [sflag:$0x2] =	stream.indirect.gather [hbm4b:s4+s24], $0x80, s24, s24, $0xb8;
	[tilespmem:$0x1C200] =	vst v63  }
0x95: {  	_ = 	snop  }
0x96: {  	[spmem:s2] =	stream.indirect.scatter.add.f32 [tilespmem:s21], [sflag:$0x3], $0x80, s23, s24, $0xb8;
	[tilespmem:$0x1C200] =	vst v63  }
0x97: {  	_ =	swait.ge [sflag:s22], $0x4000  }
0x98: {  	[sflag:s22] =	ssyncset.done $0x0  }
0x99: {  	[sflag:s22] =	ssyncadd.s32 $0xFFFFC000  }
0x9a: {  	_ =	swait.ge [sflag:s29], $0x4000  }
0x9b: {  	[sflag:s29] =	ssyncset.done $0x0  }
0x9c: {  	[sflag:s29] =	ssyncadd.s32 $0xFFFFC000  }
0x9d: {  	[spmem:s2] =	stream.indirect.scatter.add.f32 [tilespmem:s28], [sflag:$0x3], $0x80, s26, s24, $0xb8;
	[tilespmem:$0x1C200] =	vst v63  }
0x9e: {  	s1 =	stileid.u32;
	_ =	swait.ge [sflag:s22], $0x4000  }
0x9f: {  	s8 =	sshrl.u32 s7, $0x3;
	s30 =	sadd.s32 $0x1, s30;
	[sflag:s22] =	ssyncset.done $0x0  }
0xa0: {  	s1 =	sshll.u32 s1, $0x6;
	p0 =	sne.s32 s30, s15;
	[sflag:s22] =	ssyncadd.s32 $0xFFFFC000  }
.Ltmp2:
0xa1: {  	s1 =	sor.u32 $0x1C03, s1;
	[bflag:$0x0] =	sbarrier.arrive $0xFFFF;
	(pc) =	sbr.rel @p0 .LBB2_1-.Ltmp2, $4  }
0xa2: {  	[hbm:s14], [sflag:s1] =	dma.local [spmem:s8], $0x2800  }
0xa3: {  	_ =	swait.ge [sflag:s22], $0x2800  }
0xa4: {  	[sflag:s22] =	ssyncset.done $0x0  }
0xa5: {  	[sflag:s22] =	ssyncadd.s32 $0xFFFFD800  }
0xa6: {  	_ =	sfence.sel $0x180000  }
0xa7: {  	[bflag:$0x0] =	sbarrier.arrive $0xFFFF  }
0xa8: {  	_ =	strace $0x9000004A  }
0xa9: {  	s0 =	stileid.u32;
	[bflag:$0x2] =	sbarrier.arrive $0xFFFF  }
0xaa: {  	p0 =	sne.s32 s0, $0x0;
	s0 =	rddreg [dreg:$0x2]  }
0xab: {  	s0 =	sadd.s32 @!p0 $0x100000, s0  }
0xac: {  	[sflag:s0] =	ssyncadd.tile.s32 @!p0 $0x1;
	_ =	shalt  }
.Lfunc_end2:
_tile_overlayer_lowered:
.L_overlay_start_2:
0xad: {  	(tag) =	ssettag $0x2  }
0xae: {  	s0 =	rddreg [dreg:$0x0];
	s2 =	stileid.u32  }
0xaf: {  	s1 =	rddreg [dreg:$0x1];
	p0 =	sne.s32 s2, $0x0  }
0xb0: {  	s3 =	rddreg [dreg:$0x2];
	[bflag:$0x3] =	sbarrier.arrive $0xFFFF;
	s2 =	simm.s32 @!p0 $0x1C03  }
0xb1: {  	[timem:s3], [sflag:s2] =	dma.local @!p0 [hbm:s0], s1  }
0xb2: {  	s0 =	simm.s32 @!p0 $0x3  }
0xb3: {  	_ =	swait.ge @!p0 [sflag:s0], s1  }
0xb4: {  	s1 =	ssub.s32 @!p0 $0x0, s1;
	[sflag:s0] =	ssyncset.done @!p0 $0x0  }
0xb5: {  	[sflag:s0] =	ssyncadd.s32 @!p0 s1  }
0xb6: {  	[bflag:$0x3] =	sbarrier.arrive $0xFFFF  }
0xb7: {  	_ =	shalt  }

// kernel: kernel.26.cloned.1.call-start
scs
__scs_entry_jumppad:
0x0: {  	(pc) =	sbr.rel $0x88, $3  }
0x1: {  	(tag) =	ssettag $0x0;
	lr =	simm.s32 $0x1  }
0x2: {  	[smem:$0x3F73] =	sst lr;
	_ =	strace $0xD0000000  }
0x3: {  	_ = 	snop  }
0x4: {  	_ = 	snop  }
0x5: {  	_ = 	snop  }
0x6: {  	_ = 	snop  }
0x7: {  	_ = 	snop  }
__scs_overlays_trampoline_lowered:
0x8: {  	[smem:$0x3F82] =	sst s0  }
0x9: {  	[smem:$0x3F83] =	sst s1  }
0xa: {  	[smem:$0x3F84] =	sst s2  }
0xb: {  	[smem:$0x3F85] =	sst s3  }
0xc: {  	[smem:$0x3F86] =	sst s4  }
0xd: {  	[smem:$0x3F87] =	sst s5  }
0xe: {  	[smem:$0x3F88] =	sst s6  }
0xf: {  	[smem:$0x3F89] =	sst s7  }
0x10: {  	[smem:$0x3F8A] =	sst s8  }
0x11: {  	[smem:$0x3F8B] =	sst s9;
	s0 =	simm.s32 @!p0 $0x0  }
0x12: {  	s1 =	sld [smem:$0x3F71];
	s0 =	simm.s32 @p0 $0x1  }
0x13: {  	[smem:$0x3F8C] =	sst s0;
	s0 =	simm.s32 @!p1 $0x0  }
0x14: {  	s2 =	sld [smem:$0x3F70];
	s0 =	simm.s32 @p1 $0x1  }
0x15: {  	[smem:$0x3F8D] =	sst s0;
	s0 =	simm.s32 @!p2 $0x0  }
0x16: {  	s3 =	sld [smem:$0x3FDB];
	s0 =	simm.s32 @p2 $0x1  }
0x17: {  	s4 =	simm.s32 $0x1BF5;
	[smem:$0x3F8F] =	sst s0  }
0x18: {  	s0 =	sld [smem:$0x3F72];
	_ =	swait.ge [sflag:s4], $0x0  }
0x19: {  	s7 =	sld [smem:$0x3F73]  }
0x1a: {  	s8 =	sadd.s32 $0xFFFFE003, lr  }
0x1b: {  	s9 =	sadd.s32 $0xFFFFFEF7, lr;
	s5 =	simm.s32 $0xFFFFFFFF;
	p2 =	slt.u32 s8, $0xFFFFF086  }
0x1c: {  	p1 =	slt.u32 s9, $0xF7A;
	s5 =	simm.s32 @!p2 $0x0  }
0x1d: {  	s5 =	simm.s32 @p1 $0x1;
	p0 =	seq.s32 s7, s2  }
0x1e: {  	s7 =	smul.u32 @!p0 $0xF7A, s2;
	p2 =	seq.s32 @!p0 s5, $0x0  }
0x1f: {  	s9 =	smul.u32 $0xF7A, s1;
	s8 =	simm.s32 @!p0 $0x1BF5;
	p2 =	por !p2, p0  }
0x20: {  	[sflag:s8] =	ssyncset.s32 @!p0 $0xFFFFF086;
	s6 =	sadd.s32 @!p0 s3, s7;
	s7 =	simm.s32 @!p0 $0x108  }
0x21: {  	s3 =	sadd.s32 s3, s9;
	s6 =	sadd.s32 @!p0 $0x88, s6;
	s7 =	simm.s32 @p2 $0x1082  }
0x22: {  	[simem:s7], [sflag:s8] =	dma.local @!p0 [hbm:s6], $0xF7A  }
0x23: {  	s9 =	sor.u32 $0xD0000000, s2;
	s6 =	simm.s32 $0x108;
	_ =	swait.ge @!p0 [sflag:s8], $0x0  }
0x24: {  	s3 =	sadd.s32 $0x88, s3;
	s6 =	simm.s32 @!p1 $0x1082;
	[sflag:s4] =	ssyncset.s32 $0xFFFFF086  }
0x25: {  	[simem:s6], [sflag:s4] =	dma.local [hbm:s3], $0xF7A  }
0x26: {  	[smem:$0x3F73] =	sst s1;
	(tag) =	ssettag s2;
	_ =	strace s9  }
0x27: {  	s1 =	sld [smem:$0x3F83]  }
0x28: {  	s2 =	sld [smem:$0x3F84]  }
0x29: {  	s4 =	sld [smem:$0x3F86]  }
0x2a: {  	p0 =	seq.s32 s5, $0x0;
	s5 =	sld [smem:$0x3F87]  }
0x2b: {  	s6 =	sld [smem:$0x3F88]  }
0x2c: {  	s7 =	sld [smem:$0x3F89]  }
0x2d: {  	s3 =	simm.s32 $0x108;
	s8 =	sld [smem:$0x3F8A]  }
0x2e: {  	s3 =	simm.s32 @!p0 $0x1082;
	s9 =	sld [smem:$0x3F8B]  }
0x2f: {  	lr =	sadd.s32 s0, s3;
	s0 =	sld [smem:$0x3F82]  }
0x30: {  	s3 =	sld [smem:$0x3F85]  }
0x31: {  	[smem:$0x3F8E] =	sst s10  }
0x32: {  	s10 =	sld [smem:$0x3F8C];
	_ =	sdelay $0x3  }
0x33: {  	p0 =	seq.s32 s10, $0x1;
	s10 =	sld [smem:$0x3F8E];
	_ =	sdelay $0x3  }
0x34: {  	[smem:$0x3F8E] =	sst s10  }
0x35: {  	s10 =	sld [smem:$0x3F8D];
	_ =	sdelay $0x3  }
0x36: {  	p1 =	seq.s32 s10, $0x1;
	s10 =	sld [smem:$0x3F8E];
	_ =	sdelay $0x3  }
0x37: {  	[smem:$0x3F8E] =	sst s10  }
0x38: {  	s10 =	sld [smem:$0x3F8F]  }
0x39: {  	_ = 	snop;
	(pc) =	sbr.ind lr, $3  }
0x3a: {  	_ = 	snop  }
0x3b: {  	_ = 	snop  }
0x3c: {  	p2 =	seq.s32 s10, $0x1;
	s10 =	sld [smem:$0x3F8E]  }
0x3d: {  	_ =	shalt  }
0x3e: {  	_ =	shalt  }
0x3f: {  	_ =	shalt  }
0x40: {  	_ =	shalt  }
0x41: {  	_ =	shalt  }
0x42: {  	_ =	shalt  }
0x43: {  	_ =	shalt  }
0x44: {  	_ =	shalt  }
0x45: {  	_ =	shalt  }
0x46: {  	_ =	shalt  }
0x47: {  	_ =	shalt  }
0x48: {  	_ =	shalt  }
0x49: {  	_ =	shalt  }
0x4a: {  	_ =	shalt  }
0x4b: {  	_ =	shalt  }
0x4c: {  	_ =	shalt  }
0x4d: {  	_ =	shalt  }
0x4e: {  	_ =	shalt  }
0x4f: {  	_ =	shalt  }
0x50: {  	_ =	shalt  }
0x51: {  	_ =	shalt  }
0x52: {  	_ =	shalt  }
0x53: {  	_ =	shalt  }
0x54: {  	_ =	shalt  }
0x55: {  	_ =	shalt  }
0x56: {  	_ =	shalt  }
0x57: {  	_ =	shalt  }
0x58: {  	_ =	shalt  }
0x59: {  	_ =	shalt  }
0x5a: {  	_ =	shalt  }
0x5b: {  	_ =	shalt  }
0x5c: {  	_ =	shalt  }
0x5d: {  	_ =	shalt  }
0x5e: {  	_ =	shalt  }
0x5f: {  	_ =	shalt  }
0x60: {  	_ =	shalt  }
0x61: {  	_ =	shalt  }
0x62: {  	_ =	shalt  }
0x63: {  	_ =	shalt  }
0x64: {  	_ =	shalt  }
0x65: {  	_ =	shalt  }
0x66: {  	_ =	shalt  }
0x67: {  	_ =	shalt  }
0x68: {  	_ =	shalt  }
0x69: {  	_ =	shalt  }
0x6a: {  	_ =	shalt  }
0x6b: {  	_ =	shalt  }
0x6c: {  	_ =	shalt  }
0x6d: {  	_ =	shalt  }
0x6e: {  	_ =	shalt  }
0x6f: {  	_ =	shalt  }
0x70: {  	_ =	shalt  }
0x71: {  	_ =	shalt  }
0x72: {  	_ =	shalt  }
0x73: {  	_ =	shalt  }
0x74: {  	_ =	shalt  }
0x75: {  	_ =	shalt  }
0x76: {  	_ =	shalt  }
0x77: {  	_ =	shalt  }
0x78: {  	_ =	shalt  }
0x79: {  	_ =	shalt  }
0x7a: {  	_ =	shalt  }
0x7b: {  	_ =	shalt  }
0x7c: {  	_ =	shalt  }
0x7d: {  	_ =	shalt  }
0x7e: {  	_ =	shalt  }
0x7f: {  	_ =	shalt  }
0x80: {  	_ =	shalt  }
0x81: {  	_ =	shalt  }
0x82: {  	_ =	shalt  }
0x83: {  	_ =	shalt  }
0x84: {  	_ =	shalt  }
0x85: {  	_ =	shalt  }
0x86: {  	_ =	shalt  }
0x87: {  	_ =	shalt  }
.Lfunc_end0:
.L_simem_size_0:
called_computation.2_lowered:
.L_overlay_start_0:
0x88: {  	s2 =	sld [smem:$0x3FD9]  }
0x89: {  	s3 =	sld [smem:$0x3FFE];
	_ =	sdelay $0x1  }
0x8a: {  	s1 =	srdreg.scid  }
0x8b: {  	s0 =	sand.u32 $0x1, s1  }
0x8c: {  	s16 =	sshll.u32 s0, $0xA;
	s2 =	sadd.s32 s3, s2  }
0x8d: {  	s2 =	sadd.s32 s2, s16  }
0x8e: {  	[smem:$0x3F9A] =	sst s2  }
0x8f: {  	_ = 	snop  }
0x90: {  	(tm) =	ssettm $0x1  }
0x91: {  	s17 =	sld [smem:$0x3FFB];
	_ =	sdelay $0x3  }
0x92: {  	_ =	strace s17  }
0x93: {  	s2 =	sld [smem:$0x3FFC];
	_ =	sdelay $0x3  }
0x94: {  	_ =	strace s2  }
0x95: {  	s2 =	sld [smem:$0x3FFD];
	_ =	sdelay $0x3  }
0x96: {  	_ =	strace s2  }
0x97: {  	_ =	strace $0x8FFFFFFF  }
0x98: {  	s18 =	sld [smem:$0x3FDB];
	_ =	sdelay $0x1  }
0x99: {  	s19 =	simm.s32 $_scs_section_size  }
0x9a: {  	s4 =	simm.s32 $_size__tile_overlayer_lowered;
	s5 =	simm.s32 $_tile_overlayer_lowered  }
0x9b: {  	s22 =	simm.s32 $0x1BFF;
	s21 =	sshll.u32 s5, $0x1;
	s2 =	sadd.s32 s19, s18  }
0x9c: {  	s6 =	simm.s32 $0x0;
	s20 =	sshll.u32 s4, $0x1;
	s4 =	sadd.s32 s21, s2  }
0x9d: {  	[timem:s6], [sflag:s22] =	dma.local [hbm:s4], s20  }
0x9e: {  	_ =	swait.ge [sflag:s22], s20  }
0x9f: {  	s3 =	ssub.s32 $0x0, s20;
	[sflag:s22] =	ssyncset.done $0x0  }
0xa0: {  	[sflag:s22] =	ssyncadd.s32 s3;
	_ =	sdelay $0x1  }
0xa1: {  	s23 =	simm.s32 $0x1B8B  }
0xa2: {  	_ =	swait.ge [sflag:s23], $0x1  }
0xa3: {  	[sflag:s23] =	ssyncset.done $0x0  }
0xa4: {  	s25 =	simm.s32 $0x1B8E;
	s24 =	sld [smem:$0x3FFE];
	[sflag:s23] =	ssyncadd.s32 $0xFFFFFFFF  }
0xa5: {  	s26 =	simm.s32 $execute0_lowered;
	[smem:$0x3FD2] =	sst s25  }
0xa6: {  	s4 =	sshll.u32 s26, $0x1;
	_ =	strace $0x8000004C;
	[dreg:$0x1] =	wrdreg $0xFFFFFFFF  }
0xa7: {  	s28 =	simm.s32 $_size_execute0_lowered;
	s2 =	sadd.s32 s2, s4;
	[dreg:$0x0] =	wrdreg $0x0  }
0xa8: {  	s4 =	sshll.u32 s28, $0x1;
	[dreg:$0x2] =	wrdreg s2  }
0xa9: {  	[dreg:$0x3] =	wrdreg s4  }
0xaa: {  	[dreg:$0x4] =	wrdreg $0xC0  }
0xab: {  	_ =	task [dreg:s6], $0x5FFFF  }
0xac: {  	[dreg:$0x1] =	wrdreg $0xFFFFFFFF  }
0xad: {  	[dreg:$0x0] =	wrdreg $0x60  }
0xae: {  	[dreg:$0x2] =	wrdreg s24  }
0xaf: {  	[dreg:$0x3] =	wrdreg $0x82000  }
0xb0: {  	[dreg:$0x4] =	wrdreg $0x9  }
0xb1: {  	_ =	task.clear_ibuf [dreg:s6], $0x5FFFF;
	_ =	strace $0x9000004C  }
0xb2: {  	s29 =	simm.s32 $0x9;
	_ =	strace $0x8000004E  }
0xb3: {  	_ =	swait.ge [sflag:s29], $0x1  }
0xb4: {  	[sflag:s29] =	ssyncadd.s32 $0xFFFFFFFF  }
0xb5: {  	_ =	strace $0x9000004E  }
0xb6: {  	_ =	sfence  }
0xb7: {  	s30 =	sld [smem:$0x0];
	_ =	sdelay $0x2  }
0xb8: {  	s31 =	sshll.u32 s1, $0xD;
	s1 =	sshrl.u32 s1, $0x2  }
0xb9: {  	s3 =	sand.u32 $0x4000, s31;
	s1 =	sadd.s32 s1, s30  }
0xba: {  	s0 =	sor.u32 s3, s0;
	s1 =	sshll.u32 s1, $0x11  }
0xbb: {  	s0 =	sor.u32 s1, s0  }
0xbc: {  	s0 =	sadd.s32 $0x8F2B, s0  }
0xbd: {  	[sflag:s0] =	ssyncadd.remote.s32 $0x1  }
0xbe: {  	_ =	sfence.sel $0xFFFF  }
0xbf: {  	[dreg:$0x0] =	wrdreg $0xFFFFFFFF;
	(pc) =	sbr.abs _section_cstart, $3  }
0xc0: {  	[dreg:$0x1] =	wrdreg $0xFFFFFFFF  }
0xc1: {  	_ =	task.clear_ibuf [dreg:s6], $0x2FFFF;
	_ =	strace $0x9FFFFFFF  }
0xc2: {  	(tm) =	ssettm $0x7FFFFFFF  }
0xc3: {  	_ =	shalt  }
tec
execute0_lowered:
.L_overlay_start_1:
0x0: {  	(tag) =	ssettag $0x1  }
0x1: {  	s0 =	rddreg [dreg:$0x0]  }
0x2: {  	s2 =	rddreg [dreg:$0x1];
	s4 =	srdreg.scid  }
0x3: {  	s1 =	stileid.u32;
	s3 =	simm.s32 $0x0;
	s21 =	simm.s32 $0x200  }
0x4: {  	s22 =	simm.s32 $0x3;
	s28 =	simm.s32 $0x4200;
	s6 =	smul.u32 $0x2800, s1  }
0x5: {  	s29 =	simm.s32 $0x2;
	s30 =	simm.s32 $0x0;
	s8 =	smul.u32 $0x50000, s1  }
0x6: {  	s9 =	sand.u32 $0x1, s4;
	[smem:$0x7FF] =	sst s3;
	s18 =	smul.u32 $0x2900, s1  }
0x7: {  	s4 =	sadd.s32 $0x6D800, s0;
	s5 =	sadd.s32 $0x63400, s0;
	s7 =	smul.u32 $0x28000, s9  }
0x8: {  	_ =	strace $0x8000004D;
	s23 =	sshll.u32 s9, $0x4;
	s10 =	ssub.s32 $0x2, s9  }
0x9: {  	s16 =	smul.u32 $0x29000, s9;
	s11 =	sor.u32 s1, s23;
	s24 =	sshrl.u32 s8, $0x2  }
0xa: {  	s25 =	sshrl.u32 s10, $0x1;
	s23 =	simm.s32 $0x100;
	s7 =	sadd.s32 s6, s7  }
0xb: {  	s6 =	sadd.s32 $0x9000, s0;
	s11 =	smul.u32 $0x2900, s11;
	s15 =	ssub.s32 s10, s25  }
0xc: {  	s31 =	sadd.s32 s18, s16;
	s25 =	simm.s32 $0x1;
	s0 =	sadd.s32 s7, s0  }
0xd: {  	s7 =	sadd.s32 s24, s2;
	s15 =	smax.u32 s15, $0x1;
	s18 =	sor.u32 $0x80, s31  }
0xe: {  	s24 =	simm.s32 $0x80;
	s26 =	sadd.s32 $0x4000, s7;
	s9 =	sadd.s32 $0x8000, s7  }
0xf: {  	s17 =	sshrl.u32 s11, $0x3;
	s10 =	sadd.s32 $0xC000, s7;
	s11 =	sadd.s32 $0x10000, s7  }
0x10: {  	s14 =	sadd.s32 $0x95800, s0;
	s18 =	sshrl.u32 s18, $0x3;
	s0 =	sadd.s32 $0x100, s31  }
0x11: {  	[dreg:$0x3] =	wrdreg s26;
	s12 =	sadd.s32 s5, s17;
	s13 =	sadd.s32 s6, s17  }
0x12: {  	s17 =	sadd.s32 $0x510, s17;
	s19 =	sadd.s32 s18, s6;
	s20 =	sadd.s32 s18, s5  }
0x13: {  	v0 =	vimm.f32 $0.0e+00;
	s26 =	simm.s32 $0x180;
	s16 =	sadd.s32 s5, s17;
	s17 =	sadd.s32 s6, s17  }
.LBB2_1:
0x14: {  	s18 =	simm.s32 $0x0;
	s31 =	simm.s32 $0x200  }
.LBB2_2:
0x15: {  	p0 =	sne.s32 s31, $0xFE00;
	[tilespmem:s18+$0x270] =	vst v0  }
0x16: {  	[tilespmem:s18+$0x200] =	vst v0  }
0x17: {  	[tilespmem:s18+$0x210] =	vst v0  }
.Ltmp0:
0x18: {  	[tilespmem:s18+$0x220] =	vst v0;
	(pc) =	sbr.rel @p0 .LBB2_2-.Ltmp0, $4  }
0x19: {  	[tilespmem:s18+$0x230] =	vst v0  }
0x1a: {  	[tilespmem:s18+$0x240] =	vst v0  }
0x1b: {  	[tilespmem:s18+$0x250] =	vst v0  }
0x1c: {  	[tilespmem:s18+$0x260] =	vst v0;
	s18 =	sshra.s32 s31, $0x2;
	s31 =	sadd.s32 $0x200, s31  }
0x1d: {  	[tilespmem:s18+$0x270] =	vst v0  }
0x1e: {  	[tilespmem:s18+$0x200] =	vst v0  }
0x1f: {  	[tilespmem:s18+$0x210] =	vst v0  }
0x20: {  	[tilespmem:s18+$0x220] =	vst v0  }
0x21: {  	[tilespmem:s18+$0x230] =	vst v0  }
0x22: {  	[tilespmem:s18+$0x240] =	vst v0  }
0x23: {  	[tilespmem:s18+$0x250] =	vst v0  }
0x24: {  	[tilespmem:s18+$0x260] =	vst v0  }
0x25: {  	[spmem:s7] =	stream.linear.scatter [tilespmem:s21], [sflag:$0x3], $0x4000, $0x38;
	[tilespmem:$0x1C200] =	vst v63  }
0x26: {  	_ =	swait.ge [sflag:s22], $0x4000  }
0x27: {  	[sflag:s22] =	ssyncset.done $0x0  }
0x28: {  	s1 =	rddreg [dreg:$0x3];
	[sflag:s22] =	ssyncadd.s32 $0xFFFFC000  }
0x29: {  	[spmem:s1] =	stream.linear.scatter [tilespmem:s21], [sflag:$0x3], $0x4000, $0x38;
	[tilespmem:$0x1C200] =	vst v63  }
0x2a: {  	_ =	swait.ge [sflag:s22], $0x4000  }
0x2b: {  	[sflag:s22] =	ssyncset.done $0x0  }
0x2c: {  	[sflag:s22] =	ssyncadd.s32 $0xFFFFC000  }
0x2d: {  	[spmem:s9] =	stream.linear.scatter [tilespmem:s21], [sflag:$0x3], $0x4000, $0x38;
	[tilespmem:$0x1C200] =	vst v63  }
0x2e: {  	_ =	swait.ge [sflag:s22], $0x4000  }
0x2f: {  	[sflag:s22] =	ssyncset.done $0x0  }
0x30: {  	[sflag:s22] =	ssyncadd.s32 $0xFFFFC000  }
0x31: {  	[spmem:s10] =	stream.linear.scatter [tilespmem:s21], [sflag:$0x3], $0x4000, $0x38;
	[tilespmem:$0x1C200] =	vst v63  }
0x32: {  	_ =	swait.ge [sflag:s22], $0x4000  }
0x33: {  	[sflag:s22] =	ssyncset.done $0x0  }
0x34: {  	[sflag:s22] =	ssyncadd.s32 $0xFFFFC000  }
0x35: {  	[spmem:s11] =	stream.linear.scatter [tilespmem:s21], [sflag:$0x3], $0x4000, $0x38;
	[tilespmem:$0x1C200] =	vst v63  }
0x36: {  	_ =	swait.ge [sflag:s22], $0x4000  }
0x37: {  	[sflag:s22] =	ssyncset.done $0x0  }
0x38: {  	[sflag:s22] =	ssyncadd.s32 $0xFFFFC000  }
0x39: {  	s1 =	simm.s32 $0x0;
	[bflag:$0x0] =	sbarrier.arrive $0xFFFF  }
0x3a: {  	[tilespmem:s1], [sflag:$0x3] =	stream.linear.gather [hbm4b:s12+s1], $0x80, $0x38;
	[tilespmem:$0x1C200] =	vst v63  }
0x3b: {  	_ =	swait.ge [sflag:s22], $0x80  }
0x3c: {  	[sflag:s22] =	ssyncset.done $0x0  }
0x3d: {  	[sflag:s22] =	ssyncadd.s32 $0xFFFFFF80  }
0x3e: {  	[tilespmem:s23], [sflag:$0x3] =	stream.linear.gather [hbm4b:s13+s1], $0x80, $0x38;
	[tilespmem:$0x1C200] =	vst v63  }
0x3f: {  	_ =	swait.ge [sflag:s22], $0x80  }
0x40: {  	[sflag:s22] =	ssyncset.done $0x0  }
0x41: {  	[sflag:s22] =	ssyncadd.s32 $0xFFFFFF80  }
0x42: {  	[tilespmem:s21], [sflag:$0x1] =	stream.indirect.gather [hbm4b:s4+s24], $0x80, s1, s24, $0xb8;
	[tilespmem:$0x1C200] =	vst v63  }
0x43: {  	_ =	swait.ge [sflag:s25], $0x4000  }
0x44: {  	[sflag:s25] =	ssyncset.done $0x0  }
0x45: {  	s8 =	sadd.s32 $0x0, s20;
	[sflag:s25] =	ssyncadd.s32 $0xFFFFC000  }
0x46: {  	[tilespmem:s24], [sflag:$0x3] =	stream.linear.gather [hbm4b:s8+s3], $0x80, $0x38;
	[tilespmem:$0x1C200] =	vst v63  }
0x47: {  	_ =	swait.ge [sflag:s22], $0x80  }
0x48: {  	[sflag:s22] =	ssyncset.done $0x0  }
0x49: {  	s1 =	sadd.s32 $0x0, s19;
	[sflag:s22] =	ssyncadd.s32 $0xFFFFFF80  }
0x4a: {  	[tilespmem:s26], [sflag:$0x3] =	stream.linear.gather [hbm4b:s1+s3], $0x80, $0x38;
	[tilespmem:$0x1C200] =	vst v63  }
0x4b: {  	_ =	swait.ge [sflag:s22], $0x80  }
0x4c: {  	[sflag:s22] =	ssyncset.done $0x0  }
0x4d: {  	[sflag:s22] =	ssyncadd.s32 $0xFFFFFF80  }
0x4e: {  	[tilespmem:s28], [sflag:$0x2] =	stream.indirect.gather [hbm4b:s4+s24], $0x80, s24, s24, $0xb8;
	[tilespmem:$0x1C200] =	vst v63  }
0x4f: {  	_ = 	snop  }
0x50: {  	[spmem:s2] =	stream.indirect.scatter.add.f32 [tilespmem:s21], [sflag:$0x3], $0x80, s23, s24, $0xb8;
	[tilespmem:$0x1C200] =	vst v63  }
0x51: {  	_ =	swait.ge [sflag:s22], $0x4000  }
0x52: {  	[sflag:s22] =	ssyncset.done $0x0  }
0x53: {  	[sflag:s22] =	ssyncadd.s32 $0xFFFFC000  }
0x54: {  	_ =	swait.ge [sflag:s29], $0x4000  }
0x55: {  	s8 =	sshrl.u32 s0, $0x3;
	[sflag:s29] =	ssyncset.done $0x0  }
0x56: {  	s31 =	sadd.s32 s5, s8;
	[sflag:s29] =	ssyncadd.s32 $0xFFFFC000  }
0x57: {  	[tilespmem:s3], [sflag:$0x3] =	stream.linear.gather [hbm4b:s31+s3], $0x80, $0x38;
	[tilespmem:$0x1C200] =	vst v63  }
0x58: {  	_ =	swait.ge [sflag:s22], $0x80  }
0x59: {  	[sflag:s22] =	ssyncset.done $0x0  }
0x5a: {  	s18 =	sadd.s32 s6, s8;
	[sflag:s22] =	ssyncadd.s32 $0xFFFFFF80  }
0x5b: {  	[tilespmem:s23], [sflag:$0x3] =	stream.linear.gather [hbm4b:s18+s3], $0x80, $0x38;
	[tilespmem:$0x1C200] =	vst v63  }
0x5c: {  	_ =	swait.ge [sflag:s22], $0x80  }
0x5d: {  	[sflag:s22] =	ssyncset.done $0x0  }
0x5e: {  	[sflag:s22] =	ssyncadd.s32 $0xFFFFFF80  }
0x5f: {  	[tilespmem:s21], [sflag:$0x1] =	stream.indirect.gather [hbm4b:s4+s24], $0x80, s3, s24, $0xb8;
	[tilespmem:$0x1C200] =	vst v63  }
0x60: {  	_ = 	snop  }
0x61: {  	[spmem:s2] =	stream.indirect.scatter.add.f32 [tilespmem:s28], [sflag:$0x3], $0x80, s26, s24, $0xb8;
	[tilespmem:$0x1C200] =	vst v63  }
0x62: {  	_ =	swait.ge [sflag:s22], $0x4000  }
0x63: {  	s31 =	simm.s32 $0x20;
	s18 =	smov.u32 s0;
	[sflag:s22] =	ssyncset.done $0x0  }
.LBB2_4:
0x64: {  	p0 =	sne.s32 s31, $0x4E0;
	[sflag:s22] =	ssyncadd.s32 $0xFFFFC000;
	s18 =	sadd.s32 $0x100, s18  }
0x65: {  	s1 =	smov.u32 s31;
	s31 =	sadd.s32 $0x20, s31  }
0x66: {  	_ =	swait.ge [sflag:s25], $0x4000  }
0x67: {  	[sflag:s25] =	ssyncset.done $0x0  }
0x68: {  	s8 =	sadd.s32 s1, s20;
	[sflag:s25] =	ssyncadd.s32 $0xFFFFC000  }
0x69: {  	[tilespmem:s24], [sflag:$0x3] =	stream.linear.gather [hbm4b:s8+s3], $0x80, $0x38;
	[tilespmem:$0x1C200] =	vst v63  }
0x6a: {  	_ =	swait.ge [sflag:s22], $0x80  }
0x6b: {  	[sflag:s22] =	ssyncset.done $0x0  }
0x6c: {  	s1 =	sadd.s32 s1, s19;
	[sflag:s22] =	ssyncadd.s32 $0xFFFFFF80  }
0x6d: {  	[tilespmem:s26], [sflag:$0x3] =	stream.linear.gather [hbm4b:s1+s3], $0x80, $0x38;
	[tilespmem:$0x1C200] =	vst v63  }
0x6e: {  	_ =	swait.ge [sflag:s22], $0x80  }
0x6f: {  	[sflag:s22] =	ssyncset.done $0x0  }
0x70: {  	[sflag:s22] =	ssyncadd.s32 $0xFFFFFF80  }
0x71: {  	[tilespmem:s28], [sflag:$0x2] =	stream.indirect.gather [hbm4b:s4+s24], $0x80, s24, s24, $0xb8;
	[tilespmem:$0x1C200] =	vst v63  }
0x72: {  	_ = 	snop  }
0x73: {  	[spmem:s2] =	stream.indirect.scatter.add.f32 [tilespmem:s21], [sflag:$0x3], $0x80, s23, s24, $0xb8;
	[tilespmem:$0x1C200] =	vst v63  }
0x74: {  	_ =	swait.ge [sflag:s22], $0x4000  }
0x75: {  	[sflag:s22] =	ssyncset.done $0x0  }
0x76: {  	[sflag:s22] =	ssyncadd.s32 $0xFFFFC000  }
0x77: {  	_ =	swait.ge [sflag:s29], $0x4000  }
0x78: {  	s1 =	sshrl.u32 s18, $0x3;
	[sflag:s29] =	ssyncset.done $0x0  }
0x79: {  	s8 =	sadd.s32 s5, s1;
	[sflag:s29] =	ssyncadd.s32 $0xFFFFC000  }
0x7a: {  	[tilespmem:s3], [sflag:$0x3] =	stream.linear.gather [hbm4b:s8+s3], $0x80, $0x38;
	[tilespmem:$0x1C200] =	vst v63  }
0x7b: {  	_ =	swait.ge [sflag:s22], $0x80  }
0x7c: {  	[sflag:s22] =	ssyncset.done $0x0  }
0x7d: {  	s1 =	sadd.s32 s6, s1;
	[sflag:s22] =	ssyncadd.s32 $0xFFFFFF80  }
0x7e: {  	[tilespmem:s23], [sflag:$0x3] =	stream.linear.gather [hbm4b:s1+s3], $0x80, $0x38;
	[tilespmem:$0x1C200] =	vst v63  }
0x7f: {  	_ =	swait.ge [sflag:s22], $0x80  }
0x80: {  	[sflag:s22] =	ssyncset.done $0x0  }
0x81: {  	[sflag:s22] =	ssyncadd.s32 $0xFFFFFF80  }
0x82: {  	[tilespmem:s21], [sflag:$0x1] =	stream.indirect.gather [hbm4b:s4+s24], $0x80, s3, s24, $0xb8;
	[tilespmem:$0x1C200] =	vst v63  }
.Ltmp1:
0x83: {  	_ = 	snop;
	(pc) =	sbr.rel @p0 .LBB2_4-.Ltmp1, $4  }
0x84: {  	_ = 	snop  }
0x85: {  	[spmem:s2] =	stream.indirect.scatter.add.f32 [tilespmem:s28], [sflag:$0x3], $0x80, s26, s24, $0xb8;
	[tilespmem:$0x1C200] =	vst v63  }
0x86: {  	_ =	swait.ge [sflag:s22], $0x4000  }
0x87: {  	[sflag:s22] =	ssyncset.done $0x0  }
0x88: {  	[sflag:s22] =	ssyncadd.s32 $0xFFFFC000  }
0x89: {  	_ =	swait.ge [sflag:s25], $0x4000  }
0x8a: {  	[sflag:s25] =	ssyncset.done $0x0  }
0x8b: {  	[sflag:s25] =	ssyncadd.s32 $0xFFFFC000  }
0x8c: {  	[tilespmem:s24], [sflag:$0x3] =	stream.linear.gather [hbm4b:s16+s3], $0x80, $0x38;
	[tilespmem:$0x1C200] =	vst v63  }
0x8d: {  	_ =	swait.ge [sflag:s22], $0x80  }
0x8e: {  	[sflag:s22] =	ssyncset.done $0x0  }
0x8f: {  	[sflag:s22] =	ssyncadd.s32 $0xFFFFFF80  }
0x90: {  	[tilespmem:s26], [sflag:$0x3] =	stream.linear.gather [hbm4b:s17+s3], $0x80, $0x38;
	[tilespmem:$0x1C200] =	vst v63  }
0x91: {  	_ =	swait.ge [sflag:s22], $0x80  }
0x92: {  	[sflag:s22] =	ssyncset.done $0x0  }
0x93: {  	[sflag:s22] =	ssyncadd.s32 $0xFFFFFF80  }
0x94: {  	[tilespmem:s28], [sflag:$0x2] =	stream.indirect.gather [hbm4b:s4+s24], $0x80, s24, s24, $0xb8;
	[tilespmem:$0x1C200] =	vst v63  }
0x95: {  	_ = 	snop  }
0x96: {  	[spmem:s2] =	stream.indirect.scatter.add.f32 [tilespmem:s21], [sflag:$0x3], $0x80, s23, s24, $0xb8;
	[tilespmem:$0x1C200] =	vst v63  }
0x97: {  	_ =	swait.ge [sflag:s22], $0x4000  }
0x98: {  	[sflag:s22] =	ssyncset.done $0x0  }
0x99: {  	[sflag:s22] =	ssyncadd.s32 $0xFFFFC000  }
0x9a: {  	_ =	swait.ge [sflag:s29], $0x4000  }
0x9b: {  	[sflag:s29] =	ssyncset.done $0x0  }
0x9c: {  	[sflag:s29] =	ssyncadd.s32 $0xFFFFC000  }
0x9d: {  	[spmem:s2] =	stream.indirect.scatter.add.f32 [tilespmem:s28], [sflag:$0x3], $0x80, s26, s24, $0xb8;
	[tilespmem:$0x1C200] =	vst v63  }
0x9e: {  	s1 =	stileid.u32;
	_ =	swait.ge [sflag:s22], $0x4000  }
0x9f: {  	s8 =	sshrl.u32 s7, $0x3;
	s30 =	sadd.s32 $0x1, s30;
	[sflag:s22] =	ssyncset.done $0x0  }
0xa0: {  	s1 =	sshll.u32 s1, $0x6;
	p0 =	sne.s32 s30, s15;
	[sflag:s22] =	ssyncadd.s32 $0xFFFFC000  }
.Ltmp2:
0xa1: {  	s1 =	sor.u32 $0x1C03, s1;
	[bflag:$0x0] =	sbarrier.arrive $0xFFFF;
	(pc) =	sbr.rel @p0 .LBB2_1-.Ltmp2, $4  }
0xa2: {  	[hbm:s14], [sflag:s1] =	dma.local [spmem:s8], $0x2800  }
0xa3: {  	_ =	swait.ge [sflag:s22], $0x2800  }
0xa4: {  	[sflag:s22] =	ssyncset.done $0x0  }
0xa5: {  	[sflag:s22] =	ssyncadd.s32 $0xFFFFD800  }
0xa6: {  	_ =	sfence.sel $0x180000  }
0xa7: {  	[bflag:$0x0] =	sbarrier.arrive $0xFFFF  }
0xa8: {  	_ =	strace $0x9000004D  }
0xa9: {  	s0 =	stileid.u32;
	[bflag:$0x2] =	sbarrier.arrive $0xFFFF  }
0xaa: {  	p0 =	sne.s32 s0, $0x0;
	s0 =	rddreg [dreg:$0x2]  }
0xab: {  	s0 =	sadd.s32 @!p0 $0x100000, s0  }
0xac: {  	[sflag:s0] =	ssyncadd.tile.s32 @!p0 $0x1;
	_ =	shalt  }
.Lfunc_end2:
_tile_overlayer_lowered:
.L_overlay_start_2:
0xad: {  	(tag) =	ssettag $0x2  }
0xae: {  	s0 =	rddreg [dreg:$0x0];
	s2 =	stileid.u32  }
0xaf: {  	s1 =	rddreg [dreg:$0x1];
	p0 =	sne.s32 s2, $0x0  }
0xb0: {  	s3 =	rddreg [dreg:$0x2];
	[bflag:$0x3] =	sbarrier.arrive $0xFFFF;
	s2 =	simm.s32 @!p0 $0x1C03  }
0xb1: {  	[timem:s3], [sflag:s2] =	dma.local @!p0 [hbm:s0], s1  }
0xb2: {  	s0 =	simm.s32 @!p0 $0x3  }
0xb3: {  	_ =	swait.ge @!p0 [sflag:s0], s1  }
0xb4: {  	s1 =	ssub.s32 @!p0 $0x0, s1;
	[sflag:s0] =	ssyncset.done @!p0 $0x0  }
0xb5: {  	[sflag:s0] =	ssyncadd.s32 @!p0 s1  }
0xb6: {  	[bflag:$0x3] =	sbarrier.arrive $0xFFFF  }
0xb7: {  	_ =	shalt  }

// kernel: kernel.29.cloned.1.call-start
scs
__scs_entry_jumppad:
0x0: {  	(pc) =	sbr.rel $0x88, $3  }
0x1: {  	(tag) =	ssettag $0x0;
	lr =	simm.s32 $0x1  }
0x2: {  	[smem:$0x3F73] =	sst lr;
	_ =	strace $0xD0000000  }
0x3: {  	_ = 	snop  }
0x4: {  	_ = 	snop  }
0x5: {  	_ = 	snop  }
0x6: {  	_ = 	snop  }
0x7: {  	_ = 	snop  }
__scs_overlays_trampoline_lowered:
0x8: {  	[smem:$0x3F82] =	sst s0  }
0x9: {  	[smem:$0x3F83] =	sst s1  }
0xa: {  	[smem:$0x3F84] =	sst s2  }
0xb: {  	[smem:$0x3F85] =	sst s3  }
0xc: {  	[smem:$0x3F86] =	sst s4  }
0xd: {  	[smem:$0x3F87] =	sst s5  }
0xe: {  	[smem:$0x3F88] =	sst s6  }
0xf: {  	[smem:$0x3F89] =	sst s7  }
0x10: {  	[smem:$0x3F8A] =	sst s8  }
0x11: {  	[smem:$0x3F8B] =	sst s9;
	s0 =	simm.s32 @!p0 $0x0  }
0x12: {  	s1 =	sld [smem:$0x3F71];
	s0 =	simm.s32 @p0 $0x1  }
0x13: {  	[smem:$0x3F8C] =	sst s0;
	s0 =	simm.s32 @!p1 $0x0  }
0x14: {  	s2 =	sld [smem:$0x3F70];
	s0 =	simm.s32 @p1 $0x1  }
0x15: {  	[smem:$0x3F8D] =	sst s0;
	s0 =	simm.s32 @!p2 $0x0  }
0x16: {  	s3 =	sld [smem:$0x3FDB];
	s0 =	simm.s32 @p2 $0x1  }
0x17: {  	s4 =	simm.s32 $0x1BF5;
	[smem:$0x3F8F] =	sst s0  }
0x18: {  	s0 =	sld [smem:$0x3F72];
	_ =	swait.ge [sflag:s4], $0x0  }
0x19: {  	s7 =	sld [smem:$0x3F73]  }
0x1a: {  	s8 =	sadd.s32 $0xFFFFE003, lr  }
0x1b: {  	s9 =	sadd.s32 $0xFFFFFEF7, lr;
	s5 =	simm.s32 $0xFFFFFFFF;
	p2 =	slt.u32 s8, $0xFFFFF086  }
0x1c: {  	p1 =	slt.u32 s9, $0xF7A;
	s5 =	simm.s32 @!p2 $0x0  }
0x1d: {  	s5 =	simm.s32 @p1 $0x1;
	p0 =	seq.s32 s7, s2  }
0x1e: {  	s7 =	smul.u32 @!p0 $0xF7A, s2;
	p2 =	seq.s32 @!p0 s5, $0x0  }
0x1f: {  	s9 =	smul.u32 $0xF7A, s1;
	s8 =	simm.s32 @!p0 $0x1BF5;
	p2 =	por !p2, p0  }
0x20: {  	[sflag:s8] =	ssyncset.s32 @!p0 $0xFFFFF086;
	s6 =	sadd.s32 @!p0 s3, s7;
	s7 =	simm.s32 @!p0 $0x108  }
0x21: {  	s3 =	sadd.s32 s3, s9;
	s6 =	sadd.s32 @!p0 $0x88, s6;
	s7 =	simm.s32 @p2 $0x1082  }
0x22: {  	[simem:s7], [sflag:s8] =	dma.local @!p0 [hbm:s6], $0xF7A  }
0x23: {  	s9 =	sor.u32 $0xD0000000, s2;
	s6 =	simm.s32 $0x108;
	_ =	swait.ge @!p0 [sflag:s8], $0x0  }
0x24: {  	s3 =	sadd.s32 $0x88, s3;
	s6 =	simm.s32 @!p1 $0x1082;
	[sflag:s4] =	ssyncset.s32 $0xFFFFF086  }
0x25: {  	[simem:s6], [sflag:s4] =	dma.local [hbm:s3], $0xF7A  }
0x26: {  	[smem:$0x3F73] =	sst s1;
	(tag) =	ssettag s2;
	_ =	strace s9  }
0x27: {  	s1 =	sld [smem:$0x3F83]  }
0x28: {  	s2 =	sld [smem:$0x3F84]  }
0x29: {  	s4 =	sld [smem:$0x3F86]  }
0x2a: {  	p0 =	seq.s32 s5, $0x0;
	s5 =	sld [smem:$0x3F87]  }
0x2b: {  	s6 =	sld [smem:$0x3F88]  }
0x2c: {  	s7 =	sld [smem:$0x3F89]  }
0x2d: {  	s3 =	simm.s32 $0x108;
	s8 =	sld [smem:$0x3F8A]  }
0x2e: {  	s3 =	simm.s32 @!p0 $0x1082;
	s9 =	sld [smem:$0x3F8B]  }
0x2f: {  	lr =	sadd.s32 s0, s3;
	s0 =	sld [smem:$0x3F82]  }
0x30: {  	s3 =	sld [smem:$0x3F85]  }
0x31: {  	[smem:$0x3F8E] =	sst s10  }
0x32: {  	s10 =	sld [smem:$0x3F8C];
	_ =	sdelay $0x3  }
0x33: {  	p0 =	seq.s32 s10, $0x1;
	s10 =	sld [smem:$0x3F8E];
	_ =	sdelay $0x3  }
0x34: {  	[smem:$0x3F8E] =	sst s10  }
0x35: {  	s10 =	sld [smem:$0x3F8D];
	_ =	sdelay $0x3  }
0x36: {  	p1 =	seq.s32 s10, $0x1;
	s10 =	sld [smem:$0x3F8E];
	_ =	sdelay $0x3  }
0x37: {  	[smem:$0x3F8E] =	sst s10  }
0x38: {  	s10 =	sld [smem:$0x3F8F]  }
0x39: {  	_ = 	snop;
	(pc) =	sbr.ind lr, $3  }
0x3a: {  	_ = 	snop  }
0x3b: {  	_ = 	snop  }
0x3c: {  	p2 =	seq.s32 s10, $0x1;
	s10 =	sld [smem:$0x3F8E]  }
0x3d: {  	_ =	shalt  }
0x3e: {  	_ =	shalt  }
0x3f: {  	_ =	shalt  }
0x40: {  	_ =	shalt  }
0x41: {  	_ =	shalt  }
0x42: {  	_ =	shalt  }
0x43: {  	_ =	shalt  }
0x44: {  	_ =	shalt  }
0x45: {  	_ =	shalt  }
0x46: {  	_ =	shalt  }
0x47: {  	_ =	shalt  }
0x48: {  	_ =	shalt  }
0x49: {  	_ =	shalt  }
0x4a: {  	_ =	shalt  }
0x4b: {  	_ =	shalt  }
0x4c: {  	_ =	shalt  }
0x4d: {  	_ =	shalt  }
0x4e: {  	_ =	shalt  }
0x4f: {  	_ =	shalt  }
0x50: {  	_ =	shalt  }
0x51: {  	_ =	shalt  }
0x52: {  	_ =	shalt  }
0x53: {  	_ =	shalt  }
0x54: {  	_ =	shalt  }
0x55: {  	_ =	shalt  }
0x56: {  	_ =	shalt  }
0x57: {  	_ =	shalt  }
0x58: {  	_ =	shalt  }
0x59: {  	_ =	shalt  }
0x5a: {  	_ =	shalt  }
0x5b: {  	_ =	shalt  }
0x5c: {  	_ =	shalt  }
0x5d: {  	_ =	shalt  }
0x5e: {  	_ =	shalt  }
0x5f: {  	_ =	shalt  }
0x60: {  	_ =	shalt  }
0x61: {  	_ =	shalt  }
0x62: {  	_ =	shalt  }
0x63: {  	_ =	shalt  }
0x64: {  	_ =	shalt  }
0x65: {  	_ =	shalt  }
0x66: {  	_ =	shalt  }
0x67: {  	_ =	shalt  }
0x68: {  	_ =	shalt  }
0x69: {  	_ =	shalt  }
0x6a: {  	_ =	shalt  }
0x6b: {  	_ =	shalt  }
0x6c: {  	_ =	shalt  }
0x6d: {  	_ =	shalt  }
0x6e: {  	_ =	shalt  }
0x6f: {  	_ =	shalt  }
0x70: {  	_ =	shalt  }
0x71: {  	_ =	shalt  }
0x72: {  	_ =	shalt  }
0x73: {  	_ =	shalt  }
0x74: {  	_ =	shalt  }
0x75: {  	_ =	shalt  }
0x76: {  	_ =	shalt  }
0x77: {  	_ =	shalt  }
0x78: {  	_ =	shalt  }
0x79: {  	_ =	shalt  }
0x7a: {  	_ =	shalt  }
0x7b: {  	_ =	shalt  }
0x7c: {  	_ =	shalt  }
0x7d: {  	_ =	shalt  }
0x7e: {  	_ =	shalt  }
0x7f: {  	_ =	shalt  }
0x80: {  	_ =	shalt  }
0x81: {  	_ =	shalt  }
0x82: {  	_ =	shalt  }
0x83: {  	_ =	shalt  }
0x84: {  	_ =	shalt  }
0x85: {  	_ =	shalt  }
0x86: {  	_ =	shalt  }
0x87: {  	_ =	shalt  }
.Lfunc_end0:
.L_simem_size_0:
called_computation.3_lowered:
.L_overlay_start_0:
0x88: {  	s2 =	sld [smem:$0x3FD9]  }
0x89: {  	s3 =	sld [smem:$0x3FFE];
	_ =	sdelay $0x1  }
0x8a: {  	s1 =	srdreg.scid  }
0x8b: {  	s0 =	sand.u32 $0x1, s1  }
0x8c: {  	s16 =	sshll.u32 s0, $0xA;
	s2 =	sadd.s32 s3, s2  }
0x8d: {  	s2 =	sadd.s32 s2, s16  }
0x8e: {  	[smem:$0x3F9A] =	sst s2  }
0x8f: {  	_ = 	snop  }
0x90: {  	(tm) =	ssettm $0x1  }
0x91: {  	s17 =	sld [smem:$0x3FFB];
	_ =	sdelay $0x3  }
0x92: {  	_ =	strace s17  }
0x93: {  	s2 =	sld [smem:$0x3FFC];
	_ =	sdelay $0x3  }
0x94: {  	_ =	strace s2  }
0x95: {  	s2 =	sld [smem:$0x3FFD];
	_ =	sdelay $0x3  }
0x96: {  	_ =	strace s2  }
0x97: {  	_ =	strace $0x8FFFFFFF  }
0x98: {  	s18 =	sld [smem:$0x3FDB];
	_ =	sdelay $0x1  }
0x99: {  	s19 =	simm.s32 $_scs_section_size  }
0x9a: {  	s4 =	simm.s32 $_size__tile_overlayer_lowered;
	s5 =	simm.s32 $_tile_overlayer_lowered  }
0x9b: {  	s22 =	simm.s32 $0x1BFF;
	s21 =	sshll.u32 s5, $0x1;
	s2 =	sadd.s32 s19, s18  }
0x9c: {  	s6 =	simm.s32 $0x0;
	s20 =	sshll.u32 s4, $0x1;
	s4 =	sadd.s32 s21, s2  }
0x9d: {  	[timem:s6], [sflag:s22] =	dma.local [hbm:s4], s20  }
0x9e: {  	_ =	swait.ge [sflag:s22], s20  }
0x9f: {  	s3 =	ssub.s32 $0x0, s20;
	[sflag:s22] =	ssyncset.done $0x0  }
0xa0: {  	[sflag:s22] =	ssyncadd.s32 s3;
	_ =	sdelay $0x1  }
0xa1: {  	s23 =	simm.s32 $0x1B8B  }
0xa2: {  	_ =	swait.ge [sflag:s23], $0x1  }
0xa3: {  	[sflag:s23] =	ssyncset.done $0x0  }
0xa4: {  	s25 =	simm.s32 $0x1B8E;
	s24 =	sld [smem:$0x3FFE];
	[sflag:s23] =	ssyncadd.s32 $0xFFFFFFFF  }
0xa5: {  	s26 =	simm.s32 $execute0_lowered;
	[smem:$0x3FD2] =	sst s25  }
0xa6: {  	s4 =	sshll.u32 s26, $0x1;
	_ =	strace $0x8000004F;
	[dreg:$0x1] =	wrdreg $0xFFFFFFFF  }
0xa7: {  	s28 =	simm.s32 $_size_execute0_lowered;
	s2 =	sadd.s32 s2, s4;
	[dreg:$0x0] =	wrdreg $0x0  }
0xa8: {  	s4 =	sshll.u32 s28, $0x1;
	[dreg:$0x2] =	wrdreg s2  }
0xa9: {  	[dreg:$0x3] =	wrdreg s4  }
0xaa: {  	[dreg:$0x4] =	wrdreg $0xC0  }
0xab: {  	_ =	task [dreg:s6], $0x5FFFF  }
0xac: {  	[dreg:$0x1] =	wrdreg $0xFFFFFFFF  }
0xad: {  	[dreg:$0x0] =	wrdreg $0x60  }
0xae: {  	[dreg:$0x2] =	wrdreg s24  }
0xaf: {  	[dreg:$0x3] =	wrdreg $0x82000  }
0xb0: {  	[dreg:$0x4] =	wrdreg $0x9  }
0xb1: {  	_ =	task.clear_ibuf [dreg:s6], $0x5FFFF;
	_ =	strace $0x9000004F  }
0xb2: {  	s29 =	simm.s32 $0x9;
	_ =	strace $0x80000051  }
0xb3: {  	_ =	swait.ge [sflag:s29], $0x1  }
0xb4: {  	[sflag:s29] =	ssyncadd.s32 $0xFFFFFFFF  }
0xb5: {  	_ =	strace $0x90000051  }
0xb6: {  	_ =	sfence  }
0xb7: {  	s30 =	sld [smem:$0x0];
	_ =	sdelay $0x2  }
0xb8: {  	s31 =	sshll.u32 s1, $0xD;
	s1 =	sshrl.u32 s1, $0x2  }
0xb9: {  	s3 =	sand.u32 $0x4000, s31;
	s1 =	sadd.s32 s1, s30  }
0xba: {  	s0 =	sor.u32 s3, s0;
	s1 =	sshll.u32 s1, $0x11  }
0xbb: {  	s0 =	sor.u32 s1, s0  }
0xbc: {  	s0 =	sadd.s32 $0x8F2B, s0  }
0xbd: {  	[sflag:s0] =	ssyncadd.remote.s32 $0x1  }
0xbe: {  	_ =	sfence.sel $0xFFFF  }
0xbf: {  	[dreg:$0x0] =	wrdreg $0xFFFFFFFF;
	(pc) =	sbr.abs _section_cstart, $3  }
0xc0: {  	[dreg:$0x1] =	wrdreg $0xFFFFFFFF  }
0xc1: {  	_ =	task.clear_ibuf [dreg:s6], $0x2FFFF;
	_ =	strace $0x9FFFFFFF  }
0xc2: {  	(tm) =	ssettm $0x7FFFFFFF  }
0xc3: {  	_ =	shalt  }
tec
execute0_lowered:
.L_overlay_start_1:
0x0: {  	(tag) =	ssettag $0x1  }
0x1: {  	s0 =	rddreg [dreg:$0x0]  }
0x2: {  	s2 =	rddreg [dreg:$0x1];
	s4 =	srdreg.scid  }
0x3: {  	s1 =	stileid.u32;
	s3 =	simm.s32 $0x0;
	s21 =	simm.s32 $0x200  }
0x4: {  	s22 =	simm.s32 $0x3;
	s28 =	simm.s32 $0x4200;
	s6 =	smul.u32 $0x2800, s1  }
0x5: {  	s29 =	simm.s32 $0x2;
	s30 =	simm.s32 $0x0;
	s8 =	smul.u32 $0x50000, s1  }
0x6: {  	s9 =	sand.u32 $0x1, s4;
	[smem:$0x7FF] =	sst s3;
	s18 =	smul.u32 $0x2900, s1  }
0x7: {  	s4 =	sadd.s32 $0x6D800, s0;
	s5 =	sadd.s32 $0x63400, s0;
	s7 =	smul.u32 $0x28000, s9  }
0x8: {  	_ =	strace $0x80000050;
	s23 =	sshll.u32 s9, $0x4;
	s10 =	ssub.s32 $0x2, s9  }
0x9: {  	s16 =	smul.u32 $0x29000, s9;
	s11 =	sor.u32 s1, s23;
	s24 =	sshrl.u32 s8, $0x2  }
0xa: {  	s25 =	sshrl.u32 s10, $0x1;
	s23 =	simm.s32 $0x100;
	s7 =	sadd.s32 s6, s7  }
0xb: {  	s6 =	sadd.s32 $0x9000, s0;
	s11 =	smul.u32 $0x2900, s11;
	s15 =	ssub.s32 s10, s25  }
0xc: {  	s31 =	sadd.s32 s18, s16;
	s25 =	simm.s32 $0x1;
	s0 =	sadd.s32 s7, s0  }
0xd: {  	s7 =	sadd.s32 s24, s2;
	s15 =	smax.u32 s15, $0x1;
	s18 =	sor.u32 $0x80, s31  }
0xe: {  	s24 =	simm.s32 $0x80;
	s26 =	sadd.s32 $0x4000, s7;
	s9 =	sadd.s32 $0x8000, s7  }
0xf: {  	s17 =	sshrl.u32 s11, $0x3;
	s10 =	sadd.s32 $0xC000, s7;
	s11 =	sadd.s32 $0x10000, s7  }
0x10: {  	s14 =	sadd.s32 $0x95800, s0;
	s18 =	sshrl.u32 s18, $0x3;
	s0 =	sadd.s32 $0x100, s31  }
0x11: {  	[dreg:$0x3] =	wrdreg s26;
	s12 =	sadd.s32 s5, s17;
	s13 =	sadd.s32 s6, s17  }
0x12: {  	s17 =	sadd.s32 $0x510, s17;
	s19 =	sadd.s32 s18, s6;
	s20 =	sadd.s32 s18, s5  }
0x13: {  	v0 =	vimm.f32 $0.0e+00;
	s26 =	simm.s32 $0x180;
	s16 =	sadd.s32 s5, s17;
	s17 =	sadd.s32 s6, s17  }
.LBB2_1:
0x14: {  	s18 =	simm.s32 $0x0;
	s31 =	simm.s32 $0x200  }
.LBB2_2:
0x15: {  	p0 =	sne.s32 s31, $0xFE00;
	[tilespmem:s18+$0x270] =	vst v0  }
0x16: {  	[tilespmem:s18+$0x200] =	vst v0  }
0x17: {  	[tilespmem:s18+$0x210] =	vst v0  }
.Ltmp0:
0x18: {  	[tilespmem:s18+$0x220] =	vst v0;
	(pc) =	sbr.rel @p0 .LBB2_2-.Ltmp0, $4  }
0x19: {  	[tilespmem:s18+$0x230] =	vst v0  }
0x1a: {  	[tilespmem:s18+$0x240] =	vst v0  }
0x1b: {  	[tilespmem:s18+$0x250] =	vst v0  }
0x1c: {  	[tilespmem:s18+$0x260] =	vst v0;
	s18 =	sshra.s32 s31, $0x2;
	s31 =	sadd.s32 $0x200, s31  }
0x1d: {  	[tilespmem:s18+$0x270] =	vst v0  }
0x1e: {  	[tilespmem:s18+$0x200] =	vst v0  }
0x1f: {  	[tilespmem:s18+$0x210] =	vst v0  }
0x20: {  	[tilespmem:s18+$0x220] =	vst v0  }
0x21: {  	[tilespmem:s18+$0x230] =	vst v0  }
0x22: {  	[tilespmem:s18+$0x240] =	vst v0  }
0x23: {  	[tilespmem:s18+$0x250] =	vst v0  }
0x24: {  	[tilespmem:s18+$0x260] =	vst v0  }
0x25: {  	[spmem:s7] =	stream.linear.scatter [tilespmem:s21], [sflag:$0x3], $0x4000, $0x38;
	[tilespmem:$0x1C200] =	vst v63  }
0x26: {  	_ =	swait.ge [sflag:s22], $0x4000  }
0x27: {  	[sflag:s22] =	ssyncset.done $0x0  }
0x28: {  	s1 =	rddreg [dreg:$0x3];
	[sflag:s22] =	ssyncadd.s32 $0xFFFFC000  }
0x29: {  	[spmem:s1] =	stream.linear.scatter [tilespmem:s21], [sflag:$0x3], $0x4000, $0x38;
	[tilespmem:$0x1C200] =	vst v63  }
0x2a: {  	_ =	swait.ge [sflag:s22], $0x4000  }
0x2b: {  	[sflag:s22] =	ssyncset.done $0x0  }
0x2c: {  	[sflag:s22] =	ssyncadd.s32 $0xFFFFC000  }
0x2d: {  	[spmem:s9] =	stream.linear.scatter [tilespmem:s21], [sflag:$0x3], $0x4000, $0x38;
	[tilespmem:$0x1C200] =	vst v63  }
0x2e: {  	_ =	swait.ge [sflag:s22], $0x4000  }
0x2f: {  	[sflag:s22] =	ssyncset.done $0x0  }
0x30: {  	[sflag:s22] =	ssyncadd.s32 $0xFFFFC000  }
0x31: {  	[spmem:s10] =	stream.linear.scatter [tilespmem:s21], [sflag:$0x3], $0x4000, $0x38;
	[tilespmem:$0x1C200] =	vst v63  }
0x32: {  	_ =	swait.ge [sflag:s22], $0x4000  }
0x33: {  	[sflag:s22] =	ssyncset.done $0x0  }
0x34: {  	[sflag:s22] =	ssyncadd.s32 $0xFFFFC000  }
0x35: {  	[spmem:s11] =	stream.linear.scatter [tilespmem:s21], [sflag:$0x3], $0x4000, $0x38;
	[tilespmem:$0x1C200] =	vst v63  }
0x36: {  	_ =	swait.ge [sflag:s22], $0x4000  }
0x37: {  	[sflag:s22] =	ssyncset.done $0x0  }
0x38: {  	[sflag:s22] =	ssyncadd.s32 $0xFFFFC000  }
0x39: {  	s1 =	simm.s32 $0x0;
	[bflag:$0x0] =	sbarrier.arrive $0xFFFF  }
0x3a: {  	[tilespmem:s1], [sflag:$0x3] =	stream.linear.gather [hbm4b:s12+s1], $0x80, $0x38;
	[tilespmem:$0x1C200] =	vst v63  }
0x3b: {  	_ =	swait.ge [sflag:s22], $0x80  }
0x3c: {  	[sflag:s22] =	ssyncset.done $0x0  }
0x3d: {  	[sflag:s22] =	ssyncadd.s32 $0xFFFFFF80  }
0x3e: {  	[tilespmem:s23], [sflag:$0x3] =	stream.linear.gather [hbm4b:s13+s1], $0x80, $0x38;
	[tilespmem:$0x1C200] =	vst v63  }
0x3f: {  	_ =	swait.ge [sflag:s22], $0x80  }
0x40: {  	[sflag:s22] =	ssyncset.done $0x0  }
0x41: {  	[sflag:s22] =	ssyncadd.s32 $0xFFFFFF80  }
0x42: {  	[tilespmem:s21], [sflag:$0x1] =	stream.indirect.gather [hbm4b:s4+s24], $0x80, s1, s24, $0xb8;
	[tilespmem:$0x1C200] =	vst v63  }
0x43: {  	_ =	swait.ge [sflag:s25], $0x4000  }
0x44: {  	[sflag:s25] =	ssyncset.done $0x0  }
0x45: {  	s8 =	sadd.s32 $0x0, s20;
	[sflag:s25] =	ssyncadd.s32 $0xFFFFC000  }
0x46: {  	[tilespmem:s24], [sflag:$0x3] =	stream.linear.gather [hbm4b:s8+s3], $0x80, $0x38;
	[tilespmem:$0x1C200] =	vst v63  }
0x47: {  	_ =	swait.ge [sflag:s22], $0x80  }
0x48: {  	[sflag:s22] =	ssyncset.done $0x0  }
0x49: {  	s1 =	sadd.s32 $0x0, s19;
	[sflag:s22] =	ssyncadd.s32 $0xFFFFFF80  }
0x4a: {  	[tilespmem:s26], [sflag:$0x3] =	stream.linear.gather [hbm4b:s1+s3], $0x80, $0x38;
	[tilespmem:$0x1C200] =	vst v63  }
0x4b: {  	_ =	swait.ge [sflag:s22], $0x80  }
0x4c: {  	[sflag:s22] =	ssyncset.done $0x0  }
0x4d: {  	[sflag:s22] =	ssyncadd.s32 $0xFFFFFF80  }
0x4e: {  	[tilespmem:s28], [sflag:$0x2] =	stream.indirect.gather [hbm4b:s4+s24], $0x80, s24, s24, $0xb8;
	[tilespmem:$0x1C200] =	vst v63  }
0x4f: {  	_ = 	snop  }
0x50: {  	[spmem:s2] =	stream.indirect.scatter.add.f32 [tilespmem:s21], [sflag:$0x3], $0x80, s23, s24, $0xb8;
	[tilespmem:$0x1C200] =	vst v63  }
0x51: {  	_ =	swait.ge [sflag:s22], $0x4000  }
0x52: {  	[sflag:s22] =	ssyncset.done $0x0  }
0x53: {  	[sflag:s22] =	ssyncadd.s32 $0xFFFFC000  }
0x54: {  	_ =	swait.ge [sflag:s29], $0x4000  }
0x55: {  	s8 =	sshrl.u32 s0, $0x3;
	[sflag:s29] =	ssyncset.done $0x0  }
0x56: {  	s31 =	sadd.s32 s5, s8;
	[sflag:s29] =	ssyncadd.s32 $0xFFFFC000  }
0x57: {  	[tilespmem:s3], [sflag:$0x3] =	stream.linear.gather [hbm4b:s31+s3], $0x80, $0x38;
	[tilespmem:$0x1C200] =	vst v63  }
0x58: {  	_ =	swait.ge [sflag:s22], $0x80  }
0x59: {  	[sflag:s22] =	ssyncset.done $0x0  }
0x5a: {  	s18 =	sadd.s32 s6, s8;
	[sflag:s22] =	ssyncadd.s32 $0xFFFFFF80  }
0x5b: {  	[tilespmem:s23], [sflag:$0x3] =	stream.linear.gather [hbm4b:s18+s3], $0x80, $0x38;
	[tilespmem:$0x1C200] =	vst v63  }
0x5c: {  	_ =	swait.ge [sflag:s22], $0x80  }
0x5d: {  	[sflag:s22] =	ssyncset.done $0x0  }
0x5e: {  	[sflag:s22] =	ssyncadd.s32 $0xFFFFFF80  }
0x5f: {  	[tilespmem:s21], [sflag:$0x1] =	stream.indirect.gather [hbm4b:s4+s24], $0x80, s3, s24, $0xb8;
	[tilespmem:$0x1C200] =	vst v63  }
0x60: {  	_ = 	snop  }
0x61: {  	[spmem:s2] =	stream.indirect.scatter.add.f32 [tilespmem:s28], [sflag:$0x3], $0x80, s26, s24, $0xb8;
	[tilespmem:$0x1C200] =	vst v63  }
0x62: {  	_ =	swait.ge [sflag:s22], $0x4000  }
0x63: {  	s31 =	simm.s32 $0x20;
	s18 =	smov.u32 s0;
	[sflag:s22] =	ssyncset.done $0x0  }
.LBB2_4:
0x64: {  	p0 =	sne.s32 s31, $0x4E0;
	[sflag:s22] =	ssyncadd.s32 $0xFFFFC000;
	s18 =	sadd.s32 $0x100, s18  }
0x65: {  	s1 =	smov.u32 s31;
	s31 =	sadd.s32 $0x20, s31  }
0x66: {  	_ =	swait.ge [sflag:s25], $0x4000  }
0x67: {  	[sflag:s25] =	ssyncset.done $0x0  }
0x68: {  	s8 =	sadd.s32 s1, s20;
	[sflag:s25] =	ssyncadd.s32 $0xFFFFC000  }
0x69: {  	[tilespmem:s24], [sflag:$0x3] =	stream.linear.gather [hbm4b:s8+s3], $0x80, $0x38;
	[tilespmem:$0x1C200] =	vst v63  }
0x6a: {  	_ =	swait.ge [sflag:s22], $0x80  }
0x6b: {  	[sflag:s22] =	ssyncset.done $0x0  }
0x6c: {  	s1 =	sadd.s32 s1, s19;
	[sflag:s22] =	ssyncadd.s32 $0xFFFFFF80  }
0x6d: {  	[tilespmem:s26], [sflag:$0x3] =	stream.linear.gather [hbm4b:s1+s3], $0x80, $0x38;
	[tilespmem:$0x1C200] =	vst v63  }
0x6e: {  	_ =	swait.ge [sflag:s22], $0x80  }
0x6f: {  	[sflag:s22] =	ssyncset.done $0x0  }
0x70: {  	[sflag:s22] =	ssyncadd.s32 $0xFFFFFF80  }
0x71: {  	[tilespmem:s28], [sflag:$0x2] =	stream.indirect.gather [hbm4b:s4+s24], $0x80, s24, s24, $0xb8;
	[tilespmem:$0x1C200] =	vst v63  }
0x72: {  	_ = 	snop  }
0x73: {  	[spmem:s2] =	stream.indirect.scatter.add.f32 [tilespmem:s21], [sflag:$0x3], $0x80, s23, s24, $0xb8;
	[tilespmem:$0x1C200] =	vst v63  }
0x74: {  	_ =	swait.ge [sflag:s22], $0x4000  }
0x75: {  	[sflag:s22] =	ssyncset.done $0x0  }
0x76: {  	[sflag:s22] =	ssyncadd.s32 $0xFFFFC000  }
0x77: {  	_ =	swait.ge [sflag:s29], $0x4000  }
0x78: {  	s1 =	sshrl.u32 s18, $0x3;
	[sflag:s29] =	ssyncset.done $0x0  }
0x79: {  	s8 =	sadd.s32 s5, s1;
	[sflag:s29] =	ssyncadd.s32 $0xFFFFC000  }
0x7a: {  	[tilespmem:s3], [sflag:$0x3] =	stream.linear.gather [hbm4b:s8+s3], $0x80, $0x38;
	[tilespmem:$0x1C200] =	vst v63  }
0x7b: {  	_ =	swait.ge [sflag:s22], $0x80  }
0x7c: {  	[sflag:s22] =	ssyncset.done $0x0  }
0x7d: {  	s1 =	sadd.s32 s6, s1;
	[sflag:s22] =	ssyncadd.s32 $0xFFFFFF80  }
0x7e: {  	[tilespmem:s23], [sflag:$0x3] =	stream.linear.gather [hbm4b:s1+s3], $0x80, $0x38;
	[tilespmem:$0x1C200] =	vst v63  }
0x7f: {  	_ =	swait.ge [sflag:s22], $0x80  }
0x80: {  	[sflag:s22] =	ssyncset.done $0x0  }
0x81: {  	[sflag:s22] =	ssyncadd.s32 $0xFFFFFF80  }
0x82: {  	[tilespmem:s21], [sflag:$0x1] =	stream.indirect.gather [hbm4b:s4+s24], $0x80, s3, s24, $0xb8;
	[tilespmem:$0x1C200] =	vst v63  }
.Ltmp1:
0x83: {  	_ = 	snop;
	(pc) =	sbr.rel @p0 .LBB2_4-.Ltmp1, $4  }
0x84: {  	_ = 	snop  }
0x85: {  	[spmem:s2] =	stream.indirect.scatter.add.f32 [tilespmem:s28], [sflag:$0x3], $0x80, s26, s24, $0xb8;
	[tilespmem:$0x1C200] =	vst v63  }
0x86: {  	_ =	swait.ge [sflag:s22], $0x4000  }
0x87: {  	[sflag:s22] =	ssyncset.done $0x0  }
0x88: {  	[sflag:s22] =	ssyncadd.s32 $0xFFFFC000  }
0x89: {  	_ =	swait.ge [sflag:s25], $0x4000  }
0x8a: {  	[sflag:s25] =	ssyncset.done $0x0  }
0x8b: {  	[sflag:s25] =	ssyncadd.s32 $0xFFFFC000  }
0x8c: {  	[tilespmem:s24], [sflag:$0x3] =	stream.linear.gather [hbm4b:s16+s3], $0x80, $0x38;
	[tilespmem:$0x1C200] =	vst v63  }
0x8d: {  	_ =	swait.ge [sflag:s22], $0x80  }
0x8e: {  	[sflag:s22] =	ssyncset.done $0x0  }
0x8f: {  	[sflag:s22] =	ssyncadd.s32 $0xFFFFFF80  }
0x90: {  	[tilespmem:s26], [sflag:$0x3] =	stream.linear.gather [hbm4b:s17+s3], $0x80, $0x38;
	[tilespmem:$0x1C200] =	vst v63  }
0x91: {  	_ =	swait.ge [sflag:s22], $0x80  }
0x92: {  	[sflag:s22] =	ssyncset.done $0x0  }
0x93: {  	[sflag:s22] =	ssyncadd.s32 $0xFFFFFF80  }
0x94: {  	[tilespmem:s28], [sflag:$0x2] =	stream.indirect.gather [hbm4b:s4+s24], $0x80, s24, s24, $0xb8;
	[tilespmem:$0x1C200] =	vst v63  }
0x95: {  	_ = 	snop  }
0x96: {  	[spmem:s2] =	stream.indirect.scatter.add.f32 [tilespmem:s21], [sflag:$0x3], $0x80, s23, s24, $0xb8;
	[tilespmem:$0x1C200] =	vst v63  }
0x97: {  	_ =	swait.ge [sflag:s22], $0x4000  }
0x98: {  	[sflag:s22] =	ssyncset.done $0x0  }
0x99: {  	[sflag:s22] =	ssyncadd.s32 $0xFFFFC000  }
0x9a: {  	_ =	swait.ge [sflag:s29], $0x4000  }
0x9b: {  	[sflag:s29] =	ssyncset.done $0x0  }
0x9c: {  	[sflag:s29] =	ssyncadd.s32 $0xFFFFC000  }
0x9d: {  	[spmem:s2] =	stream.indirect.scatter.add.f32 [tilespmem:s28], [sflag:$0x3], $0x80, s26, s24, $0xb8;
	[tilespmem:$0x1C200] =	vst v63  }
0x9e: {  	s1 =	stileid.u32;
	_ =	swait.ge [sflag:s22], $0x4000  }
0x9f: {  	s8 =	sshrl.u32 s7, $0x3;
	s30 =	sadd.s32 $0x1, s30;
	[sflag:s22] =	ssyncset.done $0x0  }
0xa0: {  	s1 =	sshll.u32 s1, $0x6;
	p0 =	sne.s32 s30, s15;
	[sflag:s22] =	ssyncadd.s32 $0xFFFFC000  }
.Ltmp2:
0xa1: {  	s1 =	sor.u32 $0x1C03, s1;
	[bflag:$0x0] =	sbarrier.arrive $0xFFFF;
	(pc) =	sbr.rel @p0 .LBB2_1-.Ltmp2, $4  }
0xa2: {  	[hbm:s14], [sflag:s1] =	dma.local [spmem:s8], $0x2800  }
0xa3: {  	_ =	swait.ge [sflag:s22], $0x2800  }
0xa4: {  	[sflag:s22] =	ssyncset.done $0x0  }
0xa5: {  	[sflag:s22] =	ssyncadd.s32 $0xFFFFD800  }
0xa6: {  	_ =	sfence.sel $0x180000  }
0xa7: {  	[bflag:$0x0] =	sbarrier.arrive $0xFFFF  }
0xa8: {  	_ =	strace $0x90000050  }
0xa9: {  	s0 =	stileid.u32;
	[bflag:$0x2] =	sbarrier.arrive $0xFFFF  }
0xaa: {  	p0 =	sne.s32 s0, $0x0;
	s0 =	rddreg [dreg:$0x2]  }
0xab: {  	s0 =	sadd.s32 @!p0 $0x100000, s0  }
0xac: {  	[sflag:s0] =	ssyncadd.tile.s32 @!p0 $0x1;
	_ =	shalt  }
.Lfunc_end2:
_tile_overlayer_lowered:
.L_overlay_start_2:
0xad: {  	(tag) =	ssettag $0x2  }
0xae: {  	s0 =	rddreg [dreg:$0x0];
	s2 =	stileid.u32  }
0xaf: {  	s1 =	rddreg [dreg:$0x1];
	p0 =	sne.s32 s2, $0x0  }
0xb0: {  	s3 =	rddreg [dreg:$0x2];
	[bflag:$0x3] =	sbarrier.arrive $0xFFFF;
	s2 =	simm.s32 @!p0 $0x1C03  }
0xb1: {  	[timem:s3], [sflag:s2] =	dma.local @!p0 [hbm:s0], s1  }
0xb2: {  	s0 =	simm.s32 @!p0 $0x3  }
0xb3: {  	_ =	swait.ge @!p0 [sflag:s0], s1  }
0xb4: {  	s1 =	ssub.s32 @!p0 $0x0, s1;
	[sflag:s0] =	ssyncset.done @!p0 $0x0  }
0xb5: {  	[sflag:s0] =	ssyncadd.s32 @!p0 s1  }
0xb6: {  	[bflag:$0x3] =	sbarrier.arrive $0xFFFF  }
0xb7: {  	_ =	shalt  }

// kernel: kernel.32.cloned.1.call-start
scs
__scs_entry_jumppad:
0x0: {  	(pc) =	sbr.rel $0x88, $3  }
0x1: {  	(tag) =	ssettag $0x0;
	lr =	simm.s32 $0x1  }
0x2: {  	[smem:$0x3F73] =	sst lr;
	_ =	strace $0xD0000000  }
0x3: {  	_ = 	snop  }
0x4: {  	_ = 	snop  }
0x5: {  	_ = 	snop  }
0x6: {  	_ = 	snop  }
0x7: {  	_ = 	snop  }
__scs_overlays_trampoline_lowered:
0x8: {  	[smem:$0x3F82] =	sst s0  }
0x9: {  	[smem:$0x3F83] =	sst s1  }
0xa: {  	[smem:$0x3F84] =	sst s2  }
0xb: {  	[smem:$0x3F85] =	sst s3  }
0xc: {  	[smem:$0x3F86] =	sst s4  }
0xd: {  	[smem:$0x3F87] =	sst s5  }
0xe: {  	[smem:$0x3F88] =	sst s6  }
0xf: {  	[smem:$0x3F89] =	sst s7  }
0x10: {  	[smem:$0x3F8A] =	sst s8  }
0x11: {  	[smem:$0x3F8B] =	sst s9;
	s0 =	simm.s32 @!p0 $0x0  }
0x12: {  	s1 =	sld [smem:$0x3F71];
	s0 =	simm.s32 @p0 $0x1  }
0x13: {  	[smem:$0x3F8C] =	sst s0;
	s0 =	simm.s32 @!p1 $0x0  }
0x14: {  	s2 =	sld [smem:$0x3F70];
	s0 =	simm.s32 @p1 $0x1  }
0x15: {  	[smem:$0x3F8D] =	sst s0;
	s0 =	simm.s32 @!p2 $0x0  }
0x16: {  	s3 =	sld [smem:$0x3FDB];
	s0 =	simm.s32 @p2 $0x1  }
0x17: {  	s4 =	simm.s32 $0x1BF5;
	[smem:$0x3F8F] =	sst s0  }
0x18: {  	s0 =	sld [smem:$0x3F72];
	_ =	swait.ge [sflag:s4], $0x0  }
0x19: {  	s7 =	sld [smem:$0x3F73]  }
0x1a: {  	s8 =	sadd.s32 $0xFFFFE003, lr  }
0x1b: {  	s9 =	sadd.s32 $0xFFFFFEF7, lr;
	s5 =	simm.s32 $0xFFFFFFFF;
	p2 =	slt.u32 s8, $0xFFFFF086  }
0x1c: {  	p1 =	slt.u32 s9, $0xF7A;
	s5 =	simm.s32 @!p2 $0x0  }
0x1d: {  	s5 =	simm.s32 @p1 $0x1;
	p0 =	seq.s32 s7, s2  }
0x1e: {  	s7 =	smul.u32 @!p0 $0xF7A, s2;
	p2 =	seq.s32 @!p0 s5, $0x0  }
0x1f: {  	s9 =	smul.u32 $0xF7A, s1;
	s8 =	simm.s32 @!p0 $0x1BF5;
	p2 =	por !p2, p0  }
0x20: {  	[sflag:s8] =	ssyncset.s32 @!p0 $0xFFFFF086;
	s6 =	sadd.s32 @!p0 s3, s7;
	s7 =	simm.s32 @!p0 $0x108  }
0x21: {  	s3 =	sadd.s32 s3, s9;
	s6 =	sadd.s32 @!p0 $0x88, s6;
	s7 =	simm.s32 @p2 $0x1082  }
0x22: {  	[simem:s7], [sflag:s8] =	dma.local @!p0 [hbm:s6], $0xF7A  }
0x23: {  	s9 =	sor.u32 $0xD0000000, s2;
	s6 =	simm.s32 $0x108;
	_ =	swait.ge @!p0 [sflag:s8], $0x0  }
0x24: {  	s3 =	sadd.s32 $0x88, s3;
	s6 =	simm.s32 @!p1 $0x1082;
	[sflag:s4] =	ssyncset.s32 $0xFFFFF086  }
0x25: {  	[simem:s6], [sflag:s4] =	dma.local [hbm:s3], $0xF7A  }
0x26: {  	[smem:$0x3F73] =	sst s1;
	(tag) =	ssettag s2;
	_ =	strace s9  }
0x27: {  	s1 =	sld [smem:$0x3F83]  }
0x28: {  	s2 =	sld [smem:$0x3F84]  }
0x29: {  	s4 =	sld [smem:$0x3F86]  }
0x2a: {  	p0 =	seq.s32 s5, $0x0;
	s5 =	sld [smem:$0x3F87]  }
0x2b: {  	s6 =	sld [smem:$0x3F88]  }
0x2c: {  	s7 =	sld [smem:$0x3F89]  }
0x2d: {  	s3 =	simm.s32 $0x108;
	s8 =	sld [smem:$0x3F8A]  }
0x2e: {  	s3 =	simm.s32 @!p0 $0x1082;
	s9 =	sld [smem:$0x3F8B]  }
0x2f: {  	lr =	sadd.s32 s0, s3;
	s0 =	sld [smem:$0x3F82]  }
0x30: {  	s3 =	sld [smem:$0x3F85]  }
0x31: {  	[smem:$0x3F8E] =	sst s10  }
0x32: {  	s10 =	sld [smem:$0x3F8C];
	_ =	sdelay $0x3  }
0x33: {  	p0 =	seq.s32 s10, $0x1;
	s10 =	sld [smem:$0x3F8E];
	_ =	sdelay $0x3  }
0x34: {  	[smem:$0x3F8E] =	sst s10  }
0x35: {  	s10 =	sld [smem:$0x3F8D];
	_ =	sdelay $0x3  }
0x36: {  	p1 =	seq.s32 s10, $0x1;
	s10 =	sld [smem:$0x3F8E];
	_ =	sdelay $0x3  }
0x37: {  	[smem:$0x3F8E] =	sst s10  }
0x38: {  	s10 =	sld [smem:$0x3F8F]  }
0x39: {  	_ = 	snop;
	(pc) =	sbr.ind lr, $3  }
0x3a: {  	_ = 	snop  }
0x3b: {  	_ = 	snop  }
0x3c: {  	p2 =	seq.s32 s10, $0x1;
	s10 =	sld [smem:$0x3F8E]  }
0x3d: {  	_ =	shalt  }
0x3e: {  	_ =	shalt  }
0x3f: {  	_ =	shalt  }
0x40: {  	_ =	shalt  }
0x41: {  	_ =	shalt  }
0x42: {  	_ =	shalt  }
0x43: {  	_ =	shalt  }
0x44: {  	_ =	shalt  }
0x45: {  	_ =	shalt  }
0x46: {  	_ =	shalt  }
0x47: {  	_ =	shalt  }
0x48: {  	_ =	shalt  }
0x49: {  	_ =	shalt  }
0x4a: {  	_ =	shalt  }
0x4b: {  	_ =	shalt  }
0x4c: {  	_ =	shalt  }
0x4d: {  	_ =	shalt  }
0x4e: {  	_ =	shalt  }
0x4f: {  	_ =	shalt  }
0x50: {  	_ =	shalt  }
0x51: {  	_ =	shalt  }
0x52: {  	_ =	shalt  }
0x53: {  	_ =	shalt  }
0x54: {  	_ =	shalt  }
0x55: {  	_ =	shalt  }
0x56: {  	_ =	shalt  }
0x57: {  	_ =	shalt  }
0x58: {  	_ =	shalt  }
0x59: {  	_ =	shalt  }
0x5a: {  	_ =	shalt  }
0x5b: {  	_ =	shalt  }
0x5c: {  	_ =	shalt  }
0x5d: {  	_ =	shalt  }
0x5e: {  	_ =	shalt  }
0x5f: {  	_ =	shalt  }
0x60: {  	_ =	shalt  }
0x61: {  	_ =	shalt  }
0x62: {  	_ =	shalt  }
0x63: {  	_ =	shalt  }
0x64: {  	_ =	shalt  }
0x65: {  	_ =	shalt  }
0x66: {  	_ =	shalt  }
0x67: {  	_ =	shalt  }
0x68: {  	_ =	shalt  }
0x69: {  	_ =	shalt  }
0x6a: {  	_ =	shalt  }
0x6b: {  	_ =	shalt  }
0x6c: {  	_ =	shalt  }
0x6d: {  	_ =	shalt  }
0x6e: {  	_ =	shalt  }
0x6f: {  	_ =	shalt  }
0x70: {  	_ =	shalt  }
0x71: {  	_ =	shalt  }
0x72: {  	_ =	shalt  }
0x73: {  	_ =	shalt  }
0x74: {  	_ =	shalt  }
0x75: {  	_ =	shalt  }
0x76: {  	_ =	shalt  }
0x77: {  	_ =	shalt  }
0x78: {  	_ =	shalt  }
0x79: {  	_ =	shalt  }
0x7a: {  	_ =	shalt  }
0x7b: {  	_ =	shalt  }
0x7c: {  	_ =	shalt  }
0x7d: {  	_ =	shalt  }
0x7e: {  	_ =	shalt  }
0x7f: {  	_ =	shalt  }
0x80: {  	_ =	shalt  }
0x81: {  	_ =	shalt  }
0x82: {  	_ =	shalt  }
0x83: {  	_ =	shalt  }
0x84: {  	_ =	shalt  }
0x85: {  	_ =	shalt  }
0x86: {  	_ =	shalt  }
0x87: {  	_ =	shalt  }
.Lfunc_end0:
.L_simem_size_0:
called_computation.4_lowered:
.L_overlay_start_0:
0x88: {  	s2 =	sld [smem:$0x3FD9]  }
0x89: {  	s3 =	sld [smem:$0x3FFE];
	_ =	sdelay $0x1  }
0x8a: {  	s1 =	srdreg.scid  }
0x8b: {  	s0 =	sand.u32 $0x1, s1  }
0x8c: {  	s17 =	sshll.u32 s0, $0xA;
	s2 =	sadd.s32 s3, s2  }
0x8d: {  	s2 =	sadd.s32 s2, s17  }
0x8e: {  	[smem:$0x3F9A] =	sst s2  }
0x8f: {  	_ = 	snop  }
0x90: {  	(tm) =	ssettm $0x1  }
0x91: {  	s18 =	sld [smem:$0x3FFB];
	_ =	sdelay $0x3  }
0x92: {  	_ =	strace s18  }
0x93: {  	s2 =	sld [smem:$0x3FFC];
	_ =	sdelay $0x3  }
0x94: {  	_ =	strace s2  }
0x95: {  	s2 =	sld [smem:$0x3FFD];
	_ =	sdelay $0x3  }
0x96: {  	_ =	strace s2  }
0x97: {  	_ =	strace $0x8FFFFFFF  }
0x98: {  	s19 =	sld [smem:$0x3FDB];
	_ =	sdelay $0x1  }
0x99: {  	s20 =	simm.s32 $_scs_section_size  }
0x9a: {  	s4 =	simm.s32 $_size__tile_overlayer_lowered;
	s5 =	simm.s32 $_tile_overlayer_lowered  }
0x9b: {  	s6 =	simm.s32 $0x1BFF;
	s21 =	sshll.u32 s5, $0x1;
	s3 =	sadd.s32 s20, s19  }
0x9c: {  	s22 =	simm.s32 $0x0;
	s4 =	sshll.u32 s4, $0x1;
	s5 =	sadd.s32 s21, s3  }
0x9d: {  	[timem:s22], [sflag:s6] =	dma.local [hbm:s5], s4  }
0x9e: {  	_ =	swait.ge [sflag:s6], s4  }
0x9f: {  	s4 =	ssub.s32 $0x0, s4;
	[sflag:s6] =	ssyncset.done $0x0  }
0xa0: {  	[sflag:s6] =	ssyncadd.s32 s4;
	_ =	sdelay $0x1  }
0xa1: {  	s23 =	simm.s32 $0x1B8B  }
0xa2: {  	_ =	swait.ge [sflag:s23], $0x1  }
0xa3: {  	[sflag:s23] =	ssyncset.done $0x0  }
0xa4: {  	[sflag:s23] =	ssyncadd.s32 $0xFFFFFFFF  }
0xa5: {  	s4 =	sld [smem:$0x0]  }
0xa6: {  	s5 =	sand.u32 $0xFFFFFFFE, s1  }
0xa7: {  	p0 =	sne.s32 s1, s5  }
0xa8: {  	s5 =	sshll.u32 @p0 s5, $0xE  }
0xa9: {  	s5 =	sadd.s32 @p0 $0x11B8D, s5;
	s6 =	sshll.u32 @p0 s4, $0x11  }
0xaa: {  	s5 =	sor.u32 @p0 s6, s5  }
0xab: {  	[sflag:s5] =	ssyncadd.remote.s32 @p0 $0x1;
	_ =	sdelay $0x1  }
0xac: {  	s5 =	simm.s32 @p0 $0x1B8D  }
0xad: {  	_ =	swait.eq @p0 [sflag:s5], $0x1  }
0xae: {  	[sflag:s5] =	ssyncadd.s32 @p0 $0xFFFFFFFF  }
0xaf: {  	s6 =	sshll.u32 @!p0 s1, $0xE  }
0xb0: {  	s6 =	sor.u32 @!p0 $0x4000, s6;
	s5 =	simm.s32 @!p0 $0x1B8D  }
0xb1: {  	s4 =	sshll.u32 @!p0 s4, $0x11;
	s6 =	sadd.s32 @!p0 $0x11B8D, s6;
	_ =	swait.eq @!p0 [sflag:s5], $0x1  }
0xb2: {  	s4 =	sor.u32 @!p0 s4, s6;
	[sflag:s5] =	ssyncadd.s32 @!p0 $0xFFFFFFFF  }
0xb3: {  	s25 =	simm.s32 $0x1B8E;
	s24 =	sld [smem:$0x3FFE];
	[sflag:s4] =	ssyncadd.remote.s32 @!p0 $0x1  }
0xb4: {  	s26 =	simm.s32 $execute0_lowered;
	[smem:$0x3FD2] =	sst s25  }
0xb5: {  	s5 =	sshll.u32 s26, $0x1;
	_ =	strace $0x8000005B;
	[dreg:$0x1] =	wrdreg $0xFFFFFFFF  }
0xb6: {  	s28 =	simm.s32 $_size_execute0_lowered;
	s3 =	sadd.s32 s3, s5;
	[dreg:$0x0] =	wrdreg $0x0  }
0xb7: {  	s5 =	sshll.u32 s28, $0x1;
	[dreg:$0x2] =	wrdreg s3  }
0xb8: {  	[dreg:$0x3] =	wrdreg s5  }
0xb9: {  	[dreg:$0x4] =	wrdreg $0xC0  }
0xba: {  	_ =	task [dreg:s22], $0x5FFFF  }
0xbb: {  	[dreg:$0x1] =	wrdreg $0xFFFFFFFF  }
0xbc: {  	[dreg:$0x0] =	wrdreg $0x60  }
0xbd: {  	[dreg:$0x2] =	wrdreg s24  }
0xbe: {  	[dreg:$0x3] =	wrdreg $0x9  }
0xbf: {  	_ =	task.clear_ibuf [dreg:s22], $0x4FFFF;
	_ =	strace $0x9000005B  }
0xc0: {  	s29 =	simm.s32 $0x9;
	_ =	strace $0x8000005D  }
0xc1: {  	_ =	swait.ge [sflag:s29], $0x1  }
0xc2: {  	[sflag:s29] =	ssyncadd.s32 $0xFFFFFFFF  }
0xc3: {  	_ =	strace $0x9000005D  }
0xc4: {  	_ =	sfence  }
0xc5: {  	s30 =	sld [smem:$0x0];
	_ =	sdelay $0x2  }
0xc6: {  	s31 =	sshll.u32 s1, $0xD;
	s1 =	sshrl.u32 s1, $0x2  }
0xc7: {  	s4 =	sand.u32 $0x4000, s31;
	s1 =	sadd.s32 s1, s30  }
0xc8: {  	s0 =	sor.u32 s4, s0;
	s1 =	sshll.u32 s1, $0x11  }
0xc9: {  	s0 =	sor.u32 s1, s0  }
0xca: {  	s0 =	sadd.s32 $0x8F2B, s0  }
0xcb: {  	[sflag:s0] =	ssyncadd.remote.s32 $0x1  }
0xcc: {  	_ =	sfence.sel $0xFFFF  }
0xcd: {  	[dreg:$0x0] =	wrdreg $0xFFFFFFFF;
	(pc) =	sbr.abs _section_cstart, $3  }
0xce: {  	[dreg:$0x1] =	wrdreg $0xFFFFFFFF  }
0xcf: {  	_ =	task.clear_ibuf [dreg:s22], $0x2FFFF;
	_ =	strace $0x9FFFFFFF  }
0xd0: {  	(tm) =	ssettm $0x7FFFFFFF  }
0xd1: {  	_ =	shalt  }
tec
execute0_lowered:
.L_overlay_start_1:
0x0: {  	(tag) =	ssettag $0x1  }
0x1: {  	s6 =	rddreg [dreg:$0x0];
	s1 =	srdreg.scid;
	s2 =	simm.s32 $0x0  }
0x2: {  	s0 =	stileid.u32;
	s16 =	simm.s32 $0x1;
	s17 =	simm.s32 $0x3  }
0x3: {  	s18 =	simm.s32 $0x180;
	s19 =	simm.s32 $0x4200;
	s20 =	simm.s32 $0xC200  }
0x4: {  	s21 =	simm.s32 $0x2;
	s22 =	simm.s32 $0x4;
	s13 =	smul.u32 $0x50000, s0  }
0x5: {  	s23 =	simm.s32 $0x0;
	s9 =	sand.u32 $0x1, s1;
	s25 =	smul.u32 $0xA00, s0  }
0x6: {  	[smem:$0x7FF] =	sst s2;
	s11 =	sadd.s32 $0x86F800, s6;
	s26 =	smul.u32 $0xA000, s0  }
0x7: {  	s4 =	sadd.s32 $0x33800, s6;
	s14 =	sadd.s32 $0x9AF800, s6;
	s10 =	smul.u32 $0x500000, s9  }
0x8: {  	s3 =	sshll.u32 s9, $0x4;
	_ =	strace $0x8000005C;
	s24 =	smul.u32 $0xA000, s9  }
0x9: {  	s8 =	ssub.s32 $0x2, s9;
	s9 =	smul.u32 $0xA0000, s9;
	s5 =	sor.u32 s0, s3  }
0xa: {  	s3 =	sadd.s32 $0x9000, s6;
	s12 =	sshrl.u32 s8, $0x1;
	s7 =	smul.u32 $0xA00, s5  }
0xb: {  	s5 =	sadd.s32 $0x31000, s6;
	s8 =	ssub.s32 s8, s12;
	s10 =	sadd.s32 s13, s10  }
0xc: {  	s28 =	sadd.s32 s25, s24;
	s29 =	sadd.s32 s9, s14;
	s13 =	simm.s32 $0x80  }
0xd: {  	s10 =	sshrl.u32 s10, $0x3;
	s8 =	smax.u32 s8, $0x1;
	s12 =	sor.u32 $0x100, s28  }
0xe: {  	s30 =	sadd.s32 s26, s29;
	s7 =	sshrl.u32 s7, $0x3;
	s15 =	sadd.s32 s10, s14  }
0xf: {  	s10 =	sadd.s32 s10, s11;
	s11 =	sadd.s32 s9, s11;
	s9 =	sshrl.u32 s12, $0x3  }
0x10: {  	s31 =	sadd.s32 $0x800, s30;
	s12 =	simm.s32 $0x100;
	s14 =	simm.s32 $0x200  }
0x11: {  	s6 =	sadd.s32 s4, s7;
	s7 =	sadd.s32 s5, s7;
	[dreg:$0x2] =	wrdreg s15  }
0x12: {  	[dreg:$0x3] =	wrdreg s10;
	s11 =	sadd.s32 s26, s11;
	s10 =	sor.u32 $0x80, s28  }
0x13: {  	[dreg:$0x5] =	wrdreg s31;
	s15 =	simm.s32 $0x8200;
	s11 =	sadd.s32 $0x800, s11  }
0x14: {  	s10 =	sshrl.u32 s10, $0x3;
	[dreg:$0x4] =	wrdreg s11;
	s11 =	simm.s32 $0x5  }
.LBB2_1:
0x15: {  	[tilespmem:s2], [sflag:$0x5] =	stream.linear.gather [hbm4b:s6+s2], $0x80, $0x38;
	[tilespmem:$0x10200] =	vst v63  }
0x16: {  	_ =	swait.ge [sflag:s11], $0x80  }
0x17: {  	[sflag:s11] =	ssyncset.done $0x0  }
0x18: {  	[sflag:s11] =	ssyncadd.s32 $0xFFFFFF80  }
0x19: {  	[tilespmem:s12], [sflag:$0x5] =	stream.linear.gather [hbm4b:s7+s2], $0x80, $0x38;
	[tilespmem:$0x10200] =	vst v63  }
0x1a: {  	_ =	swait.ge [sflag:s11], $0x80  }
0x1b: {  	[sflag:s11] =	ssyncset.done $0x0  }
0x1c: {  	[sflag:s11] =	ssyncadd.s32 $0xFFFFFF80  }
0x1d: {  	[tilespmem:s14], [sflag:$0x1] =	stream.indirect.gather [hbm4b:s3+s13], $0x80, s2, s13, $0xb8;
	[tilespmem:$0x10200] =	vst v63  }
0x1e: {  	_ = 	snop  }
0x1f: {  	[tilespmem:s15], [sflag:$0x3] =	stream.indirect.gather [hbm4b:s3+s13], $0x80, s12, s13, $0xb8;
	[tilespmem:$0x10200] =	vst v63  }
0x20: {  	_ =	swait.ge [sflag:s16], $0x4000  }
0x21: {  	[sflag:s16] =	ssyncset.done $0x0  }
0x22: {  	[sflag:s16] =	ssyncadd.s32 $0xFFFFC000  }
0x23: {  	_ =	swait.ge [sflag:s17], $0x4000  }
0x24: {  	[sflag:s17] =	ssyncset.done $0x0  }
0x25: {  	s24 =	sadd.s32 s4, s10;
	[sflag:s17] =	ssyncadd.s32 $0xFFFFC000  }
0x26: {  	[tilespmem:s13], [sflag:$0x5] =	stream.linear.gather [hbm4b:s24+s2], $0x80, $0x38;
	[tilespmem:$0x10200] =	vst v63  }
0x27: {  	_ =	swait.ge [sflag:s11], $0x80  }
0x28: {  	[sflag:s11] =	ssyncset.done $0x0  }
0x29: {  	s26 =	sadd.s32 s5, s10;
	[sflag:s11] =	ssyncadd.s32 $0xFFFFFF80  }
0x2a: {  	[tilespmem:s18], [sflag:$0x5] =	stream.linear.gather [hbm4b:s26+s2], $0x80, $0x38;
	[tilespmem:$0x10200] =	vst v63  }
0x2b: {  	_ =	swait.ge [sflag:s11], $0x80  }
0x2c: {  	[sflag:s11] =	ssyncset.done $0x0  }
0x2d: {  	[sflag:s11] =	ssyncadd.s32 $0xFFFFFF80  }
0x2e: {  	[tilespmem:s19], [sflag:$0x2] =	stream.indirect.gather [hbm4b:s3+s13], $0x80, s13, s13, $0xb8;
	[tilespmem:$0x10200] =	vst v63  }
0x2f: {  	s28 =	rddreg [dreg:$0x3]  }
0x30: {  	[tilespmem:s20], [sflag:$0x4] =	stream.indirect.gather [hbm4b:s3+s13], $0x80, s18, s13, $0xb8;
	[tilespmem:$0x10200] =	vst v63  }
0x31: {  	s24 =	sadd.s32 $0x0, s28  }
0x32: {  	[hbm4b:s24+s2] =	stream.linear.scatter [tilespmem:s14], [sflag:$0x5], $0x4000, $0x38;
	[tilespmem:$0x10200] =	vst v63  }
0x33: {  	_ =	swait.ge [sflag:s11], $0x4000  }
0x34: {  	s29 =	rddreg [dreg:$0x2];
	[sflag:s11] =	ssyncset.done $0x0  }
0x35: {  	[sflag:s11] =	ssyncadd.s32 $0xFFFFC000;
	s24 =	sadd.s32 $0x0, s29  }
0x36: {  	[hbm4b:s24+s2] =	stream.linear.scatter [tilespmem:s15], [sflag:$0x5], $0x4000, $0x38;
	[tilespmem:$0x10200] =	vst v63  }
0x37: {  	_ =	swait.ge [sflag:s11], $0x4000  }
0x38: {  	[sflag:s11] =	ssyncset.done $0x0  }
0x39: {  	[sflag:s11] =	ssyncadd.s32 $0xFFFFC000  }
0x3a: {  	_ =	swait.ge [sflag:s21], $0x4000  }
0x3b: {  	[sflag:s21] =	ssyncset.done $0x0  }
0x3c: {  	[sflag:s21] =	ssyncadd.s32 $0xFFFFC000  }
0x3d: {  	p0 =	por $0x0, $0x0;
	_ =	swait.ge [sflag:s22], $0x4000  }
0x3e: {  	s25 =	simm.s32 @!p0 $0x0;
	[sflag:s22] =	ssyncset.done $0x0  }
0x3f: {  	s26 =	simm.s32 @!p0 $0x5;
	s24 =	sadd.s32 @!p0 s4, s9;
	[sflag:s22] =	ssyncadd.s32 $0xFFFFC000  }
0x40: {  	[tilespmem:s25], [sflag:$0x5] =	stream.linear.gather @!p0 [hbm4b:s24+s25], $0x80, $0x38;
	[tilespmem:$0x10200] =	vst v63  }
0x41: {  	_ =	swait.ge @!p0 [sflag:s26], $0x80  }
0x42: {  	[sflag:s26] =	ssyncset.done @!p0 $0x0  }
0x43: {  	s28 =	simm.s32 @!p0 $0x100;
	s24 =	sadd.s32 @!p0 s5, s9;
	[sflag:s26] =	ssyncadd.s32 @!p0 $0xFFFFFF80  }
0x44: {  	[tilespmem:s28], [sflag:$0x5] =	stream.linear.gather @!p0 [hbm4b:s24+s25], $0x80, $0x38;
	[tilespmem:$0x10200] =	vst v63  }
0x45: {  	_ =	swait.ge @!p0 [sflag:s26], $0x80  }
0x46: {  	[sflag:s26] =	ssyncset.done @!p0 $0x0  }
0x47: {  	s24 =	simm.s32 @!p0 $0x200;
	[sflag:s26] =	ssyncadd.s32 @!p0 $0xFFFFFF80;
	s26 =	simm.s32 @!p0 $0x80  }
0x48: {  	[tilespmem:s24], [sflag:$0x1] =	stream.indirect.gather @!p0 [hbm4b:s3+s26], $0x80, s25, s26, $0xb8;
	[tilespmem:$0x10200] =	vst v63  }
0x49: {  	s29 =	rddreg [dreg:$0x4];
	s24 =	simm.s32 @!p0 $0x8200  }
0x4a: {  	[tilespmem:s24], [sflag:$0x3] =	stream.indirect.gather @!p0 [hbm4b:s3+s26], $0x80, s28, s26, $0xb8;
	[tilespmem:$0x10200] =	vst v63  }
0x4b: {  	s30 =	sadd.s32 $0x0, s29  }
0x4c: {  	[hbm4b:s30+s2] =	stream.linear.scatter [tilespmem:s19], [sflag:$0x5], $0x4000, $0x38;
	[tilespmem:$0x10200] =	vst v63  }
0x4d: {  	_ =	swait.ge [sflag:s11], $0x4000  }
0x4e: {  	s31 =	rddreg [dreg:$0x5];
	[sflag:s11] =	ssyncset.done $0x0  }
0x4f: {  	s25 =	sadd.s32 $0x20, s4;
	[sflag:s11] =	ssyncadd.s32 $0xFFFFC000;
	s24 =	sadd.s32 $0x0, s31  }
0x50: {  	[hbm4b:s24+s2] =	stream.linear.scatter [tilespmem:s20], [sflag:$0x5], $0x4000, $0x38;
	[tilespmem:$0x10200] =	vst v63  }
0x51: {  	s26 =	smov.u32 s5;
	s24 =	simm.s32 $0x1000;
	_ =	swait.ge [sflag:s11], $0x4000  }
.LBB2_2:
0x52: {  	[sflag:s11] =	ssyncset.done $0x0  }
0x53: {  	[sflag:s11] =	ssyncadd.s32 $0xFFFFC000  }
0x54: {  	_ =	swait.ge [sflag:s16], $0x4000  }
0x55: {  	[sflag:s16] =	ssyncset.done $0x0  }
0x56: {  	[sflag:s16] =	ssyncadd.s32 $0xFFFFC000  }
0x57: {  	_ =	swait.ge [sflag:s17], $0x4000  }
0x58: {  	[sflag:s17] =	ssyncset.done $0x0  }
0x59: {  	s29 =	sadd.s32 s25, s10;
	[sflag:s17] =	ssyncadd.s32 $0xFFFFC000  }
0x5a: {  	[tilespmem:s13], [sflag:$0x5] =	stream.linear.gather [hbm4b:s29+s2], $0x80, $0x38;
	[tilespmem:$0x10200] =	vst v63  }
0x5b: {  	_ =	swait.ge [sflag:s11], $0x80  }
0x5c: {  	s26 =	sadd.s32 $0x20, s26;
	[sflag:s11] =	ssyncset.done $0x0  }
0x5d: {  	s31 =	sadd.s32 s26, s10;
	[sflag:s11] =	ssyncadd.s32 $0xFFFFFF80  }
0x5e: {  	[tilespmem:s18], [sflag:$0x5] =	stream.linear.gather [hbm4b:s31+s2], $0x80, $0x38;
	[tilespmem:$0x10200] =	vst v63  }
0x5f: {  	_ =	swait.ge [sflag:s11], $0x80  }
0x60: {  	[sflag:s11] =	ssyncset.done $0x0  }
0x61: {  	[sflag:s11] =	ssyncadd.s32 $0xFFFFFF80  }
0x62: {  	[tilespmem:s19], [sflag:$0x2] =	stream.indirect.gather [hbm4b:s3+s13], $0x80, s13, s13, $0xb8;
	[tilespmem:$0x10200] =	vst v63  }
0x63: {  	s28 =	smov.u32 s24;
	s0 =	rddreg [dreg:$0x3]  }
0x64: {  	[tilespmem:s20], [sflag:$0x4] =	stream.indirect.gather [hbm4b:s3+s13], $0x80, s18, s13, $0xb8;
	[tilespmem:$0x10200] =	vst v63  }
0x65: {  	s29 =	sadd.s32 s28, s0  }
0x66: {  	[hbm4b:s29+s2] =	stream.linear.scatter [tilespmem:s14], [sflag:$0x5], $0x4000, $0x38;
	[tilespmem:$0x10200] =	vst v63  }
0x67: {  	_ =	swait.ge [sflag:s11], $0x4000  }
0x68: {  	s1 =	rddreg [dreg:$0x2];
	[sflag:s11] =	ssyncset.done $0x0  }
0x69: {  	[sflag:s11] =	ssyncadd.s32 $0xFFFFC000;
	s29 =	sadd.s32 s28, s1  }
0x6a: {  	[hbm4b:s29+s2] =	stream.linear.scatter [tilespmem:s15], [sflag:$0x5], $0x4000, $0x38;
	[tilespmem:$0x10200] =	vst v63  }
0x6b: {  	_ =	swait.ge [sflag:s11], $0x4000  }
0x6c: {  	[sflag:s11] =	ssyncset.done $0x0  }
0x6d: {  	[sflag:s11] =	ssyncadd.s32 $0xFFFFC000  }
0x6e: {  	_ =	swait.ge [sflag:s21], $0x4000  }
0x6f: {  	[sflag:s21] =	ssyncset.done $0x0  }
0x70: {  	[sflag:s21] =	ssyncadd.s32 $0xFFFFC000  }
0x71: {  	p1 =	seq.s32 s28, $0x9000;
	_ =	swait.ge [sflag:s22], $0x4000  }
0x72: {  	s30 =	simm.s32 @!p1 $0x0;
	[sflag:s22] =	ssyncset.done $0x0  }
0x73: {  	s31 =	simm.s32 @!p1 $0x5;
	s29 =	sadd.s32 @!p1 s25, s9;
	[sflag:s22] =	ssyncadd.s32 $0xFFFFC000  }
0x74: {  	[tilespmem:s30], [sflag:$0x5] =	stream.linear.gather @!p1 [hbm4b:s29+s30], $0x80, $0x38;
	[tilespmem:$0x10200] =	vst v63  }
0x75: {  	_ =	swait.ge @!p1 [sflag:s31], $0x80  }
0x76: {  	[sflag:s31] =	ssyncset.done @!p1 $0x0  }
0x77: {  	s0 =	simm.s32 @!p1 $0x100;
	s29 =	sadd.s32 @!p1 s26, s9;
	[sflag:s31] =	ssyncadd.s32 @!p1 $0xFFFFFF80  }
0x78: {  	[tilespmem:s0], [sflag:$0x5] =	stream.linear.gather @!p1 [hbm4b:s29+s30], $0x80, $0x38;
	[tilespmem:$0x10200] =	vst v63  }
0x79: {  	_ =	swait.ge @!p1 [sflag:s31], $0x80  }
0x7a: {  	[sflag:s31] =	ssyncset.done @!p1 $0x0  }
0x7b: {  	s29 =	simm.s32 @!p1 $0x200;
	[sflag:s31] =	ssyncadd.s32 @!p1 $0xFFFFFF80;
	s31 =	simm.s32 @!p1 $0x80  }
0x7c: {  	[tilespmem:s29], [sflag:$0x1] =	stream.indirect.gather @!p1 [hbm4b:s3+s31], $0x80, s30, s31, $0xb8;
	[tilespmem:$0x10200] =	vst v63  }
0x7d: {  	s24 =	sadd.s32 $0x1000, s24;
	s1 =	rddreg [dreg:$0x4];
	s29 =	simm.s32 @!p1 $0x8200  }
0x7e: {  	[tilespmem:s29], [sflag:$0x3] =	stream.indirect.gather @!p1 [hbm4b:s3+s31], $0x80, s0, s31, $0xb8;
	[tilespmem:$0x10200] =	vst v63  }
0x7f: {  	p0 =	sne.s32 s24, $0xA000;
	s30 =	sadd.s32 s28, s1  }
0x80: {  	[hbm4b:s30+s2] =	stream.linear.scatter [tilespmem:s19], [sflag:$0x5], $0x4000, $0x38;
	[tilespmem:$0x10200] =	vst v63  }
.Ltmp0:
0x81: {  	_ =	swait.ge [sflag:s11], $0x4000;
	(pc) =	sbr.rel @p0 .LBB2_2-.Ltmp0, $4  }
0x82: {  	s31 =	rddreg [dreg:$0x5];
	[sflag:s11] =	ssyncset.done $0x0  }
0x83: {  	[sflag:s11] =	ssyncadd.s32 $0xFFFFC000;
	s0 =	sadd.s32 s28, s31  }
0x84: {  	[hbm4b:s0+s2] =	stream.linear.scatter [tilespmem:s20], [sflag:$0x5], $0x4000, $0x38;
	[tilespmem:$0x10200] =	vst v63  }
0x85: {  	s25 =	sadd.s32 $0x20, s25;
	_ =	swait.ge [sflag:s11], $0x4000  }
0x86: {  	s23 =	sadd.s32 $0x1, s23  }
0x87: {  	p0 =	sne.s32 s23, s8  }
.Ltmp1:
0x88: {  	_ = 	snop;
	(pc) =	sbr.rel @p0 .LBB2_1-.Ltmp1, $3  }
0x89: {  	_ =	sdelay $0x1  }
0x8a: {  	[sflag:s11] =	ssyncset.done $0x0  }
0x8b: {  	[sflag:s11] =	ssyncadd.s32 $0xFFFFC000  }
0x8c: {  	_ =	sfence.sel $0x180000  }
0x8d: {  	[bflag:$0x0] =	sbarrier.arrive $0xFFFF  }
0x8e: {  	_ =	strace $0x9000005C  }
0x8f: {  	s0 =	stileid.u32;
	[bflag:$0x2] =	sbarrier.arrive $0xFFFF  }
0x90: {  	p0 =	sne.s32 s0, $0x0;
	s0 =	rddreg [dreg:$0x1]  }
0x91: {  	s0 =	sadd.s32 @!p0 $0x100000, s0  }
0x92: {  	[sflag:s0] =	ssyncadd.tile.s32 @!p0 $0x1;
	_ =	shalt  }
.Lfunc_end2:
_tile_overlayer_lowered:
.L_overlay_start_2:
0x93: {  	(tag) =	ssettag $0x2  }
0x94: {  	s0 =	rddreg [dreg:$0x0];
	s2 =	stileid.u32  }
0x95: {  	s1 =	rddreg [dreg:$0x1];
	p0 =	sne.s32 s2, $0x0  }
0x96: {  	s3 =	rddreg [dreg:$0x2];
	[bflag:$0x3] =	sbarrier.arrive $0xFFFF;
	s2 =	simm.s32 @!p0 $0x1C05  }
0x97: {  	[timem:s3], [sflag:s2] =	dma.local @!p0 [hbm:s0], s1  }
0x98: {  	s0 =	simm.s32 @!p0 $0x5  }
0x99: {  	_ =	swait.ge @!p0 [sflag:s0], s1  }
0x9a: {  	s1 =	ssub.s32 @!p0 $0x0, s1;
	[sflag:s0] =	ssyncset.done @!p0 $0x0  }
0x9b: {  	[sflag:s0] =	ssyncadd.s32 @!p0 s1  }
0x9c: {  	[bflag:$0x3] =	sbarrier.arrive $0xFFFF  }
0x9d: {  	_ =	shalt  }

// kernel: kernel.35.cloned.1.call-start
scs
__scs_entry_jumppad:
0x0: {  	(pc) =	sbr.rel $0x88, $3  }
0x1: {  	(tag) =	ssettag $0x0;
	lr =	simm.s32 $0x1  }
0x2: {  	[smem:$0x3F73] =	sst lr;
	_ =	strace $0xD0000000  }
0x3: {  	_ = 	snop  }
0x4: {  	_ = 	snop  }
0x5: {  	_ = 	snop  }
0x6: {  	_ = 	snop  }
0x7: {  	_ = 	snop  }
__scs_overlays_trampoline_lowered:
0x8: {  	[smem:$0x3F82] =	sst s0  }
0x9: {  	[smem:$0x3F83] =	sst s1  }
0xa: {  	[smem:$0x3F84] =	sst s2  }
0xb: {  	[smem:$0x3F85] =	sst s3  }
0xc: {  	[smem:$0x3F86] =	sst s4  }
0xd: {  	[smem:$0x3F87] =	sst s5  }
0xe: {  	[smem:$0x3F88] =	sst s6  }
0xf: {  	[smem:$0x3F89] =	sst s7  }
0x10: {  	[smem:$0x3F8A] =	sst s8  }
0x11: {  	[smem:$0x3F8B] =	sst s9;
	s0 =	simm.s32 @!p0 $0x0  }
0x12: {  	s1 =	sld [smem:$0x3F71];
	s0 =	simm.s32 @p0 $0x1  }
0x13: {  	[smem:$0x3F8C] =	sst s0;
	s0 =	simm.s32 @!p1 $0x0  }
0x14: {  	s2 =	sld [smem:$0x3F70];
	s0 =	simm.s32 @p1 $0x1  }
0x15: {  	[smem:$0x3F8D] =	sst s0;
	s0 =	simm.s32 @!p2 $0x0  }
0x16: {  	s3 =	sld [smem:$0x3FDB];
	s0 =	simm.s32 @p2 $0x1  }
0x17: {  	s4 =	simm.s32 $0x1BF5;
	[smem:$0x3F8F] =	sst s0  }
0x18: {  	s0 =	sld [smem:$0x3F72];
	_ =	swait.ge [sflag:s4], $0x0  }
0x19: {  	s7 =	sld [smem:$0x3F73]  }
0x1a: {  	s8 =	sadd.s32 $0xFFFFE003, lr  }
0x1b: {  	s9 =	sadd.s32 $0xFFFFFEF7, lr;
	s5 =	simm.s32 $0xFFFFFFFF;
	p2 =	slt.u32 s8, $0xFFFFF086  }
0x1c: {  	p1 =	slt.u32 s9, $0xF7A;
	s5 =	simm.s32 @!p2 $0x0  }
0x1d: {  	s5 =	simm.s32 @p1 $0x1;
	p0 =	seq.s32 s7, s2  }
0x1e: {  	s7 =	smul.u32 @!p0 $0xF7A, s2;
	p2 =	seq.s32 @!p0 s5, $0x0  }
0x1f: {  	s9 =	smul.u32 $0xF7A, s1;
	s8 =	simm.s32 @!p0 $0x1BF5;
	p2 =	por !p2, p0  }
0x20: {  	[sflag:s8] =	ssyncset.s32 @!p0 $0xFFFFF086;
	s6 =	sadd.s32 @!p0 s3, s7;
	s7 =	simm.s32 @!p0 $0x108  }
0x21: {  	s3 =	sadd.s32 s3, s9;
	s6 =	sadd.s32 @!p0 $0x88, s6;
	s7 =	simm.s32 @p2 $0x1082  }
0x22: {  	[simem:s7], [sflag:s8] =	dma.local @!p0 [hbm:s6], $0xF7A  }
0x23: {  	s9 =	sor.u32 $0xD0000000, s2;
	s6 =	simm.s32 $0x108;
	_ =	swait.ge @!p0 [sflag:s8], $0x0  }
0x24: {  	s3 =	sadd.s32 $0x88, s3;
	s6 =	simm.s32 @!p1 $0x1082;
	[sflag:s4] =	ssyncset.s32 $0xFFFFF086  }
0x25: {  	[simem:s6], [sflag:s4] =	dma.local [hbm:s3], $0xF7A  }
0x26: {  	[smem:$0x3F73] =	sst s1;
	(tag) =	ssettag s2;
	_ =	strace s9  }
0x27: {  	s1 =	sld [smem:$0x3F83]  }
0x28: {  	s2 =	sld [smem:$0x3F84]  }
0x29: {  	s4 =	sld [smem:$0x3F86]  }
0x2a: {  	p0 =	seq.s32 s5, $0x0;
	s5 =	sld [smem:$0x3F87]  }
0x2b: {  	s6 =	sld [smem:$0x3F88]  }
0x2c: {  	s7 =	sld [smem:$0x3F89]  }
0x2d: {  	s3 =	simm.s32 $0x108;
	s8 =	sld [smem:$0x3F8A]  }
0x2e: {  	s3 =	simm.s32 @!p0 $0x1082;
	s9 =	sld [smem:$0x3F8B]  }
0x2f: {  	lr =	sadd.s32 s0, s3;
	s0 =	sld [smem:$0x3F82]  }
0x30: {  	s3 =	sld [smem:$0x3F85]  }
0x31: {  	[smem:$0x3F8E] =	sst s10  }
0x32: {  	s10 =	sld [smem:$0x3F8C];
	_ =	sdelay $0x3  }
0x33: {  	p0 =	seq.s32 s10, $0x1;
	s10 =	sld [smem:$0x3F8E];
	_ =	sdelay $0x3  }
0x34: {  	[smem:$0x3F8E] =	sst s10  }
0x35: {  	s10 =	sld [smem:$0x3F8D];
	_ =	sdelay $0x3  }
0x36: {  	p1 =	seq.s32 s10, $0x1;
	s10 =	sld [smem:$0x3F8E];
	_ =	sdelay $0x3  }
0x37: {  	[smem:$0x3F8E] =	sst s10  }
0x38: {  	s10 =	sld [smem:$0x3F8F]  }
0x39: {  	_ = 	snop;
	(pc) =	sbr.ind lr, $3  }
0x3a: {  	_ = 	snop  }
0x3b: {  	_ = 	snop  }
0x3c: {  	p2 =	seq.s32 s10, $0x1;
	s10 =	sld [smem:$0x3F8E]  }
0x3d: {  	_ =	shalt  }
0x3e: {  	_ =	shalt  }
0x3f: {  	_ =	shalt  }
0x40: {  	_ =	shalt  }
0x41: {  	_ =	shalt  }
0x42: {  	_ =	shalt  }
0x43: {  	_ =	shalt  }
0x44: {  	_ =	shalt  }
0x45: {  	_ =	shalt  }
0x46: {  	_ =	shalt  }
0x47: {  	_ =	shalt  }
0x48: {  	_ =	shalt  }
0x49: {  	_ =	shalt  }
0x4a: {  	_ =	shalt  }
0x4b: {  	_ =	shalt  }
0x4c: {  	_ =	shalt  }
0x4d: {  	_ =	shalt  }
0x4e: {  	_ =	shalt  }
0x4f: {  	_ =	shalt  }
0x50: {  	_ =	shalt  }
0x51: {  	_ =	shalt  }
0x52: {  	_ =	shalt  }
0x53: {  	_ =	shalt  }
0x54: {  	_ =	shalt  }
0x55: {  	_ =	shalt  }
0x56: {  	_ =	shalt  }
0x57: {  	_ =	shalt  }
0x58: {  	_ =	shalt  }
0x59: {  	_ =	shalt  }
0x5a: {  	_ =	shalt  }
0x5b: {  	_ =	shalt  }
0x5c: {  	_ =	shalt  }
0x5d: {  	_ =	shalt  }
0x5e: {  	_ =	shalt  }
0x5f: {  	_ =	shalt  }
0x60: {  	_ =	shalt  }
0x61: {  	_ =	shalt  }
0x62: {  	_ =	shalt  }
0x63: {  	_ =	shalt  }
0x64: {  	_ =	shalt  }
0x65: {  	_ =	shalt  }
0x66: {  	_ =	shalt  }
0x67: {  	_ =	shalt  }
0x68: {  	_ =	shalt  }
0x69: {  	_ =	shalt  }
0x6a: {  	_ =	shalt  }
0x6b: {  	_ =	shalt  }
0x6c: {  	_ =	shalt  }
0x6d: {  	_ =	shalt  }
0x6e: {  	_ =	shalt  }
0x6f: {  	_ =	shalt  }
0x70: {  	_ =	shalt  }
0x71: {  	_ =	shalt  }
0x72: {  	_ =	shalt  }
0x73: {  	_ =	shalt  }
0x74: {  	_ =	shalt  }
0x75: {  	_ =	shalt  }
0x76: {  	_ =	shalt  }
0x77: {  	_ =	shalt  }
0x78: {  	_ =	shalt  }
0x79: {  	_ =	shalt  }
0x7a: {  	_ =	shalt  }
0x7b: {  	_ =	shalt  }
0x7c: {  	_ =	shalt  }
0x7d: {  	_ =	shalt  }
0x7e: {  	_ =	shalt  }
0x7f: {  	_ =	shalt  }
0x80: {  	_ =	shalt  }
0x81: {  	_ =	shalt  }
0x82: {  	_ =	shalt  }
0x83: {  	_ =	shalt  }
0x84: {  	_ =	shalt  }
0x85: {  	_ =	shalt  }
0x86: {  	_ =	shalt  }
0x87: {  	_ =	shalt  }
.Lfunc_end0:
.L_simem_size_0:
called_computation.5_lowered:
.L_overlay_start_0:
0x88: {  	s2 =	sld [smem:$0x3FD9]  }
0x89: {  	s3 =	sld [smem:$0x3FFE];
	_ =	sdelay $0x1  }
0x8a: {  	s1 =	srdreg.scid  }
0x8b: {  	s0 =	sand.u32 $0x1, s1  }
0x8c: {  	s15 =	sshll.u32 s0, $0xA;
	s2 =	sadd.s32 s3, s2  }
0x8d: {  	s2 =	sadd.s32 s2, s15  }
0x8e: {  	[smem:$0x3F9A] =	sst s2  }
0x8f: {  	_ = 	snop  }
0x90: {  	s2 =	sld [smem:$0x3FD0];
	_ =	sdelay $0x2  }
0x91: {  	s16 =	simm.s32 $0xD;
	s4 =	simm.s32 $0x10  }
0x92: {  	[smem:s4], [sflag:s16] =	dma.local [hbm:s2], $0x1  }
0x93: {  	_ =	swait.eq [sflag:s16], $0x1  }
0x94: {  	[sflag:s16] =	ssyncset.done $0x0  }
0x95: {  	[sflag:s16] =	ssyncadd.s32 $0xFFFFFFFF  }
0x96: {  	s17 =	sld [smem:$0x11];
	(tm) =	ssettm $0x1  }
0x97: {  	s18 =	sld [smem:$0x3FFB];
	_ =	sdelay $0x3  }
0x98: {  	_ =	strace s18  }
0x99: {  	s2 =	sld [smem:$0x3FFC];
	_ =	sdelay $0x3  }
0x9a: {  	_ =	strace s2  }
0x9b: {  	s2 =	sld [smem:$0x3FFD];
	_ =	sdelay $0x3  }
0x9c: {  	_ =	strace s2  }
0x9d: {  	_ =	strace $0x8FFFFFFF  }
0x9e: {  	s19 =	sld [smem:$0x3FDB];
	_ =	sdelay $0x1  }
0x9f: {  	s20 =	simm.s32 $_scs_section_size  }
0xa0: {  	s5 =	simm.s32 $_size__tile_overlayer_lowered;
	s6 =	simm.s32 $_tile_overlayer_lowered  }
0xa1: {  	s7 =	simm.s32 $0x1BFF;
	s21 =	sshll.u32 s6, $0x1;
	s4 =	sadd.s32 s20, s19  }
0xa2: {  	s22 =	simm.s32 $0x0;
	s5 =	sshll.u32 s5, $0x1;
	s6 =	sadd.s32 s21, s4  }
0xa3: {  	[timem:s22], [sflag:s7] =	dma.local [hbm:s6], s5  }
0xa4: {  	_ =	swait.ge [sflag:s7], s5  }
0xa5: {  	s5 =	ssub.s32 $0x0, s5;
	[sflag:s7] =	ssyncset.done $0x0  }
0xa6: {  	[sflag:s7] =	ssyncadd.s32 s5;
	_ =	sdelay $0x1  }
0xa7: {  	s23 =	simm.s32 $0x1B8B  }
0xa8: {  	_ =	swait.ge [sflag:s23], $0x1  }
0xa9: {  	[sflag:s23] =	ssyncset.done $0x0  }
0xaa: {  	[sflag:s23] =	ssyncadd.s32 $0xFFFFFFFF  }
0xab: {  	s5 =	sld [smem:$0x0]  }
0xac: {  	s6 =	sand.u32 $0xFFFFFFFE, s1  }
0xad: {  	p0 =	sne.s32 s1, s6  }
0xae: {  	s6 =	sshll.u32 @p0 s6, $0xE  }
0xaf: {  	s6 =	sadd.s32 @p0 $0x11B8D, s6;
	s7 =	sshll.u32 @p0 s5, $0x11  }
0xb0: {  	s6 =	sor.u32 @p0 s7, s6  }
0xb1: {  	[sflag:s6] =	ssyncadd.remote.s32 @p0 $0x1;
	_ =	sdelay $0x1  }
0xb2: {  	s6 =	simm.s32 @p0 $0x1B8D  }
0xb3: {  	_ =	swait.eq @p0 [sflag:s6], $0x1  }
0xb4: {  	[sflag:s6] =	ssyncadd.s32 @p0 $0xFFFFFFFF  }
0xb5: {  	s7 =	sshll.u32 @!p0 s1, $0xE  }
0xb6: {  	s7 =	sor.u32 @!p0 $0x4000, s7;
	s6 =	simm.s32 @!p0 $0x1B8D  }
0xb7: {  	s5 =	sshll.u32 @!p0 s5, $0x11;
	s7 =	sadd.s32 @!p0 $0x11B8D, s7;
	_ =	swait.eq @!p0 [sflag:s6], $0x1  }
0xb8: {  	s5 =	sor.u32 @!p0 s5, s7;
	[sflag:s6] =	ssyncadd.s32 @!p0 $0xFFFFFFFF  }
0xb9: {  	s25 =	simm.s32 $0x1B8E;
	s24 =	sld [smem:$0x3FFE];
	[sflag:s5] =	ssyncadd.remote.s32 @!p0 $0x1  }
0xba: {  	s26 =	simm.s32 $execute0_lowered;
	[smem:$0x3FD2] =	sst s25  }
0xbb: {  	s6 =	sshll.u32 s26, $0x1;
	_ =	strace $0x80000058;
	[dreg:$0x1] =	wrdreg $0xFFFFFFFF  }
0xbc: {  	s28 =	simm.s32 $_size_execute0_lowered;
	s4 =	sadd.s32 s4, s6;
	[dreg:$0x0] =	wrdreg $0x0  }
0xbd: {  	s6 =	sshll.u32 s28, $0x1;
	[dreg:$0x2] =	wrdreg s4  }
0xbe: {  	[dreg:$0x3] =	wrdreg s6  }
0xbf: {  	[dreg:$0x4] =	wrdreg $0xC0  }
0xc0: {  	_ =	task [dreg:s22], $0x5FFFF  }
0xc1: {  	[dreg:$0x1] =	wrdreg $0xFFFFFFFF  }
0xc2: {  	[dreg:$0x0] =	wrdreg $0x60  }
0xc3: {  	[dreg:$0x2] =	wrdreg s24  }
0xc4: {  	[dreg:$0x3] =	wrdreg s17  }
0xc5: {  	[dreg:$0x4] =	wrdreg $0xA  }
0xc6: {  	_ =	task.clear_ibuf [dreg:s22], $0x5FFFF;
	_ =	strace $0x90000058  }
0xc7: {  	s29 =	simm.s32 $0xA;
	_ =	strace $0x8000005A  }
0xc8: {  	_ =	swait.ge [sflag:s29], $0x1  }
0xc9: {  	[sflag:s29] =	ssyncadd.s32 $0xFFFFFFFF  }
0xca: {  	_ =	strace $0x9000005A  }
0xcb: {  	_ =	sfence  }
0xcc: {  	s30 =	sld [smem:$0x0];
	_ =	sdelay $0x2  }
0xcd: {  	s31 =	sshll.u32 s1, $0xD;
	s1 =	sshrl.u32 s1, $0x2  }
0xce: {  	s4 =	sand.u32 $0x4000, s31;
	s1 =	sadd.s32 s1, s30  }
0xcf: {  	s0 =	sor.u32 s4, s0;
	s1 =	sshll.u32 s1, $0x11  }
0xd0: {  	s0 =	sor.u32 s1, s0  }
0xd1: {  	s0 =	sadd.s32 $0x8F2B, s0  }
0xd2: {  	[sflag:s0] =	ssyncadd.remote.s32 $0x1  }
0xd3: {  	_ =	sfence.sel $0xFFFF  }
0xd4: {  	[dreg:$0x0] =	wrdreg $0xFFFFFFFF;
	(pc) =	sbr.abs _section_cstart, $3  }
0xd5: {  	[dreg:$0x1] =	wrdreg $0xFFFFFFFF  }
0xd6: {  	_ =	task.clear_ibuf [dreg:s22], $0x2FFFF;
	_ =	strace $0x9FFFFFFF  }
0xd7: {  	(tm) =	ssettm $0x7FFFFFFF  }
tec
execute0_lowered:
.L_overlay_start_1:
0x0: {  	(tag) =	ssettag $0x1  }
0x1: {  	s6 =	rddreg [dreg:$0x0]  }
0x2: {  	s1 =	rddreg [dreg:$0x1];
	s2 =	srdreg.scid  }
0x3: {  	s3 =	simm.s32 $0x0;
	s0 =	stileid.u32;
	s16 =	simm.s32 $0x1  }
0x4: {  	s17 =	simm.s32 $0x3;
	s18 =	simm.s32 $0x180;
	s19 =	simm.s32 $0x4200  }
0x5: {  	s20 =	simm.s32 $0xC200;
	s21 =	simm.s32 $0x2;
	s13 =	smul.u32 $0x50000, s0  }
0x6: {  	s22 =	simm.s32 $0x4;
	s23 =	simm.s32 $0x0;
	s25 =	smul.u32 $0xA00, s0  }
0x7: {  	s9 =	sand.u32 $0x1, s2;
	s11 =	sadd.s32 $0x5EF800, s6;
	s26 =	smul.u32 $0xA000, s0  }
0x8: {  	[smem:$0x7FF] =	sst s3;
	s14 =	sadd.s32 $0x72F800, s6;
	s10 =	smul.u32 $0x500000, s9  }
0x9: {  	s4 =	sshll.u32 s9, $0x4;
	_ =	strace $0x80000059;
	s24 =	smul.u32 $0xA000, s9  }
0xa: {  	s8 =	ssub.s32 $0x2, s9;
	s9 =	smul.u32 $0xA0000, s9;
	s5 =	sor.u32 s0, s4  }
0xb: {  	s4 =	sadd.s32 $0x9000, s6;
	s12 =	sshrl.u32 s8, $0x1;
	s7 =	smul.u32 $0xA00, s5  }
0xc: {  	s5 =	sadd.s32 $0xED000, s6;
	s8 =	ssub.s32 s8, s12;
	s10 =	sadd.s32 s13, s10  }
0xd: {  	s28 =	sadd.s32 s25, s24;
	s29 =	sadd.s32 s9, s14;
	s13 =	simm.s32 $0x80  }
0xe: {  	s10 =	sshrl.u32 s10, $0x3;
	s8 =	smax.u32 s8, $0x1;
	s12 =	sor.u32 $0x100, s28  }
0xf: {  	s30 =	sadd.s32 s26, s29;
	s7 =	sshrl.u32 s7, $0x3;
	s15 =	sadd.s32 s10, s14  }
0x10: {  	s10 =	sadd.s32 s10, s11;
	s11 =	sadd.s32 s9, s11;
	s9 =	sshrl.u32 s12, $0x3  }
0x11: {  	s31 =	sadd.s32 $0x800, s30;
	s12 =	simm.s32 $0x100;
	s14 =	simm.s32 $0x200  }
0x12: {  	s6 =	sadd.s32 s5, s7;
	s7 =	sadd.s32 s1, s7;
	[dreg:$0x3] =	wrdreg s15  }
0x13: {  	[dreg:$0x4] =	wrdreg s10;
	s11 =	sadd.s32 s26, s11;
	s10 =	sor.u32 $0x80, s28  }
0x14: {  	[dreg:$0x6] =	wrdreg s31;
	s15 =	simm.s32 $0x8200;
	s11 =	sadd.s32 $0x800, s11  }
0x15: {  	s10 =	sshrl.u32 s10, $0x3;
	[dreg:$0x5] =	wrdreg s11;
	s11 =	simm.s32 $0x5  }
.LBB2_1:
0x16: {  	[tilespmem:s3], [sflag:$0x5] =	stream.linear.gather [hbm4b:s6+s3], $0x80, $0x38;
	[tilespmem:$0x10200] =	vst v63  }
0x17: {  	_ =	swait.ge [sflag:s11], $0x80  }
0x18: {  	[sflag:s11] =	ssyncset.done $0x0  }
0x19: {  	[sflag:s11] =	ssyncadd.s32 $0xFFFFFF80  }
0x1a: {  	[tilespmem:s12], [sflag:$0x5] =	stream.linear.gather [hbm4b:s7+s3], $0x80, $0x38;
	[tilespmem:$0x10200] =	vst v63  }
0x1b: {  	_ =	swait.ge [sflag:s11], $0x80  }
0x1c: {  	[sflag:s11] =	ssyncset.done $0x0  }
0x1d: {  	[sflag:s11] =	ssyncadd.s32 $0xFFFFFF80  }
0x1e: {  	[tilespmem:s14], [sflag:$0x1] =	stream.indirect.gather [hbm4b:s4+s13], $0x80, s3, s13, $0xb8;
	[tilespmem:$0x10200] =	vst v63  }
0x1f: {  	_ = 	snop  }
0x20: {  	[tilespmem:s15], [sflag:$0x3] =	stream.indirect.gather [hbm4b:s4+s13], $0x80, s12, s13, $0xb8;
	[tilespmem:$0x10200] =	vst v63  }
0x21: {  	_ =	swait.ge [sflag:s16], $0x4000  }
0x22: {  	[sflag:s16] =	ssyncset.done $0x0  }
0x23: {  	[sflag:s16] =	ssyncadd.s32 $0xFFFFC000  }
0x24: {  	_ =	swait.ge [sflag:s17], $0x4000  }
0x25: {  	[sflag:s17] =	ssyncset.done $0x0  }
0x26: {  	s24 =	sadd.s32 s5, s10;
	[sflag:s17] =	ssyncadd.s32 $0xFFFFC000  }
0x27: {  	[tilespmem:s13], [sflag:$0x5] =	stream.linear.gather [hbm4b:s24+s3], $0x80, $0x38;
	[tilespmem:$0x10200] =	vst v63  }
0x28: {  	_ =	swait.ge [sflag:s11], $0x80  }
0x29: {  	[sflag:s11] =	ssyncset.done $0x0  }
0x2a: {  	s26 =	sadd.s32 s1, s10;
	[sflag:s11] =	ssyncadd.s32 $0xFFFFFF80  }
0x2b: {  	[tilespmem:s18], [sflag:$0x5] =	stream.linear.gather [hbm4b:s26+s3], $0x80, $0x38;
	[tilespmem:$0x10200] =	vst v63  }
0x2c: {  	_ =	swait.ge [sflag:s11], $0x80  }
0x2d: {  	[sflag:s11] =	ssyncset.done $0x0  }
0x2e: {  	[sflag:s11] =	ssyncadd.s32 $0xFFFFFF80  }
0x2f: {  	[tilespmem:s19], [sflag:$0x2] =	stream.indirect.gather [hbm4b:s4+s13], $0x80, s13, s13, $0xb8;
	[tilespmem:$0x10200] =	vst v63  }
0x30: {  	s28 =	rddreg [dreg:$0x4]  }
0x31: {  	[tilespmem:s20], [sflag:$0x4] =	stream.indirect.gather [hbm4b:s4+s13], $0x80, s18, s13, $0xb8;
	[tilespmem:$0x10200] =	vst v63  }
0x32: {  	s24 =	sadd.s32 $0x0, s28  }
0x33: {  	[hbm4b:s24+s3] =	stream.linear.scatter [tilespmem:s14], [sflag:$0x5], $0x4000, $0x38;
	[tilespmem:$0x10200] =	vst v63  }
0x34: {  	_ =	swait.ge [sflag:s11], $0x4000  }
0x35: {  	s29 =	rddreg [dreg:$0x3];
	[sflag:s11] =	ssyncset.done $0x0  }
0x36: {  	[sflag:s11] =	ssyncadd.s32 $0xFFFFC000;
	s24 =	sadd.s32 $0x0, s29  }
0x37: {  	[hbm4b:s24+s3] =	stream.linear.scatter [tilespmem:s15], [sflag:$0x5], $0x4000, $0x38;
	[tilespmem:$0x10200] =	vst v63  }
0x38: {  	_ =	swait.ge [sflag:s11], $0x4000  }
0x39: {  	[sflag:s11] =	ssyncset.done $0x0  }
0x3a: {  	[sflag:s11] =	ssyncadd.s32 $0xFFFFC000  }
0x3b: {  	_ =	swait.ge [sflag:s21], $0x4000  }
0x3c: {  	[sflag:s21] =	ssyncset.done $0x0  }
0x3d: {  	[sflag:s21] =	ssyncadd.s32 $0xFFFFC000  }
0x3e: {  	p0 =	por $0x0, $0x0;
	_ =	swait.ge [sflag:s22], $0x4000  }
0x3f: {  	s25 =	simm.s32 @!p0 $0x0;
	[sflag:s22] =	ssyncset.done $0x0  }
0x40: {  	s26 =	simm.s32 @!p0 $0x5;
	s24 =	sadd.s32 @!p0 s5, s9;
	[sflag:s22] =	ssyncadd.s32 $0xFFFFC000  }
0x41: {  	[tilespmem:s25], [sflag:$0x5] =	stream.linear.gather @!p0 [hbm4b:s24+s25], $0x80, $0x38;
	[tilespmem:$0x10200] =	vst v63  }
0x42: {  	_ =	swait.ge @!p0 [sflag:s26], $0x80  }
0x43: {  	[sflag:s26] =	ssyncset.done @!p0 $0x0  }
0x44: {  	s28 =	simm.s32 @!p0 $0x100;
	s24 =	sadd.s32 @!p0 s1, s9;
	[sflag:s26] =	ssyncadd.s32 @!p0 $0xFFFFFF80  }
0x45: {  	[tilespmem:s28], [sflag:$0x5] =	stream.linear.gather @!p0 [hbm4b:s24+s25], $0x80, $0x38;
	[tilespmem:$0x10200] =	vst v63  }
0x46: {  	_ =	swait.ge @!p0 [sflag:s26], $0x80  }
0x47: {  	[sflag:s26] =	ssyncset.done @!p0 $0x0  }
0x48: {  	s24 =	simm.s32 @!p0 $0x200;
	[sflag:s26] =	ssyncadd.s32 @!p0 $0xFFFFFF80;
	s26 =	simm.s32 @!p0 $0x80  }
0x49: {  	[tilespmem:s24], [sflag:$0x1] =	stream.indirect.gather @!p0 [hbm4b:s4+s26], $0x80, s25, s26, $0xb8;
	[tilespmem:$0x10200] =	vst v63  }
0x4a: {  	s29 =	rddreg [dreg:$0x5];
	s24 =	simm.s32 @!p0 $0x8200  }
0x4b: {  	[tilespmem:s24], [sflag:$0x3] =	stream.indirect.gather @!p0 [hbm4b:s4+s26], $0x80, s28, s26, $0xb8;
	[tilespmem:$0x10200] =	vst v63  }
0x4c: {  	s30 =	sadd.s32 $0x0, s29  }
0x4d: {  	[hbm4b:s30+s3] =	stream.linear.scatter [tilespmem:s19], [sflag:$0x5], $0x4000, $0x38;
	[tilespmem:$0x10200] =	vst v63  }
0x4e: {  	_ =	swait.ge [sflag:s11], $0x4000  }
0x4f: {  	s31 =	rddreg [dreg:$0x6];
	[sflag:s11] =	ssyncset.done $0x0  }
0x50: {  	s25 =	sadd.s32 $0x20, s5;
	[sflag:s11] =	ssyncadd.s32 $0xFFFFC000;
	s24 =	sadd.s32 $0x0, s31  }
0x51: {  	[hbm4b:s24+s3] =	stream.linear.scatter [tilespmem:s20], [sflag:$0x5], $0x4000, $0x38;
	[tilespmem:$0x10200] =	vst v63  }
0x52: {  	s26 =	smov.u32 s1;
	s24 =	simm.s32 $0x1000;
	_ =	swait.ge [sflag:s11], $0x4000  }
.LBB2_2:
0x53: {  	[sflag:s11] =	ssyncset.done $0x0  }
0x54: {  	[sflag:s11] =	ssyncadd.s32 $0xFFFFC000  }
0x55: {  	_ =	swait.ge [sflag:s16], $0x4000  }
0x56: {  	[sflag:s16] =	ssyncset.done $0x0  }
0x57: {  	[sflag:s16] =	ssyncadd.s32 $0xFFFFC000  }
0x58: {  	_ =	swait.ge [sflag:s17], $0x4000  }
0x59: {  	[sflag:s17] =	ssyncset.done $0x0  }
0x5a: {  	s29 =	sadd.s32 s25, s10;
	[sflag:s17] =	ssyncadd.s32 $0xFFFFC000  }
0x5b: {  	[tilespmem:s13], [sflag:$0x5] =	stream.linear.gather [hbm4b:s29+s3], $0x80, $0x38;
	[tilespmem:$0x10200] =	vst v63  }
0x5c: {  	_ =	swait.ge [sflag:s11], $0x80  }
0x5d: {  	s26 =	sadd.s32 $0x20, s26;
	[sflag:s11] =	ssyncset.done $0x0  }
0x5e: {  	s31 =	sadd.s32 s26, s10;
	[sflag:s11] =	ssyncadd.s32 $0xFFFFFF80  }
0x5f: {  	[tilespmem:s18], [sflag:$0x5] =	stream.linear.gather [hbm4b:s31+s3], $0x80, $0x38;
	[tilespmem:$0x10200] =	vst v63  }
0x60: {  	_ =	swait.ge [sflag:s11], $0x80  }
0x61: {  	[sflag:s11] =	ssyncset.done $0x0  }
0x62: {  	[sflag:s11] =	ssyncadd.s32 $0xFFFFFF80  }
0x63: {  	[tilespmem:s19], [sflag:$0x2] =	stream.indirect.gather [hbm4b:s4+s13], $0x80, s13, s13, $0xb8;
	[tilespmem:$0x10200] =	vst v63  }
0x64: {  	s28 =	smov.u32 s24;
	s0 =	rddreg [dreg:$0x4]  }
0x65: {  	[tilespmem:s20], [sflag:$0x4] =	stream.indirect.gather [hbm4b:s4+s13], $0x80, s18, s13, $0xb8;
	[tilespmem:$0x10200] =	vst v63  }
0x66: {  	s29 =	sadd.s32 s28, s0  }
0x67: {  	[hbm4b:s29+s3] =	stream.linear.scatter [tilespmem:s14], [sflag:$0x5], $0x4000, $0x38;
	[tilespmem:$0x10200] =	vst v63  }
0x68: {  	_ =	swait.ge [sflag:s11], $0x4000  }
0x69: {  	s2 =	rddreg [dreg:$0x3];
	[sflag:s11] =	ssyncset.done $0x0  }
0x6a: {  	[sflag:s11] =	ssyncadd.s32 $0xFFFFC000;
	s29 =	sadd.s32 s28, s2  }
0x6b: {  	[hbm4b:s29+s3] =	stream.linear.scatter [tilespmem:s15], [sflag:$0x5], $0x4000, $0x38;
	[tilespmem:$0x10200] =	vst v63  }
0x6c: {  	_ =	swait.ge [sflag:s11], $0x4000  }
0x6d: {  	[sflag:s11] =	ssyncset.done $0x0  }
0x6e: {  	[sflag:s11] =	ssyncadd.s32 $0xFFFFC000  }
0x6f: {  	_ =	swait.ge [sflag:s21], $0x4000  }
0x70: {  	[sflag:s21] =	ssyncset.done $0x0  }
0x71: {  	[sflag:s21] =	ssyncadd.s32 $0xFFFFC000  }
0x72: {  	p1 =	seq.s32 s28, $0x9000;
	_ =	swait.ge [sflag:s22], $0x4000  }
0x73: {  	s30 =	simm.s32 @!p1 $0x0;
	[sflag:s22] =	ssyncset.done $0x0  }
0x74: {  	s31 =	simm.s32 @!p1 $0x5;
	s29 =	sadd.s32 @!p1 s25, s9;
	[sflag:s22] =	ssyncadd.s32 $0xFFFFC000  }
0x75: {  	[tilespmem:s30], [sflag:$0x5] =	stream.linear.gather @!p1 [hbm4b:s29+s30], $0x80, $0x38;
	[tilespmem:$0x10200] =	vst v63  }
0x76: {  	_ =	swait.ge @!p1 [sflag:s31], $0x80  }
0x77: {  	[sflag:s31] =	ssyncset.done @!p1 $0x0  }
0x78: {  	s0 =	simm.s32 @!p1 $0x100;
	s29 =	sadd.s32 @!p1 s26, s9;
	[sflag:s31] =	ssyncadd.s32 @!p1 $0xFFFFFF80  }
0x79: {  	[tilespmem:s0], [sflag:$0x5] =	stream.linear.gather @!p1 [hbm4b:s29+s30], $0x80, $0x38;
	[tilespmem:$0x10200] =	vst v63  }
0x7a: {  	_ =	swait.ge @!p1 [sflag:s31], $0x80  }
0x7b: {  	[sflag:s31] =	ssyncset.done @!p1 $0x0  }
0x7c: {  	s29 =	simm.s32 @!p1 $0x200;
	[sflag:s31] =	ssyncadd.s32 @!p1 $0xFFFFFF80;
	s31 =	simm.s32 @!p1 $0x80  }
0x7d: {  	[tilespmem:s29], [sflag:$0x1] =	stream.indirect.gather @!p1 [hbm4b:s4+s31], $0x80, s30, s31, $0xb8;
	[tilespmem:$0x10200] =	vst v63  }
0x7e: {  	s24 =	sadd.s32 $0x1000, s24;
	s2 =	rddreg [dreg:$0x5];
	s29 =	simm.s32 @!p1 $0x8200  }
0x7f: {  	[tilespmem:s29], [sflag:$0x3] =	stream.indirect.gather @!p1 [hbm4b:s4+s31], $0x80, s0, s31, $0xb8;
	[tilespmem:$0x10200] =	vst v63  }
0x80: {  	p0 =	sne.s32 s24, $0xA000;
	s30 =	sadd.s32 s28, s2  }
0x81: {  	[hbm4b:s30+s3] =	stream.linear.scatter [tilespmem:s19], [sflag:$0x5], $0x4000, $0x38;
	[tilespmem:$0x10200] =	vst v63  }
.Ltmp0:
0x82: {  	_ =	swait.ge [sflag:s11], $0x4000;
	(pc) =	sbr.rel @p0 .LBB2_2-.Ltmp0, $4  }
0x83: {  	s31 =	rddreg [dreg:$0x6];
	[sflag:s11] =	ssyncset.done $0x0  }
0x84: {  	[sflag:s11] =	ssyncadd.s32 $0xFFFFC000;
	s0 =	sadd.s32 s28, s31  }
0x85: {  	[hbm4b:s0+s3] =	stream.linear.scatter [tilespmem:s20], [sflag:$0x5], $0x4000, $0x38;
	[tilespmem:$0x10200] =	vst v63  }
0x86: {  	s25 =	sadd.s32 $0x20, s25;
	_ =	swait.ge [sflag:s11], $0x4000  }
0x87: {  	s23 =	sadd.s32 $0x1, s23  }
0x88: {  	p0 =	sne.s32 s23, s8  }
.Ltmp1:
0x89: {  	_ = 	snop;
	(pc) =	sbr.rel @p0 .LBB2_1-.Ltmp1, $3  }
0x8a: {  	_ =	sdelay $0x1  }
0x8b: {  	[sflag:s11] =	ssyncset.done $0x0  }
0x8c: {  	[sflag:s11] =	ssyncadd.s32 $0xFFFFC000  }
0x8d: {  	_ =	sfence.sel $0x180000  }
0x8e: {  	[bflag:$0x0] =	sbarrier.arrive $0xFFFF  }
0x8f: {  	_ =	strace $0x90000059  }
0x90: {  	s0 =	stileid.u32;
	[bflag:$0x2] =	sbarrier.arrive $0xFFFF  }
0x91: {  	p0 =	sne.s32 s0, $0x0;
	s0 =	rddreg [dreg:$0x2]  }
0x92: {  	s0 =	sadd.s32 @!p0 $0x100000, s0  }
0x93: {  	[sflag:s0] =	ssyncadd.tile.s32 @!p0 $0x1;
	_ =	shalt  }
.Lfunc_end2:
_tile_overlayer_lowered:
.L_overlay_start_2:
0x94: {  	(tag) =	ssettag $0x2  }
0x95: {  	s0 =	rddreg [dreg:$0x0];
	s2 =	stileid.u32  }
0x96: {  	s1 =	rddreg [dreg:$0x1];
	p0 =	sne.s32 s2, $0x0  }
0x97: {  	s3 =	rddreg [dreg:$0x2];
	[bflag:$0x3] =	sbarrier.arrive $0xFFFF;
	s2 =	simm.s32 @!p0 $0x1C05  }
0x98: {  	[timem:s3], [sflag:s2] =	dma.local @!p0 [hbm:s0], s1  }
0x99: {  	s0 =	simm.s32 @!p0 $0x5  }
0x9a: {  	_ =	swait.ge @!p0 [sflag:s0], s1  }
0x9b: {  	s1 =	ssub.s32 @!p0 $0x0, s1;
	[sflag:s0] =	ssyncset.done @!p0 $0x0  }
0x9c: {  	[sflag:s0] =	ssyncadd.s32 @!p0 s1  }
0x9d: {  	[bflag:$0x3] =	sbarrier.arrive $0xFFFF  }
0x9e: {  	_ =	shalt  }

// kernel: kernel.38.cloned.1.call-start
scs
__scs_entry_jumppad:
0x0: {  	(pc) =	sbr.rel $0x88, $3  }
0x1: {  	(tag) =	ssettag $0x0;
	lr =	simm.s32 $0x1  }
0x2: {  	[smem:$0x3F73] =	sst lr;
	_ =	strace $0xD0000000  }
0x3: {  	_ = 	snop  }
0x4: {  	_ = 	snop  }
0x5: {  	_ = 	snop  }
0x6: {  	_ = 	snop  }
0x7: {  	_ = 	snop  }
__scs_overlays_trampoline_lowered:
0x8: {  	[smem:$0x3F82] =	sst s0  }
0x9: {  	[smem:$0x3F83] =	sst s1  }
0xa: {  	[smem:$0x3F84] =	sst s2  }
0xb: {  	[smem:$0x3F85] =	sst s3  }
0xc: {  	[smem:$0x3F86] =	sst s4  }
0xd: {  	[smem:$0x3F87] =	sst s5  }
0xe: {  	[smem:$0x3F88] =	sst s6  }
0xf: {  	[smem:$0x3F89] =	sst s7  }
0x10: {  	[smem:$0x3F8A] =	sst s8  }
0x11: {  	[smem:$0x3F8B] =	sst s9;
	s0 =	simm.s32 @!p0 $0x0  }
0x12: {  	s1 =	sld [smem:$0x3F71];
	s0 =	simm.s32 @p0 $0x1  }
0x13: {  	[smem:$0x3F8C] =	sst s0;
	s0 =	simm.s32 @!p1 $0x0  }
0x14: {  	s2 =	sld [smem:$0x3F70];
	s0 =	simm.s32 @p1 $0x1  }
0x15: {  	[smem:$0x3F8D] =	sst s0;
	s0 =	simm.s32 @!p2 $0x0  }
0x16: {  	s3 =	sld [smem:$0x3FDB];
	s0 =	simm.s32 @p2 $0x1  }
0x17: {  	s4 =	simm.s32 $0x1BF5;
	[smem:$0x3F8F] =	sst s0  }
0x18: {  	s0 =	sld [smem:$0x3F72];
	_ =	swait.ge [sflag:s4], $0x0  }
0x19: {  	s7 =	sld [smem:$0x3F73]  }
0x1a: {  	s8 =	sadd.s32 $0xFFFFE003, lr  }
0x1b: {  	s9 =	sadd.s32 $0xFFFFFEF7, lr;
	s5 =	simm.s32 $0xFFFFFFFF;
	p2 =	slt.u32 s8, $0xFFFFF086  }
0x1c: {  	p1 =	slt.u32 s9, $0xF7A;
	s5 =	simm.s32 @!p2 $0x0  }
0x1d: {  	s5 =	simm.s32 @p1 $0x1;
	p0 =	seq.s32 s7, s2  }
0x1e: {  	s7 =	smul.u32 @!p0 $0xF7A, s2;
	p2 =	seq.s32 @!p0 s5, $0x0  }
0x1f: {  	s9 =	smul.u32 $0xF7A, s1;
	s8 =	simm.s32 @!p0 $0x1BF5;
	p2 =	por !p2, p0  }
0x20: {  	[sflag:s8] =	ssyncset.s32 @!p0 $0xFFFFF086;
	s6 =	sadd.s32 @!p0 s3, s7;
	s7 =	simm.s32 @!p0 $0x108  }
0x21: {  	s3 =	sadd.s32 s3, s9;
	s6 =	sadd.s32 @!p0 $0x88, s6;
	s7 =	simm.s32 @p2 $0x1082  }
0x22: {  	[simem:s7], [sflag:s8] =	dma.local @!p0 [hbm:s6], $0xF7A  }
0x23: {  	s9 =	sor.u32 $0xD0000000, s2;
	s6 =	simm.s32 $0x108;
	_ =	swait.ge @!p0 [sflag:s8], $0x0  }
0x24: {  	s3 =	sadd.s32 $0x88, s3;
	s6 =	simm.s32 @!p1 $0x1082;
	[sflag:s4] =	ssyncset.s32 $0xFFFFF086  }
0x25: {  	[simem:s6], [sflag:s4] =	dma.local [hbm:s3], $0xF7A  }
0x26: {  	[smem:$0x3F73] =	sst s1;
	(tag) =	ssettag s2;
	_ =	strace s9  }
0x27: {  	s1 =	sld [smem:$0x3F83]  }
0x28: {  	s2 =	sld [smem:$0x3F84]  }
0x29: {  	s4 =	sld [smem:$0x3F86]  }
0x2a: {  	p0 =	seq.s32 s5, $0x0;
	s5 =	sld [smem:$0x3F87]  }
0x2b: {  	s6 =	sld [smem:$0x3F88]  }
0x2c: {  	s7 =	sld [smem:$0x3F89]  }
0x2d: {  	s3 =	simm.s32 $0x108;
	s8 =	sld [smem:$0x3F8A]  }
0x2e: {  	s3 =	simm.s32 @!p0 $0x1082;
	s9 =	sld [smem:$0x3F8B]  }
0x2f: {  	lr =	sadd.s32 s0, s3;
	s0 =	sld [smem:$0x3F82]  }
0x30: {  	s3 =	sld [smem:$0x3F85]  }
0x31: {  	[smem:$0x3F8E] =	sst s10  }
0x32: {  	s10 =	sld [smem:$0x3F8C];
	_ =	sdelay $0x3  }
0x33: {  	p0 =	seq.s32 s10, $0x1;
	s10 =	sld [smem:$0x3F8E];
	_ =	sdelay $0x3  }
0x34: {  	[smem:$0x3F8E] =	sst s10  }
0x35: {  	s10 =	sld [smem:$0x3F8D];
	_ =	sdelay $0x3  }
0x36: {  	p1 =	seq.s32 s10, $0x1;
	s10 =	sld [smem:$0x3F8E];
	_ =	sdelay $0x3  }
0x37: {  	[smem:$0x3F8E] =	sst s10  }
0x38: {  	s10 =	sld [smem:$0x3F8F]  }
0x39: {  	_ = 	snop;
	(pc) =	sbr.ind lr, $3  }
0x3a: {  	_ = 	snop  }
0x3b: {  	_ = 	snop  }
0x3c: {  	p2 =	seq.s32 s10, $0x1;
	s10 =	sld [smem:$0x3F8E]  }
0x3d: {  	_ =	shalt  }
0x3e: {  	_ =	shalt  }
0x3f: {  	_ =	shalt  }
0x40: {  	_ =	shalt  }
0x41: {  	_ =	shalt  }
0x42: {  	_ =	shalt  }
0x43: {  	_ =	shalt  }
0x44: {  	_ =	shalt  }
0x45: {  	_ =	shalt  }
0x46: {  	_ =	shalt  }
0x47: {  	_ =	shalt  }
0x48: {  	_ =	shalt  }
0x49: {  	_ =	shalt  }
0x4a: {  	_ =	shalt  }
0x4b: {  	_ =	shalt  }
0x4c: {  	_ =	shalt  }
0x4d: {  	_ =	shalt  }
0x4e: {  	_ =	shalt  }
0x4f: {  	_ =	shalt  }
0x50: {  	_ =	shalt  }
0x51: {  	_ =	shalt  }
0x52: {  	_ =	shalt  }
0x53: {  	_ =	shalt  }
0x54: {  	_ =	shalt  }
0x55: {  	_ =	shalt  }
0x56: {  	_ =	shalt  }
0x57: {  	_ =	shalt  }
0x58: {  	_ =	shalt  }
0x59: {  	_ =	shalt  }
0x5a: {  	_ =	shalt  }
0x5b: {  	_ =	shalt  }
0x5c: {  	_ =	shalt  }
0x5d: {  	_ =	shalt  }
0x5e: {  	_ =	shalt  }
0x5f: {  	_ =	shalt  }
0x60: {  	_ =	shalt  }
0x61: {  	_ =	shalt  }
0x62: {  	_ =	shalt  }
0x63: {  	_ =	shalt  }
0x64: {  	_ =	shalt  }
0x65: {  	_ =	shalt  }
0x66: {  	_ =	shalt  }
0x67: {  	_ =	shalt  }
0x68: {  	_ =	shalt  }
0x69: {  	_ =	shalt  }
0x6a: {  	_ =	shalt  }
0x6b: {  	_ =	shalt  }
0x6c: {  	_ =	shalt  }
0x6d: {  	_ =	shalt  }
0x6e: {  	_ =	shalt  }
0x6f: {  	_ =	shalt  }
0x70: {  	_ =	shalt  }
0x71: {  	_ =	shalt  }
0x72: {  	_ =	shalt  }
0x73: {  	_ =	shalt  }
0x74: {  	_ =	shalt  }
0x75: {  	_ =	shalt  }
0x76: {  	_ =	shalt  }
0x77: {  	_ =	shalt  }
0x78: {  	_ =	shalt  }
0x79: {  	_ =	shalt  }
0x7a: {  	_ =	shalt  }
0x7b: {  	_ =	shalt  }
0x7c: {  	_ =	shalt  }
0x7d: {  	_ =	shalt  }
0x7e: {  	_ =	shalt  }
0x7f: {  	_ =	shalt  }
0x80: {  	_ =	shalt  }
0x81: {  	_ =	shalt  }
0x82: {  	_ =	shalt  }
0x83: {  	_ =	shalt  }
0x84: {  	_ =	shalt  }
0x85: {  	_ =	shalt  }
0x86: {  	_ =	shalt  }
0x87: {  	_ =	shalt  }
.Lfunc_end0:
.L_simem_size_0:
called_computation.6_lowered:
.L_overlay_start_0:
0x88: {  	s2 =	sld [smem:$0x3FD9]  }
0x89: {  	s3 =	sld [smem:$0x3FFE];
	_ =	sdelay $0x1  }
0x8a: {  	s1 =	srdreg.scid  }
0x8b: {  	s0 =	sand.u32 $0x1, s1  }
0x8c: {  	s15 =	sshll.u32 s0, $0xA;
	s2 =	sadd.s32 s3, s2  }
0x8d: {  	s2 =	sadd.s32 s2, s15  }
0x8e: {  	[smem:$0x3F9A] =	sst s2  }
0x8f: {  	_ = 	snop  }
0x90: {  	s2 =	sld [smem:$0x3FD0];
	_ =	sdelay $0x2  }
0x91: {  	s16 =	simm.s32 $0xD;
	s4 =	simm.s32 $0x10  }
0x92: {  	[smem:s4], [sflag:s16] =	dma.local [hbm:s2], $0x1  }
0x93: {  	_ =	swait.eq [sflag:s16], $0x1  }
0x94: {  	[sflag:s16] =	ssyncset.done $0x0  }
0x95: {  	[sflag:s16] =	ssyncadd.s32 $0xFFFFFFFF  }
0x96: {  	s17 =	sld [smem:$0x12];
	(tm) =	ssettm $0x1  }
0x97: {  	s18 =	sld [smem:$0x3FFB];
	_ =	sdelay $0x3  }
0x98: {  	_ =	strace s18  }
0x99: {  	s2 =	sld [smem:$0x3FFC];
	_ =	sdelay $0x3  }
0x9a: {  	_ =	strace s2  }
0x9b: {  	s2 =	sld [smem:$0x3FFD];
	_ =	sdelay $0x3  }
0x9c: {  	_ =	strace s2  }
0x9d: {  	_ =	strace $0x8FFFFFFF  }
0x9e: {  	s19 =	sld [smem:$0x3FDB];
	_ =	sdelay $0x1  }
0x9f: {  	s20 =	simm.s32 $_scs_section_size  }
0xa0: {  	s5 =	simm.s32 $_size__tile_overlayer_lowered;
	s6 =	simm.s32 $_tile_overlayer_lowered  }
0xa1: {  	s7 =	simm.s32 $0x1BFF;
	s21 =	sshll.u32 s6, $0x1;
	s4 =	sadd.s32 s20, s19  }
0xa2: {  	s22 =	simm.s32 $0x0;
	s5 =	sshll.u32 s5, $0x1;
	s6 =	sadd.s32 s21, s4  }
0xa3: {  	[timem:s22], [sflag:s7] =	dma.local [hbm:s6], s5  }
0xa4: {  	_ =	swait.ge [sflag:s7], s5  }
0xa5: {  	s5 =	ssub.s32 $0x0, s5;
	[sflag:s7] =	ssyncset.done $0x0  }
0xa6: {  	[sflag:s7] =	ssyncadd.s32 s5;
	_ =	sdelay $0x1  }
0xa7: {  	s23 =	simm.s32 $0x1B8B  }
0xa8: {  	_ =	swait.ge [sflag:s23], $0x1  }
0xa9: {  	[sflag:s23] =	ssyncset.done $0x0  }
0xaa: {  	[sflag:s23] =	ssyncadd.s32 $0xFFFFFFFF  }
0xab: {  	s5 =	sld [smem:$0x0]  }
0xac: {  	s6 =	sand.u32 $0xFFFFFFFE, s1  }
0xad: {  	p0 =	sne.s32 s1, s6  }
0xae: {  	s6 =	sshll.u32 @p0 s6, $0xE  }
0xaf: {  	s6 =	sadd.s32 @p0 $0x11B8D, s6;
	s7 =	sshll.u32 @p0 s5, $0x11  }
0xb0: {  	s6 =	sor.u32 @p0 s7, s6  }
0xb1: {  	[sflag:s6] =	ssyncadd.remote.s32 @p0 $0x1;
	_ =	sdelay $0x1  }
0xb2: {  	s6 =	simm.s32 @p0 $0x1B8D  }
0xb3: {  	_ =	swait.eq @p0 [sflag:s6], $0x1  }
0xb4: {  	[sflag:s6] =	ssyncadd.s32 @p0 $0xFFFFFFFF  }
0xb5: {  	s7 =	sshll.u32 @!p0 s1, $0xE  }
0xb6: {  	s7 =	sor.u32 @!p0 $0x4000, s7;
	s6 =	simm.s32 @!p0 $0x1B8D  }
0xb7: {  	s5 =	sshll.u32 @!p0 s5, $0x11;
	s7 =	sadd.s32 @!p0 $0x11B8D, s7;
	_ =	swait.eq @!p0 [sflag:s6], $0x1  }
0xb8: {  	s5 =	sor.u32 @!p0 s5, s7;
	[sflag:s6] =	ssyncadd.s32 @!p0 $0xFFFFFFFF  }
0xb9: {  	s25 =	simm.s32 $0x1B8E;
	s24 =	sld [smem:$0x3FFE];
	[sflag:s5] =	ssyncadd.remote.s32 @!p0 $0x1  }
0xba: {  	s26 =	simm.s32 $execute0_lowered;
	[smem:$0x3FD2] =	sst s25  }
0xbb: {  	s6 =	sshll.u32 s26, $0x1;
	_ =	strace $0x80000055;
	[dreg:$0x1] =	wrdreg $0xFFFFFFFF  }
0xbc: {  	s28 =	simm.s32 $_size_execute0_lowered;
	s4 =	sadd.s32 s4, s6;
	[dreg:$0x0] =	wrdreg $0x0  }
0xbd: {  	s6 =	sshll.u32 s28, $0x1;
	[dreg:$0x2] =	wrdreg s4  }
0xbe: {  	[dreg:$0x3] =	wrdreg s6  }
0xbf: {  	[dreg:$0x4] =	wrdreg $0xC0  }
0xc0: {  	_ =	task [dreg:s22], $0x5FFFF  }
0xc1: {  	[dreg:$0x1] =	wrdreg $0xFFFFFFFF  }
0xc2: {  	[dreg:$0x0] =	wrdreg $0x60  }
0xc3: {  	[dreg:$0x2] =	wrdreg s24  }
0xc4: {  	[dreg:$0x3] =	wrdreg s17  }
0xc5: {  	[dreg:$0x4] =	wrdreg $0xB  }
0xc6: {  	_ =	task.clear_ibuf [dreg:s22], $0x5FFFF;
	_ =	strace $0x90000055  }
0xc7: {  	s29 =	simm.s32 $0xB;
	_ =	strace $0x80000057  }
0xc8: {  	_ =	swait.ge [sflag:s29], $0x1  }
0xc9: {  	[sflag:s29] =	ssyncadd.s32 $0xFFFFFFFF  }
0xca: {  	_ =	strace $0x90000057  }
0xcb: {  	_ =	sfence  }
0xcc: {  	s30 =	sld [smem:$0x0];
	_ =	sdelay $0x2  }
0xcd: {  	s31 =	sshll.u32 s1, $0xD;
	s1 =	sshrl.u32 s1, $0x2  }
0xce: {  	s4 =	sand.u32 $0x4000, s31;
	s1 =	sadd.s32 s1, s30  }
0xcf: {  	s0 =	sor.u32 s4, s0;
	s1 =	sshll.u32 s1, $0x11  }
0xd0: {  	s0 =	sor.u32 s1, s0  }
0xd1: {  	s0 =	sadd.s32 $0x8F2B, s0  }
0xd2: {  	[sflag:s0] =	ssyncadd.remote.s32 $0x1  }
0xd3: {  	_ =	sfence.sel $0xFFFF  }
0xd4: {  	[dreg:$0x0] =	wrdreg $0xFFFFFFFF;
	(pc) =	sbr.abs _section_cstart, $3  }
0xd5: {  	[dreg:$0x1] =	wrdreg $0xFFFFFFFF  }
0xd6: {  	_ =	task.clear_ibuf [dreg:s22], $0x2FFFF;
	_ =	strace $0x9FFFFFFF  }
0xd7: {  	(tm) =	ssettm $0x7FFFFFFF  }
tec
execute0_lowered:
.L_overlay_start_1:
0x0: {  	(tag) =	ssettag $0x1  }
0x1: {  	s6 =	rddreg [dreg:$0x0]  }
0x2: {  	s1 =	rddreg [dreg:$0x1];
	s2 =	srdreg.scid  }
0x3: {  	s3 =	simm.s32 $0x0;
	s0 =	stileid.u32;
	s16 =	simm.s32 $0x1  }
0x4: {  	s17 =	simm.s32 $0x3;
	s18 =	simm.s32 $0x180;
	s19 =	simm.s32 $0x4200  }
0x5: {  	s20 =	simm.s32 $0xC200;
	s21 =	simm.s32 $0x2;
	s13 =	smul.u32 $0x50000, s0  }
0x6: {  	s22 =	simm.s32 $0x4;
	s23 =	simm.s32 $0x0;
	s25 =	smul.u32 $0xA00, s0  }
0x7: {  	s9 =	sand.u32 $0x1, s2;
	s11 =	sadd.s32 $0x36F800, s6;
	s26 =	smul.u32 $0xA000, s0  }
0x8: {  	[smem:$0x7FF] =	sst s3;
	s14 =	sadd.s32 $0x4AF800, s6;
	s10 =	smul.u32 $0x500000, s9  }
0x9: {  	s4 =	sshll.u32 s9, $0x4;
	_ =	strace $0x80000056;
	s24 =	smul.u32 $0xA000, s9  }
0xa: {  	s8 =	ssub.s32 $0x2, s9;
	s9 =	smul.u32 $0xA0000, s9;
	s5 =	sor.u32 s0, s4  }
0xb: {  	s4 =	sadd.s32 $0x9000, s6;
	s12 =	sshrl.u32 s8, $0x1;
	s7 =	smul.u32 $0xA00, s5  }
0xc: {  	s5 =	sadd.s32 $0xEA800, s6;
	s8 =	ssub.s32 s8, s12;
	s10 =	sadd.s32 s13, s10  }
0xd: {  	s28 =	sadd.s32 s25, s24;
	s29 =	sadd.s32 s9, s14;
	s13 =	simm.s32 $0x80  }
0xe: {  	s10 =	sshrl.u32 s10, $0x3;
	s8 =	smax.u32 s8, $0x1;
	s12 =	sor.u32 $0x100, s28  }
0xf: {  	s30 =	sadd.s32 s26, s29;
	s7 =	sshrl.u32 s7, $0x3;
	s15 =	sadd.s32 s10, s14  }
0x10: {  	s10 =	sadd.s32 s10, s11;
	s11 =	sadd.s32 s9, s11;
	s9 =	sshrl.u32 s12, $0x3  }
0x11: {  	s31 =	sadd.s32 $0x800, s30;
	s12 =	simm.s32 $0x100;
	s14 =	simm.s32 $0x200  }
0x12: {  	s6 =	sadd.s32 s5, s7;
	s7 =	sadd.s32 s1, s7;
	[dreg:$0x3] =	wrdreg s15  }
0x13: {  	[dreg:$0x4] =	wrdreg s10;
	s11 =	sadd.s32 s26, s11;
	s10 =	sor.u32 $0x80, s28  }
0x14: {  	[dreg:$0x6] =	wrdreg s31;
	s15 =	simm.s32 $0x8200;
	s11 =	sadd.s32 $0x800, s11  }
0x15: {  	s10 =	sshrl.u32 s10, $0x3;
	[dreg:$0x5] =	wrdreg s11;
	s11 =	simm.s32 $0x5  }
.LBB2_1:
0x16: {  	[tilespmem:s3], [sflag:$0x5] =	stream.linear.gather [hbm4b:s6+s3], $0x80, $0x38;
	[tilespmem:$0x10200] =	vst v63  }
0x17: {  	_ =	swait.ge [sflag:s11], $0x80  }
0x18: {  	[sflag:s11] =	ssyncset.done $0x0  }
0x19: {  	[sflag:s11] =	ssyncadd.s32 $0xFFFFFF80  }
0x1a: {  	[tilespmem:s12], [sflag:$0x5] =	stream.linear.gather [hbm4b:s7+s3], $0x80, $0x38;
	[tilespmem:$0x10200] =	vst v63  }
0x1b: {  	_ =	swait.ge [sflag:s11], $0x80  }
0x1c: {  	[sflag:s11] =	ssyncset.done $0x0  }
0x1d: {  	[sflag:s11] =	ssyncadd.s32 $0xFFFFFF80  }
0x1e: {  	[tilespmem:s14], [sflag:$0x1] =	stream.indirect.gather [hbm4b:s4+s13], $0x80, s3, s13, $0xb8;
	[tilespmem:$0x10200] =	vst v63  }
0x1f: {  	_ = 	snop  }
0x20: {  	[tilespmem:s15], [sflag:$0x3] =	stream.indirect.gather [hbm4b:s4+s13], $0x80, s12, s13, $0xb8;
	[tilespmem:$0x10200] =	vst v63  }
0x21: {  	_ =	swait.ge [sflag:s16], $0x4000  }
0x22: {  	[sflag:s16] =	ssyncset.done $0x0  }
0x23: {  	[sflag:s16] =	ssyncadd.s32 $0xFFFFC000  }
0x24: {  	_ =	swait.ge [sflag:s17], $0x4000  }
0x25: {  	[sflag:s17] =	ssyncset.done $0x0  }
0x26: {  	s24 =	sadd.s32 s5, s10;
	[sflag:s17] =	ssyncadd.s32 $0xFFFFC000  }
0x27: {  	[tilespmem:s13], [sflag:$0x5] =	stream.linear.gather [hbm4b:s24+s3], $0x80, $0x38;
	[tilespmem:$0x10200] =	vst v63  }
0x28: {  	_ =	swait.ge [sflag:s11], $0x80  }
0x29: {  	[sflag:s11] =	ssyncset.done $0x0  }
0x2a: {  	s26 =	sadd.s32 s1, s10;
	[sflag:s11] =	ssyncadd.s32 $0xFFFFFF80  }
0x2b: {  	[tilespmem:s18], [sflag:$0x5] =	stream.linear.gather [hbm4b:s26+s3], $0x80, $0x38;
	[tilespmem:$0x10200] =	vst v63  }
0x2c: {  	_ =	swait.ge [sflag:s11], $0x80  }
0x2d: {  	[sflag:s11] =	ssyncset.done $0x0  }
0x2e: {  	[sflag:s11] =	ssyncadd.s32 $0xFFFFFF80  }
0x2f: {  	[tilespmem:s19], [sflag:$0x2] =	stream.indirect.gather [hbm4b:s4+s13], $0x80, s13, s13, $0xb8;
	[tilespmem:$0x10200] =	vst v63  }
0x30: {  	s28 =	rddreg [dreg:$0x4]  }
0x31: {  	[tilespmem:s20], [sflag:$0x4] =	stream.indirect.gather [hbm4b:s4+s13], $0x80, s18, s13, $0xb8;
	[tilespmem:$0x10200] =	vst v63  }
0x32: {  	s24 =	sadd.s32 $0x0, s28  }
0x33: {  	[hbm4b:s24+s3] =	stream.linear.scatter [tilespmem:s14], [sflag:$0x5], $0x4000, $0x38;
	[tilespmem:$0x10200] =	vst v63  }
0x34: {  	_ =	swait.ge [sflag:s11], $0x4000  }
0x35: {  	s29 =	rddreg [dreg:$0x3];
	[sflag:s11] =	ssyncset.done $0x0  }
0x36: {  	[sflag:s11] =	ssyncadd.s32 $0xFFFFC000;
	s24 =	sadd.s32 $0x0, s29  }
0x37: {  	[hbm4b:s24+s3] =	stream.linear.scatter [tilespmem:s15], [sflag:$0x5], $0x4000, $0x38;
	[tilespmem:$0x10200] =	vst v63  }
0x38: {  	_ =	swait.ge [sflag:s11], $0x4000  }
0x39: {  	[sflag:s11] =	ssyncset.done $0x0  }
0x3a: {  	[sflag:s11] =	ssyncadd.s32 $0xFFFFC000  }
0x3b: {  	_ =	swait.ge [sflag:s21], $0x4000  }
0x3c: {  	[sflag:s21] =	ssyncset.done $0x0  }
0x3d: {  	[sflag:s21] =	ssyncadd.s32 $0xFFFFC000  }
0x3e: {  	p0 =	por $0x0, $0x0;
	_ =	swait.ge [sflag:s22], $0x4000  }
0x3f: {  	s25 =	simm.s32 @!p0 $0x0;
	[sflag:s22] =	ssyncset.done $0x0  }
0x40: {  	s26 =	simm.s32 @!p0 $0x5;
	s24 =	sadd.s32 @!p0 s5, s9;
	[sflag:s22] =	ssyncadd.s32 $0xFFFFC000  }
0x41: {  	[tilespmem:s25], [sflag:$0x5] =	stream.linear.gather @!p0 [hbm4b:s24+s25], $0x80, $0x38;
	[tilespmem:$0x10200] =	vst v63  }
0x42: {  	_ =	swait.ge @!p0 [sflag:s26], $0x80  }
0x43: {  	[sflag:s26] =	ssyncset.done @!p0 $0x0  }
0x44: {  	s28 =	simm.s32 @!p0 $0x100;
	s24 =	sadd.s32 @!p0 s1, s9;
	[sflag:s26] =	ssyncadd.s32 @!p0 $0xFFFFFF80  }
0x45: {  	[tilespmem:s28], [sflag:$0x5] =	stream.linear.gather @!p0 [hbm4b:s24+s25], $0x80, $0x38;
	[tilespmem:$0x10200] =	vst v63  }
0x46: {  	_ =	swait.ge @!p0 [sflag:s26], $0x80  }
0x47: {  	[sflag:s26] =	ssyncset.done @!p0 $0x0  }
0x48: {  	s24 =	simm.s32 @!p0 $0x200;
	[sflag:s26] =	ssyncadd.s32 @!p0 $0xFFFFFF80;
	s26 =	simm.s32 @!p0 $0x80  }
0x49: {  	[tilespmem:s24], [sflag:$0x1] =	stream.indirect.gather @!p0 [hbm4b:s4+s26], $0x80, s25, s26, $0xb8;
	[tilespmem:$0x10200] =	vst v63  }
0x4a: {  	s29 =	rddreg [dreg:$0x5];
	s24 =	simm.s32 @!p0 $0x8200  }
0x4b: {  	[tilespmem:s24], [sflag:$0x3] =	stream.indirect.gather @!p0 [hbm4b:s4+s26], $0x80, s28, s26, $0xb8;
	[tilespmem:$0x10200] =	vst v63  }
0x4c: {  	s30 =	sadd.s32 $0x0, s29  }
0x4d: {  	[hbm4b:s30+s3] =	stream.linear.scatter [tilespmem:s19], [sflag:$0x5], $0x4000, $0x38;
	[tilespmem:$0x10200] =	vst v63  }
0x4e: {  	_ =	swait.ge [sflag:s11], $0x4000  }
0x4f: {  	s31 =	rddreg [dreg:$0x6];
	[sflag:s11] =	ssyncset.done $0x0  }
0x50: {  	s25 =	sadd.s32 $0x20, s5;
	[sflag:s11] =	ssyncadd.s32 $0xFFFFC000;
	s24 =	sadd.s32 $0x0, s31  }
0x51: {  	[hbm4b:s24+s3] =	stream.linear.scatter [tilespmem:s20], [sflag:$0x5], $0x4000, $0x38;
	[tilespmem:$0x10200] =	vst v63  }
0x52: {  	s26 =	smov.u32 s1;
	s24 =	simm.s32 $0x1000;
	_ =	swait.ge [sflag:s11], $0x4000  }
.LBB2_2:
0x53: {  	[sflag:s11] =	ssyncset.done $0x0  }
0x54: {  	[sflag:s11] =	ssyncadd.s32 $0xFFFFC000  }
0x55: {  	_ =	swait.ge [sflag:s16], $0x4000  }
0x56: {  	[sflag:s16] =	ssyncset.done $0x0  }
0x57: {  	[sflag:s16] =	ssyncadd.s32 $0xFFFFC000  }
0x58: {  	_ =	swait.ge [sflag:s17], $0x4000  }
0x59: {  	[sflag:s17] =	ssyncset.done $0x0  }
0x5a: {  	s29 =	sadd.s32 s25, s10;
	[sflag:s17] =	ssyncadd.s32 $0xFFFFC000  }
0x5b: {  	[tilespmem:s13], [sflag:$0x5] =	stream.linear.gather [hbm4b:s29+s3], $0x80, $0x38;
	[tilespmem:$0x10200] =	vst v63  }
0x5c: {  	_ =	swait.ge [sflag:s11], $0x80  }
0x5d: {  	s26 =	sadd.s32 $0x20, s26;
	[sflag:s11] =	ssyncset.done $0x0  }
0x5e: {  	s31 =	sadd.s32 s26, s10;
	[sflag:s11] =	ssyncadd.s32 $0xFFFFFF80  }
0x5f: {  	[tilespmem:s18], [sflag:$0x5] =	stream.linear.gather [hbm4b:s31+s3], $0x80, $0x38;
	[tilespmem:$0x10200] =	vst v63  }
0x60: {  	_ =	swait.ge [sflag:s11], $0x80  }
0x61: {  	[sflag:s11] =	ssyncset.done $0x0  }
0x62: {  	[sflag:s11] =	ssyncadd.s32 $0xFFFFFF80  }
0x63: {  	[tilespmem:s19], [sflag:$0x2] =	stream.indirect.gather [hbm4b:s4+s13], $0x80, s13, s13, $0xb8;
	[tilespmem:$0x10200] =	vst v63  }
0x64: {  	s28 =	smov.u32 s24;
	s0 =	rddreg [dreg:$0x4]  }
0x65: {  	[tilespmem:s20], [sflag:$0x4] =	stream.indirect.gather [hbm4b:s4+s13], $0x80, s18, s13, $0xb8;
	[tilespmem:$0x10200] =	vst v63  }
0x66: {  	s29 =	sadd.s32 s28, s0  }
0x67: {  	[hbm4b:s29+s3] =	stream.linear.scatter [tilespmem:s14], [sflag:$0x5], $0x4000, $0x38;
	[tilespmem:$0x10200] =	vst v63  }
0x68: {  	_ =	swait.ge [sflag:s11], $0x4000  }
0x69: {  	s2 =	rddreg [dreg:$0x3];
	[sflag:s11] =	ssyncset.done $0x0  }
0x6a: {  	[sflag:s11] =	ssyncadd.s32 $0xFFFFC000;
	s29 =	sadd.s32 s28, s2  }
0x6b: {  	[hbm4b:s29+s3] =	stream.linear.scatter [tilespmem:s15], [sflag:$0x5], $0x4000, $0x38;
	[tilespmem:$0x10200] =	vst v63  }
0x6c: {  	_ =	swait.ge [sflag:s11], $0x4000  }
0x6d: {  	[sflag:s11] =	ssyncset.done $0x0  }
0x6e: {  	[sflag:s11] =	ssyncadd.s32 $0xFFFFC000  }
0x6f: {  	_ =	swait.ge [sflag:s21], $0x4000  }
0x70: {  	[sflag:s21] =	ssyncset.done $0x0  }
0x71: {  	[sflag:s21] =	ssyncadd.s32 $0xFFFFC000  }
0x72: {  	p1 =	seq.s32 s28, $0x9000;
	_ =	swait.ge [sflag:s22], $0x4000  }
0x73: {  	s30 =	simm.s32 @!p1 $0x0;
	[sflag:s22] =	ssyncset.done $0x0  }
0x74: {  	s31 =	simm.s32 @!p1 $0x5;
	s29 =	sadd.s32 @!p1 s25, s9;
	[sflag:s22] =	ssyncadd.s32 $0xFFFFC000  }
0x75: {  	[tilespmem:s30], [sflag:$0x5] =	stream.linear.gather @!p1 [hbm4b:s29+s30], $0x80, $0x38;
	[tilespmem:$0x10200] =	vst v63  }
0x76: {  	_ =	swait.ge @!p1 [sflag:s31], $0x80  }
0x77: {  	[sflag:s31] =	ssyncset.done @!p1 $0x0  }
0x78: {  	s0 =	simm.s32 @!p1 $0x100;
	s29 =	sadd.s32 @!p1 s26, s9;
	[sflag:s31] =	ssyncadd.s32 @!p1 $0xFFFFFF80  }
0x79: {  	[tilespmem:s0], [sflag:$0x5] =	stream.linear.gather @!p1 [hbm4b:s29+s30], $0x80, $0x38;
	[tilespmem:$0x10200] =	vst v63  }
0x7a: {  	_ =	swait.ge @!p1 [sflag:s31], $0x80  }
0x7b: {  	[sflag:s31] =	ssyncset.done @!p1 $0x0  }
0x7c: {  	s29 =	simm.s32 @!p1 $0x200;
	[sflag:s31] =	ssyncadd.s32 @!p1 $0xFFFFFF80;
	s31 =	simm.s32 @!p1 $0x80  }
0x7d: {  	[tilespmem:s29], [sflag:$0x1] =	stream.indirect.gather @!p1 [hbm4b:s4+s31], $0x80, s30, s31, $0xb8;
	[tilespmem:$0x10200] =	vst v63  }
0x7e: {  	s24 =	sadd.s32 $0x1000, s24;
	s2 =	rddreg [dreg:$0x5];
	s29 =	simm.s32 @!p1 $0x8200  }
0x7f: {  	[tilespmem:s29], [sflag:$0x3] =	stream.indirect.gather @!p1 [hbm4b:s4+s31], $0x80, s0, s31, $0xb8;
	[tilespmem:$0x10200] =	vst v63  }
0x80: {  	p0 =	sne.s32 s24, $0xA000;
	s30 =	sadd.s32 s28, s2  }
0x81: {  	[hbm4b:s30+s3] =	stream.linear.scatter [tilespmem:s19], [sflag:$0x5], $0x4000, $0x38;
	[tilespmem:$0x10200] =	vst v63  }
.Ltmp0:
0x82: {  	_ =	swait.ge [sflag:s11], $0x4000;
	(pc) =	sbr.rel @p0 .LBB2_2-.Ltmp0, $4  }
0x83: {  	s31 =	rddreg [dreg:$0x6];
	[sflag:s11] =	ssyncset.done $0x0  }
0x84: {  	[sflag:s11] =	ssyncadd.s32 $0xFFFFC000;
	s0 =	sadd.s32 s28, s31  }
0x85: {  	[hbm4b:s0+s3] =	stream.linear.scatter [tilespmem:s20], [sflag:$0x5], $0x4000, $0x38;
	[tilespmem:$0x10200] =	vst v63  }
0x86: {  	s25 =	sadd.s32 $0x20, s25;
	_ =	swait.ge [sflag:s11], $0x4000  }
0x87: {  	s23 =	sadd.s32 $0x1, s23  }
0x88: {  	p0 =	sne.s32 s23, s8  }
.Ltmp1:
0x89: {  	_ = 	snop;
	(pc) =	sbr.rel @p0 .LBB2_1-.Ltmp1, $3  }
0x8a: {  	_ =	sdelay $0x1  }
0x8b: {  	[sflag:s11] =	ssyncset.done $0x0  }
0x8c: {  	[sflag:s11] =	ssyncadd.s32 $0xFFFFC000  }
0x8d: {  	_ =	sfence.sel $0x180000  }
0x8e: {  	[bflag:$0x0] =	sbarrier.arrive $0xFFFF  }
0x8f: {  	_ =	strace $0x90000056  }
0x90: {  	s0 =	stileid.u32;
	[bflag:$0x2] =	sbarrier.arrive $0xFFFF  }
0x91: {  	p0 =	sne.s32 s0, $0x0;
	s0 =	rddreg [dreg:$0x2]  }
0x92: {  	s0 =	sadd.s32 @!p0 $0x100000, s0  }
0x93: {  	[sflag:s0] =	ssyncadd.tile.s32 @!p0 $0x1;
	_ =	shalt  }
.Lfunc_end2:
_tile_overlayer_lowered:
.L_overlay_start_2:
0x94: {  	(tag) =	ssettag $0x2  }
0x95: {  	s0 =	rddreg [dreg:$0x0];
	s2 =	stileid.u32  }
0x96: {  	s1 =	rddreg [dreg:$0x1];
	p0 =	sne.s32 s2, $0x0  }
0x97: {  	s3 =	rddreg [dreg:$0x2];
	[bflag:$0x3] =	sbarrier.arrive $0xFFFF;
	s2 =	simm.s32 @!p0 $0x1C05  }
0x98: {  	[timem:s3], [sflag:s2] =	dma.local @!p0 [hbm:s0], s1  }
0x99: {  	s0 =	simm.s32 @!p0 $0x5  }
0x9a: {  	_ =	swait.ge @!p0 [sflag:s0], s1  }
0x9b: {  	s1 =	ssub.s32 @!p0 $0x0, s1;
	[sflag:s0] =	ssyncset.done @!p0 $0x0  }
0x9c: {  	[sflag:s0] =	ssyncadd.s32 @!p0 s1  }
0x9d: {  	[bflag:$0x3] =	sbarrier.arrive $0xFFFF  }
0x9e: {  	_ =	shalt  }

// kernel: kernel.41.cloned.1.call-start
scs
__scs_entry_jumppad:
0x0: {  	(pc) =	sbr.rel $0x88, $3  }
0x1: {  	(tag) =	ssettag $0x0;
	lr =	simm.s32 $0x1  }
0x2: {  	[smem:$0x3F73] =	sst lr;
	_ =	strace $0xD0000000  }
0x3: {  	_ = 	snop  }
0x4: {  	_ = 	snop  }
0x5: {  	_ = 	snop  }
0x6: {  	_ = 	snop  }
0x7: {  	_ = 	snop  }
__scs_overlays_trampoline_lowered:
0x8: {  	[smem:$0x3F82] =	sst s0  }
0x9: {  	[smem:$0x3F83] =	sst s1  }
0xa: {  	[smem:$0x3F84] =	sst s2  }
0xb: {  	[smem:$0x3F85] =	sst s3  }
0xc: {  	[smem:$0x3F86] =	sst s4  }
0xd: {  	[smem:$0x3F87] =	sst s5  }
0xe: {  	[smem:$0x3F88] =	sst s6  }
0xf: {  	[smem:$0x3F89] =	sst s7  }
0x10: {  	[smem:$0x3F8A] =	sst s8  }
0x11: {  	[smem:$0x3F8B] =	sst s9;
	s0 =	simm.s32 @!p0 $0x0  }
0x12: {  	s1 =	sld [smem:$0x3F71];
	s0 =	simm.s32 @p0 $0x1  }
0x13: {  	[smem:$0x3F8C] =	sst s0;
	s0 =	simm.s32 @!p1 $0x0  }
0x14: {  	s2 =	sld [smem:$0x3F70];
	s0 =	simm.s32 @p1 $0x1  }
0x15: {  	[smem:$0x3F8D] =	sst s0;
	s0 =	simm.s32 @!p2 $0x0  }
0x16: {  	s3 =	sld [smem:$0x3FDB];
	s0 =	simm.s32 @p2 $0x1  }
0x17: {  	s4 =	simm.s32 $0x1BF5;
	[smem:$0x3F8F] =	sst s0  }
0x18: {  	s0 =	sld [smem:$0x3F72];
	_ =	swait.ge [sflag:s4], $0x0  }
0x19: {  	s7 =	sld [smem:$0x3F73]  }
0x1a: {  	s8 =	sadd.s32 $0xFFFFE003, lr  }
0x1b: {  	s9 =	sadd.s32 $0xFFFFFEF7, lr;
	s5 =	simm.s32 $0xFFFFFFFF;
	p2 =	slt.u32 s8, $0xFFFFF086  }
0x1c: {  	p1 =	slt.u32 s9, $0xF7A;
	s5 =	simm.s32 @!p2 $0x0  }
0x1d: {  	s5 =	simm.s32 @p1 $0x1;
	p0 =	seq.s32 s7, s2  }
0x1e: {  	s7 =	smul.u32 @!p0 $0xF7A, s2;
	p2 =	seq.s32 @!p0 s5, $0x0  }
0x1f: {  	s9 =	smul.u32 $0xF7A, s1;
	s8 =	simm.s32 @!p0 $0x1BF5;
	p2 =	por !p2, p0  }
0x20: {  	[sflag:s8] =	ssyncset.s32 @!p0 $0xFFFFF086;
	s6 =	sadd.s32 @!p0 s3, s7;
	s7 =	simm.s32 @!p0 $0x108  }
0x21: {  	s3 =	sadd.s32 s3, s9;
	s6 =	sadd.s32 @!p0 $0x88, s6;
	s7 =	simm.s32 @p2 $0x1082  }
0x22: {  	[simem:s7], [sflag:s8] =	dma.local @!p0 [hbm:s6], $0xF7A  }
0x23: {  	s9 =	sor.u32 $0xD0000000, s2;
	s6 =	simm.s32 $0x108;
	_ =	swait.ge @!p0 [sflag:s8], $0x0  }
0x24: {  	s3 =	sadd.s32 $0x88, s3;
	s6 =	simm.s32 @!p1 $0x1082;
	[sflag:s4] =	ssyncset.s32 $0xFFFFF086  }
0x25: {  	[simem:s6], [sflag:s4] =	dma.local [hbm:s3], $0xF7A  }
0x26: {  	[smem:$0x3F73] =	sst s1;
	(tag) =	ssettag s2;
	_ =	strace s9  }
0x27: {  	s1 =	sld [smem:$0x3F83]  }
0x28: {  	s2 =	sld [smem:$0x3F84]  }
0x29: {  	s4 =	sld [smem:$0x3F86]  }
0x2a: {  	p0 =	seq.s32 s5, $0x0;
	s5 =	sld [smem:$0x3F87]  }
0x2b: {  	s6 =	sld [smem:$0x3F88]  }
0x2c: {  	s7 =	sld [smem:$0x3F89]  }
0x2d: {  	s3 =	simm.s32 $0x108;
	s8 =	sld [smem:$0x3F8A]  }
0x2e: {  	s3 =	simm.s32 @!p0 $0x1082;
	s9 =	sld [smem:$0x3F8B]  }
0x2f: {  	lr =	sadd.s32 s0, s3;
	s0 =	sld [smem:$0x3F82]  }
0x30: {  	s3 =	sld [smem:$0x3F85]  }
0x31: {  	[smem:$0x3F8E] =	sst s10  }
0x32: {  	s10 =	sld [smem:$0x3F8C];
	_ =	sdelay $0x3  }
0x33: {  	p0 =	seq.s32 s10, $0x1;
	s10 =	sld [smem:$0x3F8E];
	_ =	sdelay $0x3  }
0x34: {  	[smem:$0x3F8E] =	sst s10  }
0x35: {  	s10 =	sld [smem:$0x3F8D];
	_ =	sdelay $0x3  }
0x36: {  	p1 =	seq.s32 s10, $0x1;
	s10 =	sld [smem:$0x3F8E];
	_ =	sdelay $0x3  }
0x37: {  	[smem:$0x3F8E] =	sst s10  }
0x38: {  	s10 =	sld [smem:$0x3F8F]  }
0x39: {  	_ = 	snop;
	(pc) =	sbr.ind lr, $3  }
0x3a: {  	_ = 	snop  }
0x3b: {  	_ = 	snop  }
0x3c: {  	p2 =	seq.s32 s10, $0x1;
	s10 =	sld [smem:$0x3F8E]  }
0x3d: {  	_ =	shalt  }
0x3e: {  	_ =	shalt  }
0x3f: {  	_ =	shalt  }
0x40: {  	_ =	shalt  }
0x41: {  	_ =	shalt  }
0x42: {  	_ =	shalt  }
0x43: {  	_ =	shalt  }
0x44: {  	_ =	shalt  }
0x45: {  	_ =	shalt  }
0x46: {  	_ =	shalt  }
0x47: {  	_ =	shalt  }
0x48: {  	_ =	shalt  }
0x49: {  	_ =	shalt  }
0x4a: {  	_ =	shalt  }
0x4b: {  	_ =	shalt  }
0x4c: {  	_ =	shalt  }
0x4d: {  	_ =	shalt  }
0x4e: {  	_ =	shalt  }
0x4f: {  	_ =	shalt  }
0x50: {  	_ =	shalt  }
0x51: {  	_ =	shalt  }
0x52: {  	_ =	shalt  }
0x53: {  	_ =	shalt  }
0x54: {  	_ =	shalt  }
0x55: {  	_ =	shalt  }
0x56: {  	_ =	shalt  }
0x57: {  	_ =	shalt  }
0x58: {  	_ =	shalt  }
0x59: {  	_ =	shalt  }
0x5a: {  	_ =	shalt  }
0x5b: {  	_ =	shalt  }
0x5c: {  	_ =	shalt  }
0x5d: {  	_ =	shalt  }
0x5e: {  	_ =	shalt  }
0x5f: {  	_ =	shalt  }
0x60: {  	_ =	shalt  }
0x61: {  	_ =	shalt  }
0x62: {  	_ =	shalt  }
0x63: {  	_ =	shalt  }
0x64: {  	_ =	shalt  }
0x65: {  	_ =	shalt  }
0x66: {  	_ =	shalt  }
0x67: {  	_ =	shalt  }
0x68: {  	_ =	shalt  }
0x69: {  	_ =	shalt  }
0x6a: {  	_ =	shalt  }
0x6b: {  	_ =	shalt  }
0x6c: {  	_ =	shalt  }
0x6d: {  	_ =	shalt  }
0x6e: {  	_ =	shalt  }
0x6f: {  	_ =	shalt  }
0x70: {  	_ =	shalt  }
0x71: {  	_ =	shalt  }
0x72: {  	_ =	shalt  }
0x73: {  	_ =	shalt  }
0x74: {  	_ =	shalt  }
0x75: {  	_ =	shalt  }
0x76: {  	_ =	shalt  }
0x77: {  	_ =	shalt  }
0x78: {  	_ =	shalt  }
0x79: {  	_ =	shalt  }
0x7a: {  	_ =	shalt  }
0x7b: {  	_ =	shalt  }
0x7c: {  	_ =	shalt  }
0x7d: {  	_ =	shalt  }
0x7e: {  	_ =	shalt  }
0x7f: {  	_ =	shalt  }
0x80: {  	_ =	shalt  }
0x81: {  	_ =	shalt  }
0x82: {  	_ =	shalt  }
0x83: {  	_ =	shalt  }
0x84: {  	_ =	shalt  }
0x85: {  	_ =	shalt  }
0x86: {  	_ =	shalt  }
0x87: {  	_ =	shalt  }
.Lfunc_end0:
.L_simem_size_0:
called_computation.7_lowered:
.L_overlay_start_0:
0x88: {  	s2 =	sld [smem:$0x3FD9]  }
0x89: {  	s3 =	sld [smem:$0x3FFE];
	_ =	sdelay $0x1  }
0x8a: {  	s1 =	srdreg.scid  }
0x8b: {  	s0 =	sand.u32 $0x1, s1  }
0x8c: {  	s16 =	sshll.u32 s0, $0xA;
	s2 =	sadd.s32 s3, s2  }
0x8d: {  	s2 =	sadd.s32 s2, s16  }
0x8e: {  	[smem:$0x3F9A] =	sst s2  }
0x8f: {  	_ = 	snop  }
0x90: {  	(tm) =	ssettm $0x1  }
0x91: {  	s17 =	sld [smem:$0x3FFB];
	_ =	sdelay $0x3  }
0x92: {  	_ =	strace s17  }
0x93: {  	s2 =	sld [smem:$0x3FFC];
	_ =	sdelay $0x3  }
0x94: {  	_ =	strace s2  }
0x95: {  	s2 =	sld [smem:$0x3FFD];
	_ =	sdelay $0x3  }
0x96: {  	_ =	strace s2  }
0x97: {  	_ =	strace $0x8FFFFFFF  }
0x98: {  	s18 =	sld [smem:$0x3FDB];
	_ =	sdelay $0x1  }
0x99: {  	s19 =	simm.s32 $_scs_section_size  }
0x9a: {  	s4 =	simm.s32 $_size__tile_overlayer_lowered;
	s5 =	simm.s32 $_tile_overlayer_lowered  }
0x9b: {  	s22 =	simm.s32 $0x1BFF;
	s21 =	sshll.u32 s5, $0x1;
	s2 =	sadd.s32 s19, s18  }
0x9c: {  	s6 =	simm.s32 $0x0;
	s20 =	sshll.u32 s4, $0x1;
	s4 =	sadd.s32 s21, s2  }
0x9d: {  	[timem:s6], [sflag:s22] =	dma.local [hbm:s4], s20  }
0x9e: {  	_ =	swait.ge [sflag:s22], s20  }
0x9f: {  	s3 =	ssub.s32 $0x0, s20;
	[sflag:s22] =	ssyncset.done $0x0  }
0xa0: {  	[sflag:s22] =	ssyncadd.s32 s3;
	_ =	sdelay $0x1  }
0xa1: {  	s23 =	simm.s32 $0x1B8B  }
0xa2: {  	_ =	swait.ge [sflag:s23], $0x1  }
0xa3: {  	[sflag:s23] =	ssyncset.done $0x0  }
0xa4: {  	s25 =	simm.s32 $0x1B8E;
	s24 =	sld [smem:$0x3FFE];
	[sflag:s23] =	ssyncadd.s32 $0xFFFFFFFF  }
0xa5: {  	s26 =	simm.s32 $execute0_lowered;
	[smem:$0x3FD2] =	sst s25  }
0xa6: {  	s4 =	sshll.u32 s26, $0x1;
	_ =	strace $0x80000052;
	[dreg:$0x1] =	wrdreg $0xFFFFFFFF  }
0xa7: {  	s28 =	simm.s32 $_size_execute0_lowered;
	s2 =	sadd.s32 s2, s4;
	[dreg:$0x0] =	wrdreg $0x0  }
0xa8: {  	s4 =	sshll.u32 s28, $0x1;
	[dreg:$0x2] =	wrdreg s2  }
0xa9: {  	[dreg:$0x3] =	wrdreg s4  }
0xaa: {  	[dreg:$0x4] =	wrdreg $0xC0  }
0xab: {  	_ =	task [dreg:s6], $0x5FFFF  }
0xac: {  	[dreg:$0x1] =	wrdreg $0xFFFFFFFF  }
0xad: {  	[dreg:$0x0] =	wrdreg $0x60  }
0xae: {  	[dreg:$0x2] =	wrdreg s24  }
0xaf: {  	[dreg:$0x3] =	wrdreg $0xC  }
0xb0: {  	_ =	task.clear_ibuf [dreg:s6], $0x4FFFF;
	_ =	strace $0x90000052  }
0xb1: {  	s29 =	simm.s32 $0xC;
	_ =	strace $0x80000054  }
0xb2: {  	_ =	swait.ge [sflag:s29], $0x1  }
0xb3: {  	[sflag:s29] =	ssyncadd.s32 $0xFFFFFFFF  }
0xb4: {  	_ =	strace $0x90000054  }
0xb5: {  	_ =	sfence  }
0xb6: {  	s30 =	sld [smem:$0x0];
	_ =	sdelay $0x2  }
0xb7: {  	s31 =	sshll.u32 s1, $0xD;
	s1 =	sshrl.u32 s1, $0x2  }
0xb8: {  	s3 =	sand.u32 $0x4000, s31;
	s1 =	sadd.s32 s1, s30  }
0xb9: {  	s0 =	sor.u32 s3, s0;
	s1 =	sshll.u32 s1, $0x11  }
0xba: {  	s0 =	sor.u32 s1, s0  }
0xbb: {  	s0 =	sadd.s32 $0x8F2B, s0  }
0xbc: {  	[sflag:s0] =	ssyncadd.remote.s32 $0x1  }
0xbd: {  	_ =	sfence.sel $0xFFFF  }
0xbe: {  	[dreg:$0x0] =	wrdreg $0xFFFFFFFF;
	(pc) =	sbr.abs _section_cstart, $3  }
0xbf: {  	[dreg:$0x1] =	wrdreg $0xFFFFFFFF  }
0xc0: {  	_ =	task.clear_ibuf [dreg:s6], $0x2FFFF;
	_ =	strace $0x9FFFFFFF  }
0xc1: {  	(tm) =	ssettm $0x7FFFFFFF  }
tec
execute0_lowered:
.L_overlay_start_1:
0x0: {  	(tag) =	ssettag $0x1  }
0x1: {  	s6 =	rddreg [dreg:$0x0];
	s1 =	srdreg.scid;
	s2 =	simm.s32 $0x0  }
0x2: {  	s0 =	stileid.u32;
	s16 =	simm.s32 $0x1;
	s17 =	simm.s32 $0x3  }
0x3: {  	s18 =	simm.s32 $0x180;
	s19 =	simm.s32 $0x4200;
	s20 =	simm.s32 $0xC200  }
0x4: {  	s21 =	simm.s32 $0x2;
	s22 =	simm.s32 $0x4;
	s13 =	smul.u32 $0x50000, s0  }
0x5: {  	s23 =	simm.s32 $0x0;
	s9 =	sand.u32 $0x1, s1;
	s25 =	smul.u32 $0xA00, s0  }
0x6: {  	[smem:$0x7FF] =	sst s2;
	s4 =	sadd.s32 $0xE8000, s6;
	s26 =	smul.u32 $0xA000, s0  }
0x7: {  	s11 =	sadd.s32 $0xEF800, s6;
	s14 =	sadd.s32 $0x22F800, s6;
	s10 =	smul.u32 $0x500000, s9  }
0x8: {  	s3 =	sshll.u32 s9, $0x4;
	_ =	strace $0x80000053;
	s24 =	smul.u32 $0xA000, s9  }
0x9: {  	s8 =	ssub.s32 $0x2, s9;
	s9 =	smul.u32 $0xA0000, s9;
	s5 =	sor.u32 s0, s3  }
0xa: {  	s3 =	sadd.s32 $0x9000, s6;
	s12 =	sshrl.u32 s8, $0x1;
	s7 =	smul.u32 $0xA00, s5  }
0xb: {  	s5 =	sadd.s32 $0xE5800, s6;
	s8 =	ssub.s32 s8, s12;
	s10 =	sadd.s32 s13, s10  }
0xc: {  	s28 =	sadd.s32 s25, s24;
	s29 =	sadd.s32 s9, s14;
	s13 =	simm.s32 $0x80  }
0xd: {  	s10 =	sshrl.u32 s10, $0x3;
	s8 =	smax.u32 s8, $0x1;
	s12 =	sor.u32 $0x100, s28  }
0xe: {  	s30 =	sadd.s32 s26, s29;
	s7 =	sshrl.u32 s7, $0x3;
	s15 =	sadd.s32 s10, s14  }
0xf: {  	s10 =	sadd.s32 s10, s11;
	s11 =	sadd.s32 s9, s11;
	s9 =	sshrl.u32 s12, $0x3  }
0x10: {  	s31 =	sadd.s32 $0x800, s30;
	s12 =	simm.s32 $0x100;
	s14 =	simm.s32 $0x200  }
0x11: {  	s6 =	sadd.s32 s4, s7;
	s7 =	sadd.s32 s5, s7;
	[dreg:$0x2] =	wrdreg s15  }
0x12: {  	[dreg:$0x3] =	wrdreg s10;
	s11 =	sadd.s32 s26, s11;
	s10 =	sor.u32 $0x80, s28  }
0x13: {  	[dreg:$0x5] =	wrdreg s31;
	s15 =	simm.s32 $0x8200;
	s11 =	sadd.s32 $0x800, s11  }
0x14: {  	s10 =	sshrl.u32 s10, $0x3;
	[dreg:$0x4] =	wrdreg s11;
	s11 =	simm.s32 $0x5  }
.LBB2_1:
0x15: {  	[tilespmem:s2], [sflag:$0x5] =	stream.linear.gather [hbm4b:s6+s2], $0x80, $0x38;
	[tilespmem:$0x10200] =	vst v63  }
0x16: {  	_ =	swait.ge [sflag:s11], $0x80  }
0x17: {  	[sflag:s11] =	ssyncset.done $0x0  }
0x18: {  	[sflag:s11] =	ssyncadd.s32 $0xFFFFFF80  }
0x19: {  	[tilespmem:s12], [sflag:$0x5] =	stream.linear.gather [hbm4b:s7+s2], $0x80, $0x38;
	[tilespmem:$0x10200] =	vst v63  }
0x1a: {  	_ =	swait.ge [sflag:s11], $0x80  }
0x1b: {  	[sflag:s11] =	ssyncset.done $0x0  }
0x1c: {  	[sflag:s11] =	ssyncadd.s32 $0xFFFFFF80  }
0x1d: {  	[tilespmem:s14], [sflag:$0x1] =	stream.indirect.gather [hbm4b:s3+s13], $0x80, s2, s13, $0xb8;
	[tilespmem:$0x10200] =	vst v63  }
0x1e: {  	_ = 	snop  }
0x1f: {  	[tilespmem:s15], [sflag:$0x3] =	stream.indirect.gather [hbm4b:s3+s13], $0x80, s12, s13, $0xb8;
	[tilespmem:$0x10200] =	vst v63  }
0x20: {  	_ =	swait.ge [sflag:s16], $0x4000  }
0x21: {  	[sflag:s16] =	ssyncset.done $0x0  }
0x22: {  	[sflag:s16] =	ssyncadd.s32 $0xFFFFC000  }
0x23: {  	_ =	swait.ge [sflag:s17], $0x4000  }
0x24: {  	[sflag:s17] =	ssyncset.done $0x0  }
0x25: {  	s24 =	sadd.s32 s4, s10;
	[sflag:s17] =	ssyncadd.s32 $0xFFFFC000  }
0x26: {  	[tilespmem:s13], [sflag:$0x5] =	stream.linear.gather [hbm4b:s24+s2], $0x80, $0x38;
	[tilespmem:$0x10200] =	vst v63  }
0x27: {  	_ =	swait.ge [sflag:s11], $0x80  }
0x28: {  	[sflag:s11] =	ssyncset.done $0x0  }
0x29: {  	s26 =	sadd.s32 s5, s10;
	[sflag:s11] =	ssyncadd.s32 $0xFFFFFF80  }
0x2a: {  	[tilespmem:s18], [sflag:$0x5] =	stream.linear.gather [hbm4b:s26+s2], $0x80, $0x38;
	[tilespmem:$0x10200] =	vst v63  }
0x2b: {  	_ =	swait.ge [sflag:s11], $0x80  }
0x2c: {  	[sflag:s11] =	ssyncset.done $0x0  }
0x2d: {  	[sflag:s11] =	ssyncadd.s32 $0xFFFFFF80  }
0x2e: {  	[tilespmem:s19], [sflag:$0x2] =	stream.indirect.gather [hbm4b:s3+s13], $0x80, s13, s13, $0xb8;
	[tilespmem:$0x10200] =	vst v63  }
0x2f: {  	s28 =	rddreg [dreg:$0x3]  }
0x30: {  	[tilespmem:s20], [sflag:$0x4] =	stream.indirect.gather [hbm4b:s3+s13], $0x80, s18, s13, $0xb8;
	[tilespmem:$0x10200] =	vst v63  }
0x31: {  	s24 =	sadd.s32 $0x0, s28  }
0x32: {  	[hbm4b:s24+s2] =	stream.linear.scatter [tilespmem:s14], [sflag:$0x5], $0x4000, $0x38;
	[tilespmem:$0x10200] =	vst v63  }
0x33: {  	_ =	swait.ge [sflag:s11], $0x4000  }
0x34: {  	s29 =	rddreg [dreg:$0x2];
	[sflag:s11] =	ssyncset.done $0x0  }
0x35: {  	[sflag:s11] =	ssyncadd.s32 $0xFFFFC000;
	s24 =	sadd.s32 $0x0, s29  }
0x36: {  	[hbm4b:s24+s2] =	stream.linear.scatter [tilespmem:s15], [sflag:$0x5], $0x4000, $0x38;
	[tilespmem:$0x10200] =	vst v63  }
0x37: {  	_ =	swait.ge [sflag:s11], $0x4000  }
0x38: {  	[sflag:s11] =	ssyncset.done $0x0  }
0x39: {  	[sflag:s11] =	ssyncadd.s32 $0xFFFFC000  }
0x3a: {  	_ =	swait.ge [sflag:s21], $0x4000  }
0x3b: {  	[sflag:s21] =	ssyncset.done $0x0  }
0x3c: {  	[sflag:s21] =	ssyncadd.s32 $0xFFFFC000  }
0x3d: {  	p0 =	por $0x0, $0x0;
	_ =	swait.ge [sflag:s22], $0x4000  }
0x3e: {  	s25 =	simm.s32 @!p0 $0x0;
	[sflag:s22] =	ssyncset.done $0x0  }
0x3f: {  	s26 =	simm.s32 @!p0 $0x5;
	s24 =	sadd.s32 @!p0 s4, s9;
	[sflag:s22] =	ssyncadd.s32 $0xFFFFC000  }
0x40: {  	[tilespmem:s25], [sflag:$0x5] =	stream.linear.gather @!p0 [hbm4b:s24+s25], $0x80, $0x38;
	[tilespmem:$0x10200] =	vst v63  }
0x41: {  	_ =	swait.ge @!p0 [sflag:s26], $0x80  }
0x42: {  	[sflag:s26] =	ssyncset.done @!p0 $0x0  }
0x43: {  	s28 =	simm.s32 @!p0 $0x100;
	s24 =	sadd.s32 @!p0 s5, s9;
	[sflag:s26] =	ssyncadd.s32 @!p0 $0xFFFFFF80  }
0x44: {  	[tilespmem:s28], [sflag:$0x5] =	stream.linear.gather @!p0 [hbm4b:s24+s25], $0x80, $0x38;
	[tilespmem:$0x10200] =	vst v63  }
0x45: {  	_ =	swait.ge @!p0 [sflag:s26], $0x80  }
0x46: {  	[sflag:s26] =	ssyncset.done @!p0 $0x0  }
0x47: {  	s24 =	simm.s32 @!p0 $0x200;
	[sflag:s26] =	ssyncadd.s32 @!p0 $0xFFFFFF80;
	s26 =	simm.s32 @!p0 $0x80  }
0x48: {  	[tilespmem:s24], [sflag:$0x1] =	stream.indirect.gather @!p0 [hbm4b:s3+s26], $0x80, s25, s26, $0xb8;
	[tilespmem:$0x10200] =	vst v63  }
0x49: {  	s29 =	rddreg [dreg:$0x4];
	s24 =	simm.s32 @!p0 $0x8200  }
0x4a: {  	[tilespmem:s24], [sflag:$0x3] =	stream.indirect.gather @!p0 [hbm4b:s3+s26], $0x80, s28, s26, $0xb8;
	[tilespmem:$0x10200] =	vst v63  }
0x4b: {  	s30 =	sadd.s32 $0x0, s29  }
0x4c: {  	[hbm4b:s30+s2] =	stream.linear.scatter [tilespmem:s19], [sflag:$0x5], $0x4000, $0x38;
	[tilespmem:$0x10200] =	vst v63  }
0x4d: {  	_ =	swait.ge [sflag:s11], $0x4000  }
0x4e: {  	s31 =	rddreg [dreg:$0x5];
	[sflag:s11] =	ssyncset.done $0x0  }
0x4f: {  	s25 =	sadd.s32 $0x20, s4;
	[sflag:s11] =	ssyncadd.s32 $0xFFFFC000;
	s24 =	sadd.s32 $0x0, s31  }
0x50: {  	[hbm4b:s24+s2] =	stream.linear.scatter [tilespmem:s20], [sflag:$0x5], $0x4000, $0x38;
	[tilespmem:$0x10200] =	vst v63  }
0x51: {  	s26 =	smov.u32 s5;
	s24 =	simm.s32 $0x1000;
	_ =	swait.ge [sflag:s11], $0x4000  }
.LBB2_2:
0x52: {  	[sflag:s11] =	ssyncset.done $0x0  }
0x53: {  	[sflag:s11] =	ssyncadd.s32 $0xFFFFC000  }
0x54: {  	_ =	swait.ge [sflag:s16], $0x4000  }
0x55: {  	[sflag:s16] =	ssyncset.done $0x0  }
0x56: {  	[sflag:s16] =	ssyncadd.s32 $0xFFFFC000  }
0x57: {  	_ =	swait.ge [sflag:s17], $0x4000  }
0x58: {  	[sflag:s17] =	ssyncset.done $0x0  }
0x59: {  	s29 =	sadd.s32 s25, s10;
	[sflag:s17] =	ssyncadd.s32 $0xFFFFC000  }
0x5a: {  	[tilespmem:s13], [sflag:$0x5] =	stream.linear.gather [hbm4b:s29+s2], $0x80, $0x38;
	[tilespmem:$0x10200] =	vst v63  }
0x5b: {  	_ =	swait.ge [sflag:s11], $0x80  }
0x5c: {  	s26 =	sadd.s32 $0x20, s26;
	[sflag:s11] =	ssyncset.done $0x0  }
0x5d: {  	s31 =	sadd.s32 s26, s10;
	[sflag:s11] =	ssyncadd.s32 $0xFFFFFF80  }
0x5e: {  	[tilespmem:s18], [sflag:$0x5] =	stream.linear.gather [hbm4b:s31+s2], $0x80, $0x38;
	[tilespmem:$0x10200] =	vst v63  }
0x5f: {  	_ =	swait.ge [sflag:s11], $0x80  }
0x60: {  	[sflag:s11] =	ssyncset.done $0x0  }
0x61: {  	[sflag:s11] =	ssyncadd.s32 $0xFFFFFF80  }
0x62: {  	[tilespmem:s19], [sflag:$0x2] =	stream.indirect.gather [hbm4b:s3+s13], $0x80, s13, s13, $0xb8;
	[tilespmem:$0x10200] =	vst v63  }
0x63: {  	s28 =	smov.u32 s24;
	s0 =	rddreg [dreg:$0x3]  }
0x64: {  	[tilespmem:s20], [sflag:$0x4] =	stream.indirect.gather [hbm4b:s3+s13], $0x80, s18, s13, $0xb8;
	[tilespmem:$0x10200] =	vst v63  }
0x65: {  	s29 =	sadd.s32 s28, s0  }
0x66: {  	[hbm4b:s29+s2] =	stream.linear.scatter [tilespmem:s14], [sflag:$0x5], $0x4000, $0x38;
	[tilespmem:$0x10200] =	vst v63  }
0x67: {  	_ =	swait.ge [sflag:s11], $0x4000  }
0x68: {  	s1 =	rddreg [dreg:$0x2];
	[sflag:s11] =	ssyncset.done $0x0  }
0x69: {  	[sflag:s11] =	ssyncadd.s32 $0xFFFFC000;
	s29 =	sadd.s32 s28, s1  }
0x6a: {  	[hbm4b:s29+s2] =	stream.linear.scatter [tilespmem:s15], [sflag:$0x5], $0x4000, $0x38;
	[tilespmem:$0x10200] =	vst v63  }
0x6b: {  	_ =	swait.ge [sflag:s11], $0x4000  }
0x6c: {  	[sflag:s11] =	ssyncset.done $0x0  }
0x6d: {  	[sflag:s11] =	ssyncadd.s32 $0xFFFFC000  }
0x6e: {  	_ =	swait.ge [sflag:s21], $0x4000  }
0x6f: {  	[sflag:s21] =	ssyncset.done $0x0  }
0x70: {  	[sflag:s21] =	ssyncadd.s32 $0xFFFFC000  }
0x71: {  	p1 =	seq.s32 s28, $0x9000;
	_ =	swait.ge [sflag:s22], $0x4000  }
0x72: {  	s30 =	simm.s32 @!p1 $0x0;
	[sflag:s22] =	ssyncset.done $0x0  }
0x73: {  	s31 =	simm.s32 @!p1 $0x5;
	s29 =	sadd.s32 @!p1 s25, s9;
	[sflag:s22] =	ssyncadd.s32 $0xFFFFC000  }
0x74: {  	[tilespmem:s30], [sflag:$0x5] =	stream.linear.gather @!p1 [hbm4b:s29+s30], $0x80, $0x38;
	[tilespmem:$0x10200] =	vst v63  }
0x75: {  	_ =	swait.ge @!p1 [sflag:s31], $0x80  }
0x76: {  	[sflag:s31] =	ssyncset.done @!p1 $0x0  }
0x77: {  	s0 =	simm.s32 @!p1 $0x100;
	s29 =	sadd.s32 @!p1 s26, s9;
	[sflag:s31] =	ssyncadd.s32 @!p1 $0xFFFFFF80  }
0x78: {  	[tilespmem:s0], [sflag:$0x5] =	stream.linear.gather @!p1 [hbm4b:s29+s30], $0x80, $0x38;
	[tilespmem:$0x10200] =	vst v63  }
0x79: {  	_ =	swait.ge @!p1 [sflag:s31], $0x80  }
0x7a: {  	[sflag:s31] =	ssyncset.done @!p1 $0x0  }
0x7b: {  	s29 =	simm.s32 @!p1 $0x200;
	[sflag:s31] =	ssyncadd.s32 @!p1 $0xFFFFFF80;
	s31 =	simm.s32 @!p1 $0x80  }
0x7c: {  	[tilespmem:s29], [sflag:$0x1] =	stream.indirect.gather @!p1 [hbm4b:s3+s31], $0x80, s30, s31, $0xb8;
	[tilespmem:$0x10200] =	vst v63  }
0x7d: {  	s24 =	sadd.s32 $0x1000, s24;
	s1 =	rddreg [dreg:$0x4];
	s29 =	simm.s32 @!p1 $0x8200  }
0x7e: {  	[tilespmem:s29], [sflag:$0x3] =	stream.indirect.gather @!p1 [hbm4b:s3+s31], $0x80, s0, s31, $0xb8;
	[tilespmem:$0x10200] =	vst v63  }
0x7f: {  	p0 =	sne.s32 s24, $0xA000;
	s30 =	sadd.s32 s28, s1  }
0x80: {  	[hbm4b:s30+s2] =	stream.linear.scatter [tilespmem:s19], [sflag:$0x5], $0x4000, $0x38;
	[tilespmem:$0x10200] =	vst v63  }
.Ltmp0:
0x81: {  	_ =	swait.ge [sflag:s11], $0x4000;
	(pc) =	sbr.rel @p0 .LBB2_2-.Ltmp0, $4  }
0x82: {  	s31 =	rddreg [dreg:$0x5];
	[sflag:s11] =	ssyncset.done $0x0  }
0x83: {  	[sflag:s11] =	ssyncadd.s32 $0xFFFFC000;
	s0 =	sadd.s32 s28, s31  }
0x84: {  	[hbm4b:s0+s2] =	stream.linear.scatter [tilespmem:s20], [sflag:$0x5], $0x4000, $0x38;
	[tilespmem:$0x10200] =	vst v63  }
0x85: {  	s25 =	sadd.s32 $0x20, s25;
	_ =	swait.ge [sflag:s11], $0x4000  }
0x86: {  	s23 =	sadd.s32 $0x1, s23  }
0x87: {  	p0 =	sne.s32 s23, s8  }
.Ltmp1:
0x88: {  	_ = 	snop;
	(pc) =	sbr.rel @p0 .LBB2_1-.Ltmp1, $3  }
0x89: {  	_ =	sdelay $0x1  }
0x8a: {  	[sflag:s11] =	ssyncset.done $0x0  }
0x8b: {  	[sflag:s11] =	ssyncadd.s32 $0xFFFFC000  }
0x8c: {  	_ =	sfence.sel $0x180000  }
0x8d: {  	[bflag:$0x0] =	sbarrier.arrive $0xFFFF  }
0x8e: {  	_ =	strace $0x90000053  }
0x8f: {  	s0 =	stileid.u32;
	[bflag:$0x2] =	sbarrier.arrive $0xFFFF  }
0x90: {  	p0 =	sne.s32 s0, $0x0;
	s0 =	rddreg [dreg:$0x1]  }
0x91: {  	s0 =	sadd.s32 @!p0 $0x100000, s0  }
0x92: {  	[sflag:s0] =	ssyncadd.tile.s32 @!p0 $0x1;
	_ =	shalt  }
.Lfunc_end2:
_tile_overlayer_lowered:
.L_overlay_start_2:
0x93: {  	(tag) =	ssettag $0x2  }
0x94: {  	s0 =	rddreg [dreg:$0x0];
	s2 =	stileid.u32  }
0x95: {  	s1 =	rddreg [dreg:$0x1];
	p0 =	sne.s32 s2, $0x0  }
0x96: {  	s3 =	rddreg [dreg:$0x2];
	[bflag:$0x3] =	sbarrier.arrive $0xFFFF;
	s2 =	simm.s32 @!p0 $0x1C05  }
0x97: {  	[timem:s3], [sflag:s2] =	dma.local @!p0 [hbm:s0], s1  }
0x98: {  	s0 =	simm.s32 @!p0 $0x5  }
0x99: {  	_ =	swait.ge @!p0 [sflag:s0], s1  }
0x9a: {  	s1 =	ssub.s32 @!p0 $0x0, s1;
	[sflag:s0] =	ssyncset.done @!p0 $0x0  }
0x9b: {  	[sflag:s0] =	ssyncadd.s32 @!p0 s1  }
0x9c: {  	[bflag:$0x3] =	sbarrier.arrive $0xFFFF  }
0x9d: {  	_ =	shalt  }

</sc_bundles>
